<compile_context>
chip_gen: v7x
topology: tpu7x:2x2x1
jax: 0.10.2.dev20260603
libtpu: 0.0.44.dev20260713+nightly
codegen_flags: <defaults>
</compile_context>

<pallas_src>
import functools
import jax
import jax.numpy as jnp
from jax import lax
from jax.experimental import pallas as pl
from jax.experimental.pallas import tpu as pltpu
from jax.experimental.pallas import tpu_sc as plsc

N = 10000
E = 320000
D = 128
H = 16
OUT = 7

NC = 2
NS = 16
NW = NC * NS
C = 1000
K = E // (NW * C)
NPAD = 10240
RS = NPAD // NS
NB = 2
G = K // NB
DEPTH1 = 10
L = 16
assert NW * K * C == E and K % NB == 0

_sc_mesh = plsc.VectorSubcoreMesh(
    core_axis_name="c", subcore_axis_name="s", num_cores=NC, num_subcores=NS)
_sc_params = pltpu.CompilerParams(use_tc_tiling_on_sc=False,
                                  needs_layout_passes=False)

_GDN = lax.GatherDimensionNumbers(
    offset_dims=(), collapsed_slice_dims=(0,), start_index_map=(0,))


def _lane_bcast(v, r):
    idx = jnp.full((L, 1), r, jnp.int32)
    return lax.gather(v, idx, _GDN, (1,),
                      mode=lax.GatherScatterMode.PROMISE_IN_BOUNDS)


def _rsqrt16(d):
    bits = plsc.bitcast(d, jnp.int32)
    y = plsc.bitcast(jnp.int32(0x5F3759DF) - (bits >> 1), jnp.float32)
    for _ in range(3):
        y = y * (1.5 - 0.5 * d * y * y)
    return y


def _ring_loop(tbl_sh, acc_sh, src_v, dst_v, rows_v, gsem, ssem):
    for b in range(NB):
        pltpu.async_copy(tbl_sh.at[src_v.at[b]], rows_v.at[b], gsem.at[b])

    def outer(g, carry):
        base = g * NB
        for b in range(NB):
            j = base + b
            pltpu.make_async_copy(tbl_sh.at[src_v.at[j]], rows_v.at[b],
                                  gsem.at[b]).wait()
            pltpu.async_copy(rows_v.at[b], acc_sh.at[dst_v.at[j]],
                             ssem.at[b], add=True)

        @pl.when(g < G - 1)
        def _():
            for b in range(NB):
                j = base + b
                pltpu.make_async_copy(rows_v.at[b], acc_sh.at[dst_v.at[j]],
                                      ssem.at[b]).wait()
                pltpu.async_copy(tbl_sh.at[src_v.at[j + NB]],
                                 rows_v.at[b], gsem.at[b])

        return carry

    lax.fori_loop(0, G, outer, 0)
    for b in range(NB):
        pltpu.make_async_copy(rows_v.at[b], acc_sh.at[dst_v.at[b]],
                              ssem.at[b]).wait()


@functools.partial(
    pl.kernel,
    out_type=jax.ShapeDtypeStruct((NC, NPAD), jnp.float32),
    mesh=_sc_mesh,
    compiler_params=_sc_params,
    scratch_types=[
        pltpu.VMEM((K, C), jnp.int32),
        pltpu.VMEM((C,), jnp.float32),
        pltpu.VMEM_SHARED((NPAD,), jnp.float32),
        pltpu.SemaphoreType.DMA,
    ],
)
def _deg_kernel(dsts_hbm, ones_c_hbm, ones_s_hbm, zeros_s_hbm, out_hbm,
                dst_v, ones_v, acc_sh, ssem):
    c = lax.axis_index("c")
    s = lax.axis_index("s")
    wid = c * NS + s
    pltpu.sync_copy(dsts_hbm.at[wid], dst_v)
    pltpu.sync_copy(ones_c_hbm, ones_v)

    @pl.when(c == 0)
    def _():
        pltpu.sync_copy(ones_s_hbm, acc_sh.at[pl.ds(s * RS, RS)])

    @pl.when(c == 1)
    def _():
        pltpu.sync_copy(zeros_s_hbm, acc_sh.at[pl.ds(s * RS, RS)])

    plsc.subcore_barrier()

    def step(j, carry):
        pltpu.async_copy(ones_v, acc_sh.at[dst_v.at[j]], ssem, add=True)

        @pl.when(j >= DEPTH1)
        def _():
            pltpu.make_async_copy(ones_v, acc_sh.at[dst_v.at[j]], ssem).wait()

        return carry

    lax.fori_loop(0, K, step, 0)
    for _ in range(min(DEPTH1, K)):
        pltpu.make_async_copy(ones_v, acc_sh.at[dst_v.at[0]], ssem).wait()
    plsc.subcore_barrier()
    pltpu.sync_copy(acc_sh.at[pl.ds(s * RS, RS)],
                    out_hbm.at[c, pl.ds(s * RS, RS)])


@functools.partial(
    pl.kernel,
    out_type=[jax.ShapeDtypeStruct((NC, NPAD, H), jnp.float32),
              jax.ShapeDtypeStruct((NPAD,), jnp.float32)],
    mesh=_sc_mesh,
    compiler_params=_sc_params,
    scratch_types=[
        pltpu.VMEM((K, C), jnp.int32),
        pltpu.VMEM((K, C), jnp.int32),
        pltpu.VMEM((NB, C, H), jnp.float32),
        pltpu.VMEM((RS, H), jnp.float32),
        pltpu.VMEM((RS,), jnp.float32),
        pltpu.VMEM((RS,), jnp.float32),
        pltpu.VMEM((RS,), jnp.float32),
        pltpu.VMEM_SHARED((NPAD, H), jnp.float32),
        pltpu.VMEM_SHARED((NPAD, H), jnp.float32),
        pltpu.SemaphoreType.DMA((NB,)),
        pltpu.SemaphoreType.DMA((NB,)),
    ],
)
def _agg1_kernel(h1_hbm, degp_hbm, srcs_hbm, dsts_hbm, zrows_hbm,
                 p_hbm, dinv_hbm,
                 src_v, dst_v, rows_v, slab_v, d0_v, d1_v, dinv_v,
                 acc_sh, tbl_sh, gsem, ssem):
    c = lax.axis_index("c")
    s = lax.axis_index("s")
    wid = c * NS + s
    stripe = pl.ds(s * RS, RS)
    pltpu.async_copy(srcs_hbm.at[wid], src_v, gsem.at[0])
    pltpu.async_copy(dsts_hbm.at[wid], dst_v, gsem.at[1])
    pltpu.async_copy(degp_hbm.at[0, stripe], d0_v, gsem.at[2])
    pltpu.async_copy(degp_hbm.at[1, stripe], d1_v, gsem.at[3])
    pltpu.async_copy(h1_hbm.at[stripe], slab_v, gsem.at[0])
    pltpu.make_async_copy(srcs_hbm.at[wid], src_v, gsem.at[0]).wait()
    pltpu.make_async_copy(dsts_hbm.at[wid], dst_v, gsem.at[1]).wait()
    pltpu.make_async_copy(degp_hbm.at[0, stripe], d0_v, gsem.at[2]).wait()
    pltpu.make_async_copy(degp_hbm.at[1, stripe], d1_v, gsem.at[3]).wait()
    pltpu.make_async_copy(h1_hbm.at[stripe], slab_v, gsem.at[0]).wait()

    def chunk(ci, carry):
        cs = pl.ds(ci * L, L)
        dv = _rsqrt16(d0_v[cs] + d1_v[cs])
        dinv_v[cs] = dv
        for r in range(L):
            i = ci * L + r
            slab_v[i] = slab_v[i] * _lane_bcast(dv, r)
        return carry

    lax.fori_loop(0, RS // L, chunk, 0)

    @pl.when(c == 0)
    def _():
        pltpu.sync_copy(dinv_v, dinv_hbm.at[stripe])
        pltpu.sync_copy(slab_v, acc_sh.at[stripe])

    @pl.when(c == 1)
    def _():
        pltpu.sync_copy(zrows_hbm, acc_sh.at[stripe])

    pltpu.sync_copy(slab_v, tbl_sh.at[stripe])
    plsc.subcore_barrier()
    _ring_loop(tbl_sh, acc_sh, src_v, dst_v, rows_v, gsem, ssem)
    plsc.subcore_barrier()
    pltpu.sync_copy(acc_sh.at[stripe], p_hbm.at[c, stripe])


@functools.partial(
    pl.kernel,
    out_type=jax.ShapeDtypeStruct((NC, NPAD, H), jnp.float32),
    mesh=_sc_mesh,
    compiler_params=_sc_params,
    scratch_types=[
        pltpu.VMEM((K, C), jnp.int32),
        pltpu.VMEM((K, C), jnp.int32),
        pltpu.VMEM((NB, C, H), jnp.float32),
        pltpu.VMEM((RS, H), jnp.float32),
        pltpu.VMEM((RS, H), jnp.float32),
        pltpu.VMEM((RS,), jnp.float32),
        pltpu.VMEM((L,), jnp.float32),
        pltpu.VMEM_SHARED((NPAD, H), jnp.float32),
        pltpu.VMEM_SHARED((NPAD, H), jnp.float32),
        pltpu.SemaphoreType.DMA((NB,)),
        pltpu.SemaphoreType.DMA((NB,)),
    ],
)
def _agg2_kernel(p_hbm, dinv_hbm, b1_hbm, srcs_hbm, dsts_hbm, zrows_hbm,
                 q_hbm,
                 src_v, dst_v, rows_v, slab0_v, slab1_v, dinv_v, b1_v,
                 acc_sh, tbl_sh, gsem, ssem):
    c = lax.axis_index("c")
    s = lax.axis_index("s")
    wid = c * NS + s
    stripe = pl.ds(s * RS, RS)
    pltpu.async_copy(srcs_hbm.at[wid], src_v, gsem.at[0])
    pltpu.async_copy(dsts_hbm.at[wid], dst_v, gsem.at[1])
    pltpu.async_copy(p_hbm.at[0, stripe], slab0_v, gsem.at[2])
    pltpu.async_copy(p_hbm.at[1, stripe], slab1_v, gsem.at[3])
    pltpu.async_copy(dinv_hbm.at[stripe], dinv_v, gsem.at[4])
    pltpu.async_copy(b1_hbm, b1_v, gsem.at[0])
    pltpu.make_async_copy(srcs_hbm.at[wid], src_v, gsem.at[0]).wait()
    pltpu.make_async_copy(dsts_hbm.at[wid], dst_v, gsem.at[1]).wait()
    pltpu.make_async_copy(p_hbm.at[0, stripe], slab0_v, gsem.at[2]).wait()
    pltpu.make_async_copy(p_hbm.at[1, stripe], slab1_v, gsem.at[3]).wait()
    pltpu.make_async_copy(dinv_hbm.at[stripe], dinv_v, gsem.at[4]).wait()
    pltpu.make_async_copy(b1_hbm, b1_v, gsem.at[0]).wait()
    b1vec = b1_v[...]

    def chunk(ci, carry):
        dv = dinv_v[pl.ds(ci * L, L)]
        for r in range(L):
            i = ci * L + r
            sc = _lane_bcast(dv, r)
            z = (slab0_v[i] + slab1_v[i]) * sc + b1vec
            slab0_v[i] = jnp.maximum(z, 0.0) * sc
        return carry

    lax.fori_loop(0, RS // L, chunk, 0)

    @pl.when(c == 0)
    def _():
        pltpu.sync_copy(slab0_v, acc_sh.at[stripe])

    @pl.when(c == 1)
    def _():
        pltpu.sync_copy(zrows_hbm, acc_sh.at[stripe])

    pltpu.sync_copy(slab0_v, tbl_sh.at[stripe])
    plsc.subcore_barrier()
    _ring_loop(tbl_sh, acc_sh, src_v, dst_v, rows_v, gsem, ssem)
    plsc.subcore_barrier()

    pltpu.sync_copy(acc_sh.at[stripe], slab0_v)

    def pchunk(ci, carry):
        dv = dinv_v[pl.ds(ci * L, L)]
        for r in range(L):
            i = ci * L + r
            slab0_v[i] = slab0_v[i] * _lane_bcast(dv, r)
        return carry

    lax.fori_loop(0, RS // L, pchunk, 0)
    pltpu.sync_copy(slab0_v, q_hbm.at[c, stripe])


def _mm1_body(x_ref, w1_ref, h1_ref):
    h1_ref[:N, :] = jnp.dot(x_ref[...], w1_ref[...],
                            preferred_element_type=jnp.float32)
    h1_ref[N:, :] = jnp.zeros((NPAD - N, H), jnp.float32)


def _out_body(q_ref, b2_ref, w2_ref, o_ref):
    t = q_ref[0, :N] + q_ref[1, :N]
    o = jnp.dot(t, w2_ref[...], preferred_element_type=jnp.float32) + b2_ref[...]
    m = jnp.max(o, axis=1, keepdims=True)
    lse = jnp.log(jnp.sum(jnp.exp(o - m), axis=1, keepdims=True)) + m
    o_ref[...] = o - lse


def kernel(x, edge_index, W1, b1, W2, b2):
    ei = edge_index.astype(jnp.int32)
    srcs = ei[0].reshape(NW, K, C)
    dsts = ei[1].reshape(NW, K, C)
    ones_c = jnp.ones((C,), jnp.float32)
    ones_s = jnp.ones((RS,), jnp.float32)
    zeros_s = jnp.zeros((RS,), jnp.float32)
    zrows = jnp.zeros((RS, H), jnp.float32)
    b2r = b2.reshape(1, OUT)

    degp = _deg_kernel(dsts, ones_c, ones_s, zeros_s)

    h1 = pl.pallas_call(
        _mm1_body,
        out_shape=jax.ShapeDtypeStruct((NPAD, H), jnp.float32),
    )(x, W1)

    p, dinv = _agg1_kernel(h1, degp, srcs, dsts, zrows)

    q = _agg2_kernel(p, dinv, b1, srcs, dsts, zrows)

    o = pl.pallas_call(
        _out_body,
        out_shape=jax.ShapeDtypeStruct((N, OUT), jnp.float32),
    )(q, b2r, W2)

    return o

# --- scband reference (transcript-rebuilt; emitter-appended) ---
"""Pipeline reference for scband-gcn-48954037240468 (READ-ONLY COPY).

The authoritative reference and input builder live on the scoring server;
editing this copy changes nothing except your own understanding.
"""

import jax, jax.numpy as jnp
import numpy as np

N_NODES = 10000
N_EDGES = 320000
D_FEAT = 128
HIDDEN = 16
OUT = 7


def gcn_conv(x, edge_index, W, b):
    # GCNConv (PyG semantics): h = D^-1/2 (A + I) D^-1/2 (x @ W) + b
    N = x.shape[0]
    src = edge_index[0]
    dst = edge_index[1]
    loop = jnp.arange(N, dtype=edge_index.dtype)
    src = jnp.concatenate([src, loop])
    dst = jnp.concatenate([dst, loop])
    h = x @ W
    deg = jnp.zeros((N,), dtype=h.dtype).at[dst].add(1.0)
    dinv = jnp.where(deg > 0, deg ** -0.5, 0.0)
    norm = dinv[src] * dinv[dst]
    msg = h[src] * norm[:, None]
    out = jax.ops.segment_sum(msg, dst, num_segments=N)
    return out + b


def setup_inputs(seed: int = 0) -> dict:
    key = jax.random.key(seed)
    k1, k2, k3, k4, k5, k6 = jax.random.split(key, 6)
    x = jax.random.normal(k1, (N_NODES, D_FEAT), dtype=jnp.float32)
    edge_index = jax.random.randint(k2, (2, N_EDGES), 0, N_NODES, dtype=jnp.int64)
    s1 = (1.0 / np.sqrt(D_FEAT)).astype(np.float32) if isinstance(np.sqrt(D_FEAT), np.ndarray) else 1.0 / float(np.sqrt(D_FEAT))
    W1 = jax.random.normal(k3, (D_FEAT, HIDDEN), dtype=jnp.float32) * (1.0 / float(np.sqrt(D_FEAT)))
    b1 = jnp.zeros((HIDDEN,), dtype=jnp.float32)
    W2 = jax.random.normal(k4, (HIDDEN, OUT), dtype=jnp.float32) * (1.0 / float(np.sqrt(HIDDEN)))
    b2 = jnp.zeros((OUT,), dtype=jnp.float32)
    return {"x": x, "edge_index": edge_index, "W1": W1, "b1": b1, "W2": W2, "b2": b2}


def reference(x, edge_index, W1, b1, W2, b2):
    h = gcn_conv(x, edge_index, W1, b1)
    h = jax.nn.relu(h)
    h = gcn_conv(h, edge_index, W2, b2)
    return jax.nn.log_softmax(h, axis=1)

if __name__ == "__main__":
    import jax
    _d = setup_inputs()
    print(jax.jit(kernel)(*tuple(_d.values())))

</pallas_src>

<mosaic_0001>
#map = affine_map<(d0, d1) -> (0, 0)>
#map1 = affine_map<(d0, d1) -> (0, 0, 0)>
#map2 = affine_map<(d0, d1) -> (0)>
module attributes {stable_mosaic.version = 14 : i64} {
  func.func @_agg1_kernel(%arg0: i32, %arg1: i32, %arg2: memref<10240x16xf32, #tpu.memory_space<hbm>>, %arg3: memref<2x10240xf32, #tpu.memory_space<hbm>>, %arg4: memref<32x10x1000xi32, #tpu.memory_space<hbm>>, %arg5: memref<32x10x1000xi32, #tpu.memory_space<hbm>>, %arg6: memref<640x16xf32, #tpu.memory_space<hbm>>, %arg7: memref<2x10240x16xf32, #tpu.memory_space<hbm>>, %arg8: memref<10240xf32, #tpu.memory_space<hbm>>, %arg9: memref<10x1000xi32, #tpu.memory_space<vmem>>, %arg10: memref<10x1000xi32, #tpu.memory_space<vmem>>, %arg11: memref<2x1000x16xf32, #tpu.memory_space<vmem>>, %arg12: memref<640x16xf32, #tpu.memory_space<vmem>>, %arg13: memref<640xf32, #tpu.memory_space<vmem>>, %arg14: memref<640xf32, #tpu.memory_space<vmem>>, %arg15: memref<640xf32, #tpu.memory_space<vmem>>, %arg16: memref<10240x16xf32, #tpu.memory_space<vmem_shared>>, %arg17: memref<10240x16xf32, #tpu.memory_space<vmem_shared>>, %arg18: memref<2x!tpu.dma_semaphore, #tpu.memory_space<semaphore_mem>>, %arg19: memref<2x!tpu.dma_semaphore, #tpu.memory_space<semaphore_mem>>) attributes {dimension_semantics = [#tpu.dimension_semantics<core_parallel>, #tpu.dimension_semantics<subcore_parallel>], iteration_bounds = array<i64: 2, 16>, scalar_prefetch = 0 : i64, scratch_operands = 11 : i64, tpu.core_type = #tpu.core_type<sc_vector_subcore>, window_params = [{transform_indices = #map}, {transform_indices = #map}, {transform_indices = #map1}, {transform_indices = #map1}, {transform_indices = #map}, {transform_indices = #map1}, {transform_indices = #map2}]} {
    %mul3A = arith.constant 16 : i32
    %mul3A_0 = arith.muli %arg0, %mul3A : i32
    %add3A = arith.addi %mul3A_0, %arg1 : i32
    %mul3A_1 = arith.constant 640 : i32
    %mul3A_2 = arith.muli %arg1, %mul3A_1 : i32
    %dma_start3A = arith.constant 0 : i32
    %dma_start3A_3 = arith.constant 0 : i32
    %dma_start3A_4 = arith.constant 0 : i32
    %dma_start3A_5 = tpu.memref_slice %arg4[%add3A, %dma_start3A_3, %dma_start3A_4] : memref<32x10x1000xi32, #tpu.memory_space<hbm>> -> memref<1x10x1000xi32, #tpu.memory_space<hbm>>
    %dma_start3A_6 = tpu.memref_squeeze %dma_start3A_5 : memref<1x10x1000xi32, #tpu.memory_space<hbm>> -> memref<10x1000xi32, #tpu.memory_space<hbm>>
    %dma_start3A_7 = tpu.memref_slice %arg18[%dma_start3A] : memref<2x!tpu.dma_semaphore, #tpu.memory_space<semaphore_mem>> -> memref<1x!tpu.dma_semaphore, #tpu.memory_space<semaphore_mem>>
    %dma_start3A_8 = tpu.memref_squeeze %dma_start3A_7 : memref<1x!tpu.dma_semaphore, #tpu.memory_space<semaphore_mem>> -> memref<!tpu.dma_semaphore, #tpu.memory_space<semaphore_mem>>
    %dma_start3A_9 = arith.constant 0 : i32
    %dma_start3A_10 = arith.constant 0 : i32
    %dma_start3A_11 = tpu.memref_slice %arg4[%add3A, %dma_start3A_9, %dma_start3A_10] : memref<32x10x1000xi32, #tpu.memory_space<hbm>> -> memref<1x10x1000xi32, #tpu.memory_space<hbm>>
    %dma_start3A_12 = tpu.memref_squeeze %dma_start3A_11 : memref<1x10x1000xi32, #tpu.memory_space<hbm>> -> memref<10x1000xi32, #tpu.memory_space<hbm>>
    tpu.enqueue_dma source(%dma_start3A_12 : memref<10x1000xi32, #tpu.memory_space<hbm>>) target(%arg9 : memref<10x1000xi32, #tpu.memory_space<vmem>>) target_semaphore(%dma_start3A_8 : memref<!tpu.dma_semaphore, #tpu.memory_space<semaphore_mem>>)
    %dma_start3A_13 = arith.constant 1 : i32
    %dma_start3A_14 = arith.constant 0 : i32
    %dma_start3A_15 = arith.constant 0 : i32
    %dma_start3A_16 = tpu.memref_slice %arg5[%add3A, %dma_start3A_14, %dma_start3A_15] : memref<32x10x1000xi32, #tpu.memory_space<hbm>> -> memref<1x10x1000xi32, #tpu.memory_space<hbm>>
    %dma_start3A_17 = tpu.memref_squeeze %dma_start3A_16 : memref<1x10x1000xi32, #tpu.memory_space<hbm>> -> memref<10x1000xi32, #tpu.memory_space<hbm>>
    %dma_start3A_18 = tpu.memref_slice %arg18[%dma_start3A_13] : memref<2x!tpu.dma_semaphore, #tpu.memory_space<semaphore_mem>> -> memref<1x!tpu.dma_semaphore, #tpu.memory_space<semaphore_mem>>
    %dma_start3A_19 = tpu.memref_squeeze %dma_start3A_18 : memref<1x!tpu.dma_semaphore, #tpu.memory_space<semaphore_mem>> -> memref<!tpu.dma_semaphore, #tpu.memory_space<semaphore_mem>>
    %dma_start3A_20 = arith.constant 0 : i32
    %dma_start3A_21 = arith.constant 0 : i32
    %dma_start3A_22 = tpu.memref_slice %arg5[%add3A, %dma_start3A_20, %dma_start3A_21] : memref<32x10x1000xi32, #tpu.memory_space<hbm>> -> memref<1x10x1000xi32, #tpu.memory_space<hbm>>
    %dma_start3A_23 = tpu.memref_squeeze %dma_start3A_22 : memref<1x10x1000xi32, #tpu.memory_space<hbm>> -> memref<10x1000xi32, #tpu.memory_space<hbm>>
    tpu.enqueue_dma source(%dma_start3A_23 : memref<10x1000xi32, #tpu.memory_space<hbm>>) target(%arg10 : memref<10x1000xi32, #tpu.memory_space<vmem>>) target_semaphore(%dma_start3A_19 : memref<!tpu.dma_semaphore, #tpu.memory_space<semaphore_mem>>)
    %dma_start3A_24 = arith.constant 0 : i32
    %dma_start3A_25 = arith.constant 2 : i32
    %dma_start3A_26 = tpu.memref_slice %arg3[%dma_start3A_24, %mul3A_2] : memref<2x10240xf32, #tpu.memory_space<hbm>> -> memref<1x640xf32, #tpu.memory_space<hbm>>
    %dma_start3A_27 = tpu.memref_squeeze %dma_start3A_26 : memref<1x640xf32, #tpu.memory_space<hbm>> -> memref<640xf32, #tpu.memory_space<hbm>>
    %dma_start3A_28 = tpu.memref_slice %arg18[%dma_start3A_25] : memref<2x!tpu.dma_semaphore, #tpu.memory_space<semaphore_mem>> -> memref<1x!tpu.dma_semaphore, #tpu.memory_space<semaphore_mem>>
    %dma_start3A_29 = tpu.memref_squeeze %dma_start3A_28 : memref<1x!tpu.dma_semaphore, #tpu.memory_space<semaphore_mem>> -> memref<!tpu.dma_semaphore, #tpu.memory_space<semaphore_mem>>
    %dma_start3A_30 = tpu.memref_slice %arg3[%dma_start3A_24, %mul3A_2] : memref<2x10240xf32, #tpu.memory_space<hbm>> -> memref<1x640xf32, #tpu.memory_space<hbm>>
    %dma_start3A_31 = tpu.memref_squeeze %dma_start3A_30 : memref<1x640xf32, #tpu.memory_space<hbm>> -> memref<640xf32, #tpu.memory_space<hbm>>
    tpu.enqueue_dma source(%dma_start3A_31 : memref<640xf32, #tpu.memory_space<hbm>>) target(%arg13 : memref<640xf32, #tpu.memory_space<vmem>>) target_semaphore(%dma_start3A_29 : memref<!tpu.dma_semaphore, #tpu.memory_space<semaphore_mem>>)
    %dma_start3A_32 = arith.constant 1 : i32
    %dma_start3A_33 = arith.constant 3 : i32
    %dma_start3A_34 = tpu.memref_slice %arg3[%dma_start3A_32, %mul3A_2] : memref<2x10240xf32, #tpu.memory_space<hbm>> -> memref<1x640xf32, #tpu.memory_space<hbm>>
    %dma_start3A_35 = tpu.memref_squeeze %dma_start3A_34 : memref<1x640xf32, #tpu.memory_space<hbm>> -> memref<640xf32, #tpu.memory_space<hbm>>
    %dma_start3A_36 = tpu.memref_slice %arg18[%dma_start3A_33] : memref<2x!tpu.dma_semaphore, #tpu.memory_space<semaphore_mem>> -> memref<1x!tpu.dma_semaphore, #tpu.memory_space<semaphore_mem>>
    %dma_start3A_37 = tpu.memref_squeeze %dma_start3A_36 : memref<1x!tpu.dma_semaphore, #tpu.memory_space<semaphore_mem>> -> memref<!tpu.dma_semaphore, #tpu.memory_space<semaphore_mem>>
    %dma_start3A_38 = tpu.memref_slice %arg3[%dma_start3A_32, %mul3A_2] : memref<2x10240xf32, #tpu.memory_space<hbm>> -> memref<1x640xf32, #tpu.memory_space<hbm>>
    %dma_start3A_39 = tpu.memref_squeeze %dma_start3A_38 : memref<1x640xf32, #tpu.memory_space<hbm>> -> memref<640xf32, #tpu.memory_space<hbm>>
    tpu.enqueue_dma source(%dma_start3A_39 : memref<640xf32, #tpu.memory_space<hbm>>) target(%arg14 : memref<640xf32, #tpu.memory_space<vmem>>) target_semaphore(%dma_start3A_37 : memref<!tpu.dma_semaphore, #tpu.memory_space<semaphore_mem>>)
    %dma_start3A_40 = arith.constant 0 : i32
    %dma_start3A_41 = arith.constant 0 : i32
    %dma_start3A_42 = tpu.memref_slice %arg2[%mul3A_2, %dma_start3A_41] : memref<10240x16xf32, #tpu.memory_space<hbm>> -> memref<640x16xf32, #tpu.memory_space<hbm>>
    %dma_start3A_43 = tpu.memref_slice %arg18[%dma_start3A_40] : memref<2x!tpu.dma_semaphore, #tpu.memory_space<semaphore_mem>> -> memref<1x!tpu.dma_semaphore, #tpu.memory_space<semaphore_mem>>
    %dma_start3A_44 = tpu.memref_squeeze %dma_start3A_43 : memref<1x!tpu.dma_semaphore, #tpu.memory_space<semaphore_mem>> -> memref<!tpu.dma_semaphore, #tpu.memory_space<semaphore_mem>>
    %dma_start3A_45 = arith.constant 0 : i32
    %dma_start3A_46 = tpu.memref_slice %arg2[%mul3A_2, %dma_start3A_45] : memref<10240x16xf32, #tpu.memory_space<hbm>> -> memref<640x16xf32, #tpu.memory_space<hbm>>
    tpu.enqueue_dma source(%dma_start3A_46 : memref<640x16xf32, #tpu.memory_space<hbm>>) target(%arg12 : memref<640x16xf32, #tpu.memory_space<vmem>>) target_semaphore(%dma_start3A_44 : memref<!tpu.dma_semaphore, #tpu.memory_space<semaphore_mem>>)
    %dma_wait3A = arith.constant 0 : i32
    %dma_wait3A_47 = arith.constant 0 : i32
    %dma_wait3A_48 = arith.constant 0 : i32
    %dma_wait3A_49 = tpu.memref_slice %arg4[%add3A, %dma_wait3A_47, %dma_wait3A_48] : memref<32x10x1000xi32, #tpu.memory_space<hbm>> -> memref<1x10x1000xi32, #tpu.memory_space<hbm>>
    %dma_wait3A_50 = tpu.memref_squeeze %dma_wait3A_49 : memref<1x10x1000xi32, #tpu.memory_space<hbm>> -> memref<10x1000xi32, #tpu.memory_space<hbm>>
    %dma_wait3A_51 = tpu.memref_slice %arg18[%dma_wait3A] : memref<2x!tpu.dma_semaphore, #tpu.memory_space<semaphore_mem>> -> memref<1x!tpu.dma_semaphore, #tpu.memory_space<semaphore_mem>>
    %dma_wait3A_52 = tpu.memref_squeeze %dma_wait3A_51 : memref<1x!tpu.dma_semaphore, #tpu.memory_space<semaphore_mem>> -> memref<!tpu.dma_semaphore, #tpu.memory_space<semaphore_mem>>
    %dma_wait3A_53 = arith.constant 0 : i32
    %dma_wait3A_54 = arith.constant 0 : i32
    %dma_wait3A_55 = tpu.memref_slice %arg4[%add3A, %dma_wait3A_53, %dma_wait3A_54] : memref<32x10x1000xi32, #tpu.memory_space<hbm>> -> memref<1x10x1000xi32, #tpu.memory_space<hbm>>
    %dma_wait3A_56 = tpu.memref_squeeze %dma_wait3A_55 : memref<1x10x1000xi32, #tpu.memory_space<hbm>> -> memref<10x1000xi32, #tpu.memory_space<hbm>>
    tpu.wait_dma2 semaphore(%dma_wait3A_52 : memref<!tpu.dma_semaphore, #tpu.memory_space<semaphore_mem>>) src(%dma_wait3A_56 : memref<10x1000xi32, #tpu.memory_space<hbm>>) dst(%arg9 : memref<10x1000xi32, #tpu.memory_space<vmem>>)
    %dma_wait3A_57 = arith.constant 1 : i32
    %dma_wait3A_58 = arith.constant 0 : i32
    %dma_wait3A_59 = arith.constant 0 : i32
    %dma_wait3A_60 = tpu.memref_slice %arg5[%add3A, %dma_wait3A_58, %dma_wait3A_59] : memref<32x10x1000xi32, #tpu.memory_space<hbm>> -> memref<1x10x1000xi32, #tpu.memory_space<hbm>>
    %dma_wait3A_61 = tpu.memref_squeeze %dma_wait3A_60 : memref<1x10x1000xi32, #tpu.memory_space<hbm>> -> memref<10x1000xi32, #tpu.memory_space<hbm>>
    %dma_wait3A_62 = tpu.memref_slice %arg18[%dma_wait3A_57] : memref<2x!tpu.dma_semaphore, #tpu.memory_space<semaphore_mem>> -> memref<1x!tpu.dma_semaphore, #tpu.memory_space<semaphore_mem>>
    %dma_wait3A_63 = tpu.memref_squeeze %dma_wait3A_62 : memref<1x!tpu.dma_semaphore, #tpu.memory_space<semaphore_mem>> -> memref<!tpu.dma_semaphore, #tpu.memory_space<semaphore_mem>>
    %dma_wait3A_64 = arith.constant 0 : i32
    %dma_wait3A_65 = arith.constant 0 : i32
    %dma_wait3A_66 = tpu.memref_slice %arg5[%add3A, %dma_wait3A_64, %dma_wait3A_65] : memref<32x10x1000xi32, #tpu.memory_space<hbm>> -> memref<1x10x1000xi32, #tpu.memory_space<hbm>>
    %dma_wait3A_67 = tpu.memref_squeeze %dma_wait3A_66 : memref<1x10x1000xi32, #tpu.memory_space<hbm>> -> memref<10x1000xi32, #tpu.memory_space<hbm>>
    tpu.wait_dma2 semaphore(%dma_wait3A_63 : memref<!tpu.dma_semaphore, #tpu.memory_space<semaphore_mem>>) src(%dma_wait3A_67 : memref<10x1000xi32, #tpu.memory_space<hbm>>) dst(%arg10 : memref<10x1000xi32, #tpu.memory_space<vmem>>)
    %dma_wait3A_68 = arith.constant 0 : i32
    %dma_wait3A_69 = arith.constant 2 : i32
    %dma_wait3A_70 = tpu.memref_slice %arg3[%dma_wait3A_68, %mul3A_2] : memref<2x10240xf32, #tpu.memory_space<hbm>> -> memref<1x640xf32, #tpu.memory_space<hbm>>
    %dma_wait3A_71 = tpu.memref_squeeze %dma_wait3A_70 : memref<1x640xf32, #tpu.memory_space<hbm>> -> memref<640xf32, #tpu.memory_space<hbm>>
    %dma_wait3A_72 = tpu.memref_slice %arg18[%dma_wait3A_69] : memref<2x!tpu.dma_semaphore, #tpu.memory_space<semaphore_mem>> -> memref<1x!tpu.dma_semaphore, #tpu.memory_space<semaphore_mem>>
    %dma_wait3A_73 = tpu.memref_squeeze %dma_wait3A_72 : memref<1x!tpu.dma_semaphore, #tpu.memory_space<semaphore_mem>> -> memref<!tpu.dma_semaphore, #tpu.memory_space<semaphore_mem>>
    %dma_wait3A_74 = tpu.memref_slice %arg3[%dma_wait3A_68, %mul3A_2] : memref<2x10240xf32, #tpu.memory_space<hbm>> -> memref<1x640xf32, #tpu.memory_space<hbm>>
    %dma_wait3A_75 = tpu.memref_squeeze %dma_wait3A_74 : memref<1x640xf32, #tpu.memory_space<hbm>> -> memref<640xf32, #tpu.memory_space<hbm>>
    tpu.wait_dma2 semaphore(%dma_wait3A_73 : memref<!tpu.dma_semaphore, #tpu.memory_space<semaphore_mem>>) src(%dma_wait3A_75 : memref<640xf32, #tpu.memory_space<hbm>>) dst(%arg13 : memref<640xf32, #tpu.memory_space<vmem>>)
    %dma_wait3A_76 = arith.constant 1 : i32
    %dma_wait3A_77 = arith.constant 3 : i32
    %dma_wait3A_78 = tpu.memref_slice %arg3[%dma_wait3A_76, %mul3A_2] : memref<2x10240xf32, #tpu.memory_space<hbm>> -> memref<1x640xf32, #tpu.memory_space<hbm>>
    %dma_wait3A_79 = tpu.memref_squeeze %dma_wait3A_78 : memref<1x640xf32, #tpu.memory_space<hbm>> -> memref<640xf32, #tpu.memory_space<hbm>>
    %dma_wait3A_80 = tpu.memref_slice %arg18[%dma_wait3A_77] : memref<2x!tpu.dma_semaphore, #tpu.memory_space<semaphore_mem>> -> memref<1x!tpu.dma_semaphore, #tpu.memory_space<semaphore_mem>>
    %dma_wait3A_81 = tpu.memref_squeeze %dma_wait3A_80 : memref<1x!tpu.dma_semaphore, #tpu.memory_space<semaphore_mem>> -> memref<!tpu.dma_semaphore, #tpu.memory_space<semaphore_mem>>
    %dma_wait3A_82 = tpu.memref_slice %arg3[%dma_wait3A_76, %mul3A_2] : memref<2x10240xf32, #tpu.memory_space<hbm>> -> memref<1x640xf32, #tpu.memory_space<hbm>>
    %dma_wait3A_83 = tpu.memref_squeeze %dma_wait3A_82 : memref<1x640xf32, #tpu.memory_space<hbm>> -> memref<640xf32, #tpu.memory_space<hbm>>
    tpu.wait_dma2 semaphore(%dma_wait3A_81 : memref<!tpu.dma_semaphore, #tpu.memory_space<semaphore_mem>>) src(%dma_wait3A_83 : memref<640xf32, #tpu.memory_space<hbm>>) dst(%arg14 : memref<640xf32, #tpu.memory_space<vmem>>)
    %dma_wait3A_84 = arith.constant 0 : i32
    %dma_wait3A_85 = arith.constant 0 : i32
    %dma_wait3A_86 = tpu.memref_slice %arg2[%mul3A_2, %dma_wait3A_85] : memref<10240x16xf32, #tpu.memory_space<hbm>> -> memref<640x16xf32, #tpu.memory_space<hbm>>
    %dma_wait3A_87 = tpu.memref_slice %arg18[%dma_wait3A_84] : memref<2x!tpu.dma_semaphore, #tpu.memory_space<semaphore_mem>> -> memref<1x!tpu.dma_semaphore, #tpu.memory_space<semaphore_mem>>
    %dma_wait3A_88 = tpu.memref_squeeze %dma_wait3A_87 : memref<1x!tpu.dma_semaphore, #tpu.memory_space<semaphore_mem>> -> memref<!tpu.dma_semaphore, #tpu.memory_space<semaphore_mem>>
    %dma_wait3A_89 = arith.constant 0 : i32
    %dma_wait3A_90 = tpu.memref_slice %arg2[%mul3A_2, %dma_wait3A_89] : memref<10240x16xf32, #tpu.memory_space<hbm>> -> memref<640x16xf32, #tpu.memory_space<hbm>>
    tpu.wait_dma2 semaphore(%dma_wait3A_88 : memref<!tpu.dma_semaphore, #tpu.memory_space<semaphore_mem>>) src(%dma_wait3A_90 : memref<640x16xf32, #tpu.memory_space<hbm>>) dst(%arg12 : memref<640x16xf32, #tpu.memory_space<vmem>>)
    %scan3A = arith.constant 0 : i32
    %scan3A_91 = arith.constant 0 : i32
    %scan3A_92 = arith.constant 40 : i32
    %scan3A_93 = arith.addi %scan3A_91, %scan3A_92 : i32
    %scan3A_94 = arith.constant 1 : i32
    scf.for %scan3A_170 = %scan3A_91 to %scan3A_93 step %scan3A_94  : i32 {
      %mul3A_171 = arith.constant 16 : i32
      %mul3A_172 = arith.muli %scan3A_170, %mul3A_171 : i32
      %get3A = arith.index_cast %mul3A_172 : i32 to index
      %get3A_173 = tpu.vector_load %arg13[%get3A] {strides = array<i32>} : memref<640xf32, #tpu.memory_space<vmem>>, vector<16xf32>,
      %get3A_174 = arith.index_cast %mul3A_172 : i32 to index
      %get3A_175 = tpu.vector_load %arg14[%get3A_174] {strides = array<i32>} : memref<640xf32, #tpu.memory_space<vmem>>, vector<16xf32>,
      %add3A_176 = arith.addf %get3A_173, %get3A_175 : vector<16xf32>
      %bitcast3A = vector.bitcast %add3A_176 : vector<16xf32> to vector<16xi32>
      %shift_right_arithmetic3A = arith.constant 1 : i32
      %shift_right_arithmetic3A_177 = vector.broadcast %shift_right_arithmetic3A : i32 to vector<16xi32>
      %shift_right_arithmetic3A_178 = arith.shrsi %bitcast3A, %shift_right_arithmetic3A_177 : vector<16xi32>
      %sub3A = arith.constant 1597463007 : i32
      %sub3A_179 = vector.broadcast %sub3A : i32 to vector<16xi32>
      %sub3A_180 = arith.subi %sub3A_179, %shift_right_arithmetic3A_178 : vector<16xi32>
      %bitcast3A_181 = vector.bitcast %sub3A_180 : vector<16xi32> to vector<16xf32>
      %mul3A_182 = arith.constant 5.000000e-01 : f32
      %mul3A_183 = vector.broadcast %mul3A_182 : f32 to vector<16xf32>
      %mul3A_184 = arith.mulf %mul3A_183, %add3A_176 : vector<16xf32>
      %mul3A_185 = arith.mulf %mul3A_184, %bitcast3A_181 : vector<16xf32>
      %mul3A_186 = arith.mulf %mul3A_185, %bitcast3A_181 : vector<16xf32>
      %sub3A_187 = arith.constant 1.500000e+00 : f32
      %sub3A_188 = vector.broadcast %sub3A_187 : f32 to vector<16xf32>
      %sub3A_189 = arith.subf %sub3A_188, %mul3A_186 : vector<16xf32>
      %mul3A_190 = arith.mulf %bitcast3A_181, %sub3A_189 : vector<16xf32>
      %mul3A_191 = arith.constant 5.000000e-01 : f32
      %mul3A_192 = vector.broadcast %mul3A_191 : f32 to vector<16xf32>
      %mul3A_193 = arith.mulf %mul3A_192, %add3A_176 : vector<16xf32>
      %mul3A_194 = arith.mulf %mul3A_193, %mul3A_190 : vector<16xf32>
      %mul3A_195 = arith.mulf %mul3A_194, %mul3A_190 : vector<16xf32>
      %sub3A_196 = arith.constant 1.500000e+00 : f32
      %sub3A_197 = vector.broadcast %sub3A_196 : f32 to vector<16xf32>
      %sub3A_198 = arith.subf %sub3A_197, %mul3A_195 : vector<16xf32>
      %mul3A_199 = arith.mulf %mul3A_190, %sub3A_198 : vector<16xf32>
      %mul3A_200 = arith.constant 5.000000e-01 : f32
      %mul3A_201 = vector.broadcast %mul3A_200 : f32 to vector<16xf32>
      %mul3A_202 = arith.mulf %mul3A_201, %add3A_176 : vector<16xf32>
      %mul3A_203 = arith.mulf %mul3A_202, %mul3A_199 : vector<16xf32>
      %mul3A_204 = arith.mulf %mul3A_203, %mul3A_199 : vector<16xf32>
      %sub3A_205 = arith.constant 1.500000e+00 : f32
      %sub3A_206 = vector.broadcast %sub3A_205 : f32 to vector<16xf32>
      %sub3A_207 = arith.subf %sub3A_206, %mul3A_204 : vector<16xf32>
      %mul3A_208 = arith.mulf %mul3A_199, %sub3A_207 : vector<16xf32>
      %swap3A = arith.index_cast %mul3A_172 : i32 to index
      %swap3A_209 = tpu.vector_load %arg15[%swap3A] {strides = array<i32>} : memref<640xf32, #tpu.memory_space<vmem>>, vector<16xf32>,
      tpu.vector_store %arg15[%swap3A], %mul3A_208 {strides = array<i32>} : memref<640xf32, #tpu.memory_space<vmem>>, vector<16xf32>,
      %mul3A_210 = arith.constant 16 : i32
      %mul3A_211 = arith.muli %scan3A_170, %mul3A_210 : i32
      %add3A_212 = arith.constant 0 : i32
      %add3A_213 = arith.addi %mul3A_211, %add3A_212 : i32
      %get3A_214 = arith.index_cast %add3A_213 : i32 to index
      %get3A_215 = arith.constant 0 : index
      %get3A_216 = tpu.vector_load %arg12[%get3A_214, %get3A_215] {strides = array<i32>} : memref<640x16xf32, #tpu.memory_space<vmem>>, vector<16xf32>,
      %broadcast_in_dim3A = arith.constant 0 : i32
      %broadcast_in_dim3A_217 = vector.broadcast %broadcast_in_dim3A : i32 to vector<16x1xi32>
      %gather3A = vector.shape_cast %broadcast_in_dim3A_217 : vector<16x1xi32> to vector<16xi32>
      %gather3A_218 = tpu.dynamic_gather %mul3A_208[%gather3A] in [0] : vector<16xf32>, vector<16xi32> -> vector<16xf32>
      %mul3A_219 = arith.mulf %get3A_216, %gather3A_218 : vector<16xf32>
      %swap3A_220 = arith.index_cast %add3A_213 : i32 to index
      %swap3A_221 = arith.constant 0 : index
      %swap3A_222 = tpu.vector_load %arg12[%swap3A_220, %swap3A_221] {strides = array<i32>} : memref<640x16xf32, #tpu.memory_space<vmem>>, vector<16xf32>,
      tpu.vector_store %arg12[%swap3A_220, %swap3A_221], %mul3A_219 {strides = array<i32>} : memref<640x16xf32, #tpu.memory_space<vmem>>, vector<16xf32>,
      %mul3A_223 = arith.constant 16 : i32
      %mul3A_224 = arith.muli %scan3A_170, %mul3A_223 : i32
      %add3A_225 = arith.constant 1 : i32
      %add3A_226 = arith.addi %mul3A_224, %add3A_225 : i32
      %get3A_227 = arith.index_cast %add3A_226 : i32 to index
      %get3A_228 = arith.constant 0 : index
      %get3A_229 = tpu.vector_load %arg12[%get3A_227, %get3A_228] {strides = array<i32>} : memref<640x16xf32, #tpu.memory_space<vmem>>, vector<16xf32>,
      %broadcast_in_dim3A_230 = arith.constant 1 : i32
      %broadcast_in_dim3A_231 = vector.broadcast %broadcast_in_dim3A_230 : i32 to vector<16x1xi32>
      %gather3A_232 = vector.shape_cast %broadcast_in_dim3A_231 : vector<16x1xi32> to vector<16xi32>
      %gather3A_233 = tpu.dynamic_gather %mul3A_208[%gather3A_232] in [0] : vector<16xf32>, vector<16xi32> -> vector<16xf32>
      %mul3A_234 = arith.mulf %get3A_229, %gather3A_233 : vector<16xf32>
      %swap3A_235 = arith.index_cast %add3A_226 : i32 to index
      %swap3A_236 = arith.constant 0 : index
      %swap3A_237 = tpu.vector_load %arg12[%swap3A_235, %swap3A_236] {strides = array<i32>} : memref<640x16xf32, #tpu.memory_space<vmem>>, vector<16xf32>,
      tpu.vector_store %arg12[%swap3A_235, %swap3A_236], %mul3A_234 {strides = array<i32>} : memref<640x16xf32, #tpu.memory_space<vmem>>, vector<16xf32>,
      %mul3A_238 = arith.constant 16 : i32
      %mul3A_239 = arith.muli %scan3A_170, %mul3A_238 : i32
      %add3A_240 = arith.constant 2 : i32
      %add3A_241 = arith.addi %mul3A_239, %add3A_240 : i32
      %get3A_242 = arith.index_cast %add3A_241 : i32 to index
      %get3A_243 = arith.constant 0 : index
      %get3A_244 = tpu.vector_load %arg12[%get3A_242, %get3A_243] {strides = array<i32>} : memref<640x16xf32, #tpu.memory_space<vmem>>, vector<16xf32>,
      %broadcast_in_dim3A_245 = arith.constant 2 : i32
      %broadcast_in_dim3A_246 = vector.broadcast %broadcast_in_dim3A_245 : i32 to vector<16x1xi32>
      %gather3A_247 = vector.shape_cast %broadcast_in_dim3A_246 : vector<16x1xi32> to vector<16xi32>
      %gather3A_248 = tpu.dynamic_gather %mul3A_208[%gather3A_247] in [0] : vector<16xf32>, vector<16xi32> -> vector<16xf32>
      %mul3A_249 = arith.mulf %get3A_244, %gather3A_248 : vector<16xf32>
      %swap3A_250 = arith.index_cast %add3A_241 : i32 to index
      %swap3A_251 = arith.constant 0 : index
      %swap3A_252 = tpu.vector_load %arg12[%swap3A_250, %swap3A_251] {strides = array<i32>} : memref<640x16xf32, #tpu.memory_space<vmem>>, vector<16xf32>,
      tpu.vector_store %arg12[%swap3A_250, %swap3A_251], %mul3A_249 {strides = array<i32>} : memref<640x16xf32, #tpu.memory_space<vmem>>, vector<16xf32>,
      %mul3A_253 = arith.constant 16 : i32
      %mul3A_254 = arith.muli %scan3A_170, %mul3A_253 : i32
      %add3A_255 = arith.constant 3 : i32
      %add3A_256 = arith.addi %mul3A_254, %add3A_255 : i32
      %get3A_257 = arith.index_cast %add3A_256 : i32 to index
      %get3A_258 = arith.constant 0 : index
      %get3A_259 = tpu.vector_load %arg12[%get3A_257, %get3A_258] {strides = array<i32>} : memref<640x16xf32, #tpu.memory_space<vmem>>, vector<16xf32>,
      %broadcast_in_dim3A_260 = arith.constant 3 : i32
      %broadcast_in_dim3A_261 = vector.broadcast %broadcast_in_dim3A_260 : i32 to vector<16x1xi32>
      %gather3A_262 = vector.shape_cast %broadcast_in_dim3A_261 : vector<16x1xi32> to vector<16xi32>
      %gather3A_263 = tpu.dynamic_gather %mul3A_208[%gather3A_262] in [0] : vector<16xf32>, vector<16xi32> -> vector<16xf32>
      %mul3A_264 = arith.mulf %get3A_259, %gather3A_263 : vector<16xf32>
      %swap3A_265 = arith.index_cast %add3A_256 : i32 to index
      %swap3A_266 = arith.constant 0 : index
      %swap3A_267 = tpu.vector_load %arg12[%swap3A_265, %swap3A_266] {strides = array<i32>} : memref<640x16xf32, #tpu.memory_space<vmem>>, vector<16xf32>,
      tpu.vector_store %arg12[%swap3A_265, %swap3A_266], %mul3A_264 {strides = array<i32>} : memref<640x16xf32, #tpu.memory_space<vmem>>, vector<16xf32>,
      %mul3A_268 = arith.constant 16 : i32
      %mul3A_269 = arith.muli %scan3A_170, %mul3A_268 : i32
      %add3A_270 = arith.constant 4 : i32
      %add3A_271 = arith.addi %mul3A_269, %add3A_270 : i32
      %get3A_272 = arith.index_cast %add3A_271 : i32 to index
      %get3A_273 = arith.constant 0 : index
      %get3A_274 = tpu.vector_load %arg12[%get3A_272, %get3A_273] {strides = array<i32>} : memref<640x16xf32, #tpu.memory_space<vmem>>, vector<16xf32>,
      %broadcast_in_dim3A_275 = arith.constant 4 : i32
      %broadcast_in_dim3A_276 = vector.broadcast %broadcast_in_dim3A_275 : i32 to vector<16x1xi32>
      %gather3A_277 = vector.shape_cast %broadcast_in_dim3A_276 : vector<16x1xi32> to vector<16xi32>
      %gather3A_278 = tpu.dynamic_gather %mul3A_208[%gather3A_277] in [0] : vector<16xf32>, vector<16xi32> -> vector<16xf32>
      %mul3A_279 = arith.mulf %get3A_274, %gather3A_278 : vector<16xf32>
      %swap3A_280 = arith.index_cast %add3A_271 : i32 to index
      %swap3A_281 = arith.constant 0 : index
      %swap3A_282 = tpu.vector_load %arg12[%swap3A_280, %swap3A_281] {strides = array<i32>} : memref<640x16xf32, #tpu.memory_space<vmem>>, vector<16xf32>,
      tpu.vector_store %arg12[%swap3A_280, %swap3A_281], %mul3A_279 {strides = array<i32>} : memref<640x16xf32, #tpu.memory_space<vmem>>, vector<16xf32>,
      %mul3A_283 = arith.constant 16 : i32
      %mul3A_284 = arith.muli %scan3A_170, %mul3A_283 : i32
      %add3A_285 = arith.constant 5 : i32
      %add3A_286 = arith.addi %mul3A_284, %add3A_285 : i32
      %get3A_287 = arith.index_cast %add3A_286 : i32 to index
      %get3A_288 = arith.constant 0 : index
      %get3A_289 = tpu.vector_load %arg12[%get3A_287, %get3A_288] {strides = array<i32>} : memref<640x16xf32, #tpu.memory_space<vmem>>, vector<16xf32>,
      %broadcast_in_dim3A_290 = arith.constant 5 : i32
      %broadcast_in_dim3A_291 = vector.broadcast %broadcast_in_dim3A_290 : i32 to vector<16x1xi32>
      %gather3A_292 = vector.shape_cast %broadcast_in_dim3A_291 : vector<16x1xi32> to vector<16xi32>
      %gather3A_293 = tpu.dynamic_gather %mul3A_208[%gather3A_292] in [0] : vector<16xf32>, vector<16xi32> -> vector<16xf32>
      %mul3A_294 = arith.mulf %get3A_289, %gather3A_293 : vector<16xf32>
      %swap3A_295 = arith.index_cast %add3A_286 : i32 to index
      %swap3A_296 = arith.constant 0 : index
      %swap3A_297 = tpu.vector_load %arg12[%swap3A_295, %swap3A_296] {strides = array<i32>} : memref<640x16xf32, #tpu.memory_space<vmem>>, vector<16xf32>,
      tpu.vector_store %arg12[%swap3A_295, %swap3A_296], %mul3A_294 {strides = array<i32>} : memref<640x16xf32, #tpu.memory_space<vmem>>, vector<16xf32>,
      %mul3A_298 = arith.constant 16 : i32
      %mul3A_299 = arith.muli %scan3A_170, %mul3A_298 : i32
      %add3A_300 = arith.constant 6 : i32
      %add3A_301 = arith.addi %mul3A_299, %add3A_300 : i32
      %get3A_302 = arith.index_cast %add3A_301 : i32 to index
      %get3A_303 = arith.constant 0 : index
      %get3A_304 = tpu.vector_load %arg12[%get3A_302, %get3A_303] {strides = array<i32>} : memref<640x16xf32, #tpu.memory_space<vmem>>, vector<16xf32>,
      %broadcast_in_dim3A_305 = arith.constant 6 : i32
      %broadcast_in_dim3A_306 = vector.broadcast %broadcast_in_dim3A_305 : i32 to vector<16x1xi32>
      %gather3A_307 = vector.shape_cast %broadcast_in_dim3A_306 : vector<16x1xi32> to vector<16xi32>
      %gather3A_308 = tpu.dynamic_gather %mul3A_208[%gather3A_307] in [0] : vector<16xf32>, vector<16xi32> -> vector<16xf32>
      %mul3A_309 = arith.mulf %get3A_304, %gather3A_308 : vector<16xf32>
      %swap3A_310 = arith.index_cast %add3A_301 : i32 to index
      %swap3A_311 = arith.constant 0 : index
      %swap3A_312 = tpu.vector_load %arg12[%swap3A_310, %swap3A_311] {strides = array<i32>} : memref<640x16xf32, #tpu.memory_space<vmem>>, vector<16xf32>,
      tpu.vector_store %arg12[%swap3A_310, %swap3A_311], %mul3A_309 {strides = array<i32>} : memref<640x16xf32, #tpu.memory_space<vmem>>, vector<16xf32>,
      %mul3A_313 = arith.constant 16 : i32
      %mul3A_314 = arith.muli %scan3A_170, %mul3A_313 : i32
      %add3A_315 = arith.constant 7 : i32
      %add3A_316 = arith.addi %mul3A_314, %add3A_315 : i32
      %get3A_317 = arith.index_cast %add3A_316 : i32 to index
      %get3A_318 = arith.constant 0 : index
      %get3A_319 = tpu.vector_load %arg12[%get3A_317, %get3A_318] {strides = array<i32>} : memref<640x16xf32, #tpu.memory_space<vmem>>, vector<16xf32>,
      %broadcast_in_dim3A_320 = arith.constant 7 : i32
      %broadcast_in_dim3A_321 = vector.broadcast %broadcast_in_dim3A_320 : i32 to vector<16x1xi32>
      %gather3A_322 = vector.shape_cast %broadcast_in_dim3A_321 : vector<16x1xi32> to vector<16xi32>
      %gather3A_323 = tpu.dynamic_gather %mul3A_208[%gather3A_322] in [0] : vector<16xf32>, vector<16xi32> -> vector<16xf32>
      %mul3A_324 = arith.mulf %get3A_319, %gather3A_323 : vector<16xf32>
      %swap3A_325 = arith.index_cast %add3A_316 : i32 to index
      %swap3A_326 = arith.constant 0 : index
      %swap3A_327 = tpu.vector_load %arg12[%swap3A_325, %swap3A_326] {strides = array<i32>} : memref<640x16xf32, #tpu.memory_space<vmem>>, vector<16xf32>,
      tpu.vector_store %arg12[%swap3A_325, %swap3A_326], %mul3A_324 {strides = array<i32>} : memref<640x16xf32, #tpu.memory_space<vmem>>, vector<16xf32>,
      %mul3A_328 = arith.constant 16 : i32
      %mul3A_329 = arith.muli %scan3A_170, %mul3A_328 : i32
      %add3A_330 = arith.constant 8 : i32
      %add3A_331 = arith.addi %mul3A_329, %add3A_330 : i32
      %get3A_332 = arith.index_cast %add3A_331 : i32 to index
      %get3A_333 = arith.constant 0 : index
      %get3A_334 = tpu.vector_load %arg12[%get3A_332, %get3A_333] {strides = array<i32>} : memref<640x16xf32, #tpu.memory_space<vmem>>, vector<16xf32>,
      %broadcast_in_dim3A_335 = arith.constant 8 : i32
      %broadcast_in_dim3A_336 = vector.broadcast %broadcast_in_dim3A_335 : i32 to vector<16x1xi32>
      %gather3A_337 = vector.shape_cast %broadcast_in_dim3A_336 : vector<16x1xi32> to vector<16xi32>
      %gather3A_338 = tpu.dynamic_gather %mul3A_208[%gather3A_337] in [0] : vector<16xf32>, vector<16xi32> -> vector<16xf32>
      %mul3A_339 = arith.mulf %get3A_334, %gather3A_338 : vector<16xf32>
      %swap3A_340 = arith.index_cast %add3A_331 : i32 to index
      %swap3A_341 = arith.constant 0 : index
      %swap3A_342 = tpu.vector_load %arg12[%swap3A_340, %swap3A_341] {strides = array<i32>} : memref<640x16xf32, #tpu.memory_space<vmem>>, vector<16xf32>,
      tpu.vector_store %arg12[%swap3A_340, %swap3A_341], %mul3A_339 {strides = array<i32>} : memref<640x16xf32, #tpu.memory_space<vmem>>, vector<16xf32>,
      %mul3A_343 = arith.constant 16 : i32
      %mul3A_344 = arith.muli %scan3A_170, %mul3A_343 : i32
      %add3A_345 = arith.constant 9 : i32
      %add3A_346 = arith.addi %mul3A_344, %add3A_345 : i32
      %get3A_347 = arith.index_cast %add3A_346 : i32 to index
      %get3A_348 = arith.constant 0 : index
      %get3A_349 = tpu.vector_load %arg12[%get3A_347, %get3A_348] {strides = array<i32>} : memref<640x16xf32, #tpu.memory_space<vmem>>, vector<16xf32>,
      %broadcast_in_dim3A_350 = arith.constant 9 : i32
      %broadcast_in_dim3A_351 = vector.broadcast %broadcast_in_dim3A_350 : i32 to vector<16x1xi32>
      %gather3A_352 = vector.shape_cast %broadcast_in_dim3A_351 : vector<16x1xi32> to vector<16xi32>
      %gather3A_353 = tpu.dynamic_gather %mul3A_208[%gather3A_352] in [0] : vector<16xf32>, vector<16xi32> -> vector<16xf32>
      %mul3A_354 = arith.mulf %get3A_349, %gather3A_353 : vector<16xf32>
      %swap3A_355 = arith.index_cast %add3A_346 : i32 to index
      %swap3A_356 = arith.constant 0 : index
      %swap3A_357 = tpu.vector_load %arg12[%swap3A_355, %swap3A_356] {strides = array<i32>} : memref<640x16xf32, #tpu.memory_space<vmem>>, vector<16xf32>,
      tpu.vector_store %arg12[%swap3A_355, %swap3A_356], %mul3A_354 {strides = array<i32>} : memref<640x16xf32, #tpu.memory_space<vmem>>, vector<16xf32>,
      %mul3A_358 = arith.constant 16 : i32
      %mul3A_359 = arith.muli %scan3A_170, %mul3A_358 : i32
      %add3A_360 = arith.constant 10 : i32
      %add3A_361 = arith.addi %mul3A_359, %add3A_360 : i32
      %get3A_362 = arith.index_cast %add3A_361 : i32 to index
      %get3A_363 = arith.constant 0 : index
      %get3A_364 = tpu.vector_load %arg12[%get3A_362, %get3A_363] {strides = array<i32>} : memref<640x16xf32, #tpu.memory_space<vmem>>, vector<16xf32>,
      %broadcast_in_dim3A_365 = arith.constant 10 : i32
      %broadcast_in_dim3A_366 = vector.broadcast %broadcast_in_dim3A_365 : i32 to vector<16x1xi32>
      %gather3A_367 = vector.shape_cast %broadcast_in_dim3A_366 : vector<16x1xi32> to vector<16xi32>
      %gather3A_368 = tpu.dynamic_gather %mul3A_208[%gather3A_367] in [0] : vector<16xf32>, vector<16xi32> -> vector<16xf32>
      %mul3A_369 = arith.mulf %get3A_364, %gather3A_368 : vector<16xf32>
      %swap3A_370 = arith.index_cast %add3A_361 : i32 to index
      %swap3A_371 = arith.constant 0 : index
      %swap3A_372 = tpu.vector_load %arg12[%swap3A_370, %swap3A_371] {strides = array<i32>} : memref<640x16xf32, #tpu.memory_space<vmem>>, vector<16xf32>,
      tpu.vector_store %arg12[%swap3A_370, %swap3A_371], %mul3A_369 {strides = array<i32>} : memref<640x16xf32, #tpu.memory_space<vmem>>, vector<16xf32>,
      %mul3A_373 = arith.constant 16 : i32
      %mul3A_374 = arith.muli %scan3A_170, %mul3A_373 : i32
      %add3A_375 = arith.constant 11 : i32
      %add3A_376 = arith.addi %mul3A_374, %add3A_375 : i32
      %get3A_377 = arith.index_cast %add3A_376 : i32 to index
      %get3A_378 = arith.constant 0 : index
      %get3A_379 = tpu.vector_load %arg12[%get3A_377, %get3A_378] {strides = array<i32>} : memref<640x16xf32, #tpu.memory_space<vmem>>, vector<16xf32>,
      %broadcast_in_dim3A_380 = arith.constant 11 : i32
      %broadcast_in_dim3A_381 = vector.broadcast %broadcast_in_dim3A_380 : i32 to vector<16x1xi32>
      %gather3A_382 = vector.shape_cast %broadcast_in_dim3A_381 : vector<16x1xi32> to vector<16xi32>
      %gather3A_383 = tpu.dynamic_gather %mul3A_208[%gather3A_382] in [0] : vector<16xf32>, vector<16xi32> -> vector<16xf32>
      %mul3A_384 = arith.mulf %get3A_379, %gather3A_383 : vector<16xf32>
      %swap3A_385 = arith.index_cast %add3A_376 : i32 to index
      %swap3A_386 = arith.constant 0 : index
      %swap3A_387 = tpu.vector_load %arg12[%swap3A_385, %swap3A_386] {strides = array<i32>} : memref<640x16xf32, #tpu.memory_space<vmem>>, vector<16xf32>,
      tpu.vector_store %arg12[%swap3A_385, %swap3A_386], %mul3A_384 {strides = array<i32>} : memref<640x16xf32, #tpu.memory_space<vmem>>, vector<16xf32>,
      %mul3A_388 = arith.constant 16 : i32
      %mul3A_389 = arith.muli %scan3A_170, %mul3A_388 : i32
      %add3A_390 = arith.constant 12 : i32
      %add3A_391 = arith.addi %mul3A_389, %add3A_390 : i32
      %get3A_392 = arith.index_cast %add3A_391 : i32 to index
      %get3A_393 = arith.constant 0 : index
      %get3A_394 = tpu.vector_load %arg12[%get3A_392, %get3A_393] {strides = array<i32>} : memref<640x16xf32, #tpu.memory_space<vmem>>, vector<16xf32>,
      %broadcast_in_dim3A_395 = arith.constant 12 : i32
      %broadcast_in_dim3A_396 = vector.broadcast %broadcast_in_dim3A_395 : i32 to vector<16x1xi32>
      %gather3A_397 = vector.shape_cast %broadcast_in_dim3A_396 : vector<16x1xi32> to vector<16xi32>
      %gather3A_398 = tpu.dynamic_gather %mul3A_208[%gather3A_397] in [0] : vector<16xf32>, vector<16xi32> -> vector<16xf32>
      %mul3A_399 = arith.mulf %get3A_394, %gather3A_398 : vector<16xf32>
      %swap3A_400 = arith.index_cast %add3A_391 : i32 to index
      %swap3A_401 = arith.constant 0 : index
      %swap3A_402 = tpu.vector_load %arg12[%swap3A_400, %swap3A_401] {strides = array<i32>} : memref<640x16xf32, #tpu.memory_space<vmem>>, vector<16xf32>,
      tpu.vector_store %arg12[%swap3A_400, %swap3A_401], %mul3A_399 {strides = array<i32>} : memref<640x16xf32, #tpu.memory_space<vmem>>, vector<16xf32>,
      %mul3A_403 = arith.constant 16 : i32
      %mul3A_404 = arith.muli %scan3A_170, %mul3A_403 : i32
      %add3A_405 = arith.constant 13 : i32
      %add3A_406 = arith.addi %mul3A_404, %add3A_405 : i32
      %get3A_407 = arith.index_cast %add3A_406 : i32 to index
      %get3A_408 = arith.constant 0 : index
      %get3A_409 = tpu.vector_load %arg12[%get3A_407, %get3A_408] {strides = array<i32>} : memref<640x16xf32, #tpu.memory_space<vmem>>, vector<16xf32>,
      %broadcast_in_dim3A_410 = arith.constant 13 : i32
      %broadcast_in_dim3A_411 = vector.broadcast %broadcast_in_dim3A_410 : i32 to vector<16x1xi32>
      %gather3A_412 = vector.shape_cast %broadcast_in_dim3A_411 : vector<16x1xi32> to vector<16xi32>
      %gather3A_413 = tpu.dynamic_gather %mul3A_208[%gather3A_412] in [0] : vector<16xf32>, vector<16xi32> -> vector<16xf32>
      %mul3A_414 = arith.mulf %get3A_409, %gather3A_413 : vector<16xf32>
      %swap3A_415 = arith.index_cast %add3A_406 : i32 to index
      %swap3A_416 = arith.constant 0 : index
      %swap3A_417 = tpu.vector_load %arg12[%swap3A_415, %swap3A_416] {strides = array<i32>} : memref<640x16xf32, #tpu.memory_space<vmem>>, vector<16xf32>,
      tpu.vector_store %arg12[%swap3A_415, %swap3A_416], %mul3A_414 {strides = array<i32>} : memref<640x16xf32, #tpu.memory_space<vmem>>, vector<16xf32>,
      %mul3A_418 = arith.constant 16 : i32
      %mul3A_419 = arith.muli %scan3A_170, %mul3A_418 : i32
      %add3A_420 = arith.constant 14 : i32
      %add3A_421 = arith.addi %mul3A_419, %add3A_420 : i32
      %get3A_422 = arith.index_cast %add3A_421 : i32 to index
      %get3A_423 = arith.constant 0 : index
      %get3A_424 = tpu.vector_load %arg12[%get3A_422, %get3A_423] {strides = array<i32>} : memref<640x16xf32, #tpu.memory_space<vmem>>, vector<16xf32>,
      %broadcast_in_dim3A_425 = arith.constant 14 : i32
      %broadcast_in_dim3A_426 = vector.broadcast %broadcast_in_dim3A_425 : i32 to vector<16x1xi32>
      %gather3A_427 = vector.shape_cast %broadcast_in_dim3A_426 : vector<16x1xi32> to vector<16xi32>
      %gather3A_428 = tpu.dynamic_gather %mul3A_208[%gather3A_427] in [0] : vector<16xf32>, vector<16xi32> -> vector<16xf32>
      %mul3A_429 = arith.mulf %get3A_424, %gather3A_428 : vector<16xf32>
      %swap3A_430 = arith.index_cast %add3A_421 : i32 to index
      %swap3A_431 = arith.constant 0 : index
      %swap3A_432 = tpu.vector_load %arg12[%swap3A_430, %swap3A_431] {strides = array<i32>} : memref<640x16xf32, #tpu.memory_space<vmem>>, vector<16xf32>,
      tpu.vector_store %arg12[%swap3A_430, %swap3A_431], %mul3A_429 {strides = array<i32>} : memref<640x16xf32, #tpu.memory_space<vmem>>, vector<16xf32>,
      %mul3A_433 = arith.constant 16 : i32
      %mul3A_434 = arith.muli %scan3A_170, %mul3A_433 : i32
      %add3A_435 = arith.constant 15 : i32
      %add3A_436 = arith.addi %mul3A_434, %add3A_435 : i32
      %get3A_437 = arith.index_cast %add3A_436 : i32 to index
      %get3A_438 = arith.constant 0 : index
      %get3A_439 = tpu.vector_load %arg12[%get3A_437, %get3A_438] {strides = array<i32>} : memref<640x16xf32, #tpu.memory_space<vmem>>, vector<16xf32>,
      %broadcast_in_dim3A_440 = arith.constant 15 : i32
      %broadcast_in_dim3A_441 = vector.broadcast %broadcast_in_dim3A_440 : i32 to vector<16x1xi32>
      %gather3A_442 = vector.shape_cast %broadcast_in_dim3A_441 : vector<16x1xi32> to vector<16xi32>
      %gather3A_443 = tpu.dynamic_gather %mul3A_208[%gather3A_442] in [0] : vector<16xf32>, vector<16xi32> -> vector<16xf32>
      %mul3A_444 = arith.mulf %get3A_439, %gather3A_443 : vector<16xf32>
      %swap3A_445 = arith.index_cast %add3A_436 : i32 to index
      %swap3A_446 = arith.constant 0 : index
      %swap3A_447 = tpu.vector_load %arg12[%swap3A_445, %swap3A_446] {strides = array<i32>} : memref<640x16xf32, #tpu.memory_space<vmem>>, vector<16xf32>,
      tpu.vector_store %arg12[%swap3A_445, %swap3A_446], %mul3A_444 {strides = array<i32>} : memref<640x16xf32, #tpu.memory_space<vmem>>, vector<16xf32>,
    }
    %scan3A_95 = arith.constant 40 : i32
    %eq3A = arith.constant 0 : i32
    %eq3A_96 = arith.cmpi eq, %arg0, %eq3A : i32
    %convert_element_type3A = arith.extui %eq3A_96 : i1 to i32
    %cond3A = arith.constant 0 : i32
    %cond3A_97 = arith.cmpi ne, %convert_element_type3A, %cond3A : i32
    scf.if %cond3A_97 {
      "tpu.region"() ({
        %run_scoped3A = tpu.sem_alloc : memref<!tpu.dma_semaphore, #tpu.memory_space<semaphore_mem>>
        %dma_start3A_170 = tpu.memref_slice %arg8[%mul3A_2] : memref<10240xf32, #tpu.memory_space<hbm>> -> memref<640xf32, #tpu.memory_space<hbm>>
        %dma_start3A_171 = tpu.memref_slice %arg8[%mul3A_2] : memref<10240xf32, #tpu.memory_space<hbm>> -> memref<640xf32, #tpu.memory_space<hbm>>
        tpu.enqueue_dma source(%arg15 : memref<640xf32, #tpu.memory_space<vmem>>) target(%dma_start3A_171 : memref<640xf32, #tpu.memory_space<hbm>>) target_semaphore(%run_scoped3A : memref<!tpu.dma_semaphore, #tpu.memory_space<semaphore_mem>>)
        %dma_wait3A_172 = tpu.memref_slice %arg8[%mul3A_2] : memref<10240xf32, #tpu.memory_space<hbm>> -> memref<640xf32, #tpu.memory_space<hbm>>
        %dma_wait3A_173 = tpu.memref_slice %arg8[%mul3A_2] : memref<10240xf32, #tpu.memory_space<hbm>> -> memref<640xf32, #tpu.memory_space<hbm>>
        tpu.wait_dma2 semaphore(%run_scoped3A : memref<!tpu.dma_semaphore, #tpu.memory_space<semaphore_mem>>) src(%arg15 : memref<640xf32, #tpu.memory_space<vmem>>) dst(%dma_wait3A_173 : memref<640xf32, #tpu.memory_space<hbm>>)
        tpu.yield
      }) : () -> ()
      "tpu.region"() ({
        %run_scoped3A = tpu.sem_alloc : memref<!tpu.dma_semaphore, #tpu.memory_space<semaphore_mem>>
        %dma_start3A_170 = arith.constant 0 : i32
        %dma_start3A_171 = tpu.memref_slice %arg16[%mul3A_2, %dma_start3A_170] : memref<10240x16xf32, #tpu.memory_space<vmem_shared>> -> memref<640x16xf32, #tpu.memory_space<vmem_shared>>
        %dma_start3A_172 = arith.constant 0 : i32
        %dma_start3A_173 = tpu.memref_slice %arg16[%mul3A_2, %dma_start3A_172] : memref<10240x16xf32, #tpu.memory_space<vmem_shared>> -> memref<640x16xf32, #tpu.memory_space<vmem_shared>>
        tpu.enqueue_dma source(%arg12 : memref<640x16xf32, #tpu.memory_space<vmem>>) target(%dma_start3A_173 : memref<640x16xf32, #tpu.memory_space<vmem_shared>>) target_semaphore(%run_scoped3A : memref<!tpu.dma_semaphore, #tpu.memory_space<semaphore_mem>>)
        %dma_wait3A_174 = arith.constant 0 : i32
        %dma_wait3A_175 = tpu.memref_slice %arg16[%mul3A_2, %dma_wait3A_174] : memref<10240x16xf32, #tpu.memory_space<vmem_shared>> -> memref<640x16xf32, #tpu.memory_space<vmem_shared>>
        %dma_wait3A_176 = arith.constant 0 : i32
        %dma_wait3A_177 = tpu.memref_slice %arg16[%mul3A_2, %dma_wait3A_176] : memref<10240x16xf32, #tpu.memory_space<vmem_shared>> -> memref<640x16xf32, #tpu.memory_space<vmem_shared>>
        tpu.wait_dma2 semaphore(%run_scoped3A : memref<!tpu.dma_semaphore, #tpu.memory_space<semaphore_mem>>) src(%arg12 : memref<640x16xf32, #tpu.memory_space<vmem>>) dst(%dma_wait3A_177 : memref<640x16xf32, #tpu.memory_space<vmem_shared>>)
        tpu.yield
      }) : () -> ()
    } else {
    }
    %eq3A_98 = arith.constant 1 : i32
    %eq3A_99 = arith.cmpi eq, %arg0, %eq3A_98 : i32
    %convert_element_type3A_100 = arith.extui %eq3A_99 : i1 to i32
    %cond3A_101 = arith.constant 0 : i32
    %cond3A_102 = arith.cmpi ne, %convert_element_type3A_100, %cond3A_101 : i32
    scf.if %cond3A_102 {
      "tpu.region"() ({
        %run_scoped3A = tpu.sem_alloc : memref<!tpu.dma_semaphore, #tpu.memory_space<semaphore_mem>>
        %dma_start3A_170 = arith.constant 0 : i32
        %dma_start3A_171 = tpu.memref_slice %arg16[%mul3A_2, %dma_start3A_170] : memref<10240x16xf32, #tpu.memory_space<vmem_shared>> -> memref<640x16xf32, #tpu.memory_space<vmem_shared>>
        tpu.enqueue_dma source(%arg6 : memref<640x16xf32, #tpu.memory_space<hbm>>) target(%dma_start3A_171 : memref<640x16xf32, #tpu.memory_space<vmem_shared>>) target_semaphore(%run_scoped3A : memref<!tpu.dma_semaphore, #tpu.memory_space<semaphore_mem>>)
        %dma_wait3A_172 = arith.constant 0 : i32
        %dma_wait3A_173 = tpu.memref_slice %arg16[%mul3A_2, %dma_wait3A_172] : memref<10240x16xf32, #tpu.memory_space<vmem_shared>> -> memref<640x16xf32, #tpu.memory_space<vmem_shared>>
        tpu.wait_dma2 semaphore(%run_scoped3A : memref<!tpu.dma_semaphore, #tpu.memory_space<semaphore_mem>>) src(%arg6 : memref<640x16xf32, #tpu.memory_space<hbm>>) dst(%dma_wait3A_173 : memref<640x16xf32, #tpu.memory_space<vmem_shared>>)
        tpu.yield
      }) : () -> ()
    } else {
    }
    "tpu.region"() ({
      %run_scoped3A = tpu.sem_alloc : memref<!tpu.dma_semaphore, #tpu.memory_space<semaphore_mem>>
      %dma_start3A_170 = arith.constant 0 : i32
      %dma_start3A_171 = tpu.memref_slice %arg17[%mul3A_2, %dma_start3A_170] : memref<10240x16xf32, #tpu.memory_space<vmem_shared>> -> memref<640x16xf32, #tpu.memory_space<vmem_shared>>
      %dma_start3A_172 = arith.constant 0 : i32
      %dma_start3A_173 = tpu.memref_slice %arg17[%mul3A_2, %dma_start3A_172] : memref<10240x16xf32, #tpu.memory_space<vmem_shared>> -> memref<640x16xf32, #tpu.memory_space<vmem_shared>>
      tpu.enqueue_dma source(%arg12 : memref<640x16xf32, #tpu.memory_space<vmem>>) target(%dma_start3A_173 : memref<640x16xf32, #tpu.memory_space<vmem_shared>>) target_semaphore(%run_scoped3A : memref<!tpu.dma_semaphore, #tpu.memory_space<semaphore_mem>>)
      %dma_wait3A_174 = arith.constant 0 : i32
      %dma_wait3A_175 = tpu.memref_slice %arg17[%mul3A_2, %dma_wait3A_174] : memref<10240x16xf32, #tpu.memory_space<vmem_shared>> -> memref<640x16xf32, #tpu.memory_space<vmem_shared>>
      %dma_wait3A_176 = arith.constant 0 : i32
      %dma_wait3A_177 = tpu.memref_slice %arg17[%mul3A_2, %dma_wait3A_176] : memref<10240x16xf32, #tpu.memory_space<vmem_shared>> -> memref<640x16xf32, #tpu.memory_space<vmem_shared>>
      tpu.wait_dma2 semaphore(%run_scoped3A : memref<!tpu.dma_semaphore, #tpu.memory_space<semaphore_mem>>) src(%arg12 : memref<640x16xf32, #tpu.memory_space<vmem>>) dst(%dma_wait3A_177 : memref<640x16xf32, #tpu.memory_space<vmem_shared>>)
      tpu.yield
    }) : () -> ()
    %barrier3A = arith.constant 0 : index
    tpu.barrier barrier_id(%barrier3A)
    %dma_start3A_103 = arith.constant 0 : i32
    %dma_start3A_104 = arith.constant 0 : i32
    %dma_start3A_105 = arith.constant 0 : i32
    %dma_start3A_106 = arith.constant 0 : i32
    %dma_start3A_107 = arith.constant 0 : i32
    %dma_start3A_108 = tpu.memref_slice %arg11[%dma_start3A_104, %dma_start3A_106, %dma_start3A_107] : memref<2x1000x16xf32, #tpu.memory_space<vmem>> -> memref<1x1000x16xf32, #tpu.memory_space<vmem>>
    %dma_start3A_109 = tpu.memref_squeeze %dma_start3A_108 : memref<1x1000x16xf32, #tpu.memory_space<vmem>> -> memref<1000x16xf32, #tpu.memory_space<vmem>>
    %dma_start3A_110 = arith.constant 0 : i32
    %dma_start3A_111 = tpu.memref_slice %arg9[%dma_start3A_103, %dma_start3A_110] : memref<10x1000xi32, #tpu.memory_space<vmem>> -> memref<1x1000xi32, #tpu.memory_space<vmem>>
    %dma_start3A_112 = tpu.memref_squeeze %dma_start3A_111 : memref<1x1000xi32, #tpu.memory_space<vmem>> -> memref<1000xi32, #tpu.memory_space<vmem>>
    %dma_start3A_113 = arith.constant 0 : i32
    %dma_start3A_114 = arith.constant 0 : i32
    %dma_start3A_115 = tpu.memref_slice %arg17[%dma_start3A_113, %dma_start3A_114] : memref<10240x16xf32, #tpu.memory_space<vmem_shared>> -> memref<10240x16xf32, #tpu.memory_space<vmem_shared>>
    %dma_start3A_116 = tpu.memref_slice %arg18[%dma_start3A_105] : memref<2x!tpu.dma_semaphore, #tpu.memory_space<semaphore_mem>> -> memref<1x!tpu.dma_semaphore, #tpu.memory_space<semaphore_mem>>
    %dma_start3A_117 = tpu.memref_squeeze %dma_start3A_116 : memref<1x!tpu.dma_semaphore, #tpu.memory_space<semaphore_mem>> -> memref<!tpu.dma_semaphore, #tpu.memory_space<semaphore_mem>>
    tpu.enqueue_indirect_dma source(%dma_start3A_115 : memref<10240x16xf32, #tpu.memory_space<vmem_shared>>) target(%dma_start3A_109 : memref<1000x16xf32, #tpu.memory_space<vmem>>) offsets(%dma_start3A_112 : memref<1000xi32, #tpu.memory_space<vmem>>) semaphore(%dma_start3A_117 : memref<!tpu.dma_semaphore, #tpu.memory_space<semaphore_mem>>)
    %dma_start3A_118 = arith.constant 1 : i32
    %dma_start3A_119 = arith.constant 1 : i32
    %dma_start3A_120 = arith.constant 1 : i32
    %dma_start3A_121 = arith.constant 0 : i32
    %dma_start3A_122 = arith.constant 0 : i32
    %dma_start3A_123 = tpu.memref_slice %arg11[%dma_start3A_119, %dma_start3A_121, %dma_start3A_122] : memref<2x1000x16xf32, #tpu.memory_space<vmem>> -> memref<1x1000x16xf32, #tpu.memory_space<vmem>>
    %dma_start3A_124 = tpu.memref_squeeze %dma_start3A_123 : memref<1x1000x16xf32, #tpu.memory_space<vmem>> -> memref<1000x16xf32, #tpu.memory_space<vmem>>
    %dma_start3A_125 = arith.constant 0 : i32
    %dma_start3A_126 = tpu.memref_slice %arg9[%dma_start3A_118, %dma_start3A_125] : memref<10x1000xi32, #tpu.memory_space<vmem>> -> memref<1x1000xi32, #tpu.memory_space<vmem>>
    %dma_start3A_127 = tpu.memref_squeeze %dma_start3A_126 : memref<1x1000xi32, #tpu.memory_space<vmem>> -> memref<1000xi32, #tpu.memory_space<vmem>>
    %dma_start3A_128 = arith.constant 0 : i32
    %dma_start3A_129 = arith.constant 0 : i32
    %dma_start3A_130 = tpu.memref_slice %arg17[%dma_start3A_128, %dma_start3A_129] : memref<10240x16xf32, #tpu.memory_space<vmem_shared>> -> memref<10240x16xf32, #tpu.memory_space<vmem_shared>>
    %dma_start3A_131 = tpu.memref_slice %arg18[%dma_start3A_120] : memref<2x!tpu.dma_semaphore, #tpu.memory_space<semaphore_mem>> -> memref<1x!tpu.dma_semaphore, #tpu.memory_space<semaphore_mem>>
    %dma_start3A_132 = tpu.memref_squeeze %dma_start3A_131 : memref<1x!tpu.dma_semaphore, #tpu.memory_space<semaphore_mem>> -> memref<!tpu.dma_semaphore, #tpu.memory_space<semaphore_mem>>
    tpu.enqueue_indirect_dma source(%dma_start3A_130 : memref<10240x16xf32, #tpu.memory_space<vmem_shared>>) target(%dma_start3A_124 : memref<1000x16xf32, #tpu.memory_space<vmem>>) offsets(%dma_start3A_127 : memref<1000xi32, #tpu.memory_space<vmem>>) semaphore(%dma_start3A_132 : memref<!tpu.dma_semaphore, #tpu.memory_space<semaphore_mem>>)
    %scan3A_133 = arith.constant 0 : i32
    %scan3A_134 = arith.constant 0 : i32
    %scan3A_135 = arith.constant 5 : i32
    %scan3A_136 = arith.addi %scan3A_134, %scan3A_135 : i32
    %scan3A_137 = arith.constant 1 : i32
    scf.for %scan3A_170 = %scan3A_134 to %scan3A_136 step %scan3A_137  : i32 {
      %mul3A_171 = arith.constant 2 : i32
      %mul3A_172 = arith.muli %scan3A_170, %mul3A_171 : i32
      %add3A_173 = arith.constant 0 : i32
      %add3A_174 = arith.addi %mul3A_172, %add3A_173 : i32
      %dma_wait3A_175 = arith.constant 0 : i32
      %dma_wait3A_176 = arith.constant 0 : i32
      %dma_wait3A_177 = arith.constant 0 : i32
      %dma_wait3A_178 = arith.constant 0 : i32
      %dma_wait3A_179 = tpu.memref_slice %arg11[%dma_wait3A_175, %dma_wait3A_177, %dma_wait3A_178] : memref<2x1000x16xf32, #tpu.memory_space<vmem>> -> memref<1x1000x16xf32, #tpu.memory_space<vmem>>
      %dma_wait3A_180 = tpu.memref_squeeze %dma_wait3A_179 : memref<1x1000x16xf32, #tpu.memory_space<vmem>> -> memref<1000x16xf32, #tpu.memory_space<vmem>>
      %dma_wait3A_181 = arith.constant 0 : i32
      %dma_wait3A_182 = tpu.memref_slice %arg9[%add3A_174, %dma_wait3A_181] : memref<10x1000xi32, #tpu.memory_space<vmem>> -> memref<1x1000xi32, #tpu.memory_space<vmem>>
      %dma_wait3A_183 = tpu.memref_squeeze %dma_wait3A_182 : memref<1x1000xi32, #tpu.memory_space<vmem>> -> memref<1000xi32, #tpu.memory_space<vmem>>
      %dma_wait3A_184 = arith.constant 0 : i32
      %dma_wait3A_185 = arith.constant 0 : i32
      %dma_wait3A_186 = tpu.memref_slice %arg17[%dma_wait3A_184, %dma_wait3A_185] : memref<10240x16xf32, #tpu.memory_space<vmem_shared>> -> memref<10240x16xf32, #tpu.memory_space<vmem_shared>>
      %dma_wait3A_187 = tpu.memref_slice %arg18[%dma_wait3A_176] : memref<2x!tpu.dma_semaphore, #tpu.memory_space<semaphore_mem>> -> memref<1x!tpu.dma_semaphore, #tpu.memory_space<semaphore_mem>>
      %dma_wait3A_188 = tpu.memref_squeeze %dma_wait3A_187 : memref<1x!tpu.dma_semaphore, #tpu.memory_space<semaphore_mem>> -> memref<!tpu.dma_semaphore, #tpu.memory_space<semaphore_mem>>
      tpu.wait_indirect_dma semaphore(%dma_wait3A_188 : memref<!tpu.dma_semaphore, #tpu.memory_space<semaphore_mem>>) src(%dma_wait3A_186 : memref<10240x16xf32, #tpu.memory_space<vmem_shared>>) dst(%dma_wait3A_180 : memref<1000x16xf32, #tpu.memory_space<vmem>>)
      %dma_start3A_189 = arith.constant 0 : i32
      %dma_start3A_190 = arith.constant 0 : i32
      %dma_start3A_191 = arith.constant 0 : i32
      %dma_start3A_192 = arith.constant 0 : i32
      %dma_start3A_193 = tpu.memref_slice %arg11[%dma_start3A_189, %dma_start3A_191, %dma_start3A_192] : memref<2x1000x16xf32, #tpu.memory_space<vmem>> -> memref<1x1000x16xf32, #tpu.memory_space<vmem>>
      %dma_start3A_194 = tpu.memref_squeeze %dma_start3A_193 : memref<1x1000x16xf32, #tpu.memory_space<vmem>> -> memref<1000x16xf32, #tpu.memory_space<vmem>>
      %dma_start3A_195 = arith.constant 0 : i32
      %dma_start3A_196 = tpu.memref_slice %arg10[%add3A_174, %dma_start3A_195] : memref<10x1000xi32, #tpu.memory_space<vmem>> -> memref<1x1000xi32, #tpu.memory_space<vmem>>
      %dma_start3A_197 = tpu.memref_squeeze %dma_start3A_196 : memref<1x1000xi32, #tpu.memory_space<vmem>> -> memref<1000xi32, #tpu.memory_space<vmem>>
      %dma_start3A_198 = arith.constant 0 : i32
      %dma_start3A_199 = arith.constant 0 : i32
      %dma_start3A_200 = tpu.memref_slice %arg16[%dma_start3A_198, %dma_start3A_199] : memref<10240x16xf32, #tpu.memory_space<vmem_shared>> -> memref<10240x16xf32, #tpu.memory_space<vmem_shared>>
      %dma_start3A_201 = tpu.memref_slice %arg19[%dma_start3A_190] : memref<2x!tpu.dma_semaphore, #tpu.memory_space<semaphore_mem>> -> memref<1x!tpu.dma_semaphore, #tpu.memory_space<semaphore_mem>>
      %dma_start3A_202 = tpu.memref_squeeze %dma_start3A_201 : memref<1x!tpu.dma_semaphore, #tpu.memory_space<semaphore_mem>> -> memref<!tpu.dma_semaphore, #tpu.memory_space<semaphore_mem>>
      tpu.enqueue_indirect_dma source(%dma_start3A_194 : memref<1000x16xf32, #tpu.memory_space<vmem>>) target(%dma_start3A_200 : memref<10240x16xf32, #tpu.memory_space<vmem_shared>>) offsets(%dma_start3A_197 : memref<1000xi32, #tpu.memory_space<vmem>>) semaphore(%dma_start3A_202 : memref<!tpu.dma_semaphore, #tpu.memory_space<semaphore_mem>>) {add = true}
      %add3A_203 = arith.constant 1 : i32
      %add3A_204 = arith.addi %mul3A_172, %add3A_203 : i32
      %dma_wait3A_205 = arith.constant 1 : i32
      %dma_wait3A_206 = arith.constant 1 : i32
      %dma_wait3A_207 = arith.constant 0 : i32
      %dma_wait3A_208 = arith.constant 0 : i32
      %dma_wait3A_209 = tpu.memref_slice %arg11[%dma_wait3A_205, %dma_wait3A_207, %dma_wait3A_208] : memref<2x1000x16xf32, #tpu.memory_space<vmem>> -> memref<1x1000x16xf32, #tpu.memory_space<vmem>>
      %dma_wait3A_210 = tpu.memref_squeeze %dma_wait3A_209 : memref<1x1000x16xf32, #tpu.memory_space<vmem>> -> memref<1000x16xf32, #tpu.memory_space<vmem>>
      %dma_wait3A_211 = arith.constant 0 : i32
      %dma_wait3A_212 = tpu.memref_slice %arg9[%add3A_204, %dma_wait3A_211] : memref<10x1000xi32, #tpu.memory_space<vmem>> -> memref<1x1000xi32, #tpu.memory_space<vmem>>
      %dma_wait3A_213 = tpu.memref_squeeze %dma_wait3A_212 : memref<1x1000xi32, #tpu.memory_space<vmem>> -> memref<1000xi32, #tpu.memory_space<vmem>>
      %dma_wait3A_214 = arith.constant 0 : i32
      %dma_wait3A_215 = arith.constant 0 : i32
      %dma_wait3A_216 = tpu.memref_slice %arg17[%dma_wait3A_214, %dma_wait3A_215] : memref<10240x16xf32, #tpu.memory_space<vmem_shared>> -> memref<10240x16xf32, #tpu.memory_space<vmem_shared>>
      %dma_wait3A_217 = tpu.memref_slice %arg18[%dma_wait3A_206] : memref<2x!tpu.dma_semaphore, #tpu.memory_space<semaphore_mem>> -> memref<1x!tpu.dma_semaphore, #tpu.memory_space<semaphore_mem>>
      %dma_wait3A_218 = tpu.memref_squeeze %dma_wait3A_217 : memref<1x!tpu.dma_semaphore, #tpu.memory_space<semaphore_mem>> -> memref<!tpu.dma_semaphore, #tpu.memory_space<semaphore_mem>>
      tpu.wait_indirect_dma semaphore(%dma_wait3A_218 : memref<!tpu.dma_semaphore, #tpu.memory_space<semaphore_mem>>) src(%dma_wait3A_216 : memref<10240x16xf32, #tpu.memory_space<vmem_shared>>) dst(%dma_wait3A_210 : memref<1000x16xf32, #tpu.memory_space<vmem>>)
      %dma_start3A_219 = arith.constant 1 : i32
      %dma_start3A_220 = arith.constant 1 : i32
      %dma_start3A_221 = arith.constant 0 : i32
      %dma_start3A_222 = arith.constant 0 : i32
      %dma_start3A_223 = tpu.memref_slice %arg11[%dma_start3A_219, %dma_start3A_221, %dma_start3A_222] : memref<2x1000x16xf32, #tpu.memory_space<vmem>> -> memref<1x1000x16xf32, #tpu.memory_space<vmem>>
      %dma_start3A_224 = tpu.memref_squeeze %dma_start3A_223 : memref<1x1000x16xf32, #tpu.memory_space<vmem>> -> memref<1000x16xf32, #tpu.memory_space<vmem>>
      %dma_start3A_225 = arith.constant 0 : i32
      %dma_start3A_226 = tpu.memref_slice %arg10[%add3A_204, %dma_start3A_225] : memref<10x1000xi32, #tpu.memory_space<vmem>> -> memref<1x1000xi32, #tpu.memory_space<vmem>>
      %dma_start3A_227 = tpu.memref_squeeze %dma_start3A_226 : memref<1x1000xi32, #tpu.memory_space<vmem>> -> memref<1000xi32, #tpu.memory_space<vmem>>
      %dma_start3A_228 = arith.constant 0 : i32
      %dma_start3A_229 = arith.constant 0 : i32
      %dma_start3A_230 = tpu.memref_slice %arg16[%dma_start3A_228, %dma_start3A_229] : memref<10240x16xf32, #tpu.memory_space<vmem_shared>> -> memref<10240x16xf32, #tpu.memory_space<vmem_shared>>
      %dma_start3A_231 = tpu.memref_slice %arg19[%dma_start3A_220] : memref<2x!tpu.dma_semaphore, #tpu.memory_space<semaphore_mem>> -> memref<1x!tpu.dma_semaphore, #tpu.memory_space<semaphore_mem>>
      %dma_start3A_232 = tpu.memref_squeeze %dma_start3A_231 : memref<1x!tpu.dma_semaphore, #tpu.memory_space<semaphore_mem>> -> memref<!tpu.dma_semaphore, #tpu.memory_space<semaphore_mem>>
      tpu.enqueue_indirect_dma source(%dma_start3A_224 : memref<1000x16xf32, #tpu.memory_space<vmem>>) target(%dma_start3A_230 : memref<10240x16xf32, #tpu.memory_space<vmem_shared>>) offsets(%dma_start3A_227 : memref<1000xi32, #tpu.memory_space<vmem>>) semaphore(%dma_start3A_232 : memref<!tpu.dma_semaphore, #tpu.memory_space<semaphore_mem>>) {add = true}
      %lt3A = arith.constant 4 : i32
      %lt3A_233 = arith.cmpi slt, %scan3A_170, %lt3A : i32
      %convert_element_type3A_234 = arith.extui %lt3A_233 : i1 to i32
      %cond3A_235 = arith.constant 0 : i32
      %cond3A_236 = arith.cmpi ne, %convert_element_type3A_234, %cond3A_235 : i32
      scf.if %cond3A_236 {
        %add3A_237 = arith.constant 0 : i32
        %add3A_238 = arith.addi %mul3A_172, %add3A_237 : i32
        %dma_wait3A_239 = arith.constant 0 : i32
        %dma_wait3A_240 = arith.constant 0 : i32
        %dma_wait3A_241 = arith.constant 0 : i32
        %dma_wait3A_242 = arith.constant 0 : i32
        %dma_wait3A_243 = tpu.memref_slice %arg11[%dma_wait3A_239, %dma_wait3A_241, %dma_wait3A_242] : memref<2x1000x16xf32, #tpu.memory_space<vmem>> -> memref<1x1000x16xf32, #tpu.memory_space<vmem>>
        %dma_wait3A_244 = tpu.memref_squeeze %dma_wait3A_243 : memref<1x1000x16xf32, #tpu.memory_space<vmem>> -> memref<1000x16xf32, #tpu.memory_space<vmem>>
        %dma_wait3A_245 = arith.constant 0 : i32
        %dma_wait3A_246 = tpu.memref_slice %arg10[%add3A_238, %dma_wait3A_245] : memref<10x1000xi32, #tpu.memory_space<vmem>> -> memref<1x1000xi32, #tpu.memory_space<vmem>>
        %dma_wait3A_247 = tpu.memref_squeeze %dma_wait3A_246 : memref<1x1000xi32, #tpu.memory_space<vmem>> -> memref<1000xi32, #tpu.memory_space<vmem>>
        %dma_wait3A_248 = arith.constant 0 : i32
        %dma_wait3A_249 = arith.constant 0 : i32
        %dma_wait3A_250 = tpu.memref_slice %arg16[%dma_wait3A_248, %dma_wait3A_249] : memref<10240x16xf32, #tpu.memory_space<vmem_shared>> -> memref<10240x16xf32, #tpu.memory_space<vmem_shared>>
        %dma_wait3A_251 = tpu.memref_slice %arg19[%dma_wait3A_240] : memref<2x!tpu.dma_semaphore, #tpu.memory_space<semaphore_mem>> -> memref<1x!tpu.dma_semaphore, #tpu.memory_space<semaphore_mem>>
        %dma_wait3A_252 = tpu.memref_squeeze %dma_wait3A_251 : memref<1x!tpu.dma_semaphore, #tpu.memory_space<semaphore_mem>> -> memref<!tpu.dma_semaphore, #tpu.memory_space<semaphore_mem>>
        tpu.wait_indirect_dma semaphore(%dma_wait3A_252 : memref<!tpu.dma_semaphore, #tpu.memory_space<semaphore_mem>>) src(%dma_wait3A_244 : memref<1000x16xf32, #tpu.memory_space<vmem>>) dst(%dma_wait3A_250 : memref<10240x16xf32, #tpu.memory_space<vmem_shared>>)
        %add3A_253 = arith.constant 2 : i32
        %add3A_254 = arith.addi %add3A_238, %add3A_253 : i32
        %dma_start3A_255 = arith.constant 0 : i32
        %dma_start3A_256 = arith.constant 0 : i32
        %dma_start3A_257 = arith.constant 0 : i32
        %dma_start3A_258 = arith.constant 0 : i32
        %dma_start3A_259 = tpu.memref_slice %arg11[%dma_start3A_255, %dma_start3A_257, %dma_start3A_258] : memref<2x1000x16xf32, #tpu.memory_space<vmem>> -> memref<1x1000x16xf32, #tpu.memory_space<vmem>>
        %dma_start3A_260 = tpu.memref_squeeze %dma_start3A_259 : memref<1x1000x16xf32, #tpu.memory_space<vmem>> -> memref<1000x16xf32, #tpu.memory_space<vmem>>
        %dma_start3A_261 = arith.constant 0 : i32
        %dma_start3A_262 = tpu.memref_slice %arg9[%add3A_254, %dma_start3A_261] : memref<10x1000xi32, #tpu.memory_space<vmem>> -> memref<1x1000xi32, #tpu.memory_space<vmem>>
        %dma_start3A_263 = tpu.memref_squeeze %dma_start3A_262 : memref<1x1000xi32, #tpu.memory_space<vmem>> -> memref<1000xi32, #tpu.memory_space<vmem>>
        %dma_start3A_264 = arith.constant 0 : i32
        %dma_start3A_265 = arith.constant 0 : i32
        %dma_start3A_266 = tpu.memref_slice %arg17[%dma_start3A_264, %dma_start3A_265] : memref<10240x16xf32, #tpu.memory_space<vmem_shared>> -> memref<10240x16xf32, #tpu.memory_space<vmem_shared>>
        %dma_start3A_267 = tpu.memref_slice %arg18[%dma_start3A_256] : memref<2x!tpu.dma_semaphore, #tpu.memory_space<semaphore_mem>> -> memref<1x!tpu.dma_semaphore, #tpu.memory_space<semaphore_mem>>
        %dma_start3A_268 = tpu.memref_squeeze %dma_start3A_267 : memref<1x!tpu.dma_semaphore, #tpu.memory_space<semaphore_mem>> -> memref<!tpu.dma_semaphore, #tpu.memory_space<semaphore_mem>>
        tpu.enqueue_indirect_dma source(%dma_start3A_266 : memref<10240x16xf32, #tpu.memory_space<vmem_shared>>) target(%dma_start3A_260 : memref<1000x16xf32, #tpu.memory_space<vmem>>) offsets(%dma_start3A_263 : memref<1000xi32, #tpu.memory_space<vmem>>) semaphore(%dma_start3A_268 : memref<!tpu.dma_semaphore, #tpu.memory_space<semaphore_mem>>)
        %add3A_269 = arith.constant 1 : i32
        %add3A_270 = arith.addi %mul3A_172, %add3A_269 : i32
        %dma_wait3A_271 = arith.constant 1 : i32
        %dma_wait3A_272 = arith.constant 1 : i32
        %dma_wait3A_273 = arith.constant 0 : i32
        %dma_wait3A_274 = arith.constant 0 : i32
        %dma_wait3A_275 = tpu.memref_slice %arg11[%dma_wait3A_271, %dma_wait3A_273, %dma_wait3A_274] : memref<2x1000x16xf32, #tpu.memory_space<vmem>> -> memref<1x1000x16xf32, #tpu.memory_space<vmem>>
        %dma_wait3A_276 = tpu.memref_squeeze %dma_wait3A_275 : memref<1x1000x16xf32, #tpu.memory_space<vmem>> -> memref<1000x16xf32, #tpu.memory_space<vmem>>
        %dma_wait3A_277 = arith.constant 0 : i32
        %dma_wait3A_278 = tpu.memref_slice %arg10[%add3A_270, %dma_wait3A_277] : memref<10x1000xi32, #tpu.memory_space<vmem>> -> memref<1x1000xi32, #tpu.memory_space<vmem>>
        %dma_wait3A_279 = tpu.memref_squeeze %dma_wait3A_278 : memref<1x1000xi32, #tpu.memory_space<vmem>> -> memref<1000xi32, #tpu.memory_space<vmem>>
        %dma_wait3A_280 = arith.constant 0 : i32
        %dma_wait3A_281 = arith.constant 0 : i32
        %dma_wait3A_282 = tpu.memref_slice %arg16[%dma_wait3A_280, %dma_wait3A_281] : memref<10240x16xf32, #tpu.memory_space<vmem_shared>> -> memref<10240x16xf32, #tpu.memory_space<vmem_shared>>
        %dma_wait3A_283 = tpu.memref_slice %arg19[%dma_wait3A_272] : memref<2x!tpu.dma_semaphore, #tpu.memory_space<semaphore_mem>> -> memref<1x!tpu.dma_semaphore, #tpu.memory_space<semaphore_mem>>
        %dma_wait3A_284 = tpu.memref_squeeze %dma_wait3A_283 : memref<1x!tpu.dma_semaphore, #tpu.memory_space<semaphore_mem>> -> memref<!tpu.dma_semaphore, #tpu.memory_space<semaphore_mem>>
        tpu.wait_indirect_dma semaphore(%dma_wait3A_284 : memref<!tpu.dma_semaphore, #tpu.memory_space<semaphore_mem>>) src(%dma_wait3A_276 : memref<1000x16xf32, #tpu.memory_space<vmem>>) dst(%dma_wait3A_282 : memref<10240x16xf32, #tpu.memory_space<vmem_shared>>)
        %add3A_285 = arith.constant 2 : i32
        %add3A_286 = arith.addi %add3A_270, %add3A_285 : i32
        %dma_start3A_287 = arith.constant 1 : i32
        %dma_start3A_288 = arith.constant 1 : i32
        %dma_start3A_289 = arith.constant 0 : i32
        %dma_start3A_290 = arith.constant 0 : i32
        %dma_start3A_291 = tpu.memref_slice %arg11[%dma_start3A_287, %dma_start3A_289, %dma_start3A_290] : memref<2x1000x16xf32, #tpu.memory_space<vmem>> -> memref<1x1000x16xf32, #tpu.memory_space<vmem>>
        %dma_start3A_292 = tpu.memref_squeeze %dma_start3A_291 : memref<1x1000x16xf32, #tpu.memory_space<vmem>> -> memref<1000x16xf32, #tpu.memory_space<vmem>>
        %dma_start3A_293 = arith.constant 0 : i32
        %dma_start3A_294 = tpu.memref_slice %arg9[%add3A_286, %dma_start3A_293] : memref<10x1000xi32, #tpu.memory_space<vmem>> -> memref<1x1000xi32, #tpu.memory_space<vmem>>
        %dma_start3A_295 = tpu.memref_squeeze %dma_start3A_294 : memref<1x1000xi32, #tpu.memory_space<vmem>> -> memref<1000xi32, #tpu.memory_space<vmem>>
        %dma_start3A_296 = arith.constant 0 : i32
        %dma_start3A_297 = arith.constant 0 : i32
        %dma_start3A_298 = tpu.memref_slice %arg17[%dma_start3A_296, %dma_start3A_297] : memref<10240x16xf32, #tpu.memory_space<vmem_shared>> -> memref<10240x16xf32, #tpu.memory_space<vmem_shared>>
        %dma_start3A_299 = tpu.memref_slice %arg18[%dma_start3A_288] : memref<2x!tpu.dma_semaphore, #tpu.memory_space<semaphore_mem>> -> memref<1x!tpu.dma_semaphore, #tpu.memory_space<semaphore_mem>>
        %dma_start3A_300 = tpu.memref_squeeze %dma_start3A_299 : memref<1x!tpu.dma_semaphore, #tpu.memory_space<semaphore_mem>> -> memref<!tpu.dma_semaphore, #tpu.memory_space<semaphore_mem>>
        tpu.enqueue_indirect_dma source(%dma_start3A_298 : memref<10240x16xf32, #tpu.memory_space<vmem_shared>>) target(%dma_start3A_292 : memref<1000x16xf32, #tpu.memory_space<vmem>>) offsets(%dma_start3A_295 : memref<1000xi32, #tpu.memory_space<vmem>>) semaphore(%dma_start3A_300 : memref<!tpu.dma_semaphore, #tpu.memory_space<semaphore_mem>>)
      } else {
      }
    }
    %scan3A_138 = arith.constant 5 : i32
    %dma_wait3A_139 = arith.constant 0 : i32
    %dma_wait3A_140 = arith.constant 0 : i32
    %dma_wait3A_141 = arith.constant 0 : i32
    %dma_wait3A_142 = arith.constant 0 : i32
    %dma_wait3A_143 = arith.constant 0 : i32
    %dma_wait3A_144 = tpu.memref_slice %arg11[%dma_wait3A_139, %dma_wait3A_142, %dma_wait3A_143] : memref<2x1000x16xf32, #tpu.memory_space<vmem>> -> memref<1x1000x16xf32, #tpu.memory_space<vmem>>
    %dma_wait3A_145 = tpu.memref_squeeze %dma_wait3A_144 : memref<1x1000x16xf32, #tpu.memory_space<vmem>> -> memref<1000x16xf32, #tpu.memory_space<vmem>>
    %dma_wait3A_146 = arith.constant 0 : i32
    %dma_wait3A_147 = tpu.memref_slice %arg10[%dma_wait3A_140, %dma_wait3A_146] : memref<10x1000xi32, #tpu.memory_space<vmem>> -> memref<1x1000xi32, #tpu.memory_space<vmem>>
    %dma_wait3A_148 = tpu.memref_squeeze %dma_wait3A_147 : memref<1x1000xi32, #tpu.memory_space<vmem>> -> memref<1000xi32, #tpu.memory_space<vmem>>
    %dma_wait3A_149 = arith.constant 0 : i32
    %dma_wait3A_150 = arith.constant 0 : i32
    %dma_wait3A_151 = tpu.memref_slice %arg16[%dma_wait3A_149, %dma_wait3A_150] : memref<10240x16xf32, #tpu.memory_space<vmem_shared>> -> memref<10240x16xf32, #tpu.memory_space<vmem_shared>>
    %dma_wait3A_152 = tpu.memref_slice %arg19[%dma_wait3A_141] : memref<2x!tpu.dma_semaphore, #tpu.memory_space<semaphore_mem>> -> memref<1x!tpu.dma_semaphore, #tpu.memory_space<semaphore_mem>>
    %dma_wait3A_153 = tpu.memref_squeeze %dma_wait3A_152 : memref<1x!tpu.dma_semaphore, #tpu.memory_space<semaphore_mem>> -> memref<!tpu.dma_semaphore, #tpu.memory_space<semaphore_mem>>
    tpu.wait_indirect_dma semaphore(%dma_wait3A_153 : memref<!tpu.dma_semaphore, #tpu.memory_space<semaphore_mem>>) src(%dma_wait3A_145 : memref<1000x16xf32, #tpu.memory_space<vmem>>) dst(%dma_wait3A_151 : memref<10240x16xf32, #tpu.memory_space<vmem_shared>>)
    %dma_wait3A_154 = arith.constant 1 : i32
    %dma_wait3A_155 = arith.constant 1 : i32
    %dma_wait3A_156 = arith.constant 1 : i32
    %dma_wait3A_157 = arith.constant 0 : i32
    %dma_wait3A_158 = arith.constant 0 : i32
    %dma_wait3A_159 = tpu.memref_slice %arg11[%dma_wait3A_154, %dma_wait3A_157, %dma_wait3A_158] : memref<2x1000x16xf32, #tpu.memory_space<vmem>> -> memref<1x1000x16xf32, #tpu.memory_space<vmem>>
    %dma_wait3A_160 = tpu.memref_squeeze %dma_wait3A_159 : memref<1x1000x16xf32, #tpu.memory_space<vmem>> -> memref<1000x16xf32, #tpu.memory_space<vmem>>
    %dma_wait3A_161 = arith.constant 0 : i32
    %dma_wait3A_162 = tpu.memref_slice %arg10[%dma_wait3A_155, %dma_wait3A_161] : memref<10x1000xi32, #tpu.memory_space<vmem>> -> memref<1x1000xi32, #tpu.memory_space<vmem>>
    %dma_wait3A_163 = tpu.memref_squeeze %dma_wait3A_162 : memref<1x1000xi32, #tpu.memory_space<vmem>> -> memref<1000xi32, #tpu.memory_space<vmem>>
    %dma_wait3A_164 = arith.constant 0 : i32
    %dma_wait3A_165 = arith.constant 0 : i32
    %dma_wait3A_166 = tpu.memref_slice %arg16[%dma_wait3A_164, %dma_wait3A_165] : memref<10240x16xf32, #tpu.memory_space<vmem_shared>> -> memref<10240x16xf32, #tpu.memory_space<vmem_shared>>
    %dma_wait3A_167 = tpu.memref_slice %arg19[%dma_wait3A_156] : memref<2x!tpu.dma_semaphore, #tpu.memory_space<semaphore_mem>> -> memref<1x!tpu.dma_semaphore, #tpu.memory_space<semaphore_mem>>
    %dma_wait3A_168 = tpu.memref_squeeze %dma_wait3A_167 : memref<1x!tpu.dma_semaphore, #tpu.memory_space<semaphore_mem>> -> memref<!tpu.dma_semaphore, #tpu.memory_space<semaphore_mem>>
    tpu.wait_indirect_dma semaphore(%dma_wait3A_168 : memref<!tpu.dma_semaphore, #tpu.memory_space<semaphore_mem>>) src(%dma_wait3A_160 : memref<1000x16xf32, #tpu.memory_space<vmem>>) dst(%dma_wait3A_166 : memref<10240x16xf32, #tpu.memory_space<vmem_shared>>)
    %barrier3A_169 = arith.constant 0 : index
    tpu.barrier barrier_id(%barrier3A_169)
    "tpu.region"() ({
      %run_scoped3A = tpu.sem_alloc : memref<!tpu.dma_semaphore, #tpu.memory_space<semaphore_mem>>
      %dma_start3A_170 = arith.constant 0 : i32
      %dma_start3A_171 = tpu.memref_slice %arg7[%arg0, %mul3A_2, %dma_start3A_170] : memref<2x10240x16xf32, #tpu.memory_space<hbm>> -> memref<1x640x16xf32, #tpu.memory_space<hbm>>
      %dma_start3A_172 = tpu.memref_squeeze %dma_start3A_171 : memref<1x640x16xf32, #tpu.memory_space<hbm>> -> memref<640x16xf32, #tpu.memory_space<hbm>>
      %dma_start3A_173 = arith.constant 0 : i32
      %dma_start3A_174 = tpu.memref_slice %arg16[%mul3A_2, %dma_start3A_173] : memref<10240x16xf32, #tpu.memory_space<vmem_shared>> -> memref<640x16xf32, #tpu.memory_space<vmem_shared>>
      tpu.enqueue_dma source(%dma_start3A_174 : memref<640x16xf32, #tpu.memory_space<vmem_shared>>) target(%dma_start3A_172 : memref<640x16xf32, #tpu.memory_space<hbm>>) target_semaphore(%run_scoped3A : memref<!tpu.dma_semaphore, #tpu.memory_space<semaphore_mem>>)
      %dma_wait3A_175 = arith.constant 0 : i32
      %dma_wait3A_176 = tpu.memref_slice %arg7[%arg0, %mul3A_2, %dma_wait3A_175] : memref<2x10240x16xf32, #tpu.memory_space<hbm>> -> memref<1x640x16xf32, #tpu.memory_space<hbm>>
      %dma_wait3A_177 = tpu.memref_squeeze %dma_wait3A_176 : memref<1x640x16xf32, #tpu.memory_space<hbm>> -> memref<640x16xf32, #tpu.memory_space<hbm>>
      %dma_wait3A_178 = arith.constant 0 : i32
      %dma_wait3A_179 = tpu.memref_slice %arg16[%mul3A_2, %dma_wait3A_178] : memref<10240x16xf32, #tpu.memory_space<vmem_shared>> -> memref<640x16xf32, #tpu.memory_space<vmem_shared>>
      tpu.wait_dma2 semaphore(%run_scoped3A : memref<!tpu.dma_semaphore, #tpu.memory_space<semaphore_mem>>) src(%dma_wait3A_179 : memref<640x16xf32, #tpu.memory_space<vmem_shared>>) dst(%dma_wait3A_177 : memref<640x16xf32, #tpu.memory_space<hbm>>)
      tpu.yield
    }) : () -> ()
    return
  }
}

#map = affine_map<(d0, d1) -> (0, 0, 0)>
#map1 = affine_map<(d0, d1) -> (0)>
#map2 = affine_map<(d0, d1) -> (0, 0)>
module attributes {stable_mosaic.version = 14 : i64} {
  func.func @_deg_kernel(%arg0: i32, %arg1: i32, %arg2: memref<32x10x1000xi32, #tpu.memory_space<hbm>>, %arg3: memref<1000xf32, #tpu.memory_space<hbm>>, %arg4: memref<640xf32, #tpu.memory_space<hbm>>, %arg5: memref<640xf32, #tpu.memory_space<hbm>>, %arg6: memref<2x10240xf32, #tpu.memory_space<hbm>>, %arg7: memref<10x1000xi32, #tpu.memory_space<vmem>>, %arg8: memref<1000xf32, #tpu.memory_space<vmem>>, %arg9: memref<10240xf32, #tpu.memory_space<vmem_shared>>, %arg10: memref<!tpu.dma_semaphore, #tpu.memory_space<semaphore_mem>>) attributes {dimension_semantics = [#tpu.dimension_semantics<core_parallel>, #tpu.dimension_semantics<subcore_parallel>], iteration_bounds = array<i64: 2, 16>, scalar_prefetch = 0 : i64, scratch_operands = 4 : i64, tpu.core_type = #tpu.core_type<sc_vector_subcore>, window_params = [{transform_indices = #map}, {transform_indices = #map1}, {transform_indices = #map1}, {transform_indices = #map1}, {transform_indices = #map2}]} {
    %mul3A = arith.constant 16 : i32
    %mul3A_0 = arith.muli %arg0, %mul3A : i32
    %add3A = arith.addi %mul3A_0, %arg1 : i32
    "tpu.region"() ({
      %run_scoped3A = tpu.sem_alloc : memref<!tpu.dma_semaphore, #tpu.memory_space<semaphore_mem>>
      %dma_start3A = arith.constant 0 : i32
      %dma_start3A_77 = arith.constant 0 : i32
      %dma_start3A_78 = tpu.memref_slice %arg2[%add3A, %dma_start3A, %dma_start3A_77] : memref<32x10x1000xi32, #tpu.memory_space<hbm>> -> memref<1x10x1000xi32, #tpu.memory_space<hbm>>
      %dma_start3A_79 = tpu.memref_squeeze %dma_start3A_78 : memref<1x10x1000xi32, #tpu.memory_space<hbm>> -> memref<10x1000xi32, #tpu.memory_space<hbm>>
      %dma_start3A_80 = arith.constant 0 : i32
      %dma_start3A_81 = arith.constant 0 : i32
      %dma_start3A_82 = tpu.memref_slice %arg2[%add3A, %dma_start3A_80, %dma_start3A_81] : memref<32x10x1000xi32, #tpu.memory_space<hbm>> -> memref<1x10x1000xi32, #tpu.memory_space<hbm>>
      %dma_start3A_83 = tpu.memref_squeeze %dma_start3A_82 : memref<1x10x1000xi32, #tpu.memory_space<hbm>> -> memref<10x1000xi32, #tpu.memory_space<hbm>>
      tpu.enqueue_dma source(%dma_start3A_83 : memref<10x1000xi32, #tpu.memory_space<hbm>>) target(%arg7 : memref<10x1000xi32, #tpu.memory_space<vmem>>) target_semaphore(%run_scoped3A : memref<!tpu.dma_semaphore, #tpu.memory_space<semaphore_mem>>)
      %dma_wait3A_84 = arith.constant 0 : i32
      %dma_wait3A_85 = arith.constant 0 : i32
      %dma_wait3A_86 = tpu.memref_slice %arg2[%add3A, %dma_wait3A_84, %dma_wait3A_85] : memref<32x10x1000xi32, #tpu.memory_space<hbm>> -> memref<1x10x1000xi32, #tpu.memory_space<hbm>>
      %dma_wait3A_87 = tpu.memref_squeeze %dma_wait3A_86 : memref<1x10x1000xi32, #tpu.memory_space<hbm>> -> memref<10x1000xi32, #tpu.memory_space<hbm>>
      %dma_wait3A_88 = arith.constant 0 : i32
      %dma_wait3A_89 = arith.constant 0 : i32
      %dma_wait3A_90 = tpu.memref_slice %arg2[%add3A, %dma_wait3A_88, %dma_wait3A_89] : memref<32x10x1000xi32, #tpu.memory_space<hbm>> -> memref<1x10x1000xi32, #tpu.memory_space<hbm>>
      %dma_wait3A_91 = tpu.memref_squeeze %dma_wait3A_90 : memref<1x10x1000xi32, #tpu.memory_space<hbm>> -> memref<10x1000xi32, #tpu.memory_space<hbm>>
      tpu.wait_dma2 semaphore(%run_scoped3A : memref<!tpu.dma_semaphore, #tpu.memory_space<semaphore_mem>>) src(%dma_wait3A_91 : memref<10x1000xi32, #tpu.memory_space<hbm>>) dst(%arg7 : memref<10x1000xi32, #tpu.memory_space<vmem>>)
      tpu.yield
    }) : () -> ()
    "tpu.region"() ({
      %run_scoped3A = tpu.sem_alloc : memref<!tpu.dma_semaphore, #tpu.memory_space<semaphore_mem>>
      tpu.enqueue_dma source(%arg3 : memref<1000xf32, #tpu.memory_space<hbm>>) target(%arg8 : memref<1000xf32, #tpu.memory_space<vmem>>) target_semaphore(%run_scoped3A : memref<!tpu.dma_semaphore, #tpu.memory_space<semaphore_mem>>)
      tpu.wait_dma2 semaphore(%run_scoped3A : memref<!tpu.dma_semaphore, #tpu.memory_space<semaphore_mem>>) src(%arg3 : memref<1000xf32, #tpu.memory_space<hbm>>) dst(%arg8 : memref<1000xf32, #tpu.memory_space<vmem>>)
      tpu.yield
    }) : () -> ()
    %eq3A = arith.constant 0 : i32
    %eq3A_1 = arith.cmpi eq, %arg0, %eq3A : i32
    %convert_element_type3A = arith.extui %eq3A_1 : i1 to i32
    %cond3A = arith.constant 0 : i32
    %cond3A_2 = arith.cmpi ne, %convert_element_type3A, %cond3A : i32
    scf.if %cond3A_2 {
      %mul3A_77 = arith.constant 640 : i32
      %mul3A_78 = arith.muli %arg1, %mul3A_77 : i32
      "tpu.region"() ({
        %run_scoped3A = tpu.sem_alloc : memref<!tpu.dma_semaphore, #tpu.memory_space<semaphore_mem>>
        %dma_start3A = tpu.memref_slice %arg9[%mul3A_78] : memref<10240xf32, #tpu.memory_space<vmem_shared>> -> memref<640xf32, #tpu.memory_space<vmem_shared>>
        tpu.enqueue_dma source(%arg4 : memref<640xf32, #tpu.memory_space<hbm>>) target(%dma_start3A : memref<640xf32, #tpu.memory_space<vmem_shared>>) target_semaphore(%run_scoped3A : memref<!tpu.dma_semaphore, #tpu.memory_space<semaphore_mem>>)
        %dma_wait3A_79 = tpu.memref_slice %arg9[%mul3A_78] : memref<10240xf32, #tpu.memory_space<vmem_shared>> -> memref<640xf32, #tpu.memory_space<vmem_shared>>
        tpu.wait_dma2 semaphore(%run_scoped3A : memref<!tpu.dma_semaphore, #tpu.memory_space<semaphore_mem>>) src(%arg4 : memref<640xf32, #tpu.memory_space<hbm>>) dst(%dma_wait3A_79 : memref<640xf32, #tpu.memory_space<vmem_shared>>)
        tpu.yield
      }) : () -> ()
    } else {
    }
    %eq3A_3 = arith.constant 1 : i32
    %eq3A_4 = arith.cmpi eq, %arg0, %eq3A_3 : i32
    %convert_element_type3A_5 = arith.extui %eq3A_4 : i1 to i32
    %cond3A_6 = arith.constant 0 : i32
    %cond3A_7 = arith.cmpi ne, %convert_element_type3A_5, %cond3A_6 : i32
    scf.if %cond3A_7 {
      %mul3A_77 = arith.constant 640 : i32
      %mul3A_78 = arith.muli %arg1, %mul3A_77 : i32
      "tpu.region"() ({
        %run_scoped3A = tpu.sem_alloc : memref<!tpu.dma_semaphore, #tpu.memory_space<semaphore_mem>>
        %dma_start3A = tpu.memref_slice %arg9[%mul3A_78] : memref<10240xf32, #tpu.memory_space<vmem_shared>> -> memref<640xf32, #tpu.memory_space<vmem_shared>>
        tpu.enqueue_dma source(%arg5 : memref<640xf32, #tpu.memory_space<hbm>>) target(%dma_start3A : memref<640xf32, #tpu.memory_space<vmem_shared>>) target_semaphore(%run_scoped3A : memref<!tpu.dma_semaphore, #tpu.memory_space<semaphore_mem>>)
        %dma_wait3A_79 = tpu.memref_slice %arg9[%mul3A_78] : memref<10240xf32, #tpu.memory_space<vmem_shared>> -> memref<640xf32, #tpu.memory_space<vmem_shared>>
        tpu.wait_dma2 semaphore(%run_scoped3A : memref<!tpu.dma_semaphore, #tpu.memory_space<semaphore_mem>>) src(%arg5 : memref<640xf32, #tpu.memory_space<hbm>>) dst(%dma_wait3A_79 : memref<640xf32, #tpu.memory_space<vmem_shared>>)
        tpu.yield
      }) : () -> ()
    } else {
    }
    %barrier3A = arith.constant 0 : index
    tpu.barrier barrier_id(%barrier3A)
    %scan3A = arith.constant 0 : i32
    %scan3A_8 = arith.constant 0 : i32
    %scan3A_9 = arith.constant 10 : i32
    %scan3A_10 = arith.addi %scan3A_8, %scan3A_9 : i32
    %scan3A_11 = arith.constant 1 : i32
    scf.for %scan3A_77 = %scan3A_8 to %scan3A_10 step %scan3A_11  : i32 {
      %dma_start3A = arith.constant 0 : i32
      %dma_start3A_78 = tpu.memref_slice %arg7[%scan3A_77, %dma_start3A] : memref<10x1000xi32, #tpu.memory_space<vmem>> -> memref<1x1000xi32, #tpu.memory_space<vmem>>
      %dma_start3A_79 = tpu.memref_squeeze %dma_start3A_78 : memref<1x1000xi32, #tpu.memory_space<vmem>> -> memref<1000xi32, #tpu.memory_space<vmem>>
      %dma_start3A_80 = arith.constant 0 : i32
      %dma_start3A_81 = tpu.memref_slice %arg9[%dma_start3A_80] : memref<10240xf32, #tpu.memory_space<vmem_shared>> -> memref<10240xf32, #tpu.memory_space<vmem_shared>>
      tpu.enqueue_indirect_dma source(%arg8 : memref<1000xf32, #tpu.memory_space<vmem>>) target(%dma_start3A_81 : memref<10240xf32, #tpu.memory_space<vmem_shared>>) offsets(%dma_start3A_79 : memref<1000xi32, #tpu.memory_space<vmem>>) semaphore(%arg10 : memref<!tpu.dma_semaphore, #tpu.memory_space<semaphore_mem>>) {add = true}
      %ge3A = arith.constant 10 : i32
      %ge3A_82 = arith.cmpi sge, %scan3A_77, %ge3A : i32
      %convert_element_type3A_83 = arith.extui %ge3A_82 : i1 to i32
      %cond3A_84 = arith.constant 0 : i32
      %cond3A_85 = arith.cmpi ne, %convert_element_type3A_83, %cond3A_84 : i32
      scf.if %cond3A_85 {
        %dma_wait3A_86 = arith.constant 0 : i32
        %dma_wait3A_87 = tpu.memref_slice %arg7[%scan3A_77, %dma_wait3A_86] : memref<10x1000xi32, #tpu.memory_space<vmem>> -> memref<1x1000xi32, #tpu.memory_space<vmem>>
        %dma_wait3A_88 = tpu.memref_squeeze %dma_wait3A_87 : memref<1x1000xi32, #tpu.memory_space<vmem>> -> memref<1000xi32, #tpu.memory_space<vmem>>
        %dma_wait3A_89 = arith.constant 0 : i32
        %dma_wait3A_90 = tpu.memref_slice %arg9[%dma_wait3A_89] : memref<10240xf32, #tpu.memory_space<vmem_shared>> -> memref<10240xf32, #tpu.memory_space<vmem_shared>>
        tpu.wait_indirect_dma semaphore(%arg10 : memref<!tpu.dma_semaphore, #tpu.memory_space<semaphore_mem>>) src(%arg8 : memref<1000xf32, #tpu.memory_space<vmem>>) dst(%dma_wait3A_90 : memref<10240xf32, #tpu.memory_space<vmem_shared>>)
      } else {
      }
    }
    %scan3A_12 = arith.constant 10 : i32
    %dma_wait3A = arith.constant 0 : i32
    %dma_wait3A_13 = arith.constant 0 : i32
    %dma_wait3A_14 = tpu.memref_slice %arg7[%dma_wait3A, %dma_wait3A_13] : memref<10x1000xi32, #tpu.memory_space<vmem>> -> memref<1x1000xi32, #tpu.memory_space<vmem>>
    %dma_wait3A_15 = tpu.memref_squeeze %dma_wait3A_14 : memref<1x1000xi32, #tpu.memory_space<vmem>> -> memref<1000xi32, #tpu.memory_space<vmem>>
    %dma_wait3A_16 = arith.constant 0 : i32
    %dma_wait3A_17 = tpu.memref_slice %arg9[%dma_wait3A_16] : memref<10240xf32, #tpu.memory_space<vmem_shared>> -> memref<10240xf32, #tpu.memory_space<vmem_shared>>
    tpu.wait_indirect_dma semaphore(%arg10 : memref<!tpu.dma_semaphore, #tpu.memory_space<semaphore_mem>>) src(%arg8 : memref<1000xf32, #tpu.memory_space<vmem>>) dst(%dma_wait3A_17 : memref<10240xf32, #tpu.memory_space<vmem_shared>>)
    %dma_wait3A_18 = arith.constant 0 : i32
    %dma_wait3A_19 = arith.constant 0 : i32
    %dma_wait3A_20 = tpu.memref_slice %arg7[%dma_wait3A_18, %dma_wait3A_19] : memref<10x1000xi32, #tpu.memory_space<vmem>> -> memref<1x1000xi32, #tpu.memory_space<vmem>>
    %dma_wait3A_21 = tpu.memref_squeeze %dma_wait3A_20 : memref<1x1000xi32, #tpu.memory_space<vmem>> -> memref<1000xi32, #tpu.memory_space<vmem>>
    %dma_wait3A_22 = arith.constant 0 : i32
    %dma_wait3A_23 = tpu.memref_slice %arg9[%dma_wait3A_22] : memref<10240xf32, #tpu.memory_space<vmem_shared>> -> memref<10240xf32, #tpu.memory_space<vmem_shared>>
    tpu.wait_indirect_dma semaphore(%arg10 : memref<!tpu.dma_semaphore, #tpu.memory_space<semaphore_mem>>) src(%arg8 : memref<1000xf32, #tpu.memory_space<vmem>>) dst(%dma_wait3A_23 : memref<10240xf32, #tpu.memory_space<vmem_shared>>)
    %dma_wait3A_24 = arith.constant 0 : i32
    %dma_wait3A_25 = arith.constant 0 : i32
    %dma_wait3A_26 = tpu.memref_slice %arg7[%dma_wait3A_24, %dma_wait3A_25] : memref<10x1000xi32, #tpu.memory_space<vmem>> -> memref<1x1000xi32, #tpu.memory_space<vmem>>
    %dma_wait3A_27 = tpu.memref_squeeze %dma_wait3A_26 : memref<1x1000xi32, #tpu.memory_space<vmem>> -> memref<1000xi32, #tpu.memory_space<vmem>>
    %dma_wait3A_28 = arith.constant 0 : i32
    %dma_wait3A_29 = tpu.memref_slice %arg9[%dma_wait3A_28] : memref<10240xf32, #tpu.memory_space<vmem_shared>> -> memref<10240xf32, #tpu.memory_space<vmem_shared>>
    tpu.wait_indirect_dma semaphore(%arg10 : memref<!tpu.dma_semaphore, #tpu.memory_space<semaphore_mem>>) src(%arg8 : memref<1000xf32, #tpu.memory_space<vmem>>) dst(%dma_wait3A_29 : memref<10240xf32, #tpu.memory_space<vmem_shared>>)
    %dma_wait3A_30 = arith.constant 0 : i32
    %dma_wait3A_31 = arith.constant 0 : i32
    %dma_wait3A_32 = tpu.memref_slice %arg7[%dma_wait3A_30, %dma_wait3A_31] : memref<10x1000xi32, #tpu.memory_space<vmem>> -> memref<1x1000xi32, #tpu.memory_space<vmem>>
    %dma_wait3A_33 = tpu.memref_squeeze %dma_wait3A_32 : memref<1x1000xi32, #tpu.memory_space<vmem>> -> memref<1000xi32, #tpu.memory_space<vmem>>
    %dma_wait3A_34 = arith.constant 0 : i32
    %dma_wait3A_35 = tpu.memref_slice %arg9[%dma_wait3A_34] : memref<10240xf32, #tpu.memory_space<vmem_shared>> -> memref<10240xf32, #tpu.memory_space<vmem_shared>>
    tpu.wait_indirect_dma semaphore(%arg10 : memref<!tpu.dma_semaphore, #tpu.memory_space<semaphore_mem>>) src(%arg8 : memref<1000xf32, #tpu.memory_space<vmem>>) dst(%dma_wait3A_35 : memref<10240xf32, #tpu.memory_space<vmem_shared>>)
    %dma_wait3A_36 = arith.constant 0 : i32
    %dma_wait3A_37 = arith.constant 0 : i32
    %dma_wait3A_38 = tpu.memref_slice %arg7[%dma_wait3A_36, %dma_wait3A_37] : memref<10x1000xi32, #tpu.memory_space<vmem>> -> memref<1x1000xi32, #tpu.memory_space<vmem>>
    %dma_wait3A_39 = tpu.memref_squeeze %dma_wait3A_38 : memref<1x1000xi32, #tpu.memory_space<vmem>> -> memref<1000xi32, #tpu.memory_space<vmem>>
    %dma_wait3A_40 = arith.constant 0 : i32
    %dma_wait3A_41 = tpu.memref_slice %arg9[%dma_wait3A_40] : memref<10240xf32, #tpu.memory_space<vmem_shared>> -> memref<10240xf32, #tpu.memory_space<vmem_shared>>
    tpu.wait_indirect_dma semaphore(%arg10 : memref<!tpu.dma_semaphore, #tpu.memory_space<semaphore_mem>>) src(%arg8 : memref<1000xf32, #tpu.memory_space<vmem>>) dst(%dma_wait3A_41 : memref<10240xf32, #tpu.memory_space<vmem_shared>>)
    %dma_wait3A_42 = arith.constant 0 : i32
    %dma_wait3A_43 = arith.constant 0 : i32
    %dma_wait3A_44 = tpu.memref_slice %arg7[%dma_wait3A_42, %dma_wait3A_43] : memref<10x1000xi32, #tpu.memory_space<vmem>> -> memref<1x1000xi32, #tpu.memory_space<vmem>>
    %dma_wait3A_45 = tpu.memref_squeeze %dma_wait3A_44 : memref<1x1000xi32, #tpu.memory_space<vmem>> -> memref<1000xi32, #tpu.memory_space<vmem>>
    %dma_wait3A_46 = arith.constant 0 : i32
    %dma_wait3A_47 = tpu.memref_slice %arg9[%dma_wait3A_46] : memref<10240xf32, #tpu.memory_space<vmem_shared>> -> memref<10240xf32, #tpu.memory_space<vmem_shared>>
    tpu.wait_indirect_dma semaphore(%arg10 : memref<!tpu.dma_semaphore, #tpu.memory_space<semaphore_mem>>) src(%arg8 : memref<1000xf32, #tpu.memory_space<vmem>>) dst(%dma_wait3A_47 : memref<10240xf32, #tpu.memory_space<vmem_shared>>)
    %dma_wait3A_48 = arith.constant 0 : i32
    %dma_wait3A_49 = arith.constant 0 : i32
    %dma_wait3A_50 = tpu.memref_slice %arg7[%dma_wait3A_48, %dma_wait3A_49] : memref<10x1000xi32, #tpu.memory_space<vmem>> -> memref<1x1000xi32, #tpu.memory_space<vmem>>
    %dma_wait3A_51 = tpu.memref_squeeze %dma_wait3A_50 : memref<1x1000xi32, #tpu.memory_space<vmem>> -> memref<1000xi32, #tpu.memory_space<vmem>>
    %dma_wait3A_52 = arith.constant 0 : i32
    %dma_wait3A_53 = tpu.memref_slice %arg9[%dma_wait3A_52] : memref<10240xf32, #tpu.memory_space<vmem_shared>> -> memref<10240xf32, #tpu.memory_space<vmem_shared>>
    tpu.wait_indirect_dma semaphore(%arg10 : memref<!tpu.dma_semaphore, #tpu.memory_space<semaphore_mem>>) src(%arg8 : memref<1000xf32, #tpu.memory_space<vmem>>) dst(%dma_wait3A_53 : memref<10240xf32, #tpu.memory_space<vmem_shared>>)
    %dma_wait3A_54 = arith.constant 0 : i32
    %dma_wait3A_55 = arith.constant 0 : i32
    %dma_wait3A_56 = tpu.memref_slice %arg7[%dma_wait3A_54, %dma_wait3A_55] : memref<10x1000xi32, #tpu.memory_space<vmem>> -> memref<1x1000xi32, #tpu.memory_space<vmem>>
    %dma_wait3A_57 = tpu.memref_squeeze %dma_wait3A_56 : memref<1x1000xi32, #tpu.memory_space<vmem>> -> memref<1000xi32, #tpu.memory_space<vmem>>
    %dma_wait3A_58 = arith.constant 0 : i32
    %dma_wait3A_59 = tpu.memref_slice %arg9[%dma_wait3A_58] : memref<10240xf32, #tpu.memory_space<vmem_shared>> -> memref<10240xf32, #tpu.memory_space<vmem_shared>>
    tpu.wait_indirect_dma semaphore(%arg10 : memref<!tpu.dma_semaphore, #tpu.memory_space<semaphore_mem>>) src(%arg8 : memref<1000xf32, #tpu.memory_space<vmem>>) dst(%dma_wait3A_59 : memref<10240xf32, #tpu.memory_space<vmem_shared>>)
    %dma_wait3A_60 = arith.constant 0 : i32
    %dma_wait3A_61 = arith.constant 0 : i32
    %dma_wait3A_62 = tpu.memref_slice %arg7[%dma_wait3A_60, %dma_wait3A_61] : memref<10x1000xi32, #tpu.memory_space<vmem>> -> memref<1x1000xi32, #tpu.memory_space<vmem>>
    %dma_wait3A_63 = tpu.memref_squeeze %dma_wait3A_62 : memref<1x1000xi32, #tpu.memory_space<vmem>> -> memref<1000xi32, #tpu.memory_space<vmem>>
    %dma_wait3A_64 = arith.constant 0 : i32
    %dma_wait3A_65 = tpu.memref_slice %arg9[%dma_wait3A_64] : memref<10240xf32, #tpu.memory_space<vmem_shared>> -> memref<10240xf32, #tpu.memory_space<vmem_shared>>
    tpu.wait_indirect_dma semaphore(%arg10 : memref<!tpu.dma_semaphore, #tpu.memory_space<semaphore_mem>>) src(%arg8 : memref<1000xf32, #tpu.memory_space<vmem>>) dst(%dma_wait3A_65 : memref<10240xf32, #tpu.memory_space<vmem_shared>>)
    %dma_wait3A_66 = arith.constant 0 : i32
    %dma_wait3A_67 = arith.constant 0 : i32
    %dma_wait3A_68 = tpu.memref_slice %arg7[%dma_wait3A_66, %dma_wait3A_67] : memref<10x1000xi32, #tpu.memory_space<vmem>> -> memref<1x1000xi32, #tpu.memory_space<vmem>>
    %dma_wait3A_69 = tpu.memref_squeeze %dma_wait3A_68 : memref<1x1000xi32, #tpu.memory_space<vmem>> -> memref<1000xi32, #tpu.memory_space<vmem>>
    %dma_wait3A_70 = arith.constant 0 : i32
    %dma_wait3A_71 = tpu.memref_slice %arg9[%dma_wait3A_70] : memref<10240xf32, #tpu.memory_space<vmem_shared>> -> memref<10240xf32, #tpu.memory_space<vmem_shared>>
    tpu.wait_indirect_dma semaphore(%arg10 : memref<!tpu.dma_semaphore, #tpu.memory_space<semaphore_mem>>) src(%arg8 : memref<1000xf32, #tpu.memory_space<vmem>>) dst(%dma_wait3A_71 : memref<10240xf32, #tpu.memory_space<vmem_shared>>)
    %barrier3A_72 = arith.constant 0 : index
    tpu.barrier barrier_id(%barrier3A_72)
    %mul3A_73 = arith.constant 640 : i32
    %mul3A_74 = arith.muli %arg1, %mul3A_73 : i32
    %mul3A_75 = arith.constant 640 : i32
    %mul3A_76 = arith.muli %arg1, %mul3A_75 : i32
    "tpu.region"() ({
      %run_scoped3A = tpu.sem_alloc : memref<!tpu.dma_semaphore, #tpu.memory_space<semaphore_mem>>
      %dma_start3A = tpu.memref_slice %arg6[%arg0, %mul3A_76] : memref<2x10240xf32, #tpu.memory_space<hbm>> -> memref<1x640xf32, #tpu.memory_space<hbm>>
      %dma_start3A_77 = tpu.memref_squeeze %dma_start3A : memref<1x640xf32, #tpu.memory_space<hbm>> -> memref<640xf32, #tpu.memory_space<hbm>>
      %dma_start3A_78 = tpu.memref_slice %arg9[%mul3A_74] : memref<10240xf32, #tpu.memory_space<vmem_shared>> -> memref<640xf32, #tpu.memory_space<vmem_shared>>
      tpu.enqueue_dma source(%dma_start3A_78 : memref<640xf32, #tpu.memory_space<vmem_shared>>) target(%dma_start3A_77 : memref<640xf32, #tpu.memory_space<hbm>>) target_semaphore(%run_scoped3A : memref<!tpu.dma_semaphore, #tpu.memory_space<semaphore_mem>>)
      %dma_wait3A_79 = tpu.memref_slice %arg6[%arg0, %mul3A_76] : memref<2x10240xf32, #tpu.memory_space<hbm>> -> memref<1x640xf32, #tpu.memory_space<hbm>>
      %dma_wait3A_80 = tpu.memref_squeeze %dma_wait3A_79 : memref<1x640xf32, #tpu.memory_space<hbm>> -> memref<640xf32, #tpu.memory_space<hbm>>
      %dma_wait3A_81 = tpu.memref_slice %arg9[%mul3A_74] : memref<10240xf32, #tpu.memory_space<vmem_shared>> -> memref<640xf32, #tpu.memory_space<vmem_shared>>
      tpu.wait_dma2 semaphore(%run_scoped3A : memref<!tpu.dma_semaphore, #tpu.memory_space<semaphore_mem>>) src(%dma_wait3A_81 : memref<640xf32, #tpu.memory_space<vmem_shared>>) dst(%dma_wait3A_80 : memref<640xf32, #tpu.memory_space<hbm>>)
      tpu.yield
    }) : () -> ()
    return
  }
}

#map = affine_map<(d0, d1) -> (0, 0, 0)>
#map1 = affine_map<(d0, d1) -> (0)>
#map2 = affine_map<(d0, d1) -> (0, 0)>
module attributes {stable_mosaic.version = 14 : i64} {
  func.func @_agg2_kernel(%arg0: i32, %arg1: i32, %arg2: memref<2x10240x16xf32, #tpu.memory_space<hbm>>, %arg3: memref<10240xf32, #tpu.memory_space<hbm>>, %arg4: memref<16xf32, #tpu.memory_space<hbm>>, %arg5: memref<32x10x1000xi32, #tpu.memory_space<hbm>>, %arg6: memref<32x10x1000xi32, #tpu.memory_space<hbm>>, %arg7: memref<640x16xf32, #tpu.memory_space<hbm>>, %arg8: memref<2x10240x16xf32, #tpu.memory_space<hbm>>, %arg9: memref<10x1000xi32, #tpu.memory_space<vmem>>, %arg10: memref<10x1000xi32, #tpu.memory_space<vmem>>, %arg11: memref<2x1000x16xf32, #tpu.memory_space<vmem>>, %arg12: memref<640x16xf32, #tpu.memory_space<vmem>>, %arg13: memref<640x16xf32, #tpu.memory_space<vmem>>, %arg14: memref<640xf32, #tpu.memory_space<vmem>>, %arg15: memref<16xf32, #tpu.memory_space<vmem>>, %arg16: memref<10240x16xf32, #tpu.memory_space<vmem_shared>>, %arg17: memref<10240x16xf32, #tpu.memory_space<vmem_shared>>, %arg18: memref<2x!tpu.dma_semaphore, #tpu.memory_space<semaphore_mem>>, %arg19: memref<2x!tpu.dma_semaphore, #tpu.memory_space<semaphore_mem>>) attributes {dimension_semantics = [#tpu.dimension_semantics<core_parallel>, #tpu.dimension_semantics<subcore_parallel>], iteration_bounds = array<i64: 2, 16>, scalar_prefetch = 0 : i64, scratch_operands = 11 : i64, tpu.core_type = #tpu.core_type<sc_vector_subcore>, window_params = [{transform_indices = #map}, {transform_indices = #map1}, {transform_indices = #map1}, {transform_indices = #map}, {transform_indices = #map}, {transform_indices = #map2}, {transform_indices = #map}]} {
    %mul3A = arith.constant 16 : i32
    %mul3A_0 = arith.muli %arg0, %mul3A : i32
    %add3A = arith.addi %mul3A_0, %arg1 : i32
    %mul3A_1 = arith.constant 640 : i32
    %mul3A_2 = arith.muli %arg1, %mul3A_1 : i32
    %dma_start3A = arith.constant 0 : i32
    %dma_start3A_3 = arith.constant 0 : i32
    %dma_start3A_4 = arith.constant 0 : i32
    %dma_start3A_5 = tpu.memref_slice %arg5[%add3A, %dma_start3A_3, %dma_start3A_4] : memref<32x10x1000xi32, #tpu.memory_space<hbm>> -> memref<1x10x1000xi32, #tpu.memory_space<hbm>>
    %dma_start3A_6 = tpu.memref_squeeze %dma_start3A_5 : memref<1x10x1000xi32, #tpu.memory_space<hbm>> -> memref<10x1000xi32, #tpu.memory_space<hbm>>
    %dma_start3A_7 = tpu.memref_slice %arg18[%dma_start3A] : memref<2x!tpu.dma_semaphore, #tpu.memory_space<semaphore_mem>> -> memref<1x!tpu.dma_semaphore, #tpu.memory_space<semaphore_mem>>
    %dma_start3A_8 = tpu.memref_squeeze %dma_start3A_7 : memref<1x!tpu.dma_semaphore, #tpu.memory_space<semaphore_mem>> -> memref<!tpu.dma_semaphore, #tpu.memory_space<semaphore_mem>>
    %dma_start3A_9 = arith.constant 0 : i32
    %dma_start3A_10 = arith.constant 0 : i32
    %dma_start3A_11 = tpu.memref_slice %arg5[%add3A, %dma_start3A_9, %dma_start3A_10] : memref<32x10x1000xi32, #tpu.memory_space<hbm>> -> memref<1x10x1000xi32, #tpu.memory_space<hbm>>
    %dma_start3A_12 = tpu.memref_squeeze %dma_start3A_11 : memref<1x10x1000xi32, #tpu.memory_space<hbm>> -> memref<10x1000xi32, #tpu.memory_space<hbm>>
    tpu.enqueue_dma source(%dma_start3A_12 : memref<10x1000xi32, #tpu.memory_space<hbm>>) target(%arg9 : memref<10x1000xi32, #tpu.memory_space<vmem>>) target_semaphore(%dma_start3A_8 : memref<!tpu.dma_semaphore, #tpu.memory_space<semaphore_mem>>)
    %dma_start3A_13 = arith.constant 1 : i32
    %dma_start3A_14 = arith.constant 0 : i32
    %dma_start3A_15 = arith.constant 0 : i32
    %dma_start3A_16 = tpu.memref_slice %arg6[%add3A, %dma_start3A_14, %dma_start3A_15] : memref<32x10x1000xi32, #tpu.memory_space<hbm>> -> memref<1x10x1000xi32, #tpu.memory_space<hbm>>
    %dma_start3A_17 = tpu.memref_squeeze %dma_start3A_16 : memref<1x10x1000xi32, #tpu.memory_space<hbm>> -> memref<10x1000xi32, #tpu.memory_space<hbm>>
    %dma_start3A_18 = tpu.memref_slice %arg18[%dma_start3A_13] : memref<2x!tpu.dma_semaphore, #tpu.memory_space<semaphore_mem>> -> memref<1x!tpu.dma_semaphore, #tpu.memory_space<semaphore_mem>>
    %dma_start3A_19 = tpu.memref_squeeze %dma_start3A_18 : memref<1x!tpu.dma_semaphore, #tpu.memory_space<semaphore_mem>> -> memref<!tpu.dma_semaphore, #tpu.memory_space<semaphore_mem>>
    %dma_start3A_20 = arith.constant 0 : i32
    %dma_start3A_21 = arith.constant 0 : i32
    %dma_start3A_22 = tpu.memref_slice %arg6[%add3A, %dma_start3A_20, %dma_start3A_21] : memref<32x10x1000xi32, #tpu.memory_space<hbm>> -> memref<1x10x1000xi32, #tpu.memory_space<hbm>>
    %dma_start3A_23 = tpu.memref_squeeze %dma_start3A_22 : memref<1x10x1000xi32, #tpu.memory_space<hbm>> -> memref<10x1000xi32, #tpu.memory_space<hbm>>
    tpu.enqueue_dma source(%dma_start3A_23 : memref<10x1000xi32, #tpu.memory_space<hbm>>) target(%arg10 : memref<10x1000xi32, #tpu.memory_space<vmem>>) target_semaphore(%dma_start3A_19 : memref<!tpu.dma_semaphore, #tpu.memory_space<semaphore_mem>>)
    %dma_start3A_24 = arith.constant 0 : i32
    %dma_start3A_25 = arith.constant 2 : i32
    %dma_start3A_26 = arith.constant 0 : i32
    %dma_start3A_27 = tpu.memref_slice %arg2[%dma_start3A_24, %mul3A_2, %dma_start3A_26] : memref<2x10240x16xf32, #tpu.memory_space<hbm>> -> memref<1x640x16xf32, #tpu.memory_space<hbm>>
    %dma_start3A_28 = tpu.memref_squeeze %dma_start3A_27 : memref<1x640x16xf32, #tpu.memory_space<hbm>> -> memref<640x16xf32, #tpu.memory_space<hbm>>
    %dma_start3A_29 = tpu.memref_slice %arg18[%dma_start3A_25] : memref<2x!tpu.dma_semaphore, #tpu.memory_space<semaphore_mem>> -> memref<1x!tpu.dma_semaphore, #tpu.memory_space<semaphore_mem>>
    %dma_start3A_30 = tpu.memref_squeeze %dma_start3A_29 : memref<1x!tpu.dma_semaphore, #tpu.memory_space<semaphore_mem>> -> memref<!tpu.dma_semaphore, #tpu.memory_space<semaphore_mem>>
    %dma_start3A_31 = arith.constant 0 : i32
    %dma_start3A_32 = tpu.memref_slice %arg2[%dma_start3A_24, %mul3A_2, %dma_start3A_31] : memref<2x10240x16xf32, #tpu.memory_space<hbm>> -> memref<1x640x16xf32, #tpu.memory_space<hbm>>
    %dma_start3A_33 = tpu.memref_squeeze %dma_start3A_32 : memref<1x640x16xf32, #tpu.memory_space<hbm>> -> memref<640x16xf32, #tpu.memory_space<hbm>>
    tpu.enqueue_dma source(%dma_start3A_33 : memref<640x16xf32, #tpu.memory_space<hbm>>) target(%arg12 : memref<640x16xf32, #tpu.memory_space<vmem>>) target_semaphore(%dma_start3A_30 : memref<!tpu.dma_semaphore, #tpu.memory_space<semaphore_mem>>)
    %dma_start3A_34 = arith.constant 1 : i32
    %dma_start3A_35 = arith.constant 3 : i32
    %dma_start3A_36 = arith.constant 0 : i32
    %dma_start3A_37 = tpu.memref_slice %arg2[%dma_start3A_34, %mul3A_2, %dma_start3A_36] : memref<2x10240x16xf32, #tpu.memory_space<hbm>> -> memref<1x640x16xf32, #tpu.memory_space<hbm>>
    %dma_start3A_38 = tpu.memref_squeeze %dma_start3A_37 : memref<1x640x16xf32, #tpu.memory_space<hbm>> -> memref<640x16xf32, #tpu.memory_space<hbm>>
    %dma_start3A_39 = tpu.memref_slice %arg18[%dma_start3A_35] : memref<2x!tpu.dma_semaphore, #tpu.memory_space<semaphore_mem>> -> memref<1x!tpu.dma_semaphore, #tpu.memory_space<semaphore_mem>>
    %dma_start3A_40 = tpu.memref_squeeze %dma_start3A_39 : memref<1x!tpu.dma_semaphore, #tpu.memory_space<semaphore_mem>> -> memref<!tpu.dma_semaphore, #tpu.memory_space<semaphore_mem>>
    %dma_start3A_41 = arith.constant 0 : i32
    %dma_start3A_42 = tpu.memref_slice %arg2[%dma_start3A_34, %mul3A_2, %dma_start3A_41] : memref<2x10240x16xf32, #tpu.memory_space<hbm>> -> memref<1x640x16xf32, #tpu.memory_space<hbm>>
    %dma_start3A_43 = tpu.memref_squeeze %dma_start3A_42 : memref<1x640x16xf32, #tpu.memory_space<hbm>> -> memref<640x16xf32, #tpu.memory_space<hbm>>
    tpu.enqueue_dma source(%dma_start3A_43 : memref<640x16xf32, #tpu.memory_space<hbm>>) target(%arg13 : memref<640x16xf32, #tpu.memory_space<vmem>>) target_semaphore(%dma_start3A_40 : memref<!tpu.dma_semaphore, #tpu.memory_space<semaphore_mem>>)
    %dma_start3A_44 = arith.constant 4 : i32
    %dma_start3A_45 = tpu.memref_slice %arg3[%mul3A_2] : memref<10240xf32, #tpu.memory_space<hbm>> -> memref<640xf32, #tpu.memory_space<hbm>>
    %dma_start3A_46 = tpu.memref_slice %arg18[%dma_start3A_44] : memref<2x!tpu.dma_semaphore, #tpu.memory_space<semaphore_mem>> -> memref<1x!tpu.dma_semaphore, #tpu.memory_space<semaphore_mem>>
    %dma_start3A_47 = tpu.memref_squeeze %dma_start3A_46 : memref<1x!tpu.dma_semaphore, #tpu.memory_space<semaphore_mem>> -> memref<!tpu.dma_semaphore, #tpu.memory_space<semaphore_mem>>
    %dma_start3A_48 = tpu.memref_slice %arg3[%mul3A_2] : memref<10240xf32, #tpu.memory_space<hbm>> -> memref<640xf32, #tpu.memory_space<hbm>>
    tpu.enqueue_dma source(%dma_start3A_48 : memref<640xf32, #tpu.memory_space<hbm>>) target(%arg14 : memref<640xf32, #tpu.memory_space<vmem>>) target_semaphore(%dma_start3A_47 : memref<!tpu.dma_semaphore, #tpu.memory_space<semaphore_mem>>)
    %dma_start3A_49 = arith.constant 0 : i32
    %dma_start3A_50 = tpu.memref_slice %arg18[%dma_start3A_49] : memref<2x!tpu.dma_semaphore, #tpu.memory_space<semaphore_mem>> -> memref<1x!tpu.dma_semaphore, #tpu.memory_space<semaphore_mem>>
    %dma_start3A_51 = tpu.memref_squeeze %dma_start3A_50 : memref<1x!tpu.dma_semaphore, #tpu.memory_space<semaphore_mem>> -> memref<!tpu.dma_semaphore, #tpu.memory_space<semaphore_mem>>
    tpu.enqueue_dma source(%arg4 : memref<16xf32, #tpu.memory_space<hbm>>) target(%arg15 : memref<16xf32, #tpu.memory_space<vmem>>) target_semaphore(%dma_start3A_51 : memref<!tpu.dma_semaphore, #tpu.memory_space<semaphore_mem>>)
    %dma_wait3A = arith.constant 0 : i32
    %dma_wait3A_52 = arith.constant 0 : i32
    %dma_wait3A_53 = arith.constant 0 : i32
    %dma_wait3A_54 = tpu.memref_slice %arg5[%add3A, %dma_wait3A_52, %dma_wait3A_53] : memref<32x10x1000xi32, #tpu.memory_space<hbm>> -> memref<1x10x1000xi32, #tpu.memory_space<hbm>>
    %dma_wait3A_55 = tpu.memref_squeeze %dma_wait3A_54 : memref<1x10x1000xi32, #tpu.memory_space<hbm>> -> memref<10x1000xi32, #tpu.memory_space<hbm>>
    %dma_wait3A_56 = tpu.memref_slice %arg18[%dma_wait3A] : memref<2x!tpu.dma_semaphore, #tpu.memory_space<semaphore_mem>> -> memref<1x!tpu.dma_semaphore, #tpu.memory_space<semaphore_mem>>
    %dma_wait3A_57 = tpu.memref_squeeze %dma_wait3A_56 : memref<1x!tpu.dma_semaphore, #tpu.memory_space<semaphore_mem>> -> memref<!tpu.dma_semaphore, #tpu.memory_space<semaphore_mem>>
    %dma_wait3A_58 = arith.constant 0 : i32
    %dma_wait3A_59 = arith.constant 0 : i32
    %dma_wait3A_60 = tpu.memref_slice %arg5[%add3A, %dma_wait3A_58, %dma_wait3A_59] : memref<32x10x1000xi32, #tpu.memory_space<hbm>> -> memref<1x10x1000xi32, #tpu.memory_space<hbm>>
    %dma_wait3A_61 = tpu.memref_squeeze %dma_wait3A_60 : memref<1x10x1000xi32, #tpu.memory_space<hbm>> -> memref<10x1000xi32, #tpu.memory_space<hbm>>
    tpu.wait_dma2 semaphore(%dma_wait3A_57 : memref<!tpu.dma_semaphore, #tpu.memory_space<semaphore_mem>>) src(%dma_wait3A_61 : memref<10x1000xi32, #tpu.memory_space<hbm>>) dst(%arg9 : memref<10x1000xi32, #tpu.memory_space<vmem>>)
    %dma_wait3A_62 = arith.constant 1 : i32
    %dma_wait3A_63 = arith.constant 0 : i32
    %dma_wait3A_64 = arith.constant 0 : i32
    %dma_wait3A_65 = tpu.memref_slice %arg6[%add3A, %dma_wait3A_63, %dma_wait3A_64] : memref<32x10x1000xi32, #tpu.memory_space<hbm>> -> memref<1x10x1000xi32, #tpu.memory_space<hbm>>
    %dma_wait3A_66 = tpu.memref_squeeze %dma_wait3A_65 : memref<1x10x1000xi32, #tpu.memory_space<hbm>> -> memref<10x1000xi32, #tpu.memory_space<hbm>>
    %dma_wait3A_67 = tpu.memref_slice %arg18[%dma_wait3A_62] : memref<2x!tpu.dma_semaphore, #tpu.memory_space<semaphore_mem>> -> memref<1x!tpu.dma_semaphore, #tpu.memory_space<semaphore_mem>>
    %dma_wait3A_68 = tpu.memref_squeeze %dma_wait3A_67 : memref<1x!tpu.dma_semaphore, #tpu.memory_space<semaphore_mem>> -> memref<!tpu.dma_semaphore, #tpu.memory_space<semaphore_mem>>
    %dma_wait3A_69 = arith.constant 0 : i32
    %dma_wait3A_70 = arith.constant 0 : i32
    %dma_wait3A_71 = tpu.memref_slice %arg6[%add3A, %dma_wait3A_69, %dma_wait3A_70] : memref<32x10x1000xi32, #tpu.memory_space<hbm>> -> memref<1x10x1000xi32, #tpu.memory_space<hbm>>
    %dma_wait3A_72 = tpu.memref_squeeze %dma_wait3A_71 : memref<1x10x1000xi32, #tpu.memory_space<hbm>> -> memref<10x1000xi32, #tpu.memory_space<hbm>>
    tpu.wait_dma2 semaphore(%dma_wait3A_68 : memref<!tpu.dma_semaphore, #tpu.memory_space<semaphore_mem>>) src(%dma_wait3A_72 : memref<10x1000xi32, #tpu.memory_space<hbm>>) dst(%arg10 : memref<10x1000xi32, #tpu.memory_space<vmem>>)
    %dma_wait3A_73 = arith.constant 0 : i32
    %dma_wait3A_74 = arith.constant 2 : i32
    %dma_wait3A_75 = arith.constant 0 : i32
    %dma_wait3A_76 = tpu.memref_slice %arg2[%dma_wait3A_73, %mul3A_2, %dma_wait3A_75] : memref<2x10240x16xf32, #tpu.memory_space<hbm>> -> memref<1x640x16xf32, #tpu.memory_space<hbm>>
    %dma_wait3A_77 = tpu.memref_squeeze %dma_wait3A_76 : memref<1x640x16xf32, #tpu.memory_space<hbm>> -> memref<640x16xf32, #tpu.memory_space<hbm>>
    %dma_wait3A_78 = tpu.memref_slice %arg18[%dma_wait3A_74] : memref<2x!tpu.dma_semaphore, #tpu.memory_space<semaphore_mem>> -> memref<1x!tpu.dma_semaphore, #tpu.memory_space<semaphore_mem>>
    %dma_wait3A_79 = tpu.memref_squeeze %dma_wait3A_78 : memref<1x!tpu.dma_semaphore, #tpu.memory_space<semaphore_mem>> -> memref<!tpu.dma_semaphore, #tpu.memory_space<semaphore_mem>>
    %dma_wait3A_80 = arith.constant 0 : i32
    %dma_wait3A_81 = tpu.memref_slice %arg2[%dma_wait3A_73, %mul3A_2, %dma_wait3A_80] : memref<2x10240x16xf32, #tpu.memory_space<hbm>> -> memref<1x640x16xf32, #tpu.memory_space<hbm>>
    %dma_wait3A_82 = tpu.memref_squeeze %dma_wait3A_81 : memref<1x640x16xf32, #tpu.memory_space<hbm>> -> memref<640x16xf32, #tpu.memory_space<hbm>>
    tpu.wait_dma2 semaphore(%dma_wait3A_79 : memref<!tpu.dma_semaphore, #tpu.memory_space<semaphore_mem>>) src(%dma_wait3A_82 : memref<640x16xf32, #tpu.memory_space<hbm>>) dst(%arg12 : memref<640x16xf32, #tpu.memory_space<vmem>>)
    %dma_wait3A_83 = arith.constant 1 : i32
    %dma_wait3A_84 = arith.constant 3 : i32
    %dma_wait3A_85 = arith.constant 0 : i32
    %dma_wait3A_86 = tpu.memref_slice %arg2[%dma_wait3A_83, %mul3A_2, %dma_wait3A_85] : memref<2x10240x16xf32, #tpu.memory_space<hbm>> -> memref<1x640x16xf32, #tpu.memory_space<hbm>>
    %dma_wait3A_87 = tpu.memref_squeeze %dma_wait3A_86 : memref<1x640x16xf32, #tpu.memory_space<hbm>> -> memref<640x16xf32, #tpu.memory_space<hbm>>
    %dma_wait3A_88 = tpu.memref_slice %arg18[%dma_wait3A_84] : memref<2x!tpu.dma_semaphore, #tpu.memory_space<semaphore_mem>> -> memref<1x!tpu.dma_semaphore, #tpu.memory_space<semaphore_mem>>
    %dma_wait3A_89 = tpu.memref_squeeze %dma_wait3A_88 : memref<1x!tpu.dma_semaphore, #tpu.memory_space<semaphore_mem>> -> memref<!tpu.dma_semaphore, #tpu.memory_space<semaphore_mem>>
    %dma_wait3A_90 = arith.constant 0 : i32
    %dma_wait3A_91 = tpu.memref_slice %arg2[%dma_wait3A_83, %mul3A_2, %dma_wait3A_90] : memref<2x10240x16xf32, #tpu.memory_space<hbm>> -> memref<1x640x16xf32, #tpu.memory_space<hbm>>
    %dma_wait3A_92 = tpu.memref_squeeze %dma_wait3A_91 : memref<1x640x16xf32, #tpu.memory_space<hbm>> -> memref<640x16xf32, #tpu.memory_space<hbm>>
    tpu.wait_dma2 semaphore(%dma_wait3A_89 : memref<!tpu.dma_semaphore, #tpu.memory_space<semaphore_mem>>) src(%dma_wait3A_92 : memref<640x16xf32, #tpu.memory_space<hbm>>) dst(%arg13 : memref<640x16xf32, #tpu.memory_space<vmem>>)
    %dma_wait3A_93 = arith.constant 4 : i32
    %dma_wait3A_94 = tpu.memref_slice %arg3[%mul3A_2] : memref<10240xf32, #tpu.memory_space<hbm>> -> memref<640xf32, #tpu.memory_space<hbm>>
    %dma_wait3A_95 = tpu.memref_slice %arg18[%dma_wait3A_93] : memref<2x!tpu.dma_semaphore, #tpu.memory_space<semaphore_mem>> -> memref<1x!tpu.dma_semaphore, #tpu.memory_space<semaphore_mem>>
    %dma_wait3A_96 = tpu.memref_squeeze %dma_wait3A_95 : memref<1x!tpu.dma_semaphore, #tpu.memory_space<semaphore_mem>> -> memref<!tpu.dma_semaphore, #tpu.memory_space<semaphore_mem>>
    %dma_wait3A_97 = tpu.memref_slice %arg3[%mul3A_2] : memref<10240xf32, #tpu.memory_space<hbm>> -> memref<640xf32, #tpu.memory_space<hbm>>
    tpu.wait_dma2 semaphore(%dma_wait3A_96 : memref<!tpu.dma_semaphore, #tpu.memory_space<semaphore_mem>>) src(%dma_wait3A_97 : memref<640xf32, #tpu.memory_space<hbm>>) dst(%arg14 : memref<640xf32, #tpu.memory_space<vmem>>)
    %dma_wait3A_98 = arith.constant 0 : i32
    %dma_wait3A_99 = tpu.memref_slice %arg18[%dma_wait3A_98] : memref<2x!tpu.dma_semaphore, #tpu.memory_space<semaphore_mem>> -> memref<1x!tpu.dma_semaphore, #tpu.memory_space<semaphore_mem>>
    %dma_wait3A_100 = tpu.memref_squeeze %dma_wait3A_99 : memref<1x!tpu.dma_semaphore, #tpu.memory_space<semaphore_mem>> -> memref<!tpu.dma_semaphore, #tpu.memory_space<semaphore_mem>>
    tpu.wait_dma2 semaphore(%dma_wait3A_100 : memref<!tpu.dma_semaphore, #tpu.memory_space<semaphore_mem>>) src(%arg4 : memref<16xf32, #tpu.memory_space<hbm>>) dst(%arg15 : memref<16xf32, #tpu.memory_space<vmem>>)
    %get3A = arith.constant 0 : index
    %get3A_101 = tpu.vector_load %arg15[%get3A] {strides = array<i32>} : memref<16xf32, #tpu.memory_space<vmem>>, vector<16xf32>,
    %scan3A = arith.constant 0 : i32
    %scan3A_102 = arith.constant 0 : i32
    %scan3A_103 = arith.constant 40 : i32
    %scan3A_104 = arith.addi %scan3A_102, %scan3A_103 : i32
    %scan3A_105 = arith.constant 1 : i32
    scf.for %scan3A_187 = %scan3A_102 to %scan3A_104 step %scan3A_105  : i32 {
      %mul3A_188 = arith.constant 16 : i32
      %mul3A_189 = arith.muli %scan3A_187, %mul3A_188 : i32
      %get3A_190 = arith.index_cast %mul3A_189 : i32 to index
      %get3A_191 = tpu.vector_load %arg14[%get3A_190] {strides = array<i32>} : memref<640xf32, #tpu.memory_space<vmem>>, vector<16xf32>,
      %mul3A_192 = arith.constant 16 : i32
      %mul3A_193 = arith.muli %scan3A_187, %mul3A_192 : i32
      %add3A_194 = arith.constant 0 : i32
      %add3A_195 = arith.addi %mul3A_193, %add3A_194 : i32
      %broadcast_in_dim3A = arith.constant 0 : i32
      %broadcast_in_dim3A_196 = vector.broadcast %broadcast_in_dim3A : i32 to vector<16x1xi32>
      %gather3A = vector.shape_cast %broadcast_in_dim3A_196 : vector<16x1xi32> to vector<16xi32>
      %gather3A_197 = tpu.dynamic_gather %get3A_191[%gather3A] in [0] : vector<16xf32>, vector<16xi32> -> vector<16xf32>
      %get3A_198 = arith.index_cast %add3A_195 : i32 to index
      %get3A_199 = arith.constant 0 : index
      %get3A_200 = tpu.vector_load %arg12[%get3A_198, %get3A_199] {strides = array<i32>} : memref<640x16xf32, #tpu.memory_space<vmem>>, vector<16xf32>,
      %get3A_201 = arith.index_cast %add3A_195 : i32 to index
      %get3A_202 = arith.constant 0 : index
      %get3A_203 = tpu.vector_load %arg13[%get3A_201, %get3A_202] {strides = array<i32>} : memref<640x16xf32, #tpu.memory_space<vmem>>, vector<16xf32>,
      %add3A_204 = arith.addf %get3A_200, %get3A_203 : vector<16xf32>
      %mul3A_205 = arith.mulf %add3A_204, %gather3A_197 : vector<16xf32>
      %add3A_206 = arith.addf %mul3A_205, %get3A_101 : vector<16xf32>
      %max3A = arith.constant 0.000000e+00 : f32
      %max3A_207 = vector.broadcast %max3A : f32 to vector<16xf32>
      %max3A_208 = arith.maximumf %add3A_206, %max3A_207 : vector<16xf32>
      %mul3A_209 = arith.mulf %max3A_208, %gather3A_197 : vector<16xf32>
      %swap3A = arith.index_cast %add3A_195 : i32 to index
      %swap3A_210 = arith.constant 0 : index
      %swap3A_211 = tpu.vector_load %arg12[%swap3A, %swap3A_210] {strides = array<i32>} : memref<640x16xf32, #tpu.memory_space<vmem>>, vector<16xf32>,
      tpu.vector_store %arg12[%swap3A, %swap3A_210], %mul3A_209 {strides = array<i32>} : memref<640x16xf32, #tpu.memory_space<vmem>>, vector<16xf32>,
      %mul3A_212 = arith.constant 16 : i32
      %mul3A_213 = arith.muli %scan3A_187, %mul3A_212 : i32
      %add3A_214 = arith.constant 1 : i32
      %add3A_215 = arith.addi %mul3A_213, %add3A_214 : i32
      %broadcast_in_dim3A_216 = arith.constant 1 : i32
      %broadcast_in_dim3A_217 = vector.broadcast %broadcast_in_dim3A_216 : i32 to vector<16x1xi32>
      %gather3A_218 = vector.shape_cast %broadcast_in_dim3A_217 : vector<16x1xi32> to vector<16xi32>
      %gather3A_219 = tpu.dynamic_gather %get3A_191[%gather3A_218] in [0] : vector<16xf32>, vector<16xi32> -> vector<16xf32>
      %get3A_220 = arith.index_cast %add3A_215 : i32 to index
      %get3A_221 = arith.constant 0 : index
      %get3A_222 = tpu.vector_load %arg12[%get3A_220, %get3A_221] {strides = array<i32>} : memref<640x16xf32, #tpu.memory_space<vmem>>, vector<16xf32>,
      %get3A_223 = arith.index_cast %add3A_215 : i32 to index
      %get3A_224 = arith.constant 0 : index
      %get3A_225 = tpu.vector_load %arg13[%get3A_223, %get3A_224] {strides = array<i32>} : memref<640x16xf32, #tpu.memory_space<vmem>>, vector<16xf32>,
      %add3A_226 = arith.addf %get3A_222, %get3A_225 : vector<16xf32>
      %mul3A_227 = arith.mulf %add3A_226, %gather3A_219 : vector<16xf32>
      %add3A_228 = arith.addf %mul3A_227, %get3A_101 : vector<16xf32>
      %max3A_229 = arith.constant 0.000000e+00 : f32
      %max3A_230 = vector.broadcast %max3A_229 : f32 to vector<16xf32>
      %max3A_231 = arith.maximumf %add3A_228, %max3A_230 : vector<16xf32>
      %mul3A_232 = arith.mulf %max3A_231, %gather3A_219 : vector<16xf32>
      %swap3A_233 = arith.index_cast %add3A_215 : i32 to index
      %swap3A_234 = arith.constant 0 : index
      %swap3A_235 = tpu.vector_load %arg12[%swap3A_233, %swap3A_234] {strides = array<i32>} : memref<640x16xf32, #tpu.memory_space<vmem>>, vector<16xf32>,
      tpu.vector_store %arg12[%swap3A_233, %swap3A_234], %mul3A_232 {strides = array<i32>} : memref<640x16xf32, #tpu.memory_space<vmem>>, vector<16xf32>,
      %mul3A_236 = arith.constant 16 : i32
      %mul3A_237 = arith.muli %scan3A_187, %mul3A_236 : i32
      %add3A_238 = arith.constant 2 : i32
      %add3A_239 = arith.addi %mul3A_237, %add3A_238 : i32
      %broadcast_in_dim3A_240 = arith.constant 2 : i32
      %broadcast_in_dim3A_241 = vector.broadcast %broadcast_in_dim3A_240 : i32 to vector<16x1xi32>
      %gather3A_242 = vector.shape_cast %broadcast_in_dim3A_241 : vector<16x1xi32> to vector<16xi32>
      %gather3A_243 = tpu.dynamic_gather %get3A_191[%gather3A_242] in [0] : vector<16xf32>, vector<16xi32> -> vector<16xf32>
      %get3A_244 = arith.index_cast %add3A_239 : i32 to index
      %get3A_245 = arith.constant 0 : index
      %get3A_246 = tpu.vector_load %arg12[%get3A_244, %get3A_245] {strides = array<i32>} : memref<640x16xf32, #tpu.memory_space<vmem>>, vector<16xf32>,
      %get3A_247 = arith.index_cast %add3A_239 : i32 to index
      %get3A_248 = arith.constant 0 : index
      %get3A_249 = tpu.vector_load %arg13[%get3A_247, %get3A_248] {strides = array<i32>} : memref<640x16xf32, #tpu.memory_space<vmem>>, vector<16xf32>,
      %add3A_250 = arith.addf %get3A_246, %get3A_249 : vector<16xf32>
      %mul3A_251 = arith.mulf %add3A_250, %gather3A_243 : vector<16xf32>
      %add3A_252 = arith.addf %mul3A_251, %get3A_101 : vector<16xf32>
      %max3A_253 = arith.constant 0.000000e+00 : f32
      %max3A_254 = vector.broadcast %max3A_253 : f32 to vector<16xf32>
      %max3A_255 = arith.maximumf %add3A_252, %max3A_254 : vector<16xf32>
      %mul3A_256 = arith.mulf %max3A_255, %gather3A_243 : vector<16xf32>
      %swap3A_257 = arith.index_cast %add3A_239 : i32 to index
      %swap3A_258 = arith.constant 0 : index
      %swap3A_259 = tpu.vector_load %arg12[%swap3A_257, %swap3A_258] {strides = array<i32>} : memref<640x16xf32, #tpu.memory_space<vmem>>, vector<16xf32>,
      tpu.vector_store %arg12[%swap3A_257, %swap3A_258], %mul3A_256 {strides = array<i32>} : memref<640x16xf32, #tpu.memory_space<vmem>>, vector<16xf32>,
      %mul3A_260 = arith.constant 16 : i32
      %mul3A_261 = arith.muli %scan3A_187, %mul3A_260 : i32
      %add3A_262 = arith.constant 3 : i32
      %add3A_263 = arith.addi %mul3A_261, %add3A_262 : i32
      %broadcast_in_dim3A_264 = arith.constant 3 : i32
      %broadcast_in_dim3A_265 = vector.broadcast %broadcast_in_dim3A_264 : i32 to vector<16x1xi32>
      %gather3A_266 = vector.shape_cast %broadcast_in_dim3A_265 : vector<16x1xi32> to vector<16xi32>
      %gather3A_267 = tpu.dynamic_gather %get3A_191[%gather3A_266] in [0] : vector<16xf32>, vector<16xi32> -> vector<16xf32>
      %get3A_268 = arith.index_cast %add3A_263 : i32 to index
      %get3A_269 = arith.constant 0 : index
      %get3A_270 = tpu.vector_load %arg12[%get3A_268, %get3A_269] {strides = array<i32>} : memref<640x16xf32, #tpu.memory_space<vmem>>, vector<16xf32>,
      %get3A_271 = arith.index_cast %add3A_263 : i32 to index
      %get3A_272 = arith.constant 0 : index
      %get3A_273 = tpu.vector_load %arg13[%get3A_271, %get3A_272] {strides = array<i32>} : memref<640x16xf32, #tpu.memory_space<vmem>>, vector<16xf32>,
      %add3A_274 = arith.addf %get3A_270, %get3A_273 : vector<16xf32>
      %mul3A_275 = arith.mulf %add3A_274, %gather3A_267 : vector<16xf32>
      %add3A_276 = arith.addf %mul3A_275, %get3A_101 : vector<16xf32>
      %max3A_277 = arith.constant 0.000000e+00 : f32
      %max3A_278 = vector.broadcast %max3A_277 : f32 to vector<16xf32>
      %max3A_279 = arith.maximumf %add3A_276, %max3A_278 : vector<16xf32>
      %mul3A_280 = arith.mulf %max3A_279, %gather3A_267 : vector<16xf32>
      %swap3A_281 = arith.index_cast %add3A_263 : i32 to index
      %swap3A_282 = arith.constant 0 : index
      %swap3A_283 = tpu.vector_load %arg12[%swap3A_281, %swap3A_282] {strides = array<i32>} : memref<640x16xf32, #tpu.memory_space<vmem>>, vector<16xf32>,
      tpu.vector_store %arg12[%swap3A_281, %swap3A_282], %mul3A_280 {strides = array<i32>} : memref<640x16xf32, #tpu.memory_space<vmem>>, vector<16xf32>,
      %mul3A_284 = arith.constant 16 : i32
      %mul3A_285 = arith.muli %scan3A_187, %mul3A_284 : i32
      %add3A_286 = arith.constant 4 : i32
      %add3A_287 = arith.addi %mul3A_285, %add3A_286 : i32
      %broadcast_in_dim3A_288 = arith.constant 4 : i32
      %broadcast_in_dim3A_289 = vector.broadcast %broadcast_in_dim3A_288 : i32 to vector<16x1xi32>
      %gather3A_290 = vector.shape_cast %broadcast_in_dim3A_289 : vector<16x1xi32> to vector<16xi32>
      %gather3A_291 = tpu.dynamic_gather %get3A_191[%gather3A_290] in [0] : vector<16xf32>, vector<16xi32> -> vector<16xf32>
      %get3A_292 = arith.index_cast %add3A_287 : i32 to index
      %get3A_293 = arith.constant 0 : index
      %get3A_294 = tpu.vector_load %arg12[%get3A_292, %get3A_293] {strides = array<i32>} : memref<640x16xf32, #tpu.memory_space<vmem>>, vector<16xf32>,
      %get3A_295 = arith.index_cast %add3A_287 : i32 to index
      %get3A_296 = arith.constant 0 : index
      %get3A_297 = tpu.vector_load %arg13[%get3A_295, %get3A_296] {strides = array<i32>} : memref<640x16xf32, #tpu.memory_space<vmem>>, vector<16xf32>,
      %add3A_298 = arith.addf %get3A_294, %get3A_297 : vector<16xf32>
      %mul3A_299 = arith.mulf %add3A_298, %gather3A_291 : vector<16xf32>
      %add3A_300 = arith.addf %mul3A_299, %get3A_101 : vector<16xf32>
      %max3A_301 = arith.constant 0.000000e+00 : f32
      %max3A_302 = vector.broadcast %max3A_301 : f32 to vector<16xf32>
      %max3A_303 = arith.maximumf %add3A_300, %max3A_302 : vector<16xf32>
      %mul3A_304 = arith.mulf %max3A_303, %gather3A_291 : vector<16xf32>
      %swap3A_305 = arith.index_cast %add3A_287 : i32 to index
      %swap3A_306 = arith.constant 0 : index
      %swap3A_307 = tpu.vector_load %arg12[%swap3A_305, %swap3A_306] {strides = array<i32>} : memref<640x16xf32, #tpu.memory_space<vmem>>, vector<16xf32>,
      tpu.vector_store %arg12[%swap3A_305, %swap3A_306], %mul3A_304 {strides = array<i32>} : memref<640x16xf32, #tpu.memory_space<vmem>>, vector<16xf32>,
      %mul3A_308 = arith.constant 16 : i32
      %mul3A_309 = arith.muli %scan3A_187, %mul3A_308 : i32
      %add3A_310 = arith.constant 5 : i32
      %add3A_311 = arith.addi %mul3A_309, %add3A_310 : i32
      %broadcast_in_dim3A_312 = arith.constant 5 : i32
      %broadcast_in_dim3A_313 = vector.broadcast %broadcast_in_dim3A_312 : i32 to vector<16x1xi32>
      %gather3A_314 = vector.shape_cast %broadcast_in_dim3A_313 : vector<16x1xi32> to vector<16xi32>
      %gather3A_315 = tpu.dynamic_gather %get3A_191[%gather3A_314] in [0] : vector<16xf32>, vector<16xi32> -> vector<16xf32>
      %get3A_316 = arith.index_cast %add3A_311 : i32 to index
      %get3A_317 = arith.constant 0 : index
      %get3A_318 = tpu.vector_load %arg12[%get3A_316, %get3A_317] {strides = array<i32>} : memref<640x16xf32, #tpu.memory_space<vmem>>, vector<16xf32>,
      %get3A_319 = arith.index_cast %add3A_311 : i32 to index
      %get3A_320 = arith.constant 0 : index
      %get3A_321 = tpu.vector_load %arg13[%get3A_319, %get3A_320] {strides = array<i32>} : memref<640x16xf32, #tpu.memory_space<vmem>>, vector<16xf32>,
      %add3A_322 = arith.addf %get3A_318, %get3A_321 : vector<16xf32>
      %mul3A_323 = arith.mulf %add3A_322, %gather3A_315 : vector<16xf32>
      %add3A_324 = arith.addf %mul3A_323, %get3A_101 : vector<16xf32>
      %max3A_325 = arith.constant 0.000000e+00 : f32
      %max3A_326 = vector.broadcast %max3A_325 : f32 to vector<16xf32>
      %max3A_327 = arith.maximumf %add3A_324, %max3A_326 : vector<16xf32>
      %mul3A_328 = arith.mulf %max3A_327, %gather3A_315 : vector<16xf32>
      %swap3A_329 = arith.index_cast %add3A_311 : i32 to index
      %swap3A_330 = arith.constant 0 : index
      %swap3A_331 = tpu.vector_load %arg12[%swap3A_329, %swap3A_330] {strides = array<i32>} : memref<640x16xf32, #tpu.memory_space<vmem>>, vector<16xf32>,
      tpu.vector_store %arg12[%swap3A_329, %swap3A_330], %mul3A_328 {strides = array<i32>} : memref<640x16xf32, #tpu.memory_space<vmem>>, vector<16xf32>,
      %mul3A_332 = arith.constant 16 : i32
      %mul3A_333 = arith.muli %scan3A_187, %mul3A_332 : i32
      %add3A_334 = arith.constant 6 : i32
      %add3A_335 = arith.addi %mul3A_333, %add3A_334 : i32
      %broadcast_in_dim3A_336 = arith.constant 6 : i32
      %broadcast_in_dim3A_337 = vector.broadcast %broadcast_in_dim3A_336 : i32 to vector<16x1xi32>
      %gather3A_338 = vector.shape_cast %broadcast_in_dim3A_337 : vector<16x1xi32> to vector<16xi32>
      %gather3A_339 = tpu.dynamic_gather %get3A_191[%gather3A_338] in [0] : vector<16xf32>, vector<16xi32> -> vector<16xf32>
      %get3A_340 = arith.index_cast %add3A_335 : i32 to index
      %get3A_341 = arith.constant 0 : index
      %get3A_342 = tpu.vector_load %arg12[%get3A_340, %get3A_341] {strides = array<i32>} : memref<640x16xf32, #tpu.memory_space<vmem>>, vector<16xf32>,
      %get3A_343 = arith.index_cast %add3A_335 : i32 to index
      %get3A_344 = arith.constant 0 : index
      %get3A_345 = tpu.vector_load %arg13[%get3A_343, %get3A_344] {strides = array<i32>} : memref<640x16xf32, #tpu.memory_space<vmem>>, vector<16xf32>,
      %add3A_346 = arith.addf %get3A_342, %get3A_345 : vector<16xf32>
      %mul3A_347 = arith.mulf %add3A_346, %gather3A_339 : vector<16xf32>
      %add3A_348 = arith.addf %mul3A_347, %get3A_101 : vector<16xf32>
      %max3A_349 = arith.constant 0.000000e+00 : f32
      %max3A_350 = vector.broadcast %max3A_349 : f32 to vector<16xf32>
      %max3A_351 = arith.maximumf %add3A_348, %max3A_350 : vector<16xf32>
      %mul3A_352 = arith.mulf %max3A_351, %gather3A_339 : vector<16xf32>
      %swap3A_353 = arith.index_cast %add3A_335 : i32 to index
      %swap3A_354 = arith.constant 0 : index
      %swap3A_355 = tpu.vector_load %arg12[%swap3A_353, %swap3A_354] {strides = array<i32>} : memref<640x16xf32, #tpu.memory_space<vmem>>, vector<16xf32>,
      tpu.vector_store %arg12[%swap3A_353, %swap3A_354], %mul3A_352 {strides = array<i32>} : memref<640x16xf32, #tpu.memory_space<vmem>>, vector<16xf32>,
      %mul3A_356 = arith.constant 16 : i32
      %mul3A_357 = arith.muli %scan3A_187, %mul3A_356 : i32
      %add3A_358 = arith.constant 7 : i32
      %add3A_359 = arith.addi %mul3A_357, %add3A_358 : i32
      %broadcast_in_dim3A_360 = arith.constant 7 : i32
      %broadcast_in_dim3A_361 = vector.broadcast %broadcast_in_dim3A_360 : i32 to vector<16x1xi32>
      %gather3A_362 = vector.shape_cast %broadcast_in_dim3A_361 : vector<16x1xi32> to vector<16xi32>
      %gather3A_363 = tpu.dynamic_gather %get3A_191[%gather3A_362] in [0] : vector<16xf32>, vector<16xi32> -> vector<16xf32>
      %get3A_364 = arith.index_cast %add3A_359 : i32 to index
      %get3A_365 = arith.constant 0 : index
      %get3A_366 = tpu.vector_load %arg12[%get3A_364, %get3A_365] {strides = array<i32>} : memref<640x16xf32, #tpu.memory_space<vmem>>, vector<16xf32>,
      %get3A_367 = arith.index_cast %add3A_359 : i32 to index
      %get3A_368 = arith.constant 0 : index
      %get3A_369 = tpu.vector_load %arg13[%get3A_367, %get3A_368] {strides = array<i32>} : memref<640x16xf32, #tpu.memory_space<vmem>>, vector<16xf32>,
      %add3A_370 = arith.addf %get3A_366, %get3A_369 : vector<16xf32>
      %mul3A_371 = arith.mulf %add3A_370, %gather3A_363 : vector<16xf32>
      %add3A_372 = arith.addf %mul3A_371, %get3A_101 : vector<16xf32>
      %max3A_373 = arith.constant 0.000000e+00 : f32
      %max3A_374 = vector.broadcast %max3A_373 : f32 to vector<16xf32>
      %max3A_375 = arith.maximumf %add3A_372, %max3A_374 : vector<16xf32>
      %mul3A_376 = arith.mulf %max3A_375, %gather3A_363 : vector<16xf32>
      %swap3A_377 = arith.index_cast %add3A_359 : i32 to index
      %swap3A_378 = arith.constant 0 : index
      %swap3A_379 = tpu.vector_load %arg12[%swap3A_377, %swap3A_378] {strides = array<i32>} : memref<640x16xf32, #tpu.memory_space<vmem>>, vector<16xf32>,
      tpu.vector_store %arg12[%swap3A_377, %swap3A_378], %mul3A_376 {strides = array<i32>} : memref<640x16xf32, #tpu.memory_space<vmem>>, vector<16xf32>,
      %mul3A_380 = arith.constant 16 : i32
      %mul3A_381 = arith.muli %scan3A_187, %mul3A_380 : i32
      %add3A_382 = arith.constant 8 : i32
      %add3A_383 = arith.addi %mul3A_381, %add3A_382 : i32
      %broadcast_in_dim3A_384 = arith.constant 8 : i32
      %broadcast_in_dim3A_385 = vector.broadcast %broadcast_in_dim3A_384 : i32 to vector<16x1xi32>
      %gather3A_386 = vector.shape_cast %broadcast_in_dim3A_385 : vector<16x1xi32> to vector<16xi32>
      %gather3A_387 = tpu.dynamic_gather %get3A_191[%gather3A_386] in [0] : vector<16xf32>, vector<16xi32> -> vector<16xf32>
      %get3A_388 = arith.index_cast %add3A_383 : i32 to index
      %get3A_389 = arith.constant 0 : index
      %get3A_390 = tpu.vector_load %arg12[%get3A_388, %get3A_389] {strides = array<i32>} : memref<640x16xf32, #tpu.memory_space<vmem>>, vector<16xf32>,
      %get3A_391 = arith.index_cast %add3A_383 : i32 to index
      %get3A_392 = arith.constant 0 : index
      %get3A_393 = tpu.vector_load %arg13[%get3A_391, %get3A_392] {strides = array<i32>} : memref<640x16xf32, #tpu.memory_space<vmem>>, vector<16xf32>,
      %add3A_394 = arith.addf %get3A_390, %get3A_393 : vector<16xf32>
      %mul3A_395 = arith.mulf %add3A_394, %gather3A_387 : vector<16xf32>
      %add3A_396 = arith.addf %mul3A_395, %get3A_101 : vector<16xf32>
      %max3A_397 = arith.constant 0.000000e+00 : f32
      %max3A_398 = vector.broadcast %max3A_397 : f32 to vector<16xf32>
      %max3A_399 = arith.maximumf %add3A_396, %max3A_398 : vector<16xf32>
      %mul3A_400 = arith.mulf %max3A_399, %gather3A_387 : vector<16xf32>
      %swap3A_401 = arith.index_cast %add3A_383 : i32 to index
      %swap3A_402 = arith.constant 0 : index
      %swap3A_403 = tpu.vector_load %arg12[%swap3A_401, %swap3A_402] {strides = array<i32>} : memref<640x16xf32, #tpu.memory_space<vmem>>, vector<16xf32>,
      tpu.vector_store %arg12[%swap3A_401, %swap3A_402], %mul3A_400 {strides = array<i32>} : memref<640x16xf32, #tpu.memory_space<vmem>>, vector<16xf32>,
      %mul3A_404 = arith.constant 16 : i32
      %mul3A_405 = arith.muli %scan3A_187, %mul3A_404 : i32
      %add3A_406 = arith.constant 9 : i32
      %add3A_407 = arith.addi %mul3A_405, %add3A_406 : i32
      %broadcast_in_dim3A_408 = arith.constant 9 : i32
      %broadcast_in_dim3A_409 = vector.broadcast %broadcast_in_dim3A_408 : i32 to vector<16x1xi32>
      %gather3A_410 = vector.shape_cast %broadcast_in_dim3A_409 : vector<16x1xi32> to vector<16xi32>
      %gather3A_411 = tpu.dynamic_gather %get3A_191[%gather3A_410] in [0] : vector<16xf32>, vector<16xi32> -> vector<16xf32>
      %get3A_412 = arith.index_cast %add3A_407 : i32 to index
      %get3A_413 = arith.constant 0 : index
      %get3A_414 = tpu.vector_load %arg12[%get3A_412, %get3A_413] {strides = array<i32>} : memref<640x16xf32, #tpu.memory_space<vmem>>, vector<16xf32>,
      %get3A_415 = arith.index_cast %add3A_407 : i32 to index
      %get3A_416 = arith.constant 0 : index
      %get3A_417 = tpu.vector_load %arg13[%get3A_415, %get3A_416] {strides = array<i32>} : memref<640x16xf32, #tpu.memory_space<vmem>>, vector<16xf32>,
      %add3A_418 = arith.addf %get3A_414, %get3A_417 : vector<16xf32>
      %mul3A_419 = arith.mulf %add3A_418, %gather3A_411 : vector<16xf32>
      %add3A_420 = arith.addf %mul3A_419, %get3A_101 : vector<16xf32>
      %max3A_421 = arith.constant 0.000000e+00 : f32
      %max3A_422 = vector.broadcast %max3A_421 : f32 to vector<16xf32>
      %max3A_423 = arith.maximumf %add3A_420, %max3A_422 : vector<16xf32>
      %mul3A_424 = arith.mulf %max3A_423, %gather3A_411 : vector<16xf32>
      %swap3A_425 = arith.index_cast %add3A_407 : i32 to index
      %swap3A_426 = arith.constant 0 : index
      %swap3A_427 = tpu.vector_load %arg12[%swap3A_425, %swap3A_426] {strides = array<i32>} : memref<640x16xf32, #tpu.memory_space<vmem>>, vector<16xf32>,
      tpu.vector_store %arg12[%swap3A_425, %swap3A_426], %mul3A_424 {strides = array<i32>} : memref<640x16xf32, #tpu.memory_space<vmem>>, vector<16xf32>,
      %mul3A_428 = arith.constant 16 : i32
      %mul3A_429 = arith.muli %scan3A_187, %mul3A_428 : i32
      %add3A_430 = arith.constant 10 : i32
      %add3A_431 = arith.addi %mul3A_429, %add3A_430 : i32
      %broadcast_in_dim3A_432 = arith.constant 10 : i32
      %broadcast_in_dim3A_433 = vector.broadcast %broadcast_in_dim3A_432 : i32 to vector<16x1xi32>
      %gather3A_434 = vector.shape_cast %broadcast_in_dim3A_433 : vector<16x1xi32> to vector<16xi32>
      %gather3A_435 = tpu.dynamic_gather %get3A_191[%gather3A_434] in [0] : vector<16xf32>, vector<16xi32> -> vector<16xf32>
      %get3A_436 = arith.index_cast %add3A_431 : i32 to index
      %get3A_437 = arith.constant 0 : index
      %get3A_438 = tpu.vector_load %arg12[%get3A_436, %get3A_437] {strides = array<i32>} : memref<640x16xf32, #tpu.memory_space<vmem>>, vector<16xf32>,
      %get3A_439 = arith.index_cast %add3A_431 : i32 to index
      %get3A_440 = arith.constant 0 : index
      %get3A_441 = tpu.vector_load %arg13[%get3A_439, %get3A_440] {strides = array<i32>} : memref<640x16xf32, #tpu.memory_space<vmem>>, vector<16xf32>,
      %add3A_442 = arith.addf %get3A_438, %get3A_441 : vector<16xf32>
      %mul3A_443 = arith.mulf %add3A_442, %gather3A_435 : vector<16xf32>
      %add3A_444 = arith.addf %mul3A_443, %get3A_101 : vector<16xf32>
      %max3A_445 = arith.constant 0.000000e+00 : f32
      %max3A_446 = vector.broadcast %max3A_445 : f32 to vector<16xf32>
      %max3A_447 = arith.maximumf %add3A_444, %max3A_446 : vector<16xf32>
      %mul3A_448 = arith.mulf %max3A_447, %gather3A_435 : vector<16xf32>
      %swap3A_449 = arith.index_cast %add3A_431 : i32 to index
      %swap3A_450 = arith.constant 0 : index
      %swap3A_451 = tpu.vector_load %arg12[%swap3A_449, %swap3A_450] {strides = array<i32>} : memref<640x16xf32, #tpu.memory_space<vmem>>, vector<16xf32>,
      tpu.vector_store %arg12[%swap3A_449, %swap3A_450], %mul3A_448 {strides = array<i32>} : memref<640x16xf32, #tpu.memory_space<vmem>>, vector<16xf32>,
      %mul3A_452 = arith.constant 16 : i32
      %mul3A_453 = arith.muli %scan3A_187, %mul3A_452 : i32
      %add3A_454 = arith.constant 11 : i32
      %add3A_455 = arith.addi %mul3A_453, %add3A_454 : i32
      %broadcast_in_dim3A_456 = arith.constant 11 : i32
      %broadcast_in_dim3A_457 = vector.broadcast %broadcast_in_dim3A_456 : i32 to vector<16x1xi32>
      %gather3A_458 = vector.shape_cast %broadcast_in_dim3A_457 : vector<16x1xi32> to vector<16xi32>
      %gather3A_459 = tpu.dynamic_gather %get3A_191[%gather3A_458] in [0] : vector<16xf32>, vector<16xi32> -> vector<16xf32>
      %get3A_460 = arith.index_cast %add3A_455 : i32 to index
      %get3A_461 = arith.constant 0 : index
      %get3A_462 = tpu.vector_load %arg12[%get3A_460, %get3A_461] {strides = array<i32>} : memref<640x16xf32, #tpu.memory_space<vmem>>, vector<16xf32>,
      %get3A_463 = arith.index_cast %add3A_455 : i32 to index
      %get3A_464 = arith.constant 0 : index
      %get3A_465 = tpu.vector_load %arg13[%get3A_463, %get3A_464] {strides = array<i32>} : memref<640x16xf32, #tpu.memory_space<vmem>>, vector<16xf32>,
      %add3A_466 = arith.addf %get3A_462, %get3A_465 : vector<16xf32>
      %mul3A_467 = arith.mulf %add3A_466, %gather3A_459 : vector<16xf32>
      %add3A_468 = arith.addf %mul3A_467, %get3A_101 : vector<16xf32>
      %max3A_469 = arith.constant 0.000000e+00 : f32
      %max3A_470 = vector.broadcast %max3A_469 : f32 to vector<16xf32>
      %max3A_471 = arith.maximumf %add3A_468, %max3A_470 : vector<16xf32>
      %mul3A_472 = arith.mulf %max3A_471, %gather3A_459 : vector<16xf32>
      %swap3A_473 = arith.index_cast %add3A_455 : i32 to index
      %swap3A_474 = arith.constant 0 : index
      %swap3A_475 = tpu.vector_load %arg12[%swap3A_473, %swap3A_474] {strides = array<i32>} : memref<640x16xf32, #tpu.memory_space<vmem>>, vector<16xf32>,
      tpu.vector_store %arg12[%swap3A_473, %swap3A_474], %mul3A_472 {strides = array<i32>} : memref<640x16xf32, #tpu.memory_space<vmem>>, vector<16xf32>,
      %mul3A_476 = arith.constant 16 : i32
      %mul3A_477 = arith.muli %scan3A_187, %mul3A_476 : i32
      %add3A_478 = arith.constant 12 : i32
      %add3A_479 = arith.addi %mul3A_477, %add3A_478 : i32
      %broadcast_in_dim3A_480 = arith.constant 12 : i32
      %broadcast_in_dim3A_481 = vector.broadcast %broadcast_in_dim3A_480 : i32 to vector<16x1xi32>
      %gather3A_482 = vector.shape_cast %broadcast_in_dim3A_481 : vector<16x1xi32> to vector<16xi32>
      %gather3A_483 = tpu.dynamic_gather %get3A_191[%gather3A_482] in [0] : vector<16xf32>, vector<16xi32> -> vector<16xf32>
      %get3A_484 = arith.index_cast %add3A_479 : i32 to index
      %get3A_485 = arith.constant 0 : index
      %get3A_486 = tpu.vector_load %arg12[%get3A_484, %get3A_485] {strides = array<i32>} : memref<640x16xf32, #tpu.memory_space<vmem>>, vector<16xf32>,
      %get3A_487 = arith.index_cast %add3A_479 : i32 to index
      %get3A_488 = arith.constant 0 : index
      %get3A_489 = tpu.vector_load %arg13[%get3A_487, %get3A_488] {strides = array<i32>} : memref<640x16xf32, #tpu.memory_space<vmem>>, vector<16xf32>,
      %add3A_490 = arith.addf %get3A_486, %get3A_489 : vector<16xf32>
      %mul3A_491 = arith.mulf %add3A_490, %gather3A_483 : vector<16xf32>
      %add3A_492 = arith.addf %mul3A_491, %get3A_101 : vector<16xf32>
      %max3A_493 = arith.constant 0.000000e+00 : f32
      %max3A_494 = vector.broadcast %max3A_493 : f32 to vector<16xf32>
      %max3A_495 = arith.maximumf %add3A_492, %max3A_494 : vector<16xf32>
      %mul3A_496 = arith.mulf %max3A_495, %gather3A_483 : vector<16xf32>
      %swap3A_497 = arith.index_cast %add3A_479 : i32 to index
      %swap3A_498 = arith.constant 0 : index
      %swap3A_499 = tpu.vector_load %arg12[%swap3A_497, %swap3A_498] {strides = array<i32>} : memref<640x16xf32, #tpu.memory_space<vmem>>, vector<16xf32>,
      tpu.vector_store %arg12[%swap3A_497, %swap3A_498], %mul3A_496 {strides = array<i32>} : memref<640x16xf32, #tpu.memory_space<vmem>>, vector<16xf32>,
      %mul3A_500 = arith.constant 16 : i32
      %mul3A_501 = arith.muli %scan3A_187, %mul3A_500 : i32
      %add3A_502 = arith.constant 13 : i32
      %add3A_503 = arith.addi %mul3A_501, %add3A_502 : i32
      %broadcast_in_dim3A_504 = arith.constant 13 : i32
      %broadcast_in_dim3A_505 = vector.broadcast %broadcast_in_dim3A_504 : i32 to vector<16x1xi32>
      %gather3A_506 = vector.shape_cast %broadcast_in_dim3A_505 : vector<16x1xi32> to vector<16xi32>
      %gather3A_507 = tpu.dynamic_gather %get3A_191[%gather3A_506] in [0] : vector<16xf32>, vector<16xi32> -> vector<16xf32>
      %get3A_508 = arith.index_cast %add3A_503 : i32 to index
      %get3A_509 = arith.constant 0 : index
      %get3A_510 = tpu.vector_load %arg12[%get3A_508, %get3A_509] {strides = array<i32>} : memref<640x16xf32, #tpu.memory_space<vmem>>, vector<16xf32>,
      %get3A_511 = arith.index_cast %add3A_503 : i32 to index
      %get3A_512 = arith.constant 0 : index
      %get3A_513 = tpu.vector_load %arg13[%get3A_511, %get3A_512] {strides = array<i32>} : memref<640x16xf32, #tpu.memory_space<vmem>>, vector<16xf32>,
      %add3A_514 = arith.addf %get3A_510, %get3A_513 : vector<16xf32>
      %mul3A_515 = arith.mulf %add3A_514, %gather3A_507 : vector<16xf32>
      %add3A_516 = arith.addf %mul3A_515, %get3A_101 : vector<16xf32>
      %max3A_517 = arith.constant 0.000000e+00 : f32
      %max3A_518 = vector.broadcast %max3A_517 : f32 to vector<16xf32>
      %max3A_519 = arith.maximumf %add3A_516, %max3A_518 : vector<16xf32>
      %mul3A_520 = arith.mulf %max3A_519, %gather3A_507 : vector<16xf32>
      %swap3A_521 = arith.index_cast %add3A_503 : i32 to index
      %swap3A_522 = arith.constant 0 : index
      %swap3A_523 = tpu.vector_load %arg12[%swap3A_521, %swap3A_522] {strides = array<i32>} : memref<640x16xf32, #tpu.memory_space<vmem>>, vector<16xf32>,
      tpu.vector_store %arg12[%swap3A_521, %swap3A_522], %mul3A_520 {strides = array<i32>} : memref<640x16xf32, #tpu.memory_space<vmem>>, vector<16xf32>,
      %mul3A_524 = arith.constant 16 : i32
      %mul3A_525 = arith.muli %scan3A_187, %mul3A_524 : i32
      %add3A_526 = arith.constant 14 : i32
      %add3A_527 = arith.addi %mul3A_525, %add3A_526 : i32
      %broadcast_in_dim3A_528 = arith.constant 14 : i32
      %broadcast_in_dim3A_529 = vector.broadcast %broadcast_in_dim3A_528 : i32 to vector<16x1xi32>
      %gather3A_530 = vector.shape_cast %broadcast_in_dim3A_529 : vector<16x1xi32> to vector<16xi32>
      %gather3A_531 = tpu.dynamic_gather %get3A_191[%gather3A_530] in [0] : vector<16xf32>, vector<16xi32> -> vector<16xf32>
      %get3A_532 = arith.index_cast %add3A_527 : i32 to index
      %get3A_533 = arith.constant 0 : index
      %get3A_534 = tpu.vector_load %arg12[%get3A_532, %get3A_533] {strides = array<i32>} : memref<640x16xf32, #tpu.memory_space<vmem>>, vector<16xf32>,
      %get3A_535 = arith.index_cast %add3A_527 : i32 to index
      %get3A_536 = arith.constant 0 : index
      %get3A_537 = tpu.vector_load %arg13[%get3A_535, %get3A_536] {strides = array<i32>} : memref<640x16xf32, #tpu.memory_space<vmem>>, vector<16xf32>,
      %add3A_538 = arith.addf %get3A_534, %get3A_537 : vector<16xf32>
      %mul3A_539 = arith.mulf %add3A_538, %gather3A_531 : vector<16xf32>
      %add3A_540 = arith.addf %mul3A_539, %get3A_101 : vector<16xf32>
      %max3A_541 = arith.constant 0.000000e+00 : f32
      %max3A_542 = vector.broadcast %max3A_541 : f32 to vector<16xf32>
      %max3A_543 = arith.maximumf %add3A_540, %max3A_542 : vector<16xf32>
      %mul3A_544 = arith.mulf %max3A_543, %gather3A_531 : vector<16xf32>
      %swap3A_545 = arith.index_cast %add3A_527 : i32 to index
      %swap3A_546 = arith.constant 0 : index
      %swap3A_547 = tpu.vector_load %arg12[%swap3A_545, %swap3A_546] {strides = array<i32>} : memref<640x16xf32, #tpu.memory_space<vmem>>, vector<16xf32>,
      tpu.vector_store %arg12[%swap3A_545, %swap3A_546], %mul3A_544 {strides = array<i32>} : memref<640x16xf32, #tpu.memory_space<vmem>>, vector<16xf32>,
      %mul3A_548 = arith.constant 16 : i32
      %mul3A_549 = arith.muli %scan3A_187, %mul3A_548 : i32
      %add3A_550 = arith.constant 15 : i32
      %add3A_551 = arith.addi %mul3A_549, %add3A_550 : i32
      %broadcast_in_dim3A_552 = arith.constant 15 : i32
      %broadcast_in_dim3A_553 = vector.broadcast %broadcast_in_dim3A_552 : i32 to vector<16x1xi32>
      %gather3A_554 = vector.shape_cast %broadcast_in_dim3A_553 : vector<16x1xi32> to vector<16xi32>
      %gather3A_555 = tpu.dynamic_gather %get3A_191[%gather3A_554] in [0] : vector<16xf32>, vector<16xi32> -> vector<16xf32>
      %get3A_556 = arith.index_cast %add3A_551 : i32 to index
      %get3A_557 = arith.constant 0 : index
      %get3A_558 = tpu.vector_load %arg12[%get3A_556, %get3A_557] {strides = array<i32>} : memref<640x16xf32, #tpu.memory_space<vmem>>, vector<16xf32>,
      %get3A_559 = arith.index_cast %add3A_551 : i32 to index
      %get3A_560 = arith.constant 0 : index
      %get3A_561 = tpu.vector_load %arg13[%get3A_559, %get3A_560] {strides = array<i32>} : memref<640x16xf32, #tpu.memory_space<vmem>>, vector<16xf32>,
      %add3A_562 = arith.addf %get3A_558, %get3A_561 : vector<16xf32>
      %mul3A_563 = arith.mulf %add3A_562, %gather3A_555 : vector<16xf32>
      %add3A_564 = arith.addf %mul3A_563, %get3A_101 : vector<16xf32>
      %max3A_565 = arith.constant 0.000000e+00 : f32
      %max3A_566 = vector.broadcast %max3A_565 : f32 to vector<16xf32>
      %max3A_567 = arith.maximumf %add3A_564, %max3A_566 : vector<16xf32>
      %mul3A_568 = arith.mulf %max3A_567, %gather3A_555 : vector<16xf32>
      %swap3A_569 = arith.index_cast %add3A_551 : i32 to index
      %swap3A_570 = arith.constant 0 : index
      %swap3A_571 = tpu.vector_load %arg12[%swap3A_569, %swap3A_570] {strides = array<i32>} : memref<640x16xf32, #tpu.memory_space<vmem>>, vector<16xf32>,
      tpu.vector_store %arg12[%swap3A_569, %swap3A_570], %mul3A_568 {strides = array<i32>} : memref<640x16xf32, #tpu.memory_space<vmem>>, vector<16xf32>,
    }
    %scan3A_106 = arith.constant 40 : i32
    %eq3A = arith.constant 0 : i32
    %eq3A_107 = arith.cmpi eq, %arg0, %eq3A : i32
    %convert_element_type3A = arith.extui %eq3A_107 : i1 to i32
    %cond3A = arith.constant 0 : i32
    %cond3A_108 = arith.cmpi ne, %convert_element_type3A, %cond3A : i32
    scf.if %cond3A_108 {
      "tpu.region"() ({
        %run_scoped3A = tpu.sem_alloc : memref<!tpu.dma_semaphore, #tpu.memory_space<semaphore_mem>>
        %dma_start3A_187 = arith.constant 0 : i32
        %dma_start3A_188 = tpu.memref_slice %arg16[%mul3A_2, %dma_start3A_187] : memref<10240x16xf32, #tpu.memory_space<vmem_shared>> -> memref<640x16xf32, #tpu.memory_space<vmem_shared>>
        %dma_start3A_189 = arith.constant 0 : i32
        %dma_start3A_190 = tpu.memref_slice %arg16[%mul3A_2, %dma_start3A_189] : memref<10240x16xf32, #tpu.memory_space<vmem_shared>> -> memref<640x16xf32, #tpu.memory_space<vmem_shared>>
        tpu.enqueue_dma source(%arg12 : memref<640x16xf32, #tpu.memory_space<vmem>>) target(%dma_start3A_190 : memref<640x16xf32, #tpu.memory_space<vmem_shared>>) target_semaphore(%run_scoped3A : memref<!tpu.dma_semaphore, #tpu.memory_space<semaphore_mem>>)
        %dma_wait3A_191 = arith.constant 0 : i32
        %dma_wait3A_192 = tpu.memref_slice %arg16[%mul3A_2, %dma_wait3A_191] : memref<10240x16xf32, #tpu.memory_space<vmem_shared>> -> memref<640x16xf32, #tpu.memory_space<vmem_shared>>
        %dma_wait3A_193 = arith.constant 0 : i32
        %dma_wait3A_194 = tpu.memref_slice %arg16[%mul3A_2, %dma_wait3A_193] : memref<10240x16xf32, #tpu.memory_space<vmem_shared>> -> memref<640x16xf32, #tpu.memory_space<vmem_shared>>
        tpu.wait_dma2 semaphore(%run_scoped3A : memref<!tpu.dma_semaphore, #tpu.memory_space<semaphore_mem>>) src(%arg12 : memref<640x16xf32, #tpu.memory_space<vmem>>) dst(%dma_wait3A_194 : memref<640x16xf32, #tpu.memory_space<vmem_shared>>)
        tpu.yield
      }) : () -> ()
    } else {
    }
    %eq3A_109 = arith.constant 1 : i32
    %eq3A_110 = arith.cmpi eq, %arg0, %eq3A_109 : i32
    %convert_element_type3A_111 = arith.extui %eq3A_110 : i1 to i32
    %cond3A_112 = arith.constant 0 : i32
    %cond3A_113 = arith.cmpi ne, %convert_element_type3A_111, %cond3A_112 : i32
    scf.if %cond3A_113 {
      "tpu.region"() ({
        %run_scoped3A = tpu.sem_alloc : memref<!tpu.dma_semaphore, #tpu.memory_space<semaphore_mem>>
        %dma_start3A_187 = arith.constant 0 : i32
        %dma_start3A_188 = tpu.memref_slice %arg16[%mul3A_2, %dma_start3A_187] : memref<10240x16xf32, #tpu.memory_space<vmem_shared>> -> memref<640x16xf32, #tpu.memory_space<vmem_shared>>
        tpu.enqueue_dma source(%arg7 : memref<640x16xf32, #tpu.memory_space<hbm>>) target(%dma_start3A_188 : memref<640x16xf32, #tpu.memory_space<vmem_shared>>) target_semaphore(%run_scoped3A : memref<!tpu.dma_semaphore, #tpu.memory_space<semaphore_mem>>)
        %dma_wait3A_189 = arith.constant 0 : i32
        %dma_wait3A_190 = tpu.memref_slice %arg16[%mul3A_2, %dma_wait3A_189] : memref<10240x16xf32, #tpu.memory_space<vmem_shared>> -> memref<640x16xf32, #tpu.memory_space<vmem_shared>>
        tpu.wait_dma2 semaphore(%run_scoped3A : memref<!tpu.dma_semaphore, #tpu.memory_space<semaphore_mem>>) src(%arg7 : memref<640x16xf32, #tpu.memory_space<hbm>>) dst(%dma_wait3A_190 : memref<640x16xf32, #tpu.memory_space<vmem_shared>>)
        tpu.yield
      }) : () -> ()
    } else {
    }
    "tpu.region"() ({
      %run_scoped3A = tpu.sem_alloc : memref<!tpu.dma_semaphore, #tpu.memory_space<semaphore_mem>>
      %dma_start3A_187 = arith.constant 0 : i32
      %dma_start3A_188 = tpu.memref_slice %arg17[%mul3A_2, %dma_start3A_187] : memref<10240x16xf32, #tpu.memory_space<vmem_shared>> -> memref<640x16xf32, #tpu.memory_space<vmem_shared>>
      %dma_start3A_189 = arith.constant 0 : i32
      %dma_start3A_190 = tpu.memref_slice %arg17[%mul3A_2, %dma_start3A_189] : memref<10240x16xf32, #tpu.memory_space<vmem_shared>> -> memref<640x16xf32, #tpu.memory_space<vmem_shared>>
      tpu.enqueue_dma source(%arg12 : memref<640x16xf32, #tpu.memory_space<vmem>>) target(%dma_start3A_190 : memref<640x16xf32, #tpu.memory_space<vmem_shared>>) target_semaphore(%run_scoped3A : memref<!tpu.dma_semaphore, #tpu.memory_space<semaphore_mem>>)
      %dma_wait3A_191 = arith.constant 0 : i32
      %dma_wait3A_192 = tpu.memref_slice %arg17[%mul3A_2, %dma_wait3A_191] : memref<10240x16xf32, #tpu.memory_space<vmem_shared>> -> memref<640x16xf32, #tpu.memory_space<vmem_shared>>
      %dma_wait3A_193 = arith.constant 0 : i32
      %dma_wait3A_194 = tpu.memref_slice %arg17[%mul3A_2, %dma_wait3A_193] : memref<10240x16xf32, #tpu.memory_space<vmem_shared>> -> memref<640x16xf32, #tpu.memory_space<vmem_shared>>
      tpu.wait_dma2 semaphore(%run_scoped3A : memref<!tpu.dma_semaphore, #tpu.memory_space<semaphore_mem>>) src(%arg12 : memref<640x16xf32, #tpu.memory_space<vmem>>) dst(%dma_wait3A_194 : memref<640x16xf32, #tpu.memory_space<vmem_shared>>)
      tpu.yield
    }) : () -> ()
    %barrier3A = arith.constant 0 : index
    tpu.barrier barrier_id(%barrier3A)
    %dma_start3A_114 = arith.constant 0 : i32
    %dma_start3A_115 = arith.constant 0 : i32
    %dma_start3A_116 = arith.constant 0 : i32
    %dma_start3A_117 = arith.constant 0 : i32
    %dma_start3A_118 = arith.constant 0 : i32
    %dma_start3A_119 = tpu.memref_slice %arg11[%dma_start3A_115, %dma_start3A_117, %dma_start3A_118] : memref<2x1000x16xf32, #tpu.memory_space<vmem>> -> memref<1x1000x16xf32, #tpu.memory_space<vmem>>
    %dma_start3A_120 = tpu.memref_squeeze %dma_start3A_119 : memref<1x1000x16xf32, #tpu.memory_space<vmem>> -> memref<1000x16xf32, #tpu.memory_space<vmem>>
    %dma_start3A_121 = arith.constant 0 : i32
    %dma_start3A_122 = tpu.memref_slice %arg9[%dma_start3A_114, %dma_start3A_121] : memref<10x1000xi32, #tpu.memory_space<vmem>> -> memref<1x1000xi32, #tpu.memory_space<vmem>>
    %dma_start3A_123 = tpu.memref_squeeze %dma_start3A_122 : memref<1x1000xi32, #tpu.memory_space<vmem>> -> memref<1000xi32, #tpu.memory_space<vmem>>
    %dma_start3A_124 = arith.constant 0 : i32
    %dma_start3A_125 = arith.constant 0 : i32
    %dma_start3A_126 = tpu.memref_slice %arg17[%dma_start3A_124, %dma_start3A_125] : memref<10240x16xf32, #tpu.memory_space<vmem_shared>> -> memref<10240x16xf32, #tpu.memory_space<vmem_shared>>
    %dma_start3A_127 = tpu.memref_slice %arg18[%dma_start3A_116] : memref<2x!tpu.dma_semaphore, #tpu.memory_space<semaphore_mem>> -> memref<1x!tpu.dma_semaphore, #tpu.memory_space<semaphore_mem>>
    %dma_start3A_128 = tpu.memref_squeeze %dma_start3A_127 : memref<1x!tpu.dma_semaphore, #tpu.memory_space<semaphore_mem>> -> memref<!tpu.dma_semaphore, #tpu.memory_space<semaphore_mem>>
    tpu.enqueue_indirect_dma source(%dma_start3A_126 : memref<10240x16xf32, #tpu.memory_space<vmem_shared>>) target(%dma_start3A_120 : memref<1000x16xf32, #tpu.memory_space<vmem>>) offsets(%dma_start3A_123 : memref<1000xi32, #tpu.memory_space<vmem>>) semaphore(%dma_start3A_128 : memref<!tpu.dma_semaphore, #tpu.memory_space<semaphore_mem>>)
    %dma_start3A_129 = arith.constant 1 : i32
    %dma_start3A_130 = arith.constant 1 : i32
    %dma_start3A_131 = arith.constant 1 : i32
    %dma_start3A_132 = arith.constant 0 : i32
    %dma_start3A_133 = arith.constant 0 : i32
    %dma_start3A_134 = tpu.memref_slice %arg11[%dma_start3A_130, %dma_start3A_132, %dma_start3A_133] : memref<2x1000x16xf32, #tpu.memory_space<vmem>> -> memref<1x1000x16xf32, #tpu.memory_space<vmem>>
    %dma_start3A_135 = tpu.memref_squeeze %dma_start3A_134 : memref<1x1000x16xf32, #tpu.memory_space<vmem>> -> memref<1000x16xf32, #tpu.memory_space<vmem>>
    %dma_start3A_136 = arith.constant 0 : i32
    %dma_start3A_137 = tpu.memref_slice %arg9[%dma_start3A_129, %dma_start3A_136] : memref<10x1000xi32, #tpu.memory_space<vmem>> -> memref<1x1000xi32, #tpu.memory_space<vmem>>
    %dma_start3A_138 = tpu.memref_squeeze %dma_start3A_137 : memref<1x1000xi32, #tpu.memory_space<vmem>> -> memref<1000xi32, #tpu.memory_space<vmem>>
    %dma_start3A_139 = arith.constant 0 : i32
    %dma_start3A_140 = arith.constant 0 : i32
    %dma_start3A_141 = tpu.memref_slice %arg17[%dma_start3A_139, %dma_start3A_140] : memref<10240x16xf32, #tpu.memory_space<vmem_shared>> -> memref<10240x16xf32, #tpu.memory_space<vmem_shared>>
    %dma_start3A_142 = tpu.memref_slice %arg18[%dma_start3A_131] : memref<2x!tpu.dma_semaphore, #tpu.memory_space<semaphore_mem>> -> memref<1x!tpu.dma_semaphore, #tpu.memory_space<semaphore_mem>>
    %dma_start3A_143 = tpu.memref_squeeze %dma_start3A_142 : memref<1x!tpu.dma_semaphore, #tpu.memory_space<semaphore_mem>> -> memref<!tpu.dma_semaphore, #tpu.memory_space<semaphore_mem>>
    tpu.enqueue_indirect_dma source(%dma_start3A_141 : memref<10240x16xf32, #tpu.memory_space<vmem_shared>>) target(%dma_start3A_135 : memref<1000x16xf32, #tpu.memory_space<vmem>>) offsets(%dma_start3A_138 : memref<1000xi32, #tpu.memory_space<vmem>>) semaphore(%dma_start3A_143 : memref<!tpu.dma_semaphore, #tpu.memory_space<semaphore_mem>>)
    %scan3A_144 = arith.constant 0 : i32
    %scan3A_145 = arith.constant 0 : i32
    %scan3A_146 = arith.constant 5 : i32
    %scan3A_147 = arith.addi %scan3A_145, %scan3A_146 : i32
    %scan3A_148 = arith.constant 1 : i32
    scf.for %scan3A_187 = %scan3A_145 to %scan3A_147 step %scan3A_148  : i32 {
      %mul3A_188 = arith.constant 2 : i32
      %mul3A_189 = arith.muli %scan3A_187, %mul3A_188 : i32
      %add3A_190 = arith.constant 0 : i32
      %add3A_191 = arith.addi %mul3A_189, %add3A_190 : i32
      %dma_wait3A_192 = arith.constant 0 : i32
      %dma_wait3A_193 = arith.constant 0 : i32
      %dma_wait3A_194 = arith.constant 0 : i32
      %dma_wait3A_195 = arith.constant 0 : i32
      %dma_wait3A_196 = tpu.memref_slice %arg11[%dma_wait3A_192, %dma_wait3A_194, %dma_wait3A_195] : memref<2x1000x16xf32, #tpu.memory_space<vmem>> -> memref<1x1000x16xf32, #tpu.memory_space<vmem>>
      %dma_wait3A_197 = tpu.memref_squeeze %dma_wait3A_196 : memref<1x1000x16xf32, #tpu.memory_space<vmem>> -> memref<1000x16xf32, #tpu.memory_space<vmem>>
      %dma_wait3A_198 = arith.constant 0 : i32
      %dma_wait3A_199 = tpu.memref_slice %arg9[%add3A_191, %dma_wait3A_198] : memref<10x1000xi32, #tpu.memory_space<vmem>> -> memref<1x1000xi32, #tpu.memory_space<vmem>>
      %dma_wait3A_200 = tpu.memref_squeeze %dma_wait3A_199 : memref<1x1000xi32, #tpu.memory_space<vmem>> -> memref<1000xi32, #tpu.memory_space<vmem>>
      %dma_wait3A_201 = arith.constant 0 : i32
      %dma_wait3A_202 = arith.constant 0 : i32
      %dma_wait3A_203 = tpu.memref_slice %arg17[%dma_wait3A_201, %dma_wait3A_202] : memref<10240x16xf32, #tpu.memory_space<vmem_shared>> -> memref<10240x16xf32, #tpu.memory_space<vmem_shared>>
      %dma_wait3A_204 = tpu.memref_slice %arg18[%dma_wait3A_193] : memref<2x!tpu.dma_semaphore, #tpu.memory_space<semaphore_mem>> -> memref<1x!tpu.dma_semaphore, #tpu.memory_space<semaphore_mem>>
      %dma_wait3A_205 = tpu.memref_squeeze %dma_wait3A_204 : memref<1x!tpu.dma_semaphore, #tpu.memory_space<semaphore_mem>> -> memref<!tpu.dma_semaphore, #tpu.memory_space<semaphore_mem>>
      tpu.wait_indirect_dma semaphore(%dma_wait3A_205 : memref<!tpu.dma_semaphore, #tpu.memory_space<semaphore_mem>>) src(%dma_wait3A_203 : memref<10240x16xf32, #tpu.memory_space<vmem_shared>>) dst(%dma_wait3A_197 : memref<1000x16xf32, #tpu.memory_space<vmem>>)
      %dma_start3A_206 = arith.constant 0 : i32
      %dma_start3A_207 = arith.constant 0 : i32
      %dma_start3A_208 = arith.constant 0 : i32
      %dma_start3A_209 = arith.constant 0 : i32
      %dma_start3A_210 = tpu.memref_slice %arg11[%dma_start3A_206, %dma_start3A_208, %dma_start3A_209] : memref<2x1000x16xf32, #tpu.memory_space<vmem>> -> memref<1x1000x16xf32, #tpu.memory_space<vmem>>
      %dma_start3A_211 = tpu.memref_squeeze %dma_start3A_210 : memref<1x1000x16xf32, #tpu.memory_space<vmem>> -> memref<1000x16xf32, #tpu.memory_space<vmem>>
      %dma_start3A_212 = arith.constant 0 : i32
      %dma_start3A_213 = tpu.memref_slice %arg10[%add3A_191, %dma_start3A_212] : memref<10x1000xi32, #tpu.memory_space<vmem>> -> memref<1x1000xi32, #tpu.memory_space<vmem>>
      %dma_start3A_214 = tpu.memref_squeeze %dma_start3A_213 : memref<1x1000xi32, #tpu.memory_space<vmem>> -> memref<1000xi32, #tpu.memory_space<vmem>>
      %dma_start3A_215 = arith.constant 0 : i32
      %dma_start3A_216 = arith.constant 0 : i32
      %dma_start3A_217 = tpu.memref_slice %arg16[%dma_start3A_215, %dma_start3A_216] : memref<10240x16xf32, #tpu.memory_space<vmem_shared>> -> memref<10240x16xf32, #tpu.memory_space<vmem_shared>>
      %dma_start3A_218 = tpu.memref_slice %arg19[%dma_start3A_207] : memref<2x!tpu.dma_semaphore, #tpu.memory_space<semaphore_mem>> -> memref<1x!tpu.dma_semaphore, #tpu.memory_space<semaphore_mem>>
      %dma_start3A_219 = tpu.memref_squeeze %dma_start3A_218 : memref<1x!tpu.dma_semaphore, #tpu.memory_space<semaphore_mem>> -> memref<!tpu.dma_semaphore, #tpu.memory_space<semaphore_mem>>
      tpu.enqueue_indirect_dma source(%dma_start3A_211 : memref<1000x16xf32, #tpu.memory_space<vmem>>) target(%dma_start3A_217 : memref<10240x16xf32, #tpu.memory_space<vmem_shared>>) offsets(%dma_start3A_214 : memref<1000xi32, #tpu.memory_space<vmem>>) semaphore(%dma_start3A_219 : memref<!tpu.dma_semaphore, #tpu.memory_space<semaphore_mem>>) {add = true}
      %add3A_220 = arith.constant 1 : i32
      %add3A_221 = arith.addi %mul3A_189, %add3A_220 : i32
      %dma_wait3A_222 = arith.constant 1 : i32
      %dma_wait3A_223 = arith.constant 1 : i32
      %dma_wait3A_224 = arith.constant 0 : i32
      %dma_wait3A_225 = arith.constant 0 : i32
      %dma_wait3A_226 = tpu.memref_slice %arg11[%dma_wait3A_222, %dma_wait3A_224, %dma_wait3A_225] : memref<2x1000x16xf32, #tpu.memory_space<vmem>> -> memref<1x1000x16xf32, #tpu.memory_space<vmem>>
      %dma_wait3A_227 = tpu.memref_squeeze %dma_wait3A_226 : memref<1x1000x16xf32, #tpu.memory_space<vmem>> -> memref<1000x16xf32, #tpu.memory_space<vmem>>
      %dma_wait3A_228 = arith.constant 0 : i32
      %dma_wait3A_229 = tpu.memref_slice %arg9[%add3A_221, %dma_wait3A_228] : memref<10x1000xi32, #tpu.memory_space<vmem>> -> memref<1x1000xi32, #tpu.memory_space<vmem>>
      %dma_wait3A_230 = tpu.memref_squeeze %dma_wait3A_229 : memref<1x1000xi32, #tpu.memory_space<vmem>> -> memref<1000xi32, #tpu.memory_space<vmem>>
      %dma_wait3A_231 = arith.constant 0 : i32
      %dma_wait3A_232 = arith.constant 0 : i32
      %dma_wait3A_233 = tpu.memref_slice %arg17[%dma_wait3A_231, %dma_wait3A_232] : memref<10240x16xf32, #tpu.memory_space<vmem_shared>> -> memref<10240x16xf32, #tpu.memory_space<vmem_shared>>
      %dma_wait3A_234 = tpu.memref_slice %arg18[%dma_wait3A_223] : memref<2x!tpu.dma_semaphore, #tpu.memory_space<semaphore_mem>> -> memref<1x!tpu.dma_semaphore, #tpu.memory_space<semaphore_mem>>
      %dma_wait3A_235 = tpu.memref_squeeze %dma_wait3A_234 : memref<1x!tpu.dma_semaphore, #tpu.memory_space<semaphore_mem>> -> memref<!tpu.dma_semaphore, #tpu.memory_space<semaphore_mem>>
      tpu.wait_indirect_dma semaphore(%dma_wait3A_235 : memref<!tpu.dma_semaphore, #tpu.memory_space<semaphore_mem>>) src(%dma_wait3A_233 : memref<10240x16xf32, #tpu.memory_space<vmem_shared>>) dst(%dma_wait3A_227 : memref<1000x16xf32, #tpu.memory_space<vmem>>)
      %dma_start3A_236 = arith.constant 1 : i32
      %dma_start3A_237 = arith.constant 1 : i32
      %dma_start3A_238 = arith.constant 0 : i32
      %dma_start3A_239 = arith.constant 0 : i32
      %dma_start3A_240 = tpu.memref_slice %arg11[%dma_start3A_236, %dma_start3A_238, %dma_start3A_239] : memref<2x1000x16xf32, #tpu.memory_space<vmem>> -> memref<1x1000x16xf32, #tpu.memory_space<vmem>>
      %dma_start3A_241 = tpu.memref_squeeze %dma_start3A_240 : memref<1x1000x16xf32, #tpu.memory_space<vmem>> -> memref<1000x16xf32, #tpu.memory_space<vmem>>
      %dma_start3A_242 = arith.constant 0 : i32
      %dma_start3A_243 = tpu.memref_slice %arg10[%add3A_221, %dma_start3A_242] : memref<10x1000xi32, #tpu.memory_space<vmem>> -> memref<1x1000xi32, #tpu.memory_space<vmem>>
      %dma_start3A_244 = tpu.memref_squeeze %dma_start3A_243 : memref<1x1000xi32, #tpu.memory_space<vmem>> -> memref<1000xi32, #tpu.memory_space<vmem>>
      %dma_start3A_245 = arith.constant 0 : i32
      %dma_start3A_246 = arith.constant 0 : i32
      %dma_start3A_247 = tpu.memref_slice %arg16[%dma_start3A_245, %dma_start3A_246] : memref<10240x16xf32, #tpu.memory_space<vmem_shared>> -> memref<10240x16xf32, #tpu.memory_space<vmem_shared>>
      %dma_start3A_248 = tpu.memref_slice %arg19[%dma_start3A_237] : memref<2x!tpu.dma_semaphore, #tpu.memory_space<semaphore_mem>> -> memref<1x!tpu.dma_semaphore, #tpu.memory_space<semaphore_mem>>
      %dma_start3A_249 = tpu.memref_squeeze %dma_start3A_248 : memref<1x!tpu.dma_semaphore, #tpu.memory_space<semaphore_mem>> -> memref<!tpu.dma_semaphore, #tpu.memory_space<semaphore_mem>>
      tpu.enqueue_indirect_dma source(%dma_start3A_241 : memref<1000x16xf32, #tpu.memory_space<vmem>>) target(%dma_start3A_247 : memref<10240x16xf32, #tpu.memory_space<vmem_shared>>) offsets(%dma_start3A_244 : memref<1000xi32, #tpu.memory_space<vmem>>) semaphore(%dma_start3A_249 : memref<!tpu.dma_semaphore, #tpu.memory_space<semaphore_mem>>) {add = true}
      %lt3A = arith.constant 4 : i32
      %lt3A_250 = arith.cmpi slt, %scan3A_187, %lt3A : i32
      %convert_element_type3A_251 = arith.extui %lt3A_250 : i1 to i32
      %cond3A_252 = arith.constant 0 : i32
      %cond3A_253 = arith.cmpi ne, %convert_element_type3A_251, %cond3A_252 : i32
      scf.if %cond3A_253 {
        %add3A_254 = arith.constant 0 : i32
        %add3A_255 = arith.addi %mul3A_189, %add3A_254 : i32
        %dma_wait3A_256 = arith.constant 0 : i32
        %dma_wait3A_257 = arith.constant 0 : i32
        %dma_wait3A_258 = arith.constant 0 : i32
        %dma_wait3A_259 = arith.constant 0 : i32
        %dma_wait3A_260 = tpu.memref_slice %arg11[%dma_wait3A_256, %dma_wait3A_258, %dma_wait3A_259] : memref<2x1000x16xf32, #tpu.memory_space<vmem>> -> memref<1x1000x16xf32, #tpu.memory_space<vmem>>
        %dma_wait3A_261 = tpu.memref_squeeze %dma_wait3A_260 : memref<1x1000x16xf32, #tpu.memory_space<vmem>> -> memref<1000x16xf32, #tpu.memory_space<vmem>>
        %dma_wait3A_262 = arith.constant 0 : i32
        %dma_wait3A_263 = tpu.memref_slice %arg10[%add3A_255, %dma_wait3A_262] : memref<10x1000xi32, #tpu.memory_space<vmem>> -> memref<1x1000xi32, #tpu.memory_space<vmem>>
        %dma_wait3A_264 = tpu.memref_squeeze %dma_wait3A_263 : memref<1x1000xi32, #tpu.memory_space<vmem>> -> memref<1000xi32, #tpu.memory_space<vmem>>
        %dma_wait3A_265 = arith.constant 0 : i32
        %dma_wait3A_266 = arith.constant 0 : i32
        %dma_wait3A_267 = tpu.memref_slice %arg16[%dma_wait3A_265, %dma_wait3A_266] : memref<10240x16xf32, #tpu.memory_space<vmem_shared>> -> memref<10240x16xf32, #tpu.memory_space<vmem_shared>>
        %dma_wait3A_268 = tpu.memref_slice %arg19[%dma_wait3A_257] : memref<2x!tpu.dma_semaphore, #tpu.memory_space<semaphore_mem>> -> memref<1x!tpu.dma_semaphore, #tpu.memory_space<semaphore_mem>>
        %dma_wait3A_269 = tpu.memref_squeeze %dma_wait3A_268 : memref<1x!tpu.dma_semaphore, #tpu.memory_space<semaphore_mem>> -> memref<!tpu.dma_semaphore, #tpu.memory_space<semaphore_mem>>
        tpu.wait_indirect_dma semaphore(%dma_wait3A_269 : memref<!tpu.dma_semaphore, #tpu.memory_space<semaphore_mem>>) src(%dma_wait3A_261 : memref<1000x16xf32, #tpu.memory_space<vmem>>) dst(%dma_wait3A_267 : memref<10240x16xf32, #tpu.memory_space<vmem_shared>>)
        %add3A_270 = arith.constant 2 : i32
        %add3A_271 = arith.addi %add3A_255, %add3A_270 : i32
        %dma_start3A_272 = arith.constant 0 : i32
        %dma_start3A_273 = arith.constant 0 : i32
        %dma_start3A_274 = arith.constant 0 : i32
        %dma_start3A_275 = arith.constant 0 : i32
        %dma_start3A_276 = tpu.memref_slice %arg11[%dma_start3A_272, %dma_start3A_274, %dma_start3A_275] : memref<2x1000x16xf32, #tpu.memory_space<vmem>> -> memref<1x1000x16xf32, #tpu.memory_space<vmem>>
        %dma_start3A_277 = tpu.memref_squeeze %dma_start3A_276 : memref<1x1000x16xf32, #tpu.memory_space<vmem>> -> memref<1000x16xf32, #tpu.memory_space<vmem>>
        %dma_start3A_278 = arith.constant 0 : i32
        %dma_start3A_279 = tpu.memref_slice %arg9[%add3A_271, %dma_start3A_278] : memref<10x1000xi32, #tpu.memory_space<vmem>> -> memref<1x1000xi32, #tpu.memory_space<vmem>>
        %dma_start3A_280 = tpu.memref_squeeze %dma_start3A_279 : memref<1x1000xi32, #tpu.memory_space<vmem>> -> memref<1000xi32, #tpu.memory_space<vmem>>
        %dma_start3A_281 = arith.constant 0 : i32
        %dma_start3A_282 = arith.constant 0 : i32
        %dma_start3A_283 = tpu.memref_slice %arg17[%dma_start3A_281, %dma_start3A_282] : memref<10240x16xf32, #tpu.memory_space<vmem_shared>> -> memref<10240x16xf32, #tpu.memory_space<vmem_shared>>
        %dma_start3A_284 = tpu.memref_slice %arg18[%dma_start3A_273] : memref<2x!tpu.dma_semaphore, #tpu.memory_space<semaphore_mem>> -> memref<1x!tpu.dma_semaphore, #tpu.memory_space<semaphore_mem>>
        %dma_start3A_285 = tpu.memref_squeeze %dma_start3A_284 : memref<1x!tpu.dma_semaphore, #tpu.memory_space<semaphore_mem>> -> memref<!tpu.dma_semaphore, #tpu.memory_space<semaphore_mem>>
        tpu.enqueue_indirect_dma source(%dma_start3A_283 : memref<10240x16xf32, #tpu.memory_space<vmem_shared>>) target(%dma_start3A_277 : memref<1000x16xf32, #tpu.memory_space<vmem>>) offsets(%dma_start3A_280 : memref<1000xi32, #tpu.memory_space<vmem>>) semaphore(%dma_start3A_285 : memref<!tpu.dma_semaphore, #tpu.memory_space<semaphore_mem>>)
        %add3A_286 = arith.constant 1 : i32
        %add3A_287 = arith.addi %mul3A_189, %add3A_286 : i32
        %dma_wait3A_288 = arith.constant 1 : i32
        %dma_wait3A_289 = arith.constant 1 : i32
        %dma_wait3A_290 = arith.constant 0 : i32
        %dma_wait3A_291 = arith.constant 0 : i32
        %dma_wait3A_292 = tpu.memref_slice %arg11[%dma_wait3A_288, %dma_wait3A_290, %dma_wait3A_291] : memref<2x1000x16xf32, #tpu.memory_space<vmem>> -> memref<1x1000x16xf32, #tpu.memory_space<vmem>>
        %dma_wait3A_293 = tpu.memref_squeeze %dma_wait3A_292 : memref<1x1000x16xf32, #tpu.memory_space<vmem>> -> memref<1000x16xf32, #tpu.memory_space<vmem>>
        %dma_wait3A_294 = arith.constant 0 : i32
        %dma_wait3A_295 = tpu.memref_slice %arg10[%add3A_287, %dma_wait3A_294] : memref<10x1000xi32, #tpu.memory_space<vmem>> -> memref<1x1000xi32, #tpu.memory_space<vmem>>
        %dma_wait3A_296 = tpu.memref_squeeze %dma_wait3A_295 : memref<1x1000xi32, #tpu.memory_space<vmem>> -> memref<1000xi32, #tpu.memory_space<vmem>>
        %dma_wait3A_297 = arith.constant 0 : i32
        %dma_wait3A_298 = arith.constant 0 : i32
        %dma_wait3A_299 = tpu.memref_slice %arg16[%dma_wait3A_297, %dma_wait3A_298] : memref<10240x16xf32, #tpu.memory_space<vmem_shared>> -> memref<10240x16xf32, #tpu.memory_space<vmem_shared>>
        %dma_wait3A_300 = tpu.memref_slice %arg19[%dma_wait3A_289] : memref<2x!tpu.dma_semaphore, #tpu.memory_space<semaphore_mem>> -> memref<1x!tpu.dma_semaphore, #tpu.memory_space<semaphore_mem>>
        %dma_wait3A_301 = tpu.memref_squeeze %dma_wait3A_300 : memref<1x!tpu.dma_semaphore, #tpu.memory_space<semaphore_mem>> -> memref<!tpu.dma_semaphore, #tpu.memory_space<semaphore_mem>>
        tpu.wait_indirect_dma semaphore(%dma_wait3A_301 : memref<!tpu.dma_semaphore, #tpu.memory_space<semaphore_mem>>) src(%dma_wait3A_293 : memref<1000x16xf32, #tpu.memory_space<vmem>>) dst(%dma_wait3A_299 : memref<10240x16xf32, #tpu.memory_space<vmem_shared>>)
        %add3A_302 = arith.constant 2 : i32
        %add3A_303 = arith.addi %add3A_287, %add3A_302 : i32
        %dma_start3A_304 = arith.constant 1 : i32
        %dma_start3A_305 = arith.constant 1 : i32
        %dma_start3A_306 = arith.constant 0 : i32
        %dma_start3A_307 = arith.constant 0 : i32
        %dma_start3A_308 = tpu.memref_slice %arg11[%dma_start3A_304, %dma_start3A_306, %dma_start3A_307] : memref<2x1000x16xf32, #tpu.memory_space<vmem>> -> memref<1x1000x16xf32, #tpu.memory_space<vmem>>
        %dma_start3A_309 = tpu.memref_squeeze %dma_start3A_308 : memref<1x1000x16xf32, #tpu.memory_space<vmem>> -> memref<1000x16xf32, #tpu.memory_space<vmem>>
        %dma_start3A_310 = arith.constant 0 : i32
        %dma_start3A_311 = tpu.memref_slice %arg9[%add3A_303, %dma_start3A_310] : memref<10x1000xi32, #tpu.memory_space<vmem>> -> memref<1x1000xi32, #tpu.memory_space<vmem>>
        %dma_start3A_312 = tpu.memref_squeeze %dma_start3A_311 : memref<1x1000xi32, #tpu.memory_space<vmem>> -> memref<1000xi32, #tpu.memory_space<vmem>>
        %dma_start3A_313 = arith.constant 0 : i32
        %dma_start3A_314 = arith.constant 0 : i32
        %dma_start3A_315 = tpu.memref_slice %arg17[%dma_start3A_313, %dma_start3A_314] : memref<10240x16xf32, #tpu.memory_space<vmem_shared>> -> memref<10240x16xf32, #tpu.memory_space<vmem_shared>>
        %dma_start3A_316 = tpu.memref_slice %arg18[%dma_start3A_305] : memref<2x!tpu.dma_semaphore, #tpu.memory_space<semaphore_mem>> -> memref<1x!tpu.dma_semaphore, #tpu.memory_space<semaphore_mem>>
        %dma_start3A_317 = tpu.memref_squeeze %dma_start3A_316 : memref<1x!tpu.dma_semaphore, #tpu.memory_space<semaphore_mem>> -> memref<!tpu.dma_semaphore, #tpu.memory_space<semaphore_mem>>
        tpu.enqueue_indirect_dma source(%dma_start3A_315 : memref<10240x16xf32, #tpu.memory_space<vmem_shared>>) target(%dma_start3A_309 : memref<1000x16xf32, #tpu.memory_space<vmem>>) offsets(%dma_start3A_312 : memref<1000xi32, #tpu.memory_space<vmem>>) semaphore(%dma_start3A_317 : memref<!tpu.dma_semaphore, #tpu.memory_space<semaphore_mem>>)
      } else {
      }
    }
    %scan3A_149 = arith.constant 5 : i32
    %dma_wait3A_150 = arith.constant 0 : i32
    %dma_wait3A_151 = arith.constant 0 : i32
    %dma_wait3A_152 = arith.constant 0 : i32
    %dma_wait3A_153 = arith.constant 0 : i32
    %dma_wait3A_154 = arith.constant 0 : i32
    %dma_wait3A_155 = tpu.memref_slice %arg11[%dma_wait3A_150, %dma_wait3A_153, %dma_wait3A_154] : memref<2x1000x16xf32, #tpu.memory_space<vmem>> -> memref<1x1000x16xf32, #tpu.memory_space<vmem>>
    %dma_wait3A_156 = tpu.memref_squeeze %dma_wait3A_155 : memref<1x1000x16xf32, #tpu.memory_space<vmem>> -> memref<1000x16xf32, #tpu.memory_space<vmem>>
    %dma_wait3A_157 = arith.constant 0 : i32
    %dma_wait3A_158 = tpu.memref_slice %arg10[%dma_wait3A_151, %dma_wait3A_157] : memref<10x1000xi32, #tpu.memory_space<vmem>> -> memref<1x1000xi32, #tpu.memory_space<vmem>>
    %dma_wait3A_159 = tpu.memref_squeeze %dma_wait3A_158 : memref<1x1000xi32, #tpu.memory_space<vmem>> -> memref<1000xi32, #tpu.memory_space<vmem>>
    %dma_wait3A_160 = arith.constant 0 : i32
    %dma_wait3A_161 = arith.constant 0 : i32
    %dma_wait3A_162 = tpu.memref_slice %arg16[%dma_wait3A_160, %dma_wait3A_161] : memref<10240x16xf32, #tpu.memory_space<vmem_shared>> -> memref<10240x16xf32, #tpu.memory_space<vmem_shared>>
    %dma_wait3A_163 = tpu.memref_slice %arg19[%dma_wait3A_152] : memref<2x!tpu.dma_semaphore, #tpu.memory_space<semaphore_mem>> -> memref<1x!tpu.dma_semaphore, #tpu.memory_space<semaphore_mem>>
    %dma_wait3A_164 = tpu.memref_squeeze %dma_wait3A_163 : memref<1x!tpu.dma_semaphore, #tpu.memory_space<semaphore_mem>> -> memref<!tpu.dma_semaphore, #tpu.memory_space<semaphore_mem>>
    tpu.wait_indirect_dma semaphore(%dma_wait3A_164 : memref<!tpu.dma_semaphore, #tpu.memory_space<semaphore_mem>>) src(%dma_wait3A_156 : memref<1000x16xf32, #tpu.memory_space<vmem>>) dst(%dma_wait3A_162 : memref<10240x16xf32, #tpu.memory_space<vmem_shared>>)
    %dma_wait3A_165 = arith.constant 1 : i32
    %dma_wait3A_166 = arith.constant 1 : i32
    %dma_wait3A_167 = arith.constant 1 : i32
    %dma_wait3A_168 = arith.constant 0 : i32
    %dma_wait3A_169 = arith.constant 0 : i32
    %dma_wait3A_170 = tpu.memref_slice %arg11[%dma_wait3A_165, %dma_wait3A_168, %dma_wait3A_169] : memref<2x1000x16xf32, #tpu.memory_space<vmem>> -> memref<1x1000x16xf32, #tpu.memory_space<vmem>>
    %dma_wait3A_171 = tpu.memref_squeeze %dma_wait3A_170 : memref<1x1000x16xf32, #tpu.memory_space<vmem>> -> memref<1000x16xf32, #tpu.memory_space<vmem>>
    %dma_wait3A_172 = arith.constant 0 : i32
    %dma_wait3A_173 = tpu.memref_slice %arg10[%dma_wait3A_166, %dma_wait3A_172] : memref<10x1000xi32, #tpu.memory_space<vmem>> -> memref<1x1000xi32, #tpu.memory_space<vmem>>
    %dma_wait3A_174 = tpu.memref_squeeze %dma_wait3A_173 : memref<1x1000xi32, #tpu.memory_space<vmem>> -> memref<1000xi32, #tpu.memory_space<vmem>>
    %dma_wait3A_175 = arith.constant 0 : i32
    %dma_wait3A_176 = arith.constant 0 : i32
    %dma_wait3A_177 = tpu.memref_slice %arg16[%dma_wait3A_175, %dma_wait3A_176] : memref<10240x16xf32, #tpu.memory_space<vmem_shared>> -> memref<10240x16xf32, #tpu.memory_space<vmem_shared>>
    %dma_wait3A_178 = tpu.memref_slice %arg19[%dma_wait3A_167] : memref<2x!tpu.dma_semaphore, #tpu.memory_space<semaphore_mem>> -> memref<1x!tpu.dma_semaphore, #tpu.memory_space<semaphore_mem>>
    %dma_wait3A_179 = tpu.memref_squeeze %dma_wait3A_178 : memref<1x!tpu.dma_semaphore, #tpu.memory_space<semaphore_mem>> -> memref<!tpu.dma_semaphore, #tpu.memory_space<semaphore_mem>>
    tpu.wait_indirect_dma semaphore(%dma_wait3A_179 : memref<!tpu.dma_semaphore, #tpu.memory_space<semaphore_mem>>) src(%dma_wait3A_171 : memref<1000x16xf32, #tpu.memory_space<vmem>>) dst(%dma_wait3A_177 : memref<10240x16xf32, #tpu.memory_space<vmem_shared>>)
    %barrier3A_180 = arith.constant 0 : index
    tpu.barrier barrier_id(%barrier3A_180)
    "tpu.region"() ({
      %run_scoped3A = tpu.sem_alloc : memref<!tpu.dma_semaphore, #tpu.memory_space<semaphore_mem>>
      %dma_start3A_187 = arith.constant 0 : i32
      %dma_start3A_188 = tpu.memref_slice %arg16[%mul3A_2, %dma_start3A_187] : memref<10240x16xf32, #tpu.memory_space<vmem_shared>> -> memref<640x16xf32, #tpu.memory_space<vmem_shared>>
      %dma_start3A_189 = arith.constant 0 : i32
      %dma_start3A_190 = tpu.memref_slice %arg16[%mul3A_2, %dma_start3A_189] : memref<10240x16xf32, #tpu.memory_space<vmem_shared>> -> memref<640x16xf32, #tpu.memory_space<vmem_shared>>
      tpu.enqueue_dma source(%dma_start3A_190 : memref<640x16xf32, #tpu.memory_space<vmem_shared>>) target(%arg12 : memref<640x16xf32, #tpu.memory_space<vmem>>) target_semaphore(%run_scoped3A : memref<!tpu.dma_semaphore, #tpu.memory_space<semaphore_mem>>)
      %dma_wait3A_191 = arith.constant 0 : i32
      %dma_wait3A_192 = tpu.memref_slice %arg16[%mul3A_2, %dma_wait3A_191] : memref<10240x16xf32, #tpu.memory_space<vmem_shared>> -> memref<640x16xf32, #tpu.memory_space<vmem_shared>>
      %dma_wait3A_193 = arith.constant 0 : i32
      %dma_wait3A_194 = tpu.memref_slice %arg16[%mul3A_2, %dma_wait3A_193] : memref<10240x16xf32, #tpu.memory_space<vmem_shared>> -> memref<640x16xf32, #tpu.memory_space<vmem_shared>>
      tpu.wait_dma2 semaphore(%run_scoped3A : memref<!tpu.dma_semaphore, #tpu.memory_space<semaphore_mem>>) src(%dma_wait3A_194 : memref<640x16xf32, #tpu.memory_space<vmem_shared>>) dst(%arg12 : memref<640x16xf32, #tpu.memory_space<vmem>>)
      tpu.yield
    }) : () -> ()
    %scan3A_181 = arith.constant 0 : i32
    %scan3A_182 = arith.constant 0 : i32
    %scan3A_183 = arith.constant 40 : i32
    %scan3A_184 = arith.addi %scan3A_182, %scan3A_183 : i32
    %scan3A_185 = arith.constant 1 : i32
    scf.for %scan3A_187 = %scan3A_182 to %scan3A_184 step %scan3A_185  : i32 {
      %mul3A_188 = arith.constant 16 : i32
      %mul3A_189 = arith.muli %scan3A_187, %mul3A_188 : i32
      %get3A_190 = arith.index_cast %mul3A_189 : i32 to index
      %get3A_191 = tpu.vector_load %arg14[%get3A_190] {strides = array<i32>} : memref<640xf32, #tpu.memory_space<vmem>>, vector<16xf32>,
      %mul3A_192 = arith.constant 16 : i32
      %mul3A_193 = arith.muli %scan3A_187, %mul3A_192 : i32
      %add3A_194 = arith.constant 0 : i32
      %add3A_195 = arith.addi %mul3A_193, %add3A_194 : i32
      %get3A_196 = arith.index_cast %add3A_195 : i32 to index
      %get3A_197 = arith.constant 0 : index
      %get3A_198 = tpu.vector_load %arg12[%get3A_196, %get3A_197] {strides = array<i32>} : memref<640x16xf32, #tpu.memory_space<vmem>>, vector<16xf32>,
      %broadcast_in_dim3A = arith.constant 0 : i32
      %broadcast_in_dim3A_199 = vector.broadcast %broadcast_in_dim3A : i32 to vector<16x1xi32>
      %gather3A = vector.shape_cast %broadcast_in_dim3A_199 : vector<16x1xi32> to vector<16xi32>
      %gather3A_200 = tpu.dynamic_gather %get3A_191[%gather3A] in [0] : vector<16xf32>, vector<16xi32> -> vector<16xf32>
      %mul3A_201 = arith.mulf %get3A_198, %gather3A_200 : vector<16xf32>
      %swap3A = arith.index_cast %add3A_195 : i32 to index
      %swap3A_202 = arith.constant 0 : index
      %swap3A_203 = tpu.vector_load %arg12[%swap3A, %swap3A_202] {strides = array<i32>} : memref<640x16xf32, #tpu.memory_space<vmem>>, vector<16xf32>,
      tpu.vector_store %arg12[%swap3A, %swap3A_202], %mul3A_201 {strides = array<i32>} : memref<640x16xf32, #tpu.memory_space<vmem>>, vector<16xf32>,
      %mul3A_204 = arith.constant 16 : i32
      %mul3A_205 = arith.muli %scan3A_187, %mul3A_204 : i32
      %add3A_206 = arith.constant 1 : i32
      %add3A_207 = arith.addi %mul3A_205, %add3A_206 : i32
      %get3A_208 = arith.index_cast %add3A_207 : i32 to index
      %get3A_209 = arith.constant 0 : index
      %get3A_210 = tpu.vector_load %arg12[%get3A_208, %get3A_209] {strides = array<i32>} : memref<640x16xf32, #tpu.memory_space<vmem>>, vector<16xf32>,
      %broadcast_in_dim3A_211 = arith.constant 1 : i32
      %broadcast_in_dim3A_212 = vector.broadcast %broadcast_in_dim3A_211 : i32 to vector<16x1xi32>
      %gather3A_213 = vector.shape_cast %broadcast_in_dim3A_212 : vector<16x1xi32> to vector<16xi32>
      %gather3A_214 = tpu.dynamic_gather %get3A_191[%gather3A_213] in [0] : vector<16xf32>, vector<16xi32> -> vector<16xf32>
      %mul3A_215 = arith.mulf %get3A_210, %gather3A_214 : vector<16xf32>
      %swap3A_216 = arith.index_cast %add3A_207 : i32 to index
      %swap3A_217 = arith.constant 0 : index
      %swap3A_218 = tpu.vector_load %arg12[%swap3A_216, %swap3A_217] {strides = array<i32>} : memref<640x16xf32, #tpu.memory_space<vmem>>, vector<16xf32>,
      tpu.vector_store %arg12[%swap3A_216, %swap3A_217], %mul3A_215 {strides = array<i32>} : memref<640x16xf32, #tpu.memory_space<vmem>>, vector<16xf32>,
      %mul3A_219 = arith.constant 16 : i32
      %mul3A_220 = arith.muli %scan3A_187, %mul3A_219 : i32
      %add3A_221 = arith.constant 2 : i32
      %add3A_222 = arith.addi %mul3A_220, %add3A_221 : i32
      %get3A_223 = arith.index_cast %add3A_222 : i32 to index
      %get3A_224 = arith.constant 0 : index
      %get3A_225 = tpu.vector_load %arg12[%get3A_223, %get3A_224] {strides = array<i32>} : memref<640x16xf32, #tpu.memory_space<vmem>>, vector<16xf32>,
      %broadcast_in_dim3A_226 = arith.constant 2 : i32
      %broadcast_in_dim3A_227 = vector.broadcast %broadcast_in_dim3A_226 : i32 to vector<16x1xi32>
      %gather3A_228 = vector.shape_cast %broadcast_in_dim3A_227 : vector<16x1xi32> to vector<16xi32>
      %gather3A_229 = tpu.dynamic_gather %get3A_191[%gather3A_228] in [0] : vector<16xf32>, vector<16xi32> -> vector<16xf32>
      %mul3A_230 = arith.mulf %get3A_225, %gather3A_229 : vector<16xf32>
      %swap3A_231 = arith.index_cast %add3A_222 : i32 to index
      %swap3A_232 = arith.constant 0 : index
      %swap3A_233 = tpu.vector_load %arg12[%swap3A_231, %swap3A_232] {strides = array<i32>} : memref<640x16xf32, #tpu.memory_space<vmem>>, vector<16xf32>,
      tpu.vector_store %arg12[%swap3A_231, %swap3A_232], %mul3A_230 {strides = array<i32>} : memref<640x16xf32, #tpu.memory_space<vmem>>, vector<16xf32>,
      %mul3A_234 = arith.constant 16 : i32
      %mul3A_235 = arith.muli %scan3A_187, %mul3A_234 : i32
      %add3A_236 = arith.constant 3 : i32
      %add3A_237 = arith.addi %mul3A_235, %add3A_236 : i32
      %get3A_238 = arith.index_cast %add3A_237 : i32 to index
      %get3A_239 = arith.constant 0 : index
      %get3A_240 = tpu.vector_load %arg12[%get3A_238, %get3A_239] {strides = array<i32>} : memref<640x16xf32, #tpu.memory_space<vmem>>, vector<16xf32>,
      %broadcast_in_dim3A_241 = arith.constant 3 : i32
      %broadcast_in_dim3A_242 = vector.broadcast %broadcast_in_dim3A_241 : i32 to vector<16x1xi32>
      %gather3A_243 = vector.shape_cast %broadcast_in_dim3A_242 : vector<16x1xi32> to vector<16xi32>
      %gather3A_244 = tpu.dynamic_gather %get3A_191[%gather3A_243] in [0] : vector<16xf32>, vector<16xi32> -> vector<16xf32>
      %mul3A_245 = arith.mulf %get3A_240, %gather3A_244 : vector<16xf32>
      %swap3A_246 = arith.index_cast %add3A_237 : i32 to index
      %swap3A_247 = arith.constant 0 : index
      %swap3A_248 = tpu.vector_load %arg12[%swap3A_246, %swap3A_247] {strides = array<i32>} : memref<640x16xf32, #tpu.memory_space<vmem>>, vector<16xf32>,
      tpu.vector_store %arg12[%swap3A_246, %swap3A_247], %mul3A_245 {strides = array<i32>} : memref<640x16xf32, #tpu.memory_space<vmem>>, vector<16xf32>,
      %mul3A_249 = arith.constant 16 : i32
      %mul3A_250 = arith.muli %scan3A_187, %mul3A_249 : i32
      %add3A_251 = arith.constant 4 : i32
      %add3A_252 = arith.addi %mul3A_250, %add3A_251 : i32
      %get3A_253 = arith.index_cast %add3A_252 : i32 to index
      %get3A_254 = arith.constant 0 : index
      %get3A_255 = tpu.vector_load %arg12[%get3A_253, %get3A_254] {strides = array<i32>} : memref<640x16xf32, #tpu.memory_space<vmem>>, vector<16xf32>,
      %broadcast_in_dim3A_256 = arith.constant 4 : i32
      %broadcast_in_dim3A_257 = vector.broadcast %broadcast_in_dim3A_256 : i32 to vector<16x1xi32>
      %gather3A_258 = vector.shape_cast %broadcast_in_dim3A_257 : vector<16x1xi32> to vector<16xi32>
      %gather3A_259 = tpu.dynamic_gather %get3A_191[%gather3A_258] in [0] : vector<16xf32>, vector<16xi32> -> vector<16xf32>
      %mul3A_260 = arith.mulf %get3A_255, %gather3A_259 : vector<16xf32>
      %swap3A_261 = arith.index_cast %add3A_252 : i32 to index
      %swap3A_262 = arith.constant 0 : index
      %swap3A_263 = tpu.vector_load %arg12[%swap3A_261, %swap3A_262] {strides = array<i32>} : memref<640x16xf32, #tpu.memory_space<vmem>>, vector<16xf32>,
      tpu.vector_store %arg12[%swap3A_261, %swap3A_262], %mul3A_260 {strides = array<i32>} : memref<640x16xf32, #tpu.memory_space<vmem>>, vector<16xf32>,
      %mul3A_264 = arith.constant 16 : i32
      %mul3A_265 = arith.muli %scan3A_187, %mul3A_264 : i32
      %add3A_266 = arith.constant 5 : i32
      %add3A_267 = arith.addi %mul3A_265, %add3A_266 : i32
      %get3A_268 = arith.index_cast %add3A_267 : i32 to index
      %get3A_269 = arith.constant 0 : index
      %get3A_270 = tpu.vector_load %arg12[%get3A_268, %get3A_269] {strides = array<i32>} : memref<640x16xf32, #tpu.memory_space<vmem>>, vector<16xf32>,
      %broadcast_in_dim3A_271 = arith.constant 5 : i32
      %broadcast_in_dim3A_272 = vector.broadcast %broadcast_in_dim3A_271 : i32 to vector<16x1xi32>
      %gather3A_273 = vector.shape_cast %broadcast_in_dim3A_272 : vector<16x1xi32> to vector<16xi32>
      %gather3A_274 = tpu.dynamic_gather %get3A_191[%gather3A_273] in [0] : vector<16xf32>, vector<16xi32> -> vector<16xf32>
      %mul3A_275 = arith.mulf %get3A_270, %gather3A_274 : vector<16xf32>
      %swap3A_276 = arith.index_cast %add3A_267 : i32 to index
      %swap3A_277 = arith.constant 0 : index
      %swap3A_278 = tpu.vector_load %arg12[%swap3A_276, %swap3A_277] {strides = array<i32>} : memref<640x16xf32, #tpu.memory_space<vmem>>, vector<16xf32>,
      tpu.vector_store %arg12[%swap3A_276, %swap3A_277], %mul3A_275 {strides = array<i32>} : memref<640x16xf32, #tpu.memory_space<vmem>>, vector<16xf32>,
      %mul3A_279 = arith.constant 16 : i32
      %mul3A_280 = arith.muli %scan3A_187, %mul3A_279 : i32
      %add3A_281 = arith.constant 6 : i32
      %add3A_282 = arith.addi %mul3A_280, %add3A_281 : i32
      %get3A_283 = arith.index_cast %add3A_282 : i32 to index
      %get3A_284 = arith.constant 0 : index
      %get3A_285 = tpu.vector_load %arg12[%get3A_283, %get3A_284] {strides = array<i32>} : memref<640x16xf32, #tpu.memory_space<vmem>>, vector<16xf32>,
      %broadcast_in_dim3A_286 = arith.constant 6 : i32
      %broadcast_in_dim3A_287 = vector.broadcast %broadcast_in_dim3A_286 : i32 to vector<16x1xi32>
      %gather3A_288 = vector.shape_cast %broadcast_in_dim3A_287 : vector<16x1xi32> to vector<16xi32>
      %gather3A_289 = tpu.dynamic_gather %get3A_191[%gather3A_288] in [0] : vector<16xf32>, vector<16xi32> -> vector<16xf32>
      %mul3A_290 = arith.mulf %get3A_285, %gather3A_289 : vector<16xf32>
      %swap3A_291 = arith.index_cast %add3A_282 : i32 to index
      %swap3A_292 = arith.constant 0 : index
      %swap3A_293 = tpu.vector_load %arg12[%swap3A_291, %swap3A_292] {strides = array<i32>} : memref<640x16xf32, #tpu.memory_space<vmem>>, vector<16xf32>,
      tpu.vector_store %arg12[%swap3A_291, %swap3A_292], %mul3A_290 {strides = array<i32>} : memref<640x16xf32, #tpu.memory_space<vmem>>, vector<16xf32>,
      %mul3A_294 = arith.constant 16 : i32
      %mul3A_295 = arith.muli %scan3A_187, %mul3A_294 : i32
      %add3A_296 = arith.constant 7 : i32
      %add3A_297 = arith.addi %mul3A_295, %add3A_296 : i32
      %get3A_298 = arith.index_cast %add3A_297 : i32 to index
      %get3A_299 = arith.constant 0 : index
      %get3A_300 = tpu.vector_load %arg12[%get3A_298, %get3A_299] {strides = array<i32>} : memref<640x16xf32, #tpu.memory_space<vmem>>, vector<16xf32>,
      %broadcast_in_dim3A_301 = arith.constant 7 : i32
      %broadcast_in_dim3A_302 = vector.broadcast %broadcast_in_dim3A_301 : i32 to vector<16x1xi32>
      %gather3A_303 = vector.shape_cast %broadcast_in_dim3A_302 : vector<16x1xi32> to vector<16xi32>
      %gather3A_304 = tpu.dynamic_gather %get3A_191[%gather3A_303] in [0] : vector<16xf32>, vector<16xi32> -> vector<16xf32>
      %mul3A_305 = arith.mulf %get3A_300, %gather3A_304 : vector<16xf32>
      %swap3A_306 = arith.index_cast %add3A_297 : i32 to index
      %swap3A_307 = arith.constant 0 : index
      %swap3A_308 = tpu.vector_load %arg12[%swap3A_306, %swap3A_307] {strides = array<i32>} : memref<640x16xf32, #tpu.memory_space<vmem>>, vector<16xf32>,
      tpu.vector_store %arg12[%swap3A_306, %swap3A_307], %mul3A_305 {strides = array<i32>} : memref<640x16xf32, #tpu.memory_space<vmem>>, vector<16xf32>,
      %mul3A_309 = arith.constant 16 : i32
      %mul3A_310 = arith.muli %scan3A_187, %mul3A_309 : i32
      %add3A_311 = arith.constant 8 : i32
      %add3A_312 = arith.addi %mul3A_310, %add3A_311 : i32
      %get3A_313 = arith.index_cast %add3A_312 : i32 to index
      %get3A_314 = arith.constant 0 : index
      %get3A_315 = tpu.vector_load %arg12[%get3A_313, %get3A_314] {strides = array<i32>} : memref<640x16xf32, #tpu.memory_space<vmem>>, vector<16xf32>,
      %broadcast_in_dim3A_316 = arith.constant 8 : i32
      %broadcast_in_dim3A_317 = vector.broadcast %broadcast_in_dim3A_316 : i32 to vector<16x1xi32>
      %gather3A_318 = vector.shape_cast %broadcast_in_dim3A_317 : vector<16x1xi32> to vector<16xi32>
      %gather3A_319 = tpu.dynamic_gather %get3A_191[%gather3A_318] in [0] : vector<16xf32>, vector<16xi32> -> vector<16xf32>
      %mul3A_320 = arith.mulf %get3A_315, %gather3A_319 : vector<16xf32>
      %swap3A_321 = arith.index_cast %add3A_312 : i32 to index
      %swap3A_322 = arith.constant 0 : index
      %swap3A_323 = tpu.vector_load %arg12[%swap3A_321, %swap3A_322] {strides = array<i32>} : memref<640x16xf32, #tpu.memory_space<vmem>>, vector<16xf32>,
      tpu.vector_store %arg12[%swap3A_321, %swap3A_322], %mul3A_320 {strides = array<i32>} : memref<640x16xf32, #tpu.memory_space<vmem>>, vector<16xf32>,
      %mul3A_324 = arith.constant 16 : i32
      %mul3A_325 = arith.muli %scan3A_187, %mul3A_324 : i32
      %add3A_326 = arith.constant 9 : i32
      %add3A_327 = arith.addi %mul3A_325, %add3A_326 : i32
      %get3A_328 = arith.index_cast %add3A_327 : i32 to index
      %get3A_329 = arith.constant 0 : index
      %get3A_330 = tpu.vector_load %arg12[%get3A_328, %get3A_329] {strides = array<i32>} : memref<640x16xf32, #tpu.memory_space<vmem>>, vector<16xf32>,
      %broadcast_in_dim3A_331 = arith.constant 9 : i32
      %broadcast_in_dim3A_332 = vector.broadcast %broadcast_in_dim3A_331 : i32 to vector<16x1xi32>
      %gather3A_333 = vector.shape_cast %broadcast_in_dim3A_332 : vector<16x1xi32> to vector<16xi32>
      %gather3A_334 = tpu.dynamic_gather %get3A_191[%gather3A_333] in [0] : vector<16xf32>, vector<16xi32> -> vector<16xf32>
      %mul3A_335 = arith.mulf %get3A_330, %gather3A_334 : vector<16xf32>
      %swap3A_336 = arith.index_cast %add3A_327 : i32 to index
      %swap3A_337 = arith.constant 0 : index
      %swap3A_338 = tpu.vector_load %arg12[%swap3A_336, %swap3A_337] {strides = array<i32>} : memref<640x16xf32, #tpu.memory_space<vmem>>, vector<16xf32>,
      tpu.vector_store %arg12[%swap3A_336, %swap3A_337], %mul3A_335 {strides = array<i32>} : memref<640x16xf32, #tpu.memory_space<vmem>>, vector<16xf32>,
      %mul3A_339 = arith.constant 16 : i32
      %mul3A_340 = arith.muli %scan3A_187, %mul3A_339 : i32
      %add3A_341 = arith.constant 10 : i32
      %add3A_342 = arith.addi %mul3A_340, %add3A_341 : i32
      %get3A_343 = arith.index_cast %add3A_342 : i32 to index
      %get3A_344 = arith.constant 0 : index
      %get3A_345 = tpu.vector_load %arg12[%get3A_343, %get3A_344] {strides = array<i32>} : memref<640x16xf32, #tpu.memory_space<vmem>>, vector<16xf32>,
      %broadcast_in_dim3A_346 = arith.constant 10 : i32
      %broadcast_in_dim3A_347 = vector.broadcast %broadcast_in_dim3A_346 : i32 to vector<16x1xi32>
      %gather3A_348 = vector.shape_cast %broadcast_in_dim3A_347 : vector<16x1xi32> to vector<16xi32>
      %gather3A_349 = tpu.dynamic_gather %get3A_191[%gather3A_348] in [0] : vector<16xf32>, vector<16xi32> -> vector<16xf32>
      %mul3A_350 = arith.mulf %get3A_345, %gather3A_349 : vector<16xf32>
      %swap3A_351 = arith.index_cast %add3A_342 : i32 to index
      %swap3A_352 = arith.constant 0 : index
      %swap3A_353 = tpu.vector_load %arg12[%swap3A_351, %swap3A_352] {strides = array<i32>} : memref<640x16xf32, #tpu.memory_space<vmem>>, vector<16xf32>,
      tpu.vector_store %arg12[%swap3A_351, %swap3A_352], %mul3A_350 {strides = array<i32>} : memref<640x16xf32, #tpu.memory_space<vmem>>, vector<16xf32>,
      %mul3A_354 = arith.constant 16 : i32
      %mul3A_355 = arith.muli %scan3A_187, %mul3A_354 : i32
      %add3A_356 = arith.constant 11 : i32
      %add3A_357 = arith.addi %mul3A_355, %add3A_356 : i32
      %get3A_358 = arith.index_cast %add3A_357 : i32 to index
      %get3A_359 = arith.constant 0 : index
      %get3A_360 = tpu.vector_load %arg12[%get3A_358, %get3A_359] {strides = array<i32>} : memref<640x16xf32, #tpu.memory_space<vmem>>, vector<16xf32>,
      %broadcast_in_dim3A_361 = arith.constant 11 : i32
      %broadcast_in_dim3A_362 = vector.broadcast %broadcast_in_dim3A_361 : i32 to vector<16x1xi32>
      %gather3A_363 = vector.shape_cast %broadcast_in_dim3A_362 : vector<16x1xi32> to vector<16xi32>
      %gather3A_364 = tpu.dynamic_gather %get3A_191[%gather3A_363] in [0] : vector<16xf32>, vector<16xi32> -> vector<16xf32>
      %mul3A_365 = arith.mulf %get3A_360, %gather3A_364 : vector<16xf32>
      %swap3A_366 = arith.index_cast %add3A_357 : i32 to index
      %swap3A_367 = arith.constant 0 : index
      %swap3A_368 = tpu.vector_load %arg12[%swap3A_366, %swap3A_367] {strides = array<i32>} : memref<640x16xf32, #tpu.memory_space<vmem>>, vector<16xf32>,
      tpu.vector_store %arg12[%swap3A_366, %swap3A_367], %mul3A_365 {strides = array<i32>} : memref<640x16xf32, #tpu.memory_space<vmem>>, vector<16xf32>,
      %mul3A_369 = arith.constant 16 : i32
      %mul3A_370 = arith.muli %scan3A_187, %mul3A_369 : i32
      %add3A_371 = arith.constant 12 : i32
      %add3A_372 = arith.addi %mul3A_370, %add3A_371 : i32
      %get3A_373 = arith.index_cast %add3A_372 : i32 to index
      %get3A_374 = arith.constant 0 : index
      %get3A_375 = tpu.vector_load %arg12[%get3A_373, %get3A_374] {strides = array<i32>} : memref<640x16xf32, #tpu.memory_space<vmem>>, vector<16xf32>,
      %broadcast_in_dim3A_376 = arith.constant 12 : i32
      %broadcast_in_dim3A_377 = vector.broadcast %broadcast_in_dim3A_376 : i32 to vector<16x1xi32>
      %gather3A_378 = vector.shape_cast %broadcast_in_dim3A_377 : vector<16x1xi32> to vector<16xi32>
      %gather3A_379 = tpu.dynamic_gather %get3A_191[%gather3A_378] in [0] : vector<16xf32>, vector<16xi32> -> vector<16xf32>
      %mul3A_380 = arith.mulf %get3A_375, %gather3A_379 : vector<16xf32>
      %swap3A_381 = arith.index_cast %add3A_372 : i32 to index
      %swap3A_382 = arith.constant 0 : index
      %swap3A_383 = tpu.vector_load %arg12[%swap3A_381, %swap3A_382] {strides = array<i32>} : memref<640x16xf32, #tpu.memory_space<vmem>>, vector<16xf32>,
      tpu.vector_store %arg12[%swap3A_381, %swap3A_382], %mul3A_380 {strides = array<i32>} : memref<640x16xf32, #tpu.memory_space<vmem>>, vector<16xf32>,
      %mul3A_384 = arith.constant 16 : i32
      %mul3A_385 = arith.muli %scan3A_187, %mul3A_384 : i32
      %add3A_386 = arith.constant 13 : i32
      %add3A_387 = arith.addi %mul3A_385, %add3A_386 : i32
      %get3A_388 = arith.index_cast %add3A_387 : i32 to index
      %get3A_389 = arith.constant 0 : index
      %get3A_390 = tpu.vector_load %arg12[%get3A_388, %get3A_389] {strides = array<i32>} : memref<640x16xf32, #tpu.memory_space<vmem>>, vector<16xf32>,
      %broadcast_in_dim3A_391 = arith.constant 13 : i32
      %broadcast_in_dim3A_392 = vector.broadcast %broadcast_in_dim3A_391 : i32 to vector<16x1xi32>
      %gather3A_393 = vector.shape_cast %broadcast_in_dim3A_392 : vector<16x1xi32> to vector<16xi32>
      %gather3A_394 = tpu.dynamic_gather %get3A_191[%gather3A_393] in [0] : vector<16xf32>, vector<16xi32> -> vector<16xf32>
      %mul3A_395 = arith.mulf %get3A_390, %gather3A_394 : vector<16xf32>
      %swap3A_396 = arith.index_cast %add3A_387 : i32 to index
      %swap3A_397 = arith.constant 0 : index
      %swap3A_398 = tpu.vector_load %arg12[%swap3A_396, %swap3A_397] {strides = array<i32>} : memref<640x16xf32, #tpu.memory_space<vmem>>, vector<16xf32>,
      tpu.vector_store %arg12[%swap3A_396, %swap3A_397], %mul3A_395 {strides = array<i32>} : memref<640x16xf32, #tpu.memory_space<vmem>>, vector<16xf32>,
      %mul3A_399 = arith.constant 16 : i32
      %mul3A_400 = arith.muli %scan3A_187, %mul3A_399 : i32
      %add3A_401 = arith.constant 14 : i32
      %add3A_402 = arith.addi %mul3A_400, %add3A_401 : i32
      %get3A_403 = arith.index_cast %add3A_402 : i32 to index
      %get3A_404 = arith.constant 0 : index
      %get3A_405 = tpu.vector_load %arg12[%get3A_403, %get3A_404] {strides = array<i32>} : memref<640x16xf32, #tpu.memory_space<vmem>>, vector<16xf32>,
      %broadcast_in_dim3A_406 = arith.constant 14 : i32
      %broadcast_in_dim3A_407 = vector.broadcast %broadcast_in_dim3A_406 : i32 to vector<16x1xi32>
      %gather3A_408 = vector.shape_cast %broadcast_in_dim3A_407 : vector<16x1xi32> to vector<16xi32>
      %gather3A_409 = tpu.dynamic_gather %get3A_191[%gather3A_408] in [0] : vector<16xf32>, vector<16xi32> -> vector<16xf32>
      %mul3A_410 = arith.mulf %get3A_405, %gather3A_409 : vector<16xf32>
      %swap3A_411 = arith.index_cast %add3A_402 : i32 to index
      %swap3A_412 = arith.constant 0 : index
      %swap3A_413 = tpu.vector_load %arg12[%swap3A_411, %swap3A_412] {strides = array<i32>} : memref<640x16xf32, #tpu.memory_space<vmem>>, vector<16xf32>,
      tpu.vector_store %arg12[%swap3A_411, %swap3A_412], %mul3A_410 {strides = array<i32>} : memref<640x16xf32, #tpu.memory_space<vmem>>, vector<16xf32>,
      %mul3A_414 = arith.constant 16 : i32
      %mul3A_415 = arith.muli %scan3A_187, %mul3A_414 : i32
      %add3A_416 = arith.constant 15 : i32
      %add3A_417 = arith.addi %mul3A_415, %add3A_416 : i32
      %get3A_418 = arith.index_cast %add3A_417 : i32 to index
      %get3A_419 = arith.constant 0 : index
      %get3A_420 = tpu.vector_load %arg12[%get3A_418, %get3A_419] {strides = array<i32>} : memref<640x16xf32, #tpu.memory_space<vmem>>, vector<16xf32>,
      %broadcast_in_dim3A_421 = arith.constant 15 : i32
      %broadcast_in_dim3A_422 = vector.broadcast %broadcast_in_dim3A_421 : i32 to vector<16x1xi32>
      %gather3A_423 = vector.shape_cast %broadcast_in_dim3A_422 : vector<16x1xi32> to vector<16xi32>
      %gather3A_424 = tpu.dynamic_gather %get3A_191[%gather3A_423] in [0] : vector<16xf32>, vector<16xi32> -> vector<16xf32>
      %mul3A_425 = arith.mulf %get3A_420, %gather3A_424 : vector<16xf32>
      %swap3A_426 = arith.index_cast %add3A_417 : i32 to index
      %swap3A_427 = arith.constant 0 : index
      %swap3A_428 = tpu.vector_load %arg12[%swap3A_426, %swap3A_427] {strides = array<i32>} : memref<640x16xf32, #tpu.memory_space<vmem>>, vector<16xf32>,
      tpu.vector_store %arg12[%swap3A_426, %swap3A_427], %mul3A_425 {strides = array<i32>} : memref<640x16xf32, #tpu.memory_space<vmem>>, vector<16xf32>,
    }
    %scan3A_186 = arith.constant 40 : i32
    "tpu.region"() ({
      %run_scoped3A = tpu.sem_alloc : memref<!tpu.dma_semaphore, #tpu.memory_space<semaphore_mem>>
      %dma_start3A_187 = arith.constant 0 : i32
      %dma_start3A_188 = tpu.memref_slice %arg8[%arg0, %mul3A_2, %dma_start3A_187] : memref<2x10240x16xf32, #tpu.memory_space<hbm>> -> memref<1x640x16xf32, #tpu.memory_space<hbm>>
      %dma_start3A_189 = tpu.memref_squeeze %dma_start3A_188 : memref<1x640x16xf32, #tpu.memory_space<hbm>> -> memref<640x16xf32, #tpu.memory_space<hbm>>
      %dma_start3A_190 = arith.constant 0 : i32
      %dma_start3A_191 = tpu.memref_slice %arg8[%arg0, %mul3A_2, %dma_start3A_190] : memref<2x10240x16xf32, #tpu.memory_space<hbm>> -> memref<1x640x16xf32, #tpu.memory_space<hbm>>
      %dma_start3A_192 = tpu.memref_squeeze %dma_start3A_191 : memref<1x640x16xf32, #tpu.memory_space<hbm>> -> memref<640x16xf32, #tpu.memory_space<hbm>>
      tpu.enqueue_dma source(%arg12 : memref<640x16xf32, #tpu.memory_space<vmem>>) target(%dma_start3A_192 : memref<640x16xf32, #tpu.memory_space<hbm>>) target_semaphore(%run_scoped3A : memref<!tpu.dma_semaphore, #tpu.memory_space<semaphore_mem>>)
      %dma_wait3A_193 = arith.constant 0 : i32
      %dma_wait3A_194 = tpu.memref_slice %arg8[%arg0, %mul3A_2, %dma_wait3A_193] : memref<2x10240x16xf32, #tpu.memory_space<hbm>> -> memref<1x640x16xf32, #tpu.memory_space<hbm>>
      %dma_wait3A_195 = tpu.memref_squeeze %dma_wait3A_194 : memref<1x640x16xf32, #tpu.memory_space<hbm>> -> memref<640x16xf32, #tpu.memory_space<hbm>>
      %dma_wait3A_196 = arith.constant 0 : i32
      %dma_wait3A_197 = tpu.memref_slice %arg8[%arg0, %mul3A_2, %dma_wait3A_196] : memref<2x10240x16xf32, #tpu.memory_space<hbm>> -> memref<1x640x16xf32, #tpu.memory_space<hbm>>
      %dma_wait3A_198 = tpu.memref_squeeze %dma_wait3A_197 : memref<1x640x16xf32, #tpu.memory_space<hbm>> -> memref<640x16xf32, #tpu.memory_space<hbm>>
      tpu.wait_dma2 semaphore(%run_scoped3A : memref<!tpu.dma_semaphore, #tpu.memory_space<semaphore_mem>>) src(%arg12 : memref<640x16xf32, #tpu.memory_space<vmem>>) dst(%dma_wait3A_198 : memref<640x16xf32, #tpu.memory_space<hbm>>)
      tpu.yield
    }) : () -> ()
    return
  }
}

module attributes {stable_mosaic.version = 14 : i64} {
  func.func @_mm1_body(%arg0: memref<10000x128xf32, #tpu.memory_space<vmem>>, %arg1: memref<128x16xf32, #tpu.memory_space<vmem>>, %arg2: memref<10240x16xf32, #tpu.memory_space<vmem>>) attributes {dimension_semantics = [], scalar_prefetch = 0 : i64, scratch_operands = 0 : i64, tpu.core_type = #tpu.core_type<tc>} {
    %get3A = arith.constant 0 : index
    %get3A_0 = arith.constant 0 : index
    %get3A_1 = vector.load %arg0[%get3A, %get3A_0] : memref<10000x128xf32, #tpu.memory_space<vmem>>, vector<10000x128xf32>
    %get3A_2 = arith.constant 0 : index
    %get3A_3 = arith.constant 0 : index
    %get3A_4 = vector.load %arg1[%get3A_2, %get3A_3] : memref<128x16xf32, #tpu.memory_space<vmem>>, vector<128x16xf32>
    %dot_general3A = arith.constant dense<0.000000e+00> : vector<10000x16xf32>
    %dot_general3A_5 = tpu.matmul %get3A_1, %get3A_4, %dot_general3A {dimension_numbers = #tpu.dot_dimension_numbers<[1], [0], [0], [1], [0, 0, 1, 1], [], []>, transpose_lhs_hint = false} : vector<10000x128xf32>, vector<128x16xf32>, vector<10000x16xf32> -> vector<10000x16xf32>
    %swap3A = arith.constant 0 : index
    %swap3A_6 = arith.constant 0 : index
    %swap3A_7 = vector.load %arg2[%swap3A, %swap3A_6] : memref<10240x16xf32, #tpu.memory_space<vmem>>, vector<10000x16xf32>
    tpu.vector_store %arg2[%swap3A, %swap3A_6], %dot_general3A_5 {strides = array<i32>} : memref<10240x16xf32, #tpu.memory_space<vmem>>, vector<10000x16xf32>,
    %broadcast_in_dim3A = arith.constant 0.000000e+00 : f32
    %broadcast_in_dim3A_8 = vector.broadcast %broadcast_in_dim3A : f32 to vector<240x16xf32>
    %swap3A_9 = arith.constant 10000 : index
    %swap3A_10 = arith.constant 0 : index
    %swap3A_11 = vector.load %arg2[%swap3A_9, %swap3A_10] : memref<10240x16xf32, #tpu.memory_space<vmem>>, vector<240x16xf32>
    tpu.vector_store %arg2[%swap3A_9, %swap3A_10], %broadcast_in_dim3A_8 {strides = array<i32>} : memref<10240x16xf32, #tpu.memory_space<vmem>>, vector<240x16xf32>,
    return
  }
}

module attributes {stable_mosaic.version = 14 : i64} {
  func.func @_out_body(%arg0: memref<2x10240x16xf32, #tpu.memory_space<vmem>>, %arg1: memref<1x7xf32, #tpu.memory_space<vmem>>, %arg2: memref<16x7xf32, #tpu.memory_space<vmem>>, %arg3: memref<10000x7xf32, #tpu.memory_space<vmem>>) attributes {dimension_semantics = [], scalar_prefetch = 0 : i64, scratch_operands = 0 : i64, tpu.core_type = #tpu.core_type<tc>} {
    %get3A = arith.constant 0 : index
    %get3A_0 = arith.constant 0 : index
    %get3A_1 = arith.constant 0 : index
    %get3A_2 = vector.load %arg0[%get3A, %get3A_0, %get3A_1] : memref<2x10240x16xf32, #tpu.memory_space<vmem>>, vector<1x10000x16xf32>
    %get3A_3 = vector.shape_cast %get3A_2 : vector<1x10000x16xf32> to vector<10000x16xf32>
    %get3A_4 = arith.constant 1 : index
    %get3A_5 = arith.constant 0 : index
    %get3A_6 = arith.constant 0 : index
    %get3A_7 = vector.load %arg0[%get3A_4, %get3A_5, %get3A_6] : memref<2x10240x16xf32, #tpu.memory_space<vmem>>, vector<1x10000x16xf32>
    %get3A_8 = vector.shape_cast %get3A_7 : vector<1x10000x16xf32> to vector<10000x16xf32>
    %add3A = arith.addf %get3A_3, %get3A_8 : vector<10000x16xf32>
    %get3A_9 = arith.constant 0 : index
    %get3A_10 = arith.constant 0 : index
    %get3A_11 = vector.load %arg2[%get3A_9, %get3A_10] : memref<16x7xf32, #tpu.memory_space<vmem>>, vector<16x7xf32>
    %dot_general3A = arith.constant dense<0.000000e+00> : vector<10000x7xf32>
    %dot_general3A_12 = tpu.matmul %add3A, %get3A_11, %dot_general3A {dimension_numbers = #tpu.dot_dimension_numbers<[1], [0], [0], [1], [0, 0, 1, 1], [], []>, transpose_lhs_hint = false} : vector<10000x16xf32>, vector<16x7xf32>, vector<10000x7xf32> -> vector<10000x7xf32>
    %get3A_13 = arith.constant 0 : index
    %get3A_14 = arith.constant 0 : index
    %get3A_15 = vector.load %arg1[%get3A_13, %get3A_14] : memref<1x7xf32, #tpu.memory_space<vmem>>, vector<1x7xf32>
    %add3A_16 = vector.broadcast %get3A_15 : vector<1x7xf32> to vector<10000x7xf32>
    %add3A_17 = arith.addf %dot_general3A_12, %add3A_16 : vector<10000x7xf32>
    %reduce_max3A = arith.constant dense<0xFF800000> : vector<10000xf32>
    %reduce_max3A_18 = vector.multi_reduction <maximumf>, %add3A_17, %reduce_max3A [1] : vector<10000x7xf32> to vector<10000xf32>
    %broadcast_in_dim3A = vector.shape_cast %reduce_max3A_18 : vector<10000xf32> to vector<10000x1xf32>
    %sub3A = vector.broadcast %broadcast_in_dim3A : vector<10000x1xf32> to vector<10000x7xf32>
    %sub3A_19 = arith.subf %add3A_17, %sub3A : vector<10000x7xf32>
    %exp3A = math.exp %sub3A_19 : vector<10000x7xf32>
    %reduce_sum3A = arith.constant dense<0.000000e+00> : vector<10000xf32>
    %reduce_sum3A_20 = vector.multi_reduction <add>, %exp3A, %reduce_sum3A [1] : vector<10000x7xf32> to vector<10000xf32>
    %broadcast_in_dim3A_21 = vector.shape_cast %reduce_sum3A_20 : vector<10000xf32> to vector<10000x1xf32>
    %log3A = math.log %broadcast_in_dim3A_21 : vector<10000x1xf32>
    %add3A_22 = arith.addf %log3A, %broadcast_in_dim3A : vector<10000x1xf32>
    %sub3A_23 = vector.broadcast %add3A_22 : vector<10000x1xf32> to vector<10000x7xf32>
    %sub3A_24 = arith.subf %add3A_17, %sub3A_23 : vector<10000x7xf32>
    %swap3A = arith.constant 0 : index
    %swap3A_25 = arith.constant 0 : index
    %swap3A_26 = vector.load %arg3[%swap3A, %swap3A_25] : memref<10000x7xf32, #tpu.memory_space<vmem>>, vector<10000x7xf32>
    tpu.vector_store %arg3[%swap3A, %swap3A_25], %sub3A_24 {strides = array<i32>} : memref<10000x7xf32, #tpu.memory_space<vmem>>, vector<10000x7xf32>,
    return
  }
}

</mosaic_0001>

<sc_bundles>
// kernel: kernel.10.cloned.1.call-start
scs
__scs_entry_jumppad:
0x0: {  	(pc) =	sbr.rel $0x88, $3  }
0x1: {  	(tag) =	ssettag $0x0;
	lr =	simm.s32 $0x1  }
0x2: {  	[smem:$0x3F9B] =	sst lr;
	_ =	strace $0xD0000000  }
0x3: {  	_ = 	snop  }
0x4: {  	_ = 	snop  }
0x5: {  	_ = 	snop  }
0x6: {  	_ = 	snop  }
0x7: {  	_ = 	snop  }
__scs_overlays_trampoline_lowered:
0x8: {  	[smem:$0x3FAA] =	sst s0  }
0x9: {  	[smem:$0x3FAB] =	sst s1  }
0xa: {  	[smem:$0x3FAC] =	sst s2  }
0xb: {  	[smem:$0x3FAD] =	sst s3  }
0xc: {  	[smem:$0x3FAE] =	sst s4  }
0xd: {  	[smem:$0x3FAF] =	sst s5  }
0xe: {  	[smem:$0x3FB0] =	sst s6  }
0xf: {  	[smem:$0x3FB1] =	sst s7  }
0x10: {  	[smem:$0x3FB2] =	sst s8  }
0x11: {  	[smem:$0x3FB3] =	sst s9;
	s0 =	simm.s32 @!p0 $0x0  }
0x12: {  	s1 =	sld [smem:$0x3F99];
	s0 =	simm.s32 @p0 $0x1  }
0x13: {  	[smem:$0x3FB4] =	sst s0;
	s0 =	simm.s32 @!p1 $0x0  }
0x14: {  	s2 =	sld [smem:$0x3F98];
	s0 =	simm.s32 @p1 $0x1  }
0x15: {  	[smem:$0x3FB5] =	sst s0;
	s0 =	simm.s32 @!p2 $0x0  }
0x16: {  	s3 =	sld [smem:$0x3FDB];
	s0 =	simm.s32 @p2 $0x1  }
0x17: {  	s4 =	simm.s32 $0x1BF5;
	[smem:$0x3FB7] =	sst s0  }
0x18: {  	s0 =	sld [smem:$0x3F9A];
	_ =	swait.ge [sflag:s4], $0x0  }
0x19: {  	s7 =	sld [smem:$0x3F9B]  }
0x1a: {  	s8 =	sadd.s32 $0xFFFFE003, lr  }
0x1b: {  	s9 =	sadd.s32 $0xFFFFFEF7, lr;
	s5 =	simm.s32 $0xFFFFFFFF;
	p2 =	slt.u32 s8, $0xFFFFF086  }
0x1c: {  	p1 =	slt.u32 s9, $0xF7A;
	s5 =	simm.s32 @!p2 $0x0  }
0x1d: {  	s5 =	simm.s32 @p1 $0x1;
	p0 =	seq.s32 s7, s2  }
0x1e: {  	s7 =	smul.u32 @!p0 $0xF7A, s2;
	p2 =	seq.s32 @!p0 s5, $0x0  }
0x1f: {  	s9 =	smul.u32 $0xF7A, s1;
	s8 =	simm.s32 @!p0 $0x1BF5;
	p2 =	por !p2, p0  }
0x20: {  	[sflag:s8] =	ssyncset.s32 @!p0 $0xFFFFF086;
	s6 =	sadd.s32 @!p0 s3, s7;
	s7 =	simm.s32 @!p0 $0x108  }
0x21: {  	s3 =	sadd.s32 s3, s9;
	s6 =	sadd.s32 @!p0 $0x88, s6;
	s7 =	simm.s32 @p2 $0x1082  }
0x22: {  	[simem:s7], [sflag:s8] =	dma.local @!p0 [hbm:s6], $0xF7A  }
0x23: {  	s9 =	sor.u32 $0xD0000000, s2;
	s6 =	simm.s32 $0x108;
	_ =	swait.ge @!p0 [sflag:s8], $0x0  }
0x24: {  	s3 =	sadd.s32 $0x88, s3;
	s6 =	simm.s32 @!p1 $0x1082;
	[sflag:s4] =	ssyncset.s32 $0xFFFFF086  }
0x25: {  	[simem:s6], [sflag:s4] =	dma.local [hbm:s3], $0xF7A  }
0x26: {  	[smem:$0x3F9B] =	sst s1;
	(tag) =	ssettag s2;
	_ =	strace s9  }
0x27: {  	s1 =	sld [smem:$0x3FAB]  }
0x28: {  	s2 =	sld [smem:$0x3FAC]  }
0x29: {  	s4 =	sld [smem:$0x3FAE]  }
0x2a: {  	p0 =	seq.s32 s5, $0x0;
	s5 =	sld [smem:$0x3FAF]  }
0x2b: {  	s6 =	sld [smem:$0x3FB0]  }
0x2c: {  	s7 =	sld [smem:$0x3FB1]  }
0x2d: {  	s3 =	simm.s32 $0x108;
	s8 =	sld [smem:$0x3FB2]  }
0x2e: {  	s3 =	simm.s32 @!p0 $0x1082;
	s9 =	sld [smem:$0x3FB3]  }
0x2f: {  	lr =	sadd.s32 s0, s3;
	s0 =	sld [smem:$0x3FAA]  }
0x30: {  	s3 =	sld [smem:$0x3FAD]  }
0x31: {  	[smem:$0x3FB6] =	sst s10  }
0x32: {  	s10 =	sld [smem:$0x3FB4];
	_ =	sdelay $0x3  }
0x33: {  	p0 =	seq.s32 s10, $0x1;
	s10 =	sld [smem:$0x3FB6];
	_ =	sdelay $0x3  }
0x34: {  	[smem:$0x3FB6] =	sst s10  }
0x35: {  	s10 =	sld [smem:$0x3FB5];
	_ =	sdelay $0x3  }
0x36: {  	p1 =	seq.s32 s10, $0x1;
	s10 =	sld [smem:$0x3FB6];
	_ =	sdelay $0x3  }
0x37: {  	[smem:$0x3FB6] =	sst s10  }
0x38: {  	s10 =	sld [smem:$0x3FB7]  }
0x39: {  	_ = 	snop;
	(pc) =	sbr.ind lr, $3  }
0x3a: {  	_ = 	snop  }
0x3b: {  	_ = 	snop  }
0x3c: {  	p2 =	seq.s32 s10, $0x1;
	s10 =	sld [smem:$0x3FB6]  }
0x3d: {  	_ =	shalt  }
0x3e: {  	_ =	shalt  }
0x3f: {  	_ =	shalt  }
0x40: {  	_ =	shalt  }
0x41: {  	_ =	shalt  }
0x42: {  	_ =	shalt  }
0x43: {  	_ =	shalt  }
0x44: {  	_ =	shalt  }
0x45: {  	_ =	shalt  }
0x46: {  	_ =	shalt  }
0x47: {  	_ =	shalt  }
0x48: {  	_ =	shalt  }
0x49: {  	_ =	shalt  }
0x4a: {  	_ =	shalt  }
0x4b: {  	_ =	shalt  }
0x4c: {  	_ =	shalt  }
0x4d: {  	_ =	shalt  }
0x4e: {  	_ =	shalt  }
0x4f: {  	_ =	shalt  }
0x50: {  	_ =	shalt  }
0x51: {  	_ =	shalt  }
0x52: {  	_ =	shalt  }
0x53: {  	_ =	shalt  }
0x54: {  	_ =	shalt  }
0x55: {  	_ =	shalt  }
0x56: {  	_ =	shalt  }
0x57: {  	_ =	shalt  }
0x58: {  	_ =	shalt  }
0x59: {  	_ =	shalt  }
0x5a: {  	_ =	shalt  }
0x5b: {  	_ =	shalt  }
0x5c: {  	_ =	shalt  }
0x5d: {  	_ =	shalt  }
0x5e: {  	_ =	shalt  }
0x5f: {  	_ =	shalt  }
0x60: {  	_ =	shalt  }
0x61: {  	_ =	shalt  }
0x62: {  	_ =	shalt  }
0x63: {  	_ =	shalt  }
0x64: {  	_ =	shalt  }
0x65: {  	_ =	shalt  }
0x66: {  	_ =	shalt  }
0x67: {  	_ =	shalt  }
0x68: {  	_ =	shalt  }
0x69: {  	_ =	shalt  }
0x6a: {  	_ =	shalt  }
0x6b: {  	_ =	shalt  }
0x6c: {  	_ =	shalt  }
0x6d: {  	_ =	shalt  }
0x6e: {  	_ =	shalt  }
0x6f: {  	_ =	shalt  }
0x70: {  	_ =	shalt  }
0x71: {  	_ =	shalt  }
0x72: {  	_ =	shalt  }
0x73: {  	_ =	shalt  }
0x74: {  	_ =	shalt  }
0x75: {  	_ =	shalt  }
0x76: {  	_ =	shalt  }
0x77: {  	_ =	shalt  }
0x78: {  	_ =	shalt  }
0x79: {  	_ =	shalt  }
0x7a: {  	_ =	shalt  }
0x7b: {  	_ =	shalt  }
0x7c: {  	_ =	shalt  }
0x7d: {  	_ =	shalt  }
0x7e: {  	_ =	shalt  }
0x7f: {  	_ =	shalt  }
0x80: {  	_ =	shalt  }
0x81: {  	_ =	shalt  }
0x82: {  	_ =	shalt  }
0x83: {  	_ =	shalt  }
0x84: {  	_ =	shalt  }
0x85: {  	_ =	shalt  }
0x86: {  	_ =	shalt  }
0x87: {  	_ =	shalt  }
.Lfunc_end0:
.L_simem_size_0:
called_computation.1_lowered:
.L_overlay_start_0:
0x88: {  	s2 =	sld [smem:$0x3FD9]  }
0x89: {  	s3 =	sld [smem:$0x3FFE];
	_ =	sdelay $0x1  }
0x8a: {  	s1 =	srdreg.scid  }
0x8b: {  	s0 =	sand.u32 $0x1, s1  }
0x8c: {  	s17 =	sshll.u32 s0, $0xA;
	s2 =	sadd.s32 s3, s2  }
0x8d: {  	s2 =	sadd.s32 s2, s17  }
0x8e: {  	[smem:$0x3FC2] =	sst s2  }
0x8f: {  	_ = 	snop  }
0x90: {  	s2 =	sld [smem:$0x3FD0];
	(tm) =	ssettm $0x1  }
0x91: {  	s18 =	sld [smem:$0x3FFB];
	_ =	sdelay $0x3  }
0x92: {  	_ =	strace s18  }
0x93: {  	s3 =	sld [smem:$0x3FFC];
	_ =	sdelay $0x3  }
0x94: {  	_ =	strace s3  }
0x95: {  	s3 =	sld [smem:$0x3FFD];
	_ =	sdelay $0x3  }
0x96: {  	_ =	strace s3  }
0x97: {  	_ =	strace $0x8FFFFFFF  }
0x98: {  	s19 =	sld [smem:$0x3FDB];
	_ =	sdelay $0x1  }
0x99: {  	s4 =	simm.s32 $_scs_section_size  }
0x9a: {  	s5 =	simm.s32 $_size__tile_overlayer_lowered;
	s6 =	simm.s32 $_tile_overlayer_lowered  }
0x9b: {  	s22 =	simm.s32 $0x1BFF;
	s21 =	sshll.u32 s6, $0x1;
	s3 =	sadd.s32 s4, s19  }
0x9c: {  	s7 =	simm.s32 $0x0;
	s20 =	sshll.u32 s5, $0x1;
	s5 =	sadd.s32 s21, s3  }
0x9d: {  	[timem:s7], [sflag:s22] =	dma.local [hbm:s5], s20  }
0x9e: {  	_ =	swait.ge [sflag:s22], s20  }
0x9f: {  	s4 =	ssub.s32 $0x0, s20;
	[sflag:s22] =	ssyncset.done $0x0  }
0xa0: {  	[sflag:s22] =	ssyncadd.s32 s4;
	_ =	sdelay $0x1  }
0xa1: {  	s23 =	simm.s32 $0x1B8B  }
0xa2: {  	_ =	swait.ge [sflag:s23], $0x1  }
0xa3: {  	[sflag:s23] =	ssyncset.done $0x0  }
0xa4: {  	s25 =	simm.s32 $0x1B8E;
	s24 =	sld [smem:$0x3FFE];
	[sflag:s23] =	ssyncadd.s32 $0xFFFFFFFF  }
0xa5: {  	s26 =	simm.s32 $execute0_lowered;
	[smem:$0x3FD2] =	sst s25  }
0xa6: {  	s5 =	sshll.u32 s26, $0x1;
	_ =	strace $0x80000049;
	[dreg:$0x1] =	wrdreg $0xFFFFFFFF  }
0xa7: {  	s28 =	simm.s32 $_size_execute0_lowered;
	s3 =	sadd.s32 s3, s5;
	[dreg:$0x0] =	wrdreg $0x0  }
0xa8: {  	s5 =	sshll.u32 s28, $0x1;
	[dreg:$0x2] =	wrdreg s3  }
0xa9: {  	[dreg:$0x3] =	wrdreg s5  }
0xaa: {  	[dreg:$0x4] =	wrdreg $0xC0  }
0xab: {  	_ =	task [dreg:s7], $0x5FFFF  }
0xac: {  	[dreg:$0x1] =	wrdreg $0xFFFFFFFF  }
0xad: {  	[dreg:$0x0] =	wrdreg $0x60  }
0xae: {  	[dreg:$0x2] =	wrdreg s24  }
0xaf: {  	[dreg:$0x3] =	wrdreg s2  }
0xb0: {  	[dreg:$0x4] =	wrdreg $0xFAA00  }
0xb1: {  	[dreg:$0x5] =	wrdreg $0x122A00  }
0xb2: {  	[dreg:$0x6] =	wrdreg $0x9  }
0xb3: {  	_ =	task.clear_ibuf [dreg:s7], $0x7FFFF;
	_ =	strace $0x90000049  }
0xb4: {  	s29 =	simm.s32 $0x9;
	_ =	strace $0x8000004B  }
0xb5: {  	_ =	swait.ge [sflag:s29], $0x1  }
0xb6: {  	[sflag:s29] =	ssyncadd.s32 $0xFFFFFFFF  }
0xb7: {  	_ =	strace $0x9000004B  }
0xb8: {  	_ =	sfence  }
0xb9: {  	s30 =	sld [smem:$0x0];
	_ =	sdelay $0x2  }
0xba: {  	s31 =	sshll.u32 s1, $0xD;
	s1 =	sshrl.u32 s1, $0x2  }
0xbb: {  	s3 =	sand.u32 $0x4000, s31;
	s1 =	sadd.s32 s1, s30  }
0xbc: {  	s0 =	sor.u32 s3, s0;
	s1 =	sshll.u32 s1, $0x11  }
0xbd: {  	s0 =	sor.u32 s1, s0  }
0xbe: {  	s0 =	sadd.s32 $0x8F2B, s0  }
0xbf: {  	[sflag:s0] =	ssyncadd.remote.s32 $0x1  }
0xc0: {  	_ =	sfence.sel $0xFFFF  }
0xc1: {  	[dreg:$0x0] =	wrdreg $0xFFFFFFFF;
	(pc) =	sbr.abs _section_cstart, $3  }
0xc2: {  	[dreg:$0x1] =	wrdreg $0xFFFFFFFF  }
0xc3: {  	_ =	task.clear_ibuf [dreg:s7], $0x2FFFF;
	_ =	strace $0x9FFFFFFF  }
0xc4: {  	(tm) =	ssettm $0x7FFFFFFF  }
0xc5: {  	_ =	shalt  }
tec
execute0_lowered:
.L_overlay_start_1:
0x0: {  	(tag) =	ssettag $0x1  }
0x1: {  	s1 =	rddreg [dreg:$0x0]  }
0x2: {  	s7 =	rddreg [dreg:$0x1]  }
0x3: {  	s0 =	srdreg.scid;
	s2 =	rddreg [dreg:$0x2]  }
0x4: {  	s3 =	rddreg [dreg:$0x3];
	s16 =	simm.s32 $0x2710;
	s19 =	simm.s32 $0xCB20  }
0x5: {  	s20 =	simm.s32 $0x1;
	s21 =	simm.s32 $0x2;
	s22 =	simm.s32 $0x3  }
0x6: {  	s23 =	simm.s32 $0x4;
	s24 =	simm.s32 $0x5;
	s25 =	simm.s32 $0x3E8  }
0x7: {  	s26 =	simm.s32 $0x4E20;
	s11 =	sand.u32 $0x1, s0;
	s0 =	stileid.u32  }
0x8: {  	s28 =	simm.s32 $0x8CA0;
	s17 =	simm.s32 $0x4A38;
	s13 =	smul.u32 $0x2800, s0  }
0x9: {  	s18 =	simm.s32 $0x0;
	s4 =	sshll.u32 s11, $0x4;
	s8 =	smul.u32 $0x28000, s11  }
0xa: {  	s29 =	smul.u32 $0x280, s0;
	s30 =	ssub.s32 $0x2, s11;
	p0 =	seq.s32 s11, $0x1  }
0xb: {  	s5 =	sor.u32 s0, s4;
	s4 =	simm.s32 $0x0;
	s31 =	sshrl.u32 s30, $0x1  }
0xc: {  	s5 =	smul.u32 $0x4E2, s5;
	[smem:$0x7FF] =	sst s4;
	s6 =	sshrl.u32 s13, $0x3  }
0xd: {  	s8 =	sadd.s32 s13, s8;
	s12 =	sshrl.u32 s29, $0x3;
	s15 =	ssub.s32 s30, s31  }
0xe: {  	v0 =	vimm.s32 $0x1;
	_ =	strace $0x8000004A;
	s10 =	sadd.s32 s6, s1;
	s8 =	sshrl.u32 s8, $0x3  }
0xf: {  	v1 =	vimm.s32 $0x0;
	v2 =	vimm.s32 $0x2;
	v3 =	vimm.s32 $0x3;
	s7 =	sadd.s32 s7, s12;
	s15 =	smax.u32 s15, $0x1;
	s9 =	sadd.s32 s5, s1  }
0x10: {  	v4 =	vimm.s32 $0x4;
	v5 =	vimm.s32 $0x5;
	v6 =	vimm.s32 $0x6;
	s5 =	sadd.s32 $0x1A200, s1;
	s14 =	sadd.s32 s8, s1;
	s1 =	sadd.s32 s12, s1  }
0x11: {  	v7 =	vimm.s32 $0x7;
	v8 =	vimm.s32 $0x8;
	v9 =	vimm.s32 $0x9;
	s10 =	sadd.s32 $0x15200, s10;
	s12 =	sadd.s32 s13, s2;
	s13 =	sadd.s32 s13, s3  }
0x12: {  	v10 =	vimm.s32 $0xA;
	v11 =	vimm.s32 $0xB;
	v12 =	vimm.s32 $0xC;
	s6 =	sadd.s32 $0x1000, s9;
	s8 =	sadd.s32 $0xAE00, s9;
	s9 =	sadd.s32 $0x500, s7  }
0x13: {  	v13 =	vimm.s32 $0xD;
	v14 =	vimm.s32 $0xE;
	v15 =	vimm.s32 $0xF;
	s11 =	sadd.s32 $0x24800, s1;
	s14 =	sadd.s32 $0x1A800, s14;
	s1 =	simm.s32 $0x4650  }
.LBB2_1:
0x14: {  	[tilespmem:s4], [sflag:$0x1] =	stream.linear.gather [hbm4b:s6+s4], $0x2710, $0x38;
	[tilespmem:$0x14AA0] =	vst v63  }
0x15: {  	_ = 	snop  }
0x16: {  	[tilespmem:s16], [sflag:$0x2] =	stream.linear.gather [hbm4b:s8+s4], $0x2710, $0x38;
	[tilespmem:$0x14AA0] =	vst v63  }
0x17: {  	s29 =	simm.s32 $0xF320  }
0x18: {  	[tilespmem:s29], [sflag:$0x3] =	stream.linear.gather [hbm4b:s7+s4], $0x280, $0x38;
	[tilespmem:$0x14AA0] =	vst v63  }
0x19: {  	s29 =	simm.s32 $0xF5A0  }
0x1a: {  	[tilespmem:s29], [sflag:$0x4] =	stream.linear.gather [hbm4b:s9+s4], $0x280, $0x38;
	[tilespmem:$0x14AA0] =	vst v63  }
0x1b: {  	_ = 	snop  }
0x1c: {  	[tilespmem:s19], [sflag:$0x1] =	stream.linear.gather [hbm4b:s10+s4], $0x2800, $0x38;
	[tilespmem:$0x14AA0] =	vst v63  }
0x1d: {  	_ =	swait.ge [sflag:s20], $0x2710  }
0x1e: {  	[sflag:s20] =	ssyncset.done $0x0  }
0x1f: {  	[sflag:s20] =	ssyncadd.s32 $0xFFFFD8F0  }
0x20: {  	_ =	swait.ge [sflag:s21], $0x2710  }
0x21: {  	[sflag:s21] =	ssyncset.done $0x0  }
0x22: {  	[sflag:s21] =	ssyncadd.s32 $0xFFFFD8F0  }
0x23: {  	_ =	swait.ge [sflag:s22], $0x280  }
0x24: {  	[sflag:s22] =	ssyncset.done $0x0  }
0x25: {  	[sflag:s22] =	ssyncadd.s32 $0xFFFFFD80  }
0x26: {  	_ =	swait.ge [sflag:s23], $0x280  }
0x27: {  	[sflag:s23] =	ssyncset.done $0x0  }
0x28: {  	[sflag:s23] =	ssyncadd.s32 $0xFFFFFD80  }
0x29: {  	_ =	swait.ge [sflag:s20], $0x2800  }
0x2a: {  	[sflag:s20] =	ssyncset.done $0x0  }
0x2b: {  	s30 =	simm.s32 $0x0;
	[sflag:s20] =	ssyncadd.s32 $0xFFFFD800  }
0x2c: {  	v16 =	vld [tilespmem:s30+$0xF5A0]  }
0x2d: {  	v17 =	vld [tilespmem:s30+$0xF320];
	_ =	sdelay $0x4  }
0x2e: {  	v16 =	vadd.f32 v16, v17;
	_ =	sdelay $0x1  }
0x2f: {  	v17 =	vshra.s32 v16, $0x1;
	v16 =	vmul.f32 $5.000000000e-01, v16  }
0x30: {  	v17 =	vsub.s32 $0x5F3759DF, v17  }
0x31: {  	v18 =	vmul.f32 v17, v16;
	_ =	sdelay $0x1  }
0x32: {  	v18 =	vmul.f32 v17, v18;
	_ =	sdelay $0x1  }
0x33: {  	v18 =	vsub.f32 $1.500000000e+00, v18;
	_ =	sdelay $0x1  }
0x34: {  	v17 =	vmul.f32 v17, v18;
	_ =	sdelay $0x1  }
0x35: {  	v18 =	vmul.f32 v17, v16;
	_ =	sdelay $0x1  }
0x36: {  	v18 =	vmul.f32 v18, v17;
	_ =	sdelay $0x1  }
0x37: {  	v18 =	vsub.f32 $1.500000000e+00, v18;
	_ =	sdelay $0x1  }
0x38: {  	v17 =	vmul.f32 v18, v17;
	_ =	sdelay $0x1  }
0x39: {  	v16 =	vmul.f32 v17, v16;
	_ =	sdelay $0x1  }
0x3a: {  	v16 =	vmul.f32 v16, v17;
	_ =	sdelay $0x1  }
0x3b: {  	v16 =	vsub.f32 $1.500000000e+00, v16;
	_ =	sdelay $0x1  }
0x3c: {  	v16 =	vmul.f32 v16, v17;
	_ =	sdelay $0x1  }
0x3d: {  	s29 =	simm.s32 $0xCBA0;
	[tilespmem:s30+$0xF820] =	vst v16  }
0x3e: {  	v17 =	vld [tilespmem:s29+$0x70]  }
0x3f: {  	v18 =	vld [tilespmem:s29+$0x60]  }
0x40: {  	v19 =	vld [tilespmem:s29+$0x50]  }
0x41: {  	v20 =	vperm.xlane v16, v15;
	v22 =	vperm.xlane v16, v14;
	v21 =	vld [tilespmem:s29+$0x40]  }
0x42: {  	v24 =	vperm.xlane v16, v13;
	v50 =	vperm.xlane v16, v12;
	v23 =	vld [tilespmem:s29+$0x30]  }
0x43: {  	v51 =	vperm.xlane v16, v11;
	v53 =	vld [tilespmem:s29+$0xFFFFFFE0];
	v17 =	vmul.f32 v20, v17  }
0x44: {  	v55 =	vperm.xlane v16, v7;
	v25 =	vld [tilespmem:s29+$0x20];
	v18 =	vmul.f32 v22, v18  }
0x45: {  	v57 =	vperm.xlane v16, v6;
	v26 =	vld [tilespmem:s29+$0x10];
	v19 =	vmul.f32 v24, v19;
	[tilespmem:s29+$0x70] =	vst v17  }
0x46: {  	v62 =	vperm.xlane v16, v2;
	v27 =	vld [tilespmem:s29+$0x0];
	v20 =	vmul.f32 v50, v21;
	[tilespmem:s29+$0x60] =	vst v18  }
0x47: {  	v52 =	vld [tilespmem:s29+$0xFFFFFFF0];
	v22 =	vmul.f32 v51, v23;
	v17 =	vperm.xlane v16, v10;
	[tilespmem:s29+$0x50] =	vst v19  }
0x48: {  	v54 =	vld [tilespmem:s29+$0xFFFFFFD0];
	v21 =	vmul.f32 v57, v53;
	v18 =	vperm.xlane v16, v9;
	[tilespmem:s29+$0x40] =	vst v20  }
0x49: {  	v56 =	vld [tilespmem:s29+$0xFFFFFFC0];
	v19 =	vperm.xlane v16, v8;
	[tilespmem:s29+$0x30] =	vst v22;
	v17 =	vmul.f32 v17, v25  }
0x4a: {  	v63 =	vperm.xlane v16, v0;
	v58 =	vld [tilespmem:s29+$0xFFFFFFB0];
	[tilespmem:s29+$0xFFFFFFE0] =	vst v21;
	v18 =	vmul.f32 v18, v26  }
0x4b: {  	v61 =	vld [tilespmem:s29+$0xFFFFFF80];
	v19 =	vmul.f32 v19, v27;
	[tilespmem:s29+$0x20] =	vst v17;
	v17 =	vperm.xlane v16, v5  }
0x4c: {  	v59 =	vld [tilespmem:s29+$0xFFFFFFA0];
	v20 =	vmul.f32 v55, v52;
	[tilespmem:s29+$0x10] =	vst v18;
	v18 =	vperm.xlane v16, v4  }
0x4d: {  	v60 =	vld [tilespmem:s29+$0xFFFFFF90];
	[tilespmem:s29+$0x0] =	vst v19;
	v19 =	vperm.xlane v16, v3;
	v17 =	vmul.f32 v17, v54  }
0x4e: {  	[tilespmem:s29+$0xFFFFFFF0] =	vst v20;
	v16 =	vperm.xlane v16, v1;
	v18 =	vmul.f32 v18, v56  }
0x4f: {  	v19 =	vmul.f32 v19, v58;
	[tilespmem:s29+$0xFFFFFFD0] =	vst v17  }
0x50: {  	v16 =	vmul.f32 v16, v61;
	[tilespmem:s29+$0xFFFFFFC0] =	vst v18  }
0x51: {  	v17 =	vmul.f32 v62, v59;
	[tilespmem:s29+$0xFFFFFFB0] =	vst v19  }
0x52: {  	v18 =	vmul.f32 v63, v60;
	[tilespmem:s29+$0xFFFFFF80] =	vst v16  }
0x53: {  	[tilespmem:s29+$0xFFFFFFA0] =	vst v17  }
0x54: {  	s31 =	simm.s32 $0x10;
	[tilespmem:s29+$0xFFFFFF90] =	vst v18  }
0x55: {  	s30 =	simm.s32 $0x80;
	v16 =	vld [tilespmem:s31+$0xF5A0]  }
.LBB2_2:
0x56: {  	p1 =	sne.s32 s30, $0x9C0;
	v17 =	vld [tilespmem:s31+$0xF320];
	_ =	sdelay $0x4  }
0x57: {  	v16 =	vadd.f32 v16, v17;
	_ =	sdelay $0x1  }
0x58: {  	v17 =	vshra.s32 v16, $0x1;
	v16 =	vmul.f32 $5.000000000e-01, v16  }
0x59: {  	v17 =	vsub.s32 $0x5F3759DF, v17  }
0x5a: {  	v18 =	vmul.f32 v17, v16;
	_ =	sdelay $0x1  }
0x5b: {  	v18 =	vmul.f32 v17, v18;
	_ =	sdelay $0x1  }
0x5c: {  	v18 =	vsub.f32 $1.500000000e+00, v18;
	_ =	sdelay $0x1  }
0x5d: {  	v17 =	vmul.f32 v17, v18;
	_ =	sdelay $0x1  }
0x5e: {  	v18 =	vmul.f32 v17, v16;
	_ =	sdelay $0x1  }
0x5f: {  	v18 =	vmul.f32 v18, v17;
	_ =	sdelay $0x1  }
0x60: {  	v18 =	vsub.f32 $1.500000000e+00, v18;
	_ =	sdelay $0x1  }
0x61: {  	v17 =	vmul.f32 v18, v17;
	_ =	sdelay $0x1  }
0x62: {  	v16 =	vmul.f32 v17, v16;
	_ =	sdelay $0x1  }
0x63: {  	v16 =	vmul.f32 v16, v17;
	_ =	sdelay $0x1  }
0x64: {  	v16 =	vsub.f32 $1.500000000e+00, v16;
	_ =	sdelay $0x1  }
0x65: {  	v16 =	vmul.f32 v16, v17;
	_ =	sdelay $0x1  }
0x66: {  	s29 =	sadd.s32 $0x100, s29;
	[tilespmem:s31+$0xF820] =	vst v16;
	v17 =	vperm.xlane v16, v14;
	v18 =	vperm.xlane v16, v15  }
0x67: {  	v19 =	vperm.xlane v16, v12;
	v20 =	vperm.xlane v16, v13;
	v21 =	vld [tilespmem:s29+$0x70]  }
0x68: {  	v22 =	vperm.xlane v16, v10;
	v23 =	vperm.xlane v16, v11;
	v24 =	vld [tilespmem:s29+$0x60]  }
0x69: {  	v25 =	vperm.xlane v16, v8;
	v26 =	vperm.xlane v16, v9;
	v27 =	vld [tilespmem:s29+$0x50]  }
0x6a: {  	v28 =	vperm.xlane v16, v6;
	v29 =	vperm.xlane v16, v7;
	v30 =	vld [tilespmem:s29+$0x40]  }
0x6b: {  	v31 =	vperm.xlane v16, v4;
	v32 =	vperm.xlane v16, v5;
	v33 =	vld [tilespmem:s29+$0x30]  }
0x6c: {  	v34 =	vperm.xlane v16, v3;
	v35 =	vld [tilespmem:s29+$0x20];
	v18 =	vmul.f32 v18, v21  }
0x6d: {  	v21 =	vperm.xlane v16, v2;
	v36 =	vld [tilespmem:s29+$0x10];
	v17 =	vmul.f32 v17, v24  }
0x6e: {  	v24 =	vperm.xlane v16, v0;
	v37 =	vld [tilespmem:s29+$0x0];
	v20 =	vmul.f32 v20, v27;
	[tilespmem:s29+$0x70] =	vst v18  }
0x6f: {  	v16 =	vperm.xlane v16, v1;
	v18 =	vld [tilespmem:s29+$0xFFFFFFF0];
	v19 =	vmul.f32 v19, v30;
	[tilespmem:s29+$0x60] =	vst v17  }
0x70: {  	v17 =	vld [tilespmem:s29+$0xFFFFFFE0];
	v23 =	vmul.f32 v23, v33;
	[tilespmem:s29+$0x50] =	vst v20  }
0x71: {  	v20 =	vld [tilespmem:s29+$0xFFFFFFD0];
	v22 =	vmul.f32 v22, v35;
	[tilespmem:s29+$0x40] =	vst v19  }
0x72: {  	v19 =	vld [tilespmem:s29+$0xFFFFFFC0];
	v26 =	vmul.f32 v26, v36;
	[tilespmem:s29+$0x30] =	vst v23  }
0x73: {  	v23 =	vld [tilespmem:s29+$0xFFFFFFB0];
	v25 =	vmul.f32 v25, v37;
	[tilespmem:s29+$0x20] =	vst v22  }
0x74: {  	v22 =	vld [tilespmem:s29+$0xFFFFFFA0];
	v18 =	vmul.f32 v29, v18;
	[tilespmem:s29+$0x10] =	vst v26  }
0x75: {  	v26 =	vld [tilespmem:s29+$0xFFFFFF90];
	v17 =	vmul.f32 v28, v17;
	[tilespmem:s29+$0x0] =	vst v25  }
0x76: {  	v25 =	vld [tilespmem:s29+$0xFFFFFF80];
	v20 =	vmul.f32 v32, v20;
	[tilespmem:s29+$0xFFFFFFF0] =	vst v18  }
0x77: {  	v18 =	vmul.f32 v31, v19;
	[tilespmem:s29+$0xFFFFFFE0] =	vst v17  }
0x78: {  	v17 =	vmul.f32 v34, v23;
	[tilespmem:s29+$0xFFFFFFD0] =	vst v20  }
0x79: {  	v19 =	vmul.f32 v21, v22;
	[tilespmem:s29+$0xFFFFFFC0] =	vst v18  }
.Ltmp0:
0x7a: {  	v18 =	vmul.f32 v24, v26;
	[tilespmem:s29+$0xFFFFFFB0] =	vst v17;
	(pc) =	sbr.rel @p1 .LBB2_2-.Ltmp0, $4  }
0x7b: {  	v16 =	vmul.f32 v16, v25;
	[tilespmem:s29+$0xFFFFFFA0] =	vst v19  }
0x7c: {  	[tilespmem:s29+$0xFFFFFF90] =	vst v18  }
0x7d: {  	s31 =	sshra.s32 s30, $0x2;
	[tilespmem:s29+$0xFFFFFF80] =	vst v16  }
0x7e: {  	s30 =	sadd.s32 $0x40, s30;
	v16 =	vld [tilespmem:s31+$0xF5A0]  }
0x7f: {  	v17 =	vld [tilespmem:s31+$0xF320];
	_ =	sdelay $0x4  }
0x80: {  	v16 =	vadd.f32 v16, v17;
	_ =	sdelay $0x1  }
0x81: {  	v17 =	vshra.s32 v16, $0x1;
	v16 =	vmul.f32 $5.000000000e-01, v16  }
0x82: {  	v17 =	vsub.s32 $0x5F3759DF, v17  }
0x83: {  	v18 =	vmul.f32 v17, v16;
	_ =	sdelay $0x1  }
0x84: {  	v18 =	vmul.f32 v17, v18;
	_ =	sdelay $0x1  }
0x85: {  	v18 =	vsub.f32 $1.500000000e+00, v18;
	_ =	sdelay $0x1  }
0x86: {  	v17 =	vmul.f32 v17, v18;
	_ =	sdelay $0x1  }
0x87: {  	v18 =	vmul.f32 v17, v16;
	_ =	sdelay $0x1  }
0x88: {  	v18 =	vmul.f32 v18, v17;
	_ =	sdelay $0x1  }
0x89: {  	v18 =	vsub.f32 $1.500000000e+00, v18;
	_ =	sdelay $0x1  }
0x8a: {  	v17 =	vmul.f32 v18, v17;
	_ =	sdelay $0x1  }
0x8b: {  	v16 =	vmul.f32 v17, v16;
	_ =	sdelay $0x1  }
0x8c: {  	v16 =	vmul.f32 v16, v17;
	_ =	sdelay $0x1  }
0x8d: {  	v16 =	vsub.f32 $1.500000000e+00, v16;
	_ =	sdelay $0x1  }
0x8e: {  	v16 =	vmul.f32 v16, v17;
	_ =	sdelay $0x1  }
0x8f: {  	s29 =	sadd.s32 $0x100, s29;
	[tilespmem:s31+$0xF820] =	vst v16  }
0x90: {  	v17 =	vld [tilespmem:s29+$0x70]  }
0x91: {  	v44 =	vld [tilespmem:s29+$0x60]  }
0x92: {  	v19 =	vld [tilespmem:s29+$0x50]  }
0x93: {  	v20 =	vperm.xlane v16, v15;
	v21 =	vld [tilespmem:s29+$0x40]  }
0x94: {  	v22 =	vperm.xlane v16, v14;
	v24 =	vperm.xlane v16, v13;
	v23 =	vld [tilespmem:s29+$0x30]  }
0x95: {  	v45 =	vperm.xlane v16, v12;
	v49 =	vld [tilespmem:s29+$0xFFFFFFE0];
	v17 =	vmul.f32 v20, v17  }
0x96: {  	v46 =	vperm.xlane v16, v11;
	v58 =	vld [tilespmem:s29+$0xFFFFFF90];
	v18 =	vmul.f32 v22, v44  }
0x97: {  	v48 =	vperm.xlane v16, v9;
	v26 =	vld [tilespmem:s29+$0x10];
	v19 =	vmul.f32 v24, v19;
	[tilespmem:s29+$0x70] =	vst v17  }
0x98: {  	v54 =	vperm.xlane v16, v6;
	v27 =	vld [tilespmem:s29+$0x0];
	v20 =	vmul.f32 v45, v21;
	[tilespmem:s29+$0x60] =	vst v18  }
0x99: {  	v62 =	vperm.xlane v16, v0;
	v25 =	vld [tilespmem:s29+$0x20];
	v22 =	vmul.f32 v46, v23;
	[tilespmem:s29+$0x50] =	vst v19  }
0x9a: {  	v50 =	vperm.xlane v16, v8;
	v47 =	vld [tilespmem:s29+$0xFFFFFFF0];
	v21 =	vmul.f32 v54, v49;
	[tilespmem:s29+$0x40] =	vst v20  }
0x9b: {  	v52 =	vperm.xlane v16, v7;
	v53 =	vld [tilespmem:s29+$0xFFFFFFC0];
	v63 =	vmul.f32 v62, v58;
	[tilespmem:s29+$0x30] =	vst v22  }
0x9c: {  	v55 =	vld [tilespmem:s29+$0xFFFFFFB0];
	v17 =	vperm.xlane v16, v10;
	v18 =	vmul.f32 v48, v26;
	[tilespmem:s29+$0xFFFFFFE0] =	vst v21  }
0x9d: {  	v57 =	vperm.xlane v16, v4;
	v51 =	vld [tilespmem:s29+$0xFFFFFFD0];
	v19 =	vmul.f32 v50, v27;
	[tilespmem:s29+$0xFFFFFF90] =	vst v63  }
0x9e: {  	v59 =	vperm.xlane v16, v3;
	v60 =	vld [tilespmem:s29+$0xFFFFFF80];
	v17 =	vmul.f32 v17, v25;
	[tilespmem:s29+$0x10] =	vst v18  }
0x9f: {  	v61 =	vperm.xlane v16, v2;
	v56 =	vld [tilespmem:s29+$0xFFFFFFA0];
	v20 =	vmul.f32 v52, v47;
	[tilespmem:s29+$0x0] =	vst v19  }
0xa0: {  	v18 =	vmul.f32 v57, v53;
	[tilespmem:s29+$0x20] =	vst v17;
	v17 =	vperm.xlane v16, v5  }
0xa1: {  	[tilespmem:s29+$0xFFFFFFF0] =	vst v20;
	v19 =	vmul.f32 v59, v55;
	v16 =	vperm.xlane v16, v1  }
0xa2: {  	[tilespmem:s29+$0xFFFFFFC0] =	vst v18;
	v17 =	vmul.f32 v17, v51  }
0xa3: {  	[tilespmem:s29+$0xFFFFFFB0] =	vst v19;
	v16 =	vmul.f32 v16, v60  }
0xa4: {  	[tilespmem:s29+$0xFFFFFFD0] =	vst v17;
	v17 =	vmul.f32 v61, v56  }
0xa5: {  	s30 =	sshll.u32 @p0 s0, $0x6;
	[tilespmem:s29+$0xFFFFFF80] =	vst v16  }
0xa6: {  	[tilespmem:s29+$0xFFFFFFA0] =	vst v17;
	s29 =	sor.u32 @p0 $0x1C05, s30;
	s30 =	sshrl.u32 @p0 s12, $0x3  }
0xa7: {  	[spmem:s30], [sflag:s29] =	dma.local @p0 [hbm:s5], $0x500  }
0xa8: {  	s29 =	simm.s32 @p0 $0x5  }
0xa9: {  	_ =	swait.ge @p0 [sflag:s29], $0x500  }
0xaa: {  	[sflag:s29] =	ssyncset.done @p0 $0x0  }
0xab: {  	s30 =	simm.s32 @!p0 $0xF820;
	[sflag:s29] =	ssyncadd.s32 @p0 $0xFFFFFB00;
	s29 =	simm.s32 @!p0 $0x0  }
0xac: {  	[hbm4b:s11+s29] =	stream.linear.scatter @!p0 [tilespmem:s30], [sflag:$0x5], $0x280, $0x38;
	[tilespmem:$0x14AA0] =	vst v63  }
0xad: {  	s29 =	simm.s32 @!p0 $0x5  }
0xae: {  	_ =	swait.ge @!p0 [sflag:s29], $0x280  }
0xaf: {  	[sflag:s29] =	ssyncset.done @!p0 $0x0  }
0xb0: {  	s30 =	simm.s32 @!p0 $0xCB20;
	[sflag:s29] =	ssyncadd.s32 @!p0 $0xFFFFFD80  }
0xb1: {  	[spmem:s12] =	stream.linear.scatter @!p0 [tilespmem:s30], [sflag:$0x5], $0x2800, $0x38;
	[tilespmem:$0x14AA0] =	vst v63  }
0xb2: {  	_ =	swait.ge @!p0 [sflag:s29], $0x2800  }
0xb3: {  	[sflag:s29] =	ssyncset.done @!p0 $0x0  }
0xb4: {  	[sflag:s29] =	ssyncadd.s32 @!p0 $0xFFFFD800  }
0xb5: {  	[spmem:s13] =	stream.linear.scatter [tilespmem:s19], [sflag:$0x5], $0x2800, $0x38;
	[tilespmem:$0x14AA0] =	vst v63  }
0xb6: {  	_ =	swait.ge [sflag:s24], $0x2800  }
0xb7: {  	[sflag:s24] =	ssyncset.done $0x0  }
0xb8: {  	[sflag:s24] =	ssyncadd.s32 $0xFFFFD800  }
0xb9: {  	[bflag:$0x0] =	sbarrier.arrive $0xFFFF  }
0xba: {  	[tilespmem:s26], [sflag:$0x1] =	stream.indirect.gather [spmem:s3], $0x10, s4, s25, $0xb8;
	[tilespmem:$0x14AA0] =	vst v63  }
0xbb: {  	_ = 	snop  }
0xbc: {  	[tilespmem:s28], [sflag:$0x2] =	stream.indirect.gather [spmem:s3], $0x10, s25, s25, $0xb8;
	[tilespmem:$0x14AA0] =	vst v63  }
0xbd: {  	_ =	swait.ge [sflag:s20], $0x3E80  }
0xbe: {  	[sflag:s20] =	ssyncset.done $0x0  }
0xbf: {  	[sflag:s20] =	ssyncadd.s32 $0xFFFFC180  }
0xc0: {  	[spmem:s2] =	stream.indirect.scatter.add.f32 [tilespmem:s26], [sflag:$0x3], $0x10, s16, s25, $0xb8;
	[tilespmem:$0x14AA0] =	vst v63  }
0xc1: {  	_ =	swait.ge [sflag:s21], $0x3E80  }
0xc2: {  	[sflag:s21] =	ssyncset.done $0x0  }
0xc3: {  	s31 =	simm.s32 $0x2AF8;
	[sflag:s21] =	ssyncadd.s32 $0xFFFFC180  }
0xc4: {  	[spmem:s2] =	stream.indirect.scatter.add.f32 [tilespmem:s28], [sflag:$0x4], $0x10, s31, s25, $0xb8;
	[tilespmem:$0x14AA0] =	vst v63  }
0xc5: {  	_ =	swait.ge [sflag:s22], $0x3E80  }
0xc6: {  	[sflag:s22] =	ssyncset.done $0x0  }
0xc7: {  	s30 =	simm.s32 $0x7D0;
	[sflag:s22] =	ssyncadd.s32 $0xFFFFC180  }
0xc8: {  	[tilespmem:s26], [sflag:$0x1] =	stream.indirect.gather [spmem:s3], $0x10, s30, s25, $0xb8;
	[tilespmem:$0x14AA0] =	vst v63  }
0xc9: {  	_ =	swait.ge [sflag:s23], $0x3E80  }
0xca: {  	[sflag:s23] =	ssyncset.done $0x0  }
0xcb: {  	s31 =	simm.s32 $0xBB8;
	[sflag:s23] =	ssyncadd.s32 $0xFFFFC180  }
0xcc: {  	[tilespmem:s28], [sflag:$0x2] =	stream.indirect.gather [spmem:s3], $0x10, s31, s25, $0xb8;
	[tilespmem:$0x14AA0] =	vst v63  }
0xcd: {  	_ =	swait.ge [sflag:s20], $0x3E80  }
0xce: {  	[sflag:s20] =	ssyncset.done $0x0  }
0xcf: {  	s30 =	simm.s32 $0x2EE0;
	[sflag:s20] =	ssyncadd.s32 $0xFFFFC180  }
0xd0: {  	[spmem:s2] =	stream.indirect.scatter.add.f32 [tilespmem:s26], [sflag:$0x3], $0x10, s30, s25, $0xb8;
	[tilespmem:$0x14AA0] =	vst v63  }
0xd1: {  	_ =	swait.ge [sflag:s21], $0x3E80  }
0xd2: {  	[sflag:s21] =	ssyncset.done $0x0  }
0xd3: {  	s31 =	simm.s32 $0x32C8;
	[sflag:s21] =	ssyncadd.s32 $0xFFFFC180  }
0xd4: {  	[spmem:s2] =	stream.indirect.scatter.add.f32 [tilespmem:s28], [sflag:$0x4], $0x10, s31, s25, $0xb8;
	[tilespmem:$0x14AA0] =	vst v63  }
0xd5: {  	_ =	swait.ge [sflag:s22], $0x3E80  }
0xd6: {  	[sflag:s22] =	ssyncset.done $0x0  }
0xd7: {  	s30 =	simm.s32 $0xFA0;
	[sflag:s22] =	ssyncadd.s32 $0xFFFFC180  }
0xd8: {  	[tilespmem:s26], [sflag:$0x1] =	stream.indirect.gather [spmem:s3], $0x10, s30, s25, $0xb8;
	[tilespmem:$0x14AA0] =	vst v63  }
0xd9: {  	_ =	swait.ge [sflag:s23], $0x3E80  }
0xda: {  	[sflag:s23] =	ssyncset.done $0x0  }
0xdb: {  	s31 =	simm.s32 $0x1388;
	[sflag:s23] =	ssyncadd.s32 $0xFFFFC180  }
0xdc: {  	[tilespmem:s28], [sflag:$0x2] =	stream.indirect.gather [spmem:s3], $0x10, s31, s25, $0xb8;
	[tilespmem:$0x14AA0] =	vst v63  }
0xdd: {  	_ =	swait.ge [sflag:s20], $0x3E80  }
0xde: {  	[sflag:s20] =	ssyncset.done $0x0  }
0xdf: {  	s30 =	simm.s32 $0x36B0;
	[sflag:s20] =	ssyncadd.s32 $0xFFFFC180  }
0xe0: {  	[spmem:s2] =	stream.indirect.scatter.add.f32 [tilespmem:s26], [sflag:$0x3], $0x10, s30, s25, $0xb8;
	[tilespmem:$0x14AA0] =	vst v63  }
0xe1: {  	_ =	swait.ge [sflag:s21], $0x3E80  }
0xe2: {  	[sflag:s21] =	ssyncset.done $0x0  }
0xe3: {  	s31 =	simm.s32 $0x3A98;
	[sflag:s21] =	ssyncadd.s32 $0xFFFFC180  }
0xe4: {  	[spmem:s2] =	stream.indirect.scatter.add.f32 [tilespmem:s28], [sflag:$0x4], $0x10, s31, s25, $0xb8;
	[tilespmem:$0x14AA0] =	vst v63  }
0xe5: {  	_ =	swait.ge [sflag:s22], $0x3E80  }
0xe6: {  	[sflag:s22] =	ssyncset.done $0x0  }
0xe7: {  	s30 =	simm.s32 $0x1770;
	[sflag:s22] =	ssyncadd.s32 $0xFFFFC180  }
0xe8: {  	[tilespmem:s26], [sflag:$0x1] =	stream.indirect.gather [spmem:s3], $0x10, s30, s25, $0xb8;
	[tilespmem:$0x14AA0] =	vst v63  }
0xe9: {  	_ =	swait.ge [sflag:s23], $0x3E80  }
0xea: {  	[sflag:s23] =	ssyncset.done $0x0  }
0xeb: {  	s31 =	simm.s32 $0x1B58;
	[sflag:s23] =	ssyncadd.s32 $0xFFFFC180  }
0xec: {  	[tilespmem:s28], [sflag:$0x2] =	stream.indirect.gather [spmem:s3], $0x10, s31, s25, $0xb8;
	[tilespmem:$0x14AA0] =	vst v63  }
0xed: {  	_ =	swait.ge [sflag:s20], $0x3E80  }
0xee: {  	[sflag:s20] =	ssyncset.done $0x0  }
0xef: {  	s30 =	simm.s32 $0x3E80;
	[sflag:s20] =	ssyncadd.s32 $0xFFFFC180  }
0xf0: {  	[spmem:s2] =	stream.indirect.scatter.add.f32 [tilespmem:s26], [sflag:$0x3], $0x10, s30, s25, $0xb8;
	[tilespmem:$0x14AA0] =	vst v63  }
0xf1: {  	_ =	swait.ge [sflag:s21], $0x3E80  }
0xf2: {  	[sflag:s21] =	ssyncset.done $0x0  }
0xf3: {  	s31 =	simm.s32 $0x4268;
	[sflag:s21] =	ssyncadd.s32 $0xFFFFC180  }
0xf4: {  	[spmem:s2] =	stream.indirect.scatter.add.f32 [tilespmem:s28], [sflag:$0x4], $0x10, s31, s25, $0xb8;
	[tilespmem:$0x14AA0] =	vst v63  }
0xf5: {  	_ =	swait.ge [sflag:s22], $0x3E80  }
0xf6: {  	[sflag:s22] =	ssyncset.done $0x0  }
0xf7: {  	s30 =	simm.s32 $0x1F40;
	[sflag:s22] =	ssyncadd.s32 $0xFFFFC180  }
0xf8: {  	[tilespmem:s26], [sflag:$0x1] =	stream.indirect.gather [spmem:s3], $0x10, s30, s25, $0xb8;
	[tilespmem:$0x14AA0] =	vst v63  }
0xf9: {  	_ =	swait.ge [sflag:s23], $0x3E80  }
0xfa: {  	[sflag:s23] =	ssyncset.done $0x0  }
0xfb: {  	s31 =	simm.s32 $0x2328;
	[sflag:s23] =	ssyncadd.s32 $0xFFFFC180  }
0xfc: {  	[tilespmem:s28], [sflag:$0x2] =	stream.indirect.gather [spmem:s3], $0x10, s31, s25, $0xb8;
	[tilespmem:$0x14AA0] =	vst v63  }
0xfd: {  	_ =	swait.ge [sflag:s20], $0x3E80  }
0xfe: {  	[sflag:s20] =	ssyncset.done $0x0  }
0xff: {  	[sflag:s20] =	ssyncadd.s32 $0xFFFFC180  }
0x100: {  	[spmem:s2] =	stream.indirect.scatter.add.f32 [tilespmem:s26], [sflag:$0x3], $0x10, s1, s25, $0xb8;
	[tilespmem:$0x14AA0] =	vst v63  }
0x101: {  	_ =	swait.ge [sflag:s21], $0x3E80  }
0x102: {  	[sflag:s21] =	ssyncset.done $0x0  }
0x103: {  	[sflag:s21] =	ssyncadd.s32 $0xFFFFC180  }
0x104: {  	[spmem:s2] =	stream.indirect.scatter.add.f32 [tilespmem:s28], [sflag:$0x4], $0x10, s17, s25, $0xb8;
	[tilespmem:$0x14AA0] =	vst v63  }
0x105: {  	_ =	swait.ge [sflag:s22], $0x3E80  }
0x106: {  	[sflag:s22] =	ssyncset.done $0x0  }
0x107: {  	[sflag:s22] =	ssyncadd.s32 $0xFFFFC180  }
0x108: {  	_ =	swait.ge [sflag:s23], $0x3E80  }
0x109: {  	s18 =	sadd.s32 $0x1, s18;
	s30 =	sshll.u32 s0, $0x6;
	[sflag:s23] =	ssyncset.done $0x0  }
0x10a: {  	p1 =	sne.s32 s18, s15;
	s29 =	sor.u32 $0x1C05, s30;
	[sflag:s23] =	ssyncadd.s32 $0xFFFFC180  }
.Ltmp1:
0x10b: {  	s31 =	sshrl.u32 s12, $0x3;
	[bflag:$0x0] =	sbarrier.arrive $0xFFFF;
	(pc) =	sbr.rel @p1 .LBB2_1-.Ltmp1, $4  }
0x10c: {  	[hbm:s14], [sflag:s29] =	dma.local [spmem:s31], $0x500  }
0x10d: {  	_ =	swait.ge [sflag:s24], $0x500  }
0x10e: {  	[sflag:s24] =	ssyncset.done $0x0  }
0x10f: {  	[sflag:s24] =	ssyncadd.s32 $0xFFFFFB00  }
0x110: {  	_ =	sfence.sel $0x180000  }
0x111: {  	[bflag:$0x0] =	sbarrier.arrive $0xFFFF  }
0x112: {  	_ =	strace $0x9000004A  }
0x113: {  	[bflag:$0x2] =	sbarrier.arrive $0xFFFF  }
0x114: {  	p0 =	sne.s32 s0, $0x0;
	s0 =	rddreg [dreg:$0x4]  }
0x115: {  	s0 =	sadd.s32 @!p0 $0x100000, s0  }
0x116: {  	[sflag:s0] =	ssyncadd.tile.s32 @!p0 $0x1;
	_ =	shalt  }
.Lfunc_end2:
_tile_overlayer_lowered:
.L_overlay_start_2:
0x117: {  	(tag) =	ssettag $0x2  }
0x118: {  	s0 =	rddreg [dreg:$0x0];
	s2 =	stileid.u32  }
0x119: {  	s1 =	rddreg [dreg:$0x1];
	p0 =	sne.s32 s2, $0x0  }
0x11a: {  	s3 =	rddreg [dreg:$0x2];
	[bflag:$0x3] =	sbarrier.arrive $0xFFFF;
	s2 =	simm.s32 @!p0 $0x1C05  }
0x11b: {  	[timem:s3], [sflag:s2] =	dma.local @!p0 [hbm:s0], s1  }
0x11c: {  	s0 =	simm.s32 @!p0 $0x5  }
0x11d: {  	_ =	swait.ge @!p0 [sflag:s0], s1  }
0x11e: {  	s1 =	ssub.s32 @!p0 $0x0, s1;
	[sflag:s0] =	ssyncset.done @!p0 $0x0  }
0x11f: {  	[sflag:s0] =	ssyncadd.s32 @!p0 s1  }
0x120: {  	[bflag:$0x3] =	sbarrier.arrive $0xFFFF  }
0x121: {  	_ =	shalt  }

// kernel: kernel.13.cloned.1.call-start
scs
__scs_entry_jumppad:
0x0: {  	(pc) =	sbr.rel $0x88, $3  }
0x1: {  	(tag) =	ssettag $0x0;
	lr =	simm.s32 $0x1  }
0x2: {  	[smem:$0x3F9B] =	sst lr;
	_ =	strace $0xD0000000  }
0x3: {  	_ = 	snop  }
0x4: {  	_ = 	snop  }
0x5: {  	_ = 	snop  }
0x6: {  	_ = 	snop  }
0x7: {  	_ = 	snop  }
__scs_overlays_trampoline_lowered:
0x8: {  	[smem:$0x3FAA] =	sst s0  }
0x9: {  	[smem:$0x3FAB] =	sst s1  }
0xa: {  	[smem:$0x3FAC] =	sst s2  }
0xb: {  	[smem:$0x3FAD] =	sst s3  }
0xc: {  	[smem:$0x3FAE] =	sst s4  }
0xd: {  	[smem:$0x3FAF] =	sst s5  }
0xe: {  	[smem:$0x3FB0] =	sst s6  }
0xf: {  	[smem:$0x3FB1] =	sst s7  }
0x10: {  	[smem:$0x3FB2] =	sst s8  }
0x11: {  	[smem:$0x3FB3] =	sst s9;
	s0 =	simm.s32 @!p0 $0x0  }
0x12: {  	s1 =	sld [smem:$0x3F99];
	s0 =	simm.s32 @p0 $0x1  }
0x13: {  	[smem:$0x3FB4] =	sst s0;
	s0 =	simm.s32 @!p1 $0x0  }
0x14: {  	s2 =	sld [smem:$0x3F98];
	s0 =	simm.s32 @p1 $0x1  }
0x15: {  	[smem:$0x3FB5] =	sst s0;
	s0 =	simm.s32 @!p2 $0x0  }
0x16: {  	s3 =	sld [smem:$0x3FDB];
	s0 =	simm.s32 @p2 $0x1  }
0x17: {  	s4 =	simm.s32 $0x1BF5;
	[smem:$0x3FB7] =	sst s0  }
0x18: {  	s0 =	sld [smem:$0x3F9A];
	_ =	swait.ge [sflag:s4], $0x0  }
0x19: {  	s7 =	sld [smem:$0x3F9B]  }
0x1a: {  	s8 =	sadd.s32 $0xFFFFE003, lr  }
0x1b: {  	s9 =	sadd.s32 $0xFFFFFEF7, lr;
	s5 =	simm.s32 $0xFFFFFFFF;
	p2 =	slt.u32 s8, $0xFFFFF086  }
0x1c: {  	p1 =	slt.u32 s9, $0xF7A;
	s5 =	simm.s32 @!p2 $0x0  }
0x1d: {  	s5 =	simm.s32 @p1 $0x1;
	p0 =	seq.s32 s7, s2  }
0x1e: {  	s7 =	smul.u32 @!p0 $0xF7A, s2;
	p2 =	seq.s32 @!p0 s5, $0x0  }
0x1f: {  	s9 =	smul.u32 $0xF7A, s1;
	s8 =	simm.s32 @!p0 $0x1BF5;
	p2 =	por !p2, p0  }
0x20: {  	[sflag:s8] =	ssyncset.s32 @!p0 $0xFFFFF086;
	s6 =	sadd.s32 @!p0 s3, s7;
	s7 =	simm.s32 @!p0 $0x108  }
0x21: {  	s3 =	sadd.s32 s3, s9;
	s6 =	sadd.s32 @!p0 $0x88, s6;
	s7 =	simm.s32 @p2 $0x1082  }
0x22: {  	[simem:s7], [sflag:s8] =	dma.local @!p0 [hbm:s6], $0xF7A  }
0x23: {  	s9 =	sor.u32 $0xD0000000, s2;
	s6 =	simm.s32 $0x108;
	_ =	swait.ge @!p0 [sflag:s8], $0x0  }
0x24: {  	s3 =	sadd.s32 $0x88, s3;
	s6 =	simm.s32 @!p1 $0x1082;
	[sflag:s4] =	ssyncset.s32 $0xFFFFF086  }
0x25: {  	[simem:s6], [sflag:s4] =	dma.local [hbm:s3], $0xF7A  }
0x26: {  	[smem:$0x3F9B] =	sst s1;
	(tag) =	ssettag s2;
	_ =	strace s9  }
0x27: {  	s1 =	sld [smem:$0x3FAB]  }
0x28: {  	s2 =	sld [smem:$0x3FAC]  }
0x29: {  	s4 =	sld [smem:$0x3FAE]  }
0x2a: {  	p0 =	seq.s32 s5, $0x0;
	s5 =	sld [smem:$0x3FAF]  }
0x2b: {  	s6 =	sld [smem:$0x3FB0]  }
0x2c: {  	s7 =	sld [smem:$0x3FB1]  }
0x2d: {  	s3 =	simm.s32 $0x108;
	s8 =	sld [smem:$0x3FB2]  }
0x2e: {  	s3 =	simm.s32 @!p0 $0x1082;
	s9 =	sld [smem:$0x3FB3]  }
0x2f: {  	lr =	sadd.s32 s0, s3;
	s0 =	sld [smem:$0x3FAA]  }
0x30: {  	s3 =	sld [smem:$0x3FAD]  }
0x31: {  	[smem:$0x3FB6] =	sst s10  }
0x32: {  	s10 =	sld [smem:$0x3FB4];
	_ =	sdelay $0x3  }
0x33: {  	p0 =	seq.s32 s10, $0x1;
	s10 =	sld [smem:$0x3FB6];
	_ =	sdelay $0x3  }
0x34: {  	[smem:$0x3FB6] =	sst s10  }
0x35: {  	s10 =	sld [smem:$0x3FB5];
	_ =	sdelay $0x3  }
0x36: {  	p1 =	seq.s32 s10, $0x1;
	s10 =	sld [smem:$0x3FB6];
	_ =	sdelay $0x3  }
0x37: {  	[smem:$0x3FB6] =	sst s10  }
0x38: {  	s10 =	sld [smem:$0x3FB7]  }
0x39: {  	_ = 	snop;
	(pc) =	sbr.ind lr, $3  }
0x3a: {  	_ = 	snop  }
0x3b: {  	_ = 	snop  }
0x3c: {  	p2 =	seq.s32 s10, $0x1;
	s10 =	sld [smem:$0x3FB6]  }
0x3d: {  	_ =	shalt  }
0x3e: {  	_ =	shalt  }
0x3f: {  	_ =	shalt  }
0x40: {  	_ =	shalt  }
0x41: {  	_ =	shalt  }
0x42: {  	_ =	shalt  }
0x43: {  	_ =	shalt  }
0x44: {  	_ =	shalt  }
0x45: {  	_ =	shalt  }
0x46: {  	_ =	shalt  }
0x47: {  	_ =	shalt  }
0x48: {  	_ =	shalt  }
0x49: {  	_ =	shalt  }
0x4a: {  	_ =	shalt  }
0x4b: {  	_ =	shalt  }
0x4c: {  	_ =	shalt  }
0x4d: {  	_ =	shalt  }
0x4e: {  	_ =	shalt  }
0x4f: {  	_ =	shalt  }
0x50: {  	_ =	shalt  }
0x51: {  	_ =	shalt  }
0x52: {  	_ =	shalt  }
0x53: {  	_ =	shalt  }
0x54: {  	_ =	shalt  }
0x55: {  	_ =	shalt  }
0x56: {  	_ =	shalt  }
0x57: {  	_ =	shalt  }
0x58: {  	_ =	shalt  }
0x59: {  	_ =	shalt  }
0x5a: {  	_ =	shalt  }
0x5b: {  	_ =	shalt  }
0x5c: {  	_ =	shalt  }
0x5d: {  	_ =	shalt  }
0x5e: {  	_ =	shalt  }
0x5f: {  	_ =	shalt  }
0x60: {  	_ =	shalt  }
0x61: {  	_ =	shalt  }
0x62: {  	_ =	shalt  }
0x63: {  	_ =	shalt  }
0x64: {  	_ =	shalt  }
0x65: {  	_ =	shalt  }
0x66: {  	_ =	shalt  }
0x67: {  	_ =	shalt  }
0x68: {  	_ =	shalt  }
0x69: {  	_ =	shalt  }
0x6a: {  	_ =	shalt  }
0x6b: {  	_ =	shalt  }
0x6c: {  	_ =	shalt  }
0x6d: {  	_ =	shalt  }
0x6e: {  	_ =	shalt  }
0x6f: {  	_ =	shalt  }
0x70: {  	_ =	shalt  }
0x71: {  	_ =	shalt  }
0x72: {  	_ =	shalt  }
0x73: {  	_ =	shalt  }
0x74: {  	_ =	shalt  }
0x75: {  	_ =	shalt  }
0x76: {  	_ =	shalt  }
0x77: {  	_ =	shalt  }
0x78: {  	_ =	shalt  }
0x79: {  	_ =	shalt  }
0x7a: {  	_ =	shalt  }
0x7b: {  	_ =	shalt  }
0x7c: {  	_ =	shalt  }
0x7d: {  	_ =	shalt  }
0x7e: {  	_ =	shalt  }
0x7f: {  	_ =	shalt  }
0x80: {  	_ =	shalt  }
0x81: {  	_ =	shalt  }
0x82: {  	_ =	shalt  }
0x83: {  	_ =	shalt  }
0x84: {  	_ =	shalt  }
0x85: {  	_ =	shalt  }
0x86: {  	_ =	shalt  }
0x87: {  	_ =	shalt  }
.Lfunc_end0:
.L_simem_size_0:
called_computation.2_lowered:
.L_overlay_start_0:
0x88: {  	s2 =	sld [smem:$0x3FD9]  }
0x89: {  	s3 =	sld [smem:$0x3FFE];
	_ =	sdelay $0x1  }
0x8a: {  	s1 =	srdreg.scid  }
0x8b: {  	s0 =	sand.u32 $0x1, s1  }
0x8c: {  	s17 =	sshll.u32 s0, $0xA;
	s2 =	sadd.s32 s3, s2  }
0x8d: {  	s2 =	sadd.s32 s2, s17  }
0x8e: {  	[smem:$0x3FC2] =	sst s2  }
0x8f: {  	_ = 	snop  }
0x90: {  	s2 =	sld [smem:$0x3FC6];
	(tm) =	ssettm $0x1  }
0x91: {  	s18 =	sld [smem:$0x3FFB];
	_ =	sdelay $0x3  }
0x92: {  	_ =	strace s18  }
0x93: {  	s3 =	sld [smem:$0x3FFC];
	_ =	sdelay $0x3  }
0x94: {  	_ =	strace s3  }
0x95: {  	s3 =	sld [smem:$0x3FFD];
	_ =	sdelay $0x3  }
0x96: {  	_ =	strace s3  }
0x97: {  	_ =	strace $0x8FFFFFFF  }
0x98: {  	s19 =	sld [smem:$0x3FDB];
	_ =	sdelay $0x1  }
0x99: {  	s4 =	simm.s32 $_scs_section_size  }
0x9a: {  	s5 =	simm.s32 $_size__tile_overlayer_lowered;
	s6 =	simm.s32 $_tile_overlayer_lowered  }
0x9b: {  	s22 =	simm.s32 $0x1BFF;
	s21 =	sshll.u32 s6, $0x1;
	s3 =	sadd.s32 s4, s19  }
0x9c: {  	s7 =	simm.s32 $0x0;
	s20 =	sshll.u32 s5, $0x1;
	s5 =	sadd.s32 s21, s3  }
0x9d: {  	[timem:s7], [sflag:s22] =	dma.local [hbm:s5], s20  }
0x9e: {  	_ =	swait.ge [sflag:s22], s20  }
0x9f: {  	s4 =	ssub.s32 $0x0, s20;
	[sflag:s22] =	ssyncset.done $0x0  }
0xa0: {  	[sflag:s22] =	ssyncadd.s32 s4;
	_ =	sdelay $0x1  }
0xa1: {  	s23 =	simm.s32 $0x1B8B  }
0xa2: {  	_ =	swait.ge [sflag:s23], $0x1  }
0xa3: {  	[sflag:s23] =	ssyncset.done $0x0  }
0xa4: {  	s25 =	simm.s32 $0x1B8E;
	s24 =	sld [smem:$0x3FFE];
	[sflag:s23] =	ssyncadd.s32 $0xFFFFFFFF  }
0xa5: {  	s26 =	simm.s32 $execute0_lowered;
	[smem:$0x3FD2] =	sst s25  }
0xa6: {  	s5 =	sshll.u32 s26, $0x1;
	_ =	strace $0x8000004C;
	[dreg:$0x1] =	wrdreg $0xFFFFFFFF  }
0xa7: {  	s28 =	simm.s32 $_size_execute0_lowered;
	s3 =	sadd.s32 s3, s5;
	[dreg:$0x0] =	wrdreg $0x0  }
0xa8: {  	s5 =	sshll.u32 s28, $0x1;
	[dreg:$0x2] =	wrdreg s3  }
0xa9: {  	[dreg:$0x3] =	wrdreg s5  }
0xaa: {  	[dreg:$0x4] =	wrdreg $0xC0  }
0xab: {  	_ =	task [dreg:s7], $0x5FFFF  }
0xac: {  	[dreg:$0x1] =	wrdreg $0xFFFFFFFF  }
0xad: {  	[dreg:$0x0] =	wrdreg $0x60  }
0xae: {  	[dreg:$0x2] =	wrdreg s24  }
0xaf: {  	[dreg:$0x3] =	wrdreg s2  }
0xb0: {  	[dreg:$0x4] =	wrdreg $0x11DB00  }
0xb1: {  	[dreg:$0x5] =	wrdreg $0x145B00  }
0xb2: {  	[dreg:$0x6] =	wrdreg $0x9  }
0xb3: {  	_ =	task.clear_ibuf [dreg:s7], $0x7FFFF;
	_ =	strace $0x9000004C  }
0xb4: {  	s29 =	simm.s32 $0x9;
	_ =	strace $0x8000004E  }
0xb5: {  	_ =	swait.ge [sflag:s29], $0x1  }
0xb6: {  	[sflag:s29] =	ssyncadd.s32 $0xFFFFFFFF  }
0xb7: {  	_ =	strace $0x9000004E  }
0xb8: {  	_ =	sfence  }
0xb9: {  	s30 =	sld [smem:$0x0];
	_ =	sdelay $0x2  }
0xba: {  	s31 =	sshll.u32 s1, $0xD;
	s1 =	sshrl.u32 s1, $0x2  }
0xbb: {  	s3 =	sand.u32 $0x4000, s31;
	s1 =	sadd.s32 s1, s30  }
0xbc: {  	s0 =	sor.u32 s3, s0;
	s1 =	sshll.u32 s1, $0x11  }
0xbd: {  	s0 =	sor.u32 s1, s0  }
0xbe: {  	s0 =	sadd.s32 $0x8F2B, s0  }
0xbf: {  	[sflag:s0] =	ssyncadd.remote.s32 $0x1  }
0xc0: {  	_ =	sfence.sel $0xFFFF  }
0xc1: {  	[dreg:$0x0] =	wrdreg $0xFFFFFFFF;
	(pc) =	sbr.abs _section_cstart, $3  }
0xc2: {  	[dreg:$0x1] =	wrdreg $0xFFFFFFFF  }
0xc3: {  	_ =	task.clear_ibuf [dreg:s7], $0x2FFFF;
	_ =	strace $0x9FFFFFFF  }
0xc4: {  	(tm) =	ssettm $0x7FFFFFFF  }
0xc5: {  	_ =	shalt  }
tec
execute0_lowered:
.L_overlay_start_1:
0x0: {  	(tag) =	ssettag $0x1  }
0x1: {  	s1 =	rddreg [dreg:$0x0]  }
0x2: {  	s2 =	srdreg.scid;
	s3 =	rddreg [dreg:$0x2]  }
0x3: {  	s0 =	stileid.u32;
	s4 =	rddreg [dreg:$0x3]  }
0x4: {  	s16 =	simm.s32 $0x2710;
	s17 =	simm.s32 $0xCB20;
	s20 =	simm.s32 $0x1  }
0x5: {  	s21 =	simm.s32 $0x2;
	s22 =	simm.s32 $0x3;
	s23 =	simm.s32 $0x4  }
0x6: {  	s24 =	simm.s32 $0x5;
	s25 =	simm.s32 $0x3E8;
	s13 =	smul.u32 $0x2800, s0  }
0x7: {  	s26 =	simm.s32 $0x4E20;
	s2 =	sand.u32 $0x1, s2;
	s6 =	smul.u32 $0x50, s0  }
0x8: {  	s28 =	simm.s32 $0x8CA0;
	s5 =	sshll.u32 s2, $0x4;
	s9 =	smul.u32 $0x28000, s2  }
0x9: {  	s31 =	ssub.s32 $0x2, s2;
	p0 =	seq.s32 s2, $0x1;
	s2 =	simm.s32 $0x0  }
0xa: {  	s7 =	sor.u32 s0, s5;
	s5 =	simm.s32 $0x0;
	s8 =	sshrl.u32 s13, $0x3  }
0xb: {  	s11 =	sadd.s32 s6, s1;
	s6 =	sadd.s32 $0x1A200, s1;
	s12 =	sshrl.u32 s31, $0x1  }
0xc: {  	v0 =	vimm.s32 $0x0;
	s7 =	smul.u32 $0x4E2, s7;
	[smem:$0x7FF] =	sst s5;
	s10 =	sadd.s32 s8, s1  }
0xd: {  	v1 =	vimm.s32 $0x1;
	v2 =	vimm.s32 $0x2;
	v3 =	vimm.s32 $0x3;
	s30 =	sadd.s32 s13, s9;
	s15 =	ssub.s32 s31, s12;
	s11 =	sadd.s32 $0x24800, s11  }
0xe: {  	v4 =	vimm.s32 $0x4;
	v5 =	vimm.s32 $0x5;
	v6 =	vimm.s32 $0x6;
	s12 =	sadd.s32 s13, s3;
	s13 =	sadd.s32 s13, s4;
	_ =	strace $0x8000004D  }
0xf: {  	v7 =	vimm.s32 $0x7;
	v8 =	vimm.s32 $0x8;
	v9 =	vimm.s32 $0x9;
	s9 =	sadd.s32 $0x1A800, s10;
	s29 =	sadd.s32 s7, s1;
	s7 =	sshrl.u32 s30, $0x3  }
0x10: {  	v10 =	vimm.s32 $0xA;
	v11 =	vimm.s32 $0xB;
	v12 =	vimm.s32 $0xC;
	s10 =	sadd.s32 $0x1F800, s10;
	s15 =	smax.u32 s15, $0x1;
	s1 =	sadd.s32 s7, s1  }
0x11: {  	v13 =	vimm.s32 $0xD;
	v14 =	vimm.s32 $0xE;
	v15 =	vimm.s32 $0xF;
	s7 =	sadd.s32 $0x1000, s29;
	s8 =	sadd.s32 $0xAE00, s29;
	s14 =	sadd.s32 $0x24E00, s1  }
.LBB2_1:
0x12: {  	[tilespmem:s5], [sflag:$0x1] =	stream.linear.gather [hbm4b:s7+s5], $0x2710, $0x38;
	[tilespmem:$0x16DB0] =	vst v63  }
0x13: {  	_ = 	snop  }
0x14: {  	[tilespmem:s16], [sflag:$0x2] =	stream.linear.gather [hbm4b:s8+s5], $0x2710, $0x38;
	[tilespmem:$0x16DB0] =	vst v63  }
0x15: {  	_ = 	snop  }
0x16: {  	[tilespmem:s17], [sflag:$0x3] =	stream.linear.gather [hbm4b:s9+s5], $0x2800, $0x38;
	[tilespmem:$0x16DB0] =	vst v63  }
0x17: {  	s1 =	simm.s32 $0xF320  }
0x18: {  	[tilespmem:s1], [sflag:$0x4] =	stream.linear.gather [hbm4b:s10+s5], $0x2800, $0x38;
	[tilespmem:$0x16DB0] =	vst v63  }
0x19: {  	s18 =	simm.s32 $0x11B20  }
0x1a: {  	[tilespmem:s18], [sflag:$0x5] =	stream.linear.gather [hbm4b:s11+s5], $0x280, $0x38;
	[tilespmem:$0x16DB0] =	vst v63  }
0x1b: {  	s31 =	rddreg [dreg:$0x1];
	s19 =	simm.s32 $0x11DA0  }
0x1c: {  	[tilespmem:s19], [sflag:$0x1] =	stream.linear.gather [hbm4b:s31+s5], $0x10, $0x38;
	[tilespmem:$0x16DB0] =	vst v63  }
0x1d: {  	_ =	swait.ge [sflag:s20], $0x2710  }
0x1e: {  	[sflag:s20] =	ssyncset.done $0x0  }
0x1f: {  	[sflag:s20] =	ssyncadd.s32 $0xFFFFD8F0  }
0x20: {  	_ =	swait.ge [sflag:s21], $0x2710  }
0x21: {  	[sflag:s21] =	ssyncset.done $0x0  }
0x22: {  	[sflag:s21] =	ssyncadd.s32 $0xFFFFD8F0  }
0x23: {  	_ =	swait.ge [sflag:s22], $0x2800  }
0x24: {  	[sflag:s22] =	ssyncset.done $0x0  }
0x25: {  	[sflag:s22] =	ssyncadd.s32 $0xFFFFD800  }
0x26: {  	_ =	swait.ge [sflag:s23], $0x2800  }
0x27: {  	[sflag:s23] =	ssyncset.done $0x0  }
0x28: {  	[sflag:s23] =	ssyncadd.s32 $0xFFFFD800  }
0x29: {  	_ =	swait.ge [sflag:s24], $0x280  }
0x2a: {  	[sflag:s24] =	ssyncset.done $0x0  }
0x2b: {  	[sflag:s24] =	ssyncadd.s32 $0xFFFFFD80  }
0x2c: {  	_ =	swait.ge [sflag:s20], $0x10  }
0x2d: {  	[sflag:s20] =	ssyncset.done $0x0  }
0x2e: {  	[sflag:s20] =	ssyncadd.s32 $0xFFFFFFF0  }
0x2f: {  	s1 =	simm.s32 $0x0;
	v16 =	vld [tilespmem:$0x11DA0]  }
0x30: {  	v17 =	vld [tilespmem:s1+$0xF410]  }
0x31: {  	v18 =	vld [tilespmem:s1+$0xF330]  }
0x32: {  	v19 =	vld [tilespmem:s1+$0xF3E0]  }
0x33: {  	v21 =	vld [tilespmem:s1+$0xF3D0]  }
0x34: {  	v22 =	vld [tilespmem:s1+$0xF360]  }
0x35: {  	v25 =	vld [tilespmem:s1+$0xF370]  }
0x36: {  	v27 =	vld [tilespmem:s1+$0xCBD0]  }
0x37: {  	v28 =	vld [tilespmem:s1+$0xCC10]  }
0x38: {  	v30 =	vld [tilespmem:s1+$0xCB60]  }
0x39: {  	v32 =	vld [tilespmem:s18+$0x0]  }
0x3a: {  	v34 =	vld [tilespmem:s1+$0xF350]  }
0x3b: {  	v36 =	vld [tilespmem:s1+$0xF3F0]  }
0x3c: {  	v37 =	vld [tilespmem:s1+$0xCBF0]  }
0x3d: {  	v38 =	vld [tilespmem:s1+$0xCB30]  }
0x3e: {  	v39 =	vld [tilespmem:s1+$0xF320]  }
0x3f: {  	v40 =	vld [tilespmem:s1+$0xCB20]  }
0x40: {  	v62 =	vld [tilespmem:s1+$0xCB50]  }
0x41: {  	v63 =	vld [tilespmem:s1+$0xCBE0];
	v42 =	vperm.xlane v32, v11;
	v21 =	vadd.f32 v21, v27  }
0x42: {  	v33 =	vld [tilespmem:s1+$0xCB70];
	v43 =	vperm.xlane v32, v4;
	v44 =	vperm.xlane v32, v13;
	v36 =	vadd.f32 v36, v37  }
0x43: {  	v45 =	vperm.xlane v32, v1;
	v18 =	vadd.f32 v18, v38;
	v22 =	vadd.f32 v22, v30  }
0x44: {  	v20 =	vld [tilespmem:s1+$0xF3A0];
	v30 =	vperm.xlane v32, v0;
	v17 =	vadd.f32 v17, v28;
	v28 =	vperm.xlane v32, v15  }
0x45: {  	v24 =	vld [tilespmem:s1+$0xF400];
	v39 =	vadd.f32 v39, v40;
	v51 =	vperm.xlane v32, v12;
	v21 =	vmul.f32 v21, v42  }
0x46: {  	v23 =	vld [tilespmem:s1+$0xF3B0];
	v19 =	vadd.f32 v19, v63;
	v34 =	vadd.f32 v34, v62;
	v36 =	vmul.f32 v36, v44  }
0x47: {  	v26 =	vld [tilespmem:s1+$0xF3C0];
	v25 =	vadd.f32 v25, v33;
	v18 =	vmul.f32 v18, v45;
	v21 =	vadd.f32 v21, v16  }
0x48: {  	v46 =	vld [tilespmem:s1+$0xCB40];
	v53 =	vperm.xlane v32, v2;
	v39 =	vmul.f32 v39, v30;
	v36 =	vadd.f32 v36, v16  }
0x49: {  	v48 =	vld [tilespmem:s1+$0xF340];
	v17 =	vmul.f32 v17, v28;
	v18 =	vadd.f32 v18, v16;
	v21 =	vmax.f32 v21, $0.0e+00  }
0x4a: {  	v47 =	vld [tilespmem:s1+$0xF390];
	v39 =	vadd.f32 v39, v16;
	v36 =	vmax.f32 v36, $0.0e+00;
	v21 =	vmul.f32 v21, v42  }
0x4b: {  	v50 =	vld [tilespmem:s1+$0xCB90];
	v17 =	vadd.f32 v17, v16;
	v18 =	vmax.f32 v18, $0.0e+00;
	v36 =	vmul.f32 v36, v44  }
0x4c: {  	v29 =	vld [tilespmem:s1+$0xCBB0];
	v18 =	vmul.f32 v18, v45;
	[tilespmem:s1+$0xCBD0] =	vst v21;
	v21 =	vmul.f32 v22, v43;
	v22 =	vmax.f32 v39, $0.0e+00  }
0x4d: {  	v31 =	vld [tilespmem:s1+$0xCBC0];
	v55 =	vperm.xlane v32, v7;
	v17 =	vmax.f32 v17, $0.0e+00;
	[tilespmem:s1+$0xCBF0] =	vst v36;
	v22 =	vmul.f32 v22, v30  }
0x4e: {  	v35 =	vld [tilespmem:s1+$0xF380];
	s18 =	simm.s32 $0x100;
	v54 =	vadd.f32 v48, v46;
	v28 =	vmul.f32 v17, v28;
	[tilespmem:s1+$0xCB30] =	vst v18;
	v30 =	vperm.xlane v32, v3  }
0x4f: {  	v58 =	vperm.xlane v32, v10;
	v19 =	vmul.f32 v19, v51;
	v18 =	vld [tilespmem:s18+$0xF410];
	v21 =	vadd.f32 v21, v16;
	[tilespmem:s1+$0xCB20] =	vst v22  }
0x50: {  	v56 =	vadd.f32 v47, v50;
	v22 =	vmul.f32 v34, v30;
	v17 =	vld [tilespmem:s18+$0xF330];
	[tilespmem:s1+$0xCC10] =	vst v28;
	v28 =	vperm.xlane v32, v5  }
0x51: {  	v27 =	vld [tilespmem:s1+$0xCBA0];
	v59 =	vperm.xlane v32, v8;
	v19 =	vadd.f32 v19, v16;
	v21 =	vmax.f32 v21, $0.0e+00  }
0x52: {  	v41 =	vld [tilespmem:s1+$0xCB80];
	v52 =	vmul.f32 v21, v43;
	v22 =	vadd.f32 v22, v16;
	v25 =	vmul.f32 v25, v28  }
0x53: {  	v37 =	vld [tilespmem:s1+$0xCC00];
	v29 =	vadd.f32 v23, v29;
	v19 =	vmax.f32 v19, $0.0e+00;
	v34 =	vmul.f32 v54, v53  }
0x54: {  	v36 =	vmul.f32 v19, v51;
	v21 =	vld [tilespmem:s18+$0xF3A0];
	[tilespmem:s1+$0xCB60] =	vst v52;
	v57 =	vmax.f32 v22, $0.0e+00;
	v25 =	vadd.f32 v25, v16  }
0x55: {  	v26 =	vadd.f32 v26, v31;
	v60 =	vadd.f32 v34, v16;
	v19 =	vld [tilespmem:s18+$0xF3E0];
	v30 =	vmul.f32 v57, v30  }
0x56: {  	v27 =	vadd.f32 v20, v27;
	v39 =	vmul.f32 v56, v55;
	v22 =	vld [tilespmem:s18+$0xF400];
	[tilespmem:s1+$0xCBE0] =	vst v36;
	v25 =	vmax.f32 v25, $0.0e+00  }
0x57: {  	v61 =	vmax.f32 v60, $0.0e+00;
	v20 =	vld [tilespmem:s18+$0xF3D0];
	[tilespmem:s1+$0xCB50] =	vst v30;
	v30 =	vperm.xlane v32, v9;
	v25 =	vmul.f32 v25, v28  }
0x58: {  	v27 =	vmul.f32 v27, v59;
	v31 =	vmul.f32 v61, v53;
	v34 =	vld [tilespmem:s18+$0xF3B0];
	v28 =	vadd.f32 v39, v16  }
0x59: {  	v35 =	vadd.f32 v35, v41;
	v24 =	vadd.f32 v24, v37;
	v23 =	vld [tilespmem:s18+$0xF360];
	v29 =	vmul.f32 v29, v30;
	[tilespmem:s1+$0xCB70] =	vst v25  }
0x5a: {  	v27 =	vadd.f32 v27, v16;
	v28 =	vmax.f32 v28, $0.0e+00;
	v25 =	vld [tilespmem:s18+$0xF370];
	[tilespmem:s1+$0xCB40] =	vst v31;
	v31 =	vperm.xlane v32, v14  }
0x5b: {  	v26 =	vmul.f32 v26, v58;
	v29 =	vadd.f32 v29, v16;
	v28 =	vmul.f32 v28, v55  }
0x5c: {  	v62 =	vmax.f32 v27, $0.0e+00;
	v32 =	vperm.xlane v32, v6;
	v24 =	vmul.f32 v24, v31  }
0x5d: {  	v26 =	vadd.f32 v26, v16;
	v33 =	vmul.f32 v62, v59;
	v29 =	vmax.f32 v29, $0.0e+00  }
0x5e: {  	v27 =	vld [tilespmem:s18+$0xF3C0];
	[tilespmem:s1+$0xCB90] =	vst v28;
	v63 =	vmul.f32 v35, v32;
	v30 =	vmul.f32 v29, v30;
	v24 =	vadd.f32 v24, v16  }
0x5f: {  	v26 =	vmax.f32 v26, $0.0e+00;
	v28 =	vld [tilespmem:s18+$0xCBD0];
	[tilespmem:s1+$0xCBA0] =	vst v33  }
0x60: {  	v26 =	vmul.f32 v26, v58;
	v29 =	vld [tilespmem:s18+$0xCC10];
	v33 =	vadd.f32 v63, v16;
	[tilespmem:s1+$0xCBB0] =	vst v30;
	v30 =	vmax.f32 v24, $0.0e+00  }
0x61: {  	v30 =	vmul.f32 v30, v31  }
0x62: {  	v24 =	vld [tilespmem:s18+$0xCBB0];
	[tilespmem:s1+$0xCBC0] =	vst v26;
	v26 =	vmax.f32 v33, $0.0e+00  }
0x63: {  	s29 =	simm.s32 $0x11B30;
	s30 =	simm.s32 $0x11B30;
	s19 =	simm.s32 $0x800;
	v33 =	vld [tilespmem:s18+$0xCB60];
	v26 =	vmul.f32 v26, v32;
	[tilespmem:s1+$0xCC00] =	vst v30  }
.LBB2_2:
0x64: {  	p1 =	sne.s32 s19, $0x9C00;
	s29 =	sadd.s32 $0x10, s29  }
0x65: {  	v30 =	vld [tilespmem:s18+$0xCBC0];
	[tilespmem:s1+$0xCB80] =	vst v26;
	s31 =	smov.u32 s19;
	s19 =	sadd.s32 $0x400, s19;
	s1 =	smov.u32 s18  }
0x66: {  	v35 =	vld [tilespmem:s30+$0x0];
	s30 =	smov.u32 s29  }
0x67: {  	v36 =	vld [tilespmem:s1+$0xCB70]  }
0x68: {  	v31 =	vld [tilespmem:s1+$0xF380]  }
0x69: {  	v34 =	vadd.f32 v34, v24;
	v37 =	vld [tilespmem:s1+$0xF350]  }
0x6a: {  	v38 =	vld [tilespmem:s1+$0xCB80];
	v32 =	vadd.f32 v27, v30  }
0x6b: {  	v24 =	vperm.xlane v35, v6;
	v39 =	vld [tilespmem:s1+$0xCBA0];
	v26 =	vperm.xlane v35, v10  }
0x6c: {  	v40 =	vperm.xlane v35, v4;
	v27 =	vperm.xlane v35, v9;
	v41 =	vld [tilespmem:s1+$0xCC00]  }
0x6d: {  	v30 =	vperm.xlane v35, v7;
	v42 =	vld [tilespmem:s1+$0xCB50];
	v43 =	vmul.f32 v32, v26  }
0x6e: {  	v32 =	vperm.xlane v35, v2;
	v34 =	vmul.f32 v34, v27;
	v44 =	vld [tilespmem:s1+$0xCB40]  }
0x6f: {  	v46 =	vperm.xlane v35, v11;
	v45 =	vld [tilespmem:s1+$0xCB30];
	v38 =	vadd.f32 v31, v38;
	v31 =	vperm.xlane v35, v8  }
0x70: {  	v34 =	vadd.f32 v34, v16;
	v21 =	vadd.f32 v21, v39;
	v39 =	vperm.xlane v35, v12;
	v47 =	vld [tilespmem:s1+$0xCBE0]  }
0x71: {  	v49 =	vperm.xlane v35, v14;
	v43 =	vadd.f32 v43, v16;
	v48 =	vld [tilespmem:s1+$0xF3F0];
	v22 =	vadd.f32 v22, v41  }
0x72: {  	v41 =	vperm.xlane v35, v3;
	v38 =	vmul.f32 v38, v24;
	v37 =	vadd.f32 v37, v42;
	v42 =	vld [tilespmem:s1+$0xCBF0]  }
0x73: {  	v25 =	vadd.f32 v25, v36;
	v36 =	vmax.f32 v34, $0.0e+00;
	v50 =	vld [tilespmem:s1+$0xF320];
	v22 =	vmul.f32 v22, v49  }
0x74: {  	v23 =	vadd.f32 v23, v33;
	v33 =	vperm.xlane v35, v5;
	v34 =	vld [tilespmem:s1+$0xCB20];
	v37 =	vmul.f32 v37, v41  }
0x75: {  	v20 =	vadd.f32 v20, v28;
	v18 =	vadd.f32 v18, v29;
	v51 =	vmul.f32 v21, v31  }
0x76: {  	v21 =	vmul.f32 v23, v40;
	v23 =	vperm.xlane v35, v15;
	v19 =	vadd.f32 v19, v47  }
0x77: {  	v28 =	vperm.xlane v35, v13;
	v20 =	vmul.f32 v20, v46;
	v29 =	vadd.f32 v48, v42  }
0x78: {  	v17 =	vadd.f32 v17, v45;
	v42 =	vperm.xlane v35, v0;
	v35 =	vperm.xlane v35, v1  }
0x79: {  	v20 =	vadd.f32 v20, v16;
	v34 =	vadd.f32 v50, v34;
	v29 =	vmul.f32 v29, v28  }
0x7a: {  	v21 =	vadd.f32 v21, v16;
	v18 =	vmul.f32 v18, v23;
	v17 =	vmul.f32 v17, v35;
	v45 =	vld [tilespmem:s1+$0xF390]  }
0x7b: {  	v20 =	vmax.f32 v20, $0.0e+00;
	v34 =	vmul.f32 v34, v42;
	v47 =	vld [tilespmem:s1+$0xF340];
	v29 =	vadd.f32 v29, v16  }
0x7c: {  	v20 =	vmul.f32 v20, v46;
	v18 =	vadd.f32 v18, v16;
	v17 =	vadd.f32 v17, v16;
	v48 =	vld [tilespmem:s1+$0xCB90]  }
0x7d: {  	v19 =	vmul.f32 v19, v39;
	v34 =	vadd.f32 v34, v16;
	v29 =	vmax.f32 v29, $0.0e+00  }
0x7e: {  	v18 =	vmax.f32 v18, $0.0e+00;
	v17 =	vmax.f32 v17, $0.0e+00;
	[tilespmem:s1+$0xCBD0] =	vst v20;
	v20 =	vmul.f32 v29, v28  }
0x7f: {  	v23 =	vmul.f32 v18, v23;
	v17 =	vmul.f32 v17, v35;
	v28 =	vmax.f32 v34, $0.0e+00  }
0x80: {  	v18 =	vmax.f32 v21, $0.0e+00;
	v19 =	vadd.f32 v19, v16;
	v28 =	vmul.f32 v28, v42;
	[tilespmem:s1+$0xCBF0] =	vst v20  }
0x81: {  	s18 =	sshra.s32 s31, $0x2;
	v29 =	vmul.f32 v18, v40;
	v20 =	vadd.f32 v47, v44;
	[tilespmem:s1+$0xCB30] =	vst v17;
	v21 =	vadd.f32 v45, v48  }
0x82: {  	v25 =	vmul.f32 v25, v33;
	v19 =	vmax.f32 v19, $0.0e+00;
	v18 =	vld [tilespmem:s18+$0xF410];
	[tilespmem:s1+$0xCB20] =	vst v28;
	v28 =	vadd.f32 v37, v16  }
0x83: {  	v35 =	vadd.f32 v22, v16;
	v20 =	vmul.f32 v20, v32;
	v17 =	vld [tilespmem:s18+$0xF330];
	v34 =	vmul.f32 v21, v30;
	[tilespmem:s1+$0xCC10] =	vst v23  }
0x84: {  	v23 =	vadd.f32 v25, v16;
	v25 =	vmul.f32 v19, v39;
	v21 =	vld [tilespmem:s18+$0xF3A0];
	v22 =	vmax.f32 v28, $0.0e+00;
	[tilespmem:s1+$0xCB60] =	vst v29  }
0x85: {  	v28 =	vadd.f32 v20, v16;
	v19 =	vld [tilespmem:s18+$0xF3E0];
	v29 =	vmul.f32 v22, v41;
	v34 =	vadd.f32 v34, v16  }
0x86: {  	v37 =	vadd.f32 v51, v16;
	v23 =	vmax.f32 v23, $0.0e+00;
	v22 =	vld [tilespmem:s18+$0xF400];
	[tilespmem:s1+$0xCBE0] =	vst v25;
	v25 =	vmax.f32 v35, $0.0e+00  }
0x87: {  	v28 =	vmax.f32 v28, $0.0e+00;
	v20 =	vld [tilespmem:s18+$0xF3D0];
	[tilespmem:s1+$0xCB50] =	vst v29;
	v29 =	vmul.f32 v23, v33;
	v23 =	vmax.f32 v34, $0.0e+00  }
0x88: {  	v28 =	vmul.f32 v28, v32;
	v32 =	vmax.f32 v37, $0.0e+00;
	v34 =	vld [tilespmem:s18+$0xF3B0];
	v30 =	vmul.f32 v23, v30  }
0x89: {  	v31 =	vmul.f32 v32, v31;
	v32 =	vmul.f32 v25, v49;
	v23 =	vld [tilespmem:s18+$0xF360];
	[tilespmem:s1+$0xCB70] =	vst v29;
	v29 =	vadd.f32 v38, v16  }
0x8a: {  	v33 =	vmul.f32 v36, v27;
	v25 =	vld [tilespmem:s18+$0xF370];
	[tilespmem:s1+$0xCB40] =	vst v28;
	v28 =	vmax.f32 v43, $0.0e+00  }
.Ltmp0:
0x8b: {  	v27 =	vld [tilespmem:s18+$0xF3C0];
	v29 =	vmax.f32 v29, $0.0e+00;
	[tilespmem:s1+$0xCB90] =	vst v30;
	v30 =	vmul.f32 v28, v26;
	(pc) =	sbr.rel @p1 .LBB2_2-.Ltmp0, $4  }
0x8c: {  	v28 =	vld [tilespmem:s18+$0xCBD0];
	v26 =	vmul.f32 v29, v24;
	[tilespmem:s1+$0xCBA0] =	vst v31  }
0x8d: {  	v29 =	vld [tilespmem:s18+$0xCC10];
	[tilespmem:s1+$0xCBB0] =	vst v33  }
0x8e: {  	v24 =	vld [tilespmem:s18+$0xCBB0];
	[tilespmem:s1+$0xCBC0] =	vst v30  }
0x8f: {  	v33 =	vld [tilespmem:s18+$0xCB60];
	[tilespmem:s1+$0xCC00] =	vst v32  }
0x90: {  	v30 =	vld [tilespmem:s18+$0xCBC0];
	[tilespmem:s1+$0xCB80] =	vst v26  }
0x91: {  	v26 =	vld [tilespmem:s30+$0x0]  }
0x92: {  	v31 =	vld [tilespmem:s18+$0xCB70]  }
0x93: {  	v32 =	vld [tilespmem:s18+$0xF380]  }
0x94: {  	v35 =	vld [tilespmem:s18+$0xF350]  }
0x95: {  	v36 =	vld [tilespmem:s18+$0xCB80]  }
0x96: {  	v37 =	vld [tilespmem:s18+$0xCBA0]  }
0x97: {  	v40 =	vld [tilespmem:s18+$0xCB50]  }
0x98: {  	v41 =	vld [tilespmem:s18+$0xCC00]  }
0x99: {  	v44 =	vld [tilespmem:s18+$0xCB30];
	v20 =	vadd.f32 v20, v28  }
0x9a: {  	v46 =	vld [tilespmem:s18+$0xCBE0];
	v18 =	vadd.f32 v18, v29;
	v27 =	vadd.f32 v27, v30;
	v30 =	vperm.xlane v26, v6  }
0x9b: {  	v47 =	vld [tilespmem:s18+$0xF3F0];
	v24 =	vadd.f32 v34, v24;
	v38 =	vperm.xlane v26, v10;
	v34 =	vperm.xlane v26, v4  }
0x9c: {  	v59 =	vld [tilespmem:s18+$0xCBF0];
	v23 =	vadd.f32 v23, v33;
	v39 =	vperm.xlane v26, v9;
	v42 =	vperm.xlane v26, v7  }
0x9d: {  	v60 =	vld [tilespmem:s18+$0xF320];
	v43 =	vperm.xlane v26, v2;
	v32 =	vadd.f32 v32, v36;
	v36 =	vperm.xlane v26, v8  }
0x9e: {  	v61 =	vld [tilespmem:s18+$0xCB20];
	v45 =	vperm.xlane v26, v11;
	v21 =	vadd.f32 v21, v37;
	v37 =	vperm.xlane v26, v12  }
0x9f: {  	v53 =	vld [tilespmem:s18+$0xCB40];
	v48 =	vperm.xlane v26, v3;
	v35 =	vadd.f32 v35, v40;
	v49 =	vperm.xlane v26, v14  }
0xa0: {  	v54 =	vld [tilespmem:s18+$0xF390];
	v22 =	vadd.f32 v22, v41;
	v33 =	vperm.xlane v26, v5;
	v62 =	vperm.xlane v26, v15  }
0xa1: {  	v50 =	vld [tilespmem:s18+$0xCB90];
	v25 =	vadd.f32 v25, v31;
	v63 =	vperm.xlane v26, v13;
	v52 =	vperm.xlane v26, v0  }
0xa2: {  	v55 =	vld [tilespmem:s18+$0xF340];
	v19 =	vadd.f32 v19, v46;
	v26 =	vperm.xlane v26, v1;
	v27 =	vmul.f32 v27, v38  }
0xa3: {  	v40 =	vadd.f32 v47, v59;
	v24 =	vmul.f32 v24, v39;
	v35 =	vmul.f32 v35, v48  }
0xa4: {  	v17 =	vadd.f32 v17, v44;
	v21 =	vmul.f32 v21, v36;
	v23 =	vmul.f32 v23, v34  }
0xa5: {  	v31 =	vadd.f32 v60, v61;
	v20 =	vmul.f32 v20, v45;
	v40 =	vmul.f32 v40, v63  }
0xa6: {  	v58 =	vadd.f32 v54, v50;
	v17 =	vmul.f32 v17, v26;
	v18 =	vmul.f32 v18, v62  }
0xa7: {  	v57 =	vadd.f32 v55, v53;
	v31 =	vmul.f32 v31, v52;
	v19 =	vmul.f32 v19, v37  }
0xa8: {  	v25 =	vmul.f32 v25, v33;
	v60 =	vmul.f32 v58, v42;
	v20 =	vadd.f32 v20, v16  }
0xa9: {  	v22 =	vmul.f32 v22, v49;
	v24 =	vadd.f32 v24, v16;
	v40 =	vadd.f32 v40, v16  }
0xaa: {  	v23 =	vadd.f32 v23, v16;
	v17 =	vadd.f32 v17, v16;
	v20 =	vmax.f32 v20, $0.0e+00  }
0xab: {  	v31 =	vadd.f32 v31, v16;
	v40 =	vmax.f32 v40, $0.0e+00;
	v20 =	vmul.f32 v20, v45  }
0xac: {  	v18 =	vadd.f32 v18, v16;
	v17 =	vmax.f32 v17, $0.0e+00;
	v29 =	vmul.f32 v40, v63  }
0xad: {  	v19 =	vadd.f32 v19, v16;
	v31 =	vmax.f32 v31, $0.0e+00;
	v17 =	vmul.f32 v17, v26;
	[tilespmem:s18+$0xCBD0] =	vst v20  }
0xae: {  	v59 =	vadd.f32 v35, v16;
	v18 =	vmax.f32 v18, $0.0e+00;
	v56 =	vmul.f32 v31, v52;
	[tilespmem:s18+$0xCBF0] =	vst v29  }
0xaf: {  	v21 =	vadd.f32 v21, v16;
	v19 =	vmax.f32 v19, $0.0e+00;
	v18 =	vmul.f32 v18, v62;
	[tilespmem:s18+$0xCB30] =	vst v17  }
0xb0: {  	v23 =	vmax.f32 v23, $0.0e+00;
	v26 =	vmul.f32 v57, v43;
	v19 =	vmul.f32 v19, v37;
	[tilespmem:s18+$0xCB20] =	vst v56  }
0xb1: {  	v25 =	vadd.f32 v25, v16;
	v21 =	vmax.f32 v21, $0.0e+00;
	v17 =	vmul.f32 v23, v34;
	[tilespmem:s18+$0xCC10] =	vst v18  }
0xb2: {  	v21 =	vmul.f32 v21, v36;
	v18 =	vmax.f32 v59, $0.0e+00;
	v61 =	vadd.f32 v26, v16;
	[tilespmem:s18+$0xCBE0] =	vst v19  }
0xb3: {  	v62 =	vmax.f32 v25, $0.0e+00;
	[tilespmem:s18+$0xCB60] =	vst v17;
	v17 =	vmul.f32 v18, v48;
	v18 =	vadd.f32 v60, v16  }
0xb4: {  	v27 =	vadd.f32 v27, v16;
	v20 =	vmul.f32 v62, v33;
	[tilespmem:s18+$0xCBA0] =	vst v21;
	v19 =	vmax.f32 v61, $0.0e+00  }
0xb5: {  	[tilespmem:s18+$0xCB50] =	vst v17;
	v17 =	vmax.f32 v18, $0.0e+00;
	v18 =	vmul.f32 v19, v43;
	v19 =	vmul.f32 v32, v30  }
0xb6: {  	v22 =	vadd.f32 v22, v16;
	v63 =	vmax.f32 v24, $0.0e+00;
	[tilespmem:s18+$0xCB70] =	vst v20;
	v17 =	vmul.f32 v17, v42  }
0xb7: {  	[tilespmem:s18+$0xCB40] =	vst v18;
	v16 =	vadd.f32 v19, v16;
	v18 =	vmul.f32 v63, v39;
	v19 =	vmax.f32 v27, $0.0e+00  }
0xb8: {  	[tilespmem:s18+$0xCB90] =	vst v17;
	v17 =	vmax.f32 v22, $0.0e+00;
	v19 =	vmul.f32 v19, v38  }
0xb9: {  	v17 =	vmul.f32 v17, v49;
	v16 =	vmax.f32 v16, $0.0e+00;
	[tilespmem:s18+$0xCBB0] =	vst v18  }
0xba: {  	v16 =	vmul.f32 v16, v30;
	[tilespmem:s18+$0xCBC0] =	vst v19  }
0xbb: {  	s1 =	sshll.u32 @p0 s0, $0x6;
	[tilespmem:s18+$0xCC00] =	vst v17  }
0xbc: {  	s1 =	sor.u32 @p0 $0x1C05, s1;
	[tilespmem:s18+$0xCB80] =	vst v16;
	s18 =	sshrl.u32 @p0 s12, $0x3  }
0xbd: {  	[spmem:s18], [sflag:s1] =	dma.local @p0 [hbm:s6], $0x500  }
0xbe: {  	s1 =	simm.s32 @p0 $0x5  }
0xbf: {  	_ =	swait.ge @p0 [sflag:s1], $0x500  }
0xc0: {  	[sflag:s1] =	ssyncset.done @p0 $0x0  }
0xc1: {  	[sflag:s1] =	ssyncadd.s32 @p0 $0xFFFFFB00;
	s1 =	simm.s32 @!p0 $0xCB20  }
0xc2: {  	[spmem:s12] =	stream.linear.scatter @!p0 [tilespmem:s1], [sflag:$0x5], $0x2800, $0x38;
	[tilespmem:$0x16DB0] =	vst v63  }
0xc3: {  	s1 =	simm.s32 @!p0 $0x5  }
0xc4: {  	_ =	swait.ge @!p0 [sflag:s1], $0x2800  }
0xc5: {  	[sflag:s1] =	ssyncset.done @!p0 $0x0  }
0xc6: {  	[sflag:s1] =	ssyncadd.s32 @!p0 $0xFFFFD800  }
0xc7: {  	[spmem:s13] =	stream.linear.scatter [tilespmem:s17], [sflag:$0x5], $0x2800, $0x38;
	[tilespmem:$0x16DB0] =	vst v63  }
0xc8: {  	_ =	swait.ge [sflag:s24], $0x2800  }
0xc9: {  	[sflag:s24] =	ssyncset.done $0x0  }
0xca: {  	[sflag:s24] =	ssyncadd.s32 $0xFFFFD800  }
0xcb: {  	s30 =	simm.s32 $0x0;
	[bflag:$0x0] =	sbarrier.arrive $0xFFFF  }
0xcc: {  	[tilespmem:s26], [sflag:$0x1] =	stream.indirect.gather [spmem:s4], $0x10, s30, s25, $0xb8;
	[tilespmem:$0x16DB0] =	vst v63  }
0xcd: {  	_ = 	snop  }
0xce: {  	[tilespmem:s28], [sflag:$0x2] =	stream.indirect.gather [spmem:s4], $0x10, s25, s25, $0xb8;
	[tilespmem:$0x16DB0] =	vst v63  }
0xcf: {  	_ =	swait.ge [sflag:s20], $0x3E80  }
0xd0: {  	[sflag:s20] =	ssyncset.done $0x0  }
0xd1: {  	[sflag:s20] =	ssyncadd.s32 $0xFFFFC180  }
0xd2: {  	[spmem:s3] =	stream.indirect.scatter.add.f32 [tilespmem:s26], [sflag:$0x3], $0x10, s16, s25, $0xb8;
	[tilespmem:$0x16DB0] =	vst v63  }
0xd3: {  	_ =	swait.ge [sflag:s21], $0x3E80  }
0xd4: {  	[sflag:s21] =	ssyncset.done $0x0  }
0xd5: {  	s31 =	simm.s32 $0x2AF8;
	[sflag:s21] =	ssyncadd.s32 $0xFFFFC180  }
0xd6: {  	[spmem:s3] =	stream.indirect.scatter.add.f32 [tilespmem:s28], [sflag:$0x4], $0x10, s31, s25, $0xb8;
	[tilespmem:$0x16DB0] =	vst v63  }
0xd7: {  	_ =	swait.ge [sflag:s22], $0x3E80  }
0xd8: {  	[sflag:s22] =	ssyncset.done $0x0  }
0xd9: {  	s18 =	simm.s32 $0x7D0;
	[sflag:s22] =	ssyncadd.s32 $0xFFFFC180  }
0xda: {  	[tilespmem:s26], [sflag:$0x1] =	stream.indirect.gather [spmem:s4], $0x10, s18, s25, $0xb8;
	[tilespmem:$0x16DB0] =	vst v63  }
0xdb: {  	_ =	swait.ge [sflag:s23], $0x3E80  }
0xdc: {  	[sflag:s23] =	ssyncset.done $0x0  }
0xdd: {  	s19 =	simm.s32 $0xBB8;
	[sflag:s23] =	ssyncadd.s32 $0xFFFFC180  }
0xde: {  	[tilespmem:s28], [sflag:$0x2] =	stream.indirect.gather [spmem:s4], $0x10, s19, s25, $0xb8;
	[tilespmem:$0x16DB0] =	vst v63  }
0xdf: {  	_ =	swait.ge [sflag:s20], $0x3E80  }
0xe0: {  	[sflag:s20] =	ssyncset.done $0x0  }
0xe1: {  	s30 =	simm.s32 $0x2EE0;
	[sflag:s20] =	ssyncadd.s32 $0xFFFFC180  }
0xe2: {  	[spmem:s3] =	stream.indirect.scatter.add.f32 [tilespmem:s26], [sflag:$0x3], $0x10, s30, s25, $0xb8;
	[tilespmem:$0x16DB0] =	vst v63  }
0xe3: {  	_ =	swait.ge [sflag:s21], $0x3E80  }
0xe4: {  	[sflag:s21] =	ssyncset.done $0x0  }
0xe5: {  	s31 =	simm.s32 $0x32C8;
	[sflag:s21] =	ssyncadd.s32 $0xFFFFC180  }
0xe6: {  	[spmem:s3] =	stream.indirect.scatter.add.f32 [tilespmem:s28], [sflag:$0x4], $0x10, s31, s25, $0xb8;
	[tilespmem:$0x16DB0] =	vst v63  }
0xe7: {  	_ =	swait.ge [sflag:s22], $0x3E80  }
0xe8: {  	[sflag:s22] =	ssyncset.done $0x0  }
0xe9: {  	s18 =	simm.s32 $0xFA0;
	[sflag:s22] =	ssyncadd.s32 $0xFFFFC180  }
0xea: {  	[tilespmem:s26], [sflag:$0x1] =	stream.indirect.gather [spmem:s4], $0x10, s18, s25, $0xb8;
	[tilespmem:$0x16DB0] =	vst v63  }
0xeb: {  	_ =	swait.ge [sflag:s23], $0x3E80  }
0xec: {  	[sflag:s23] =	ssyncset.done $0x0  }
0xed: {  	s19 =	simm.s32 $0x1388;
	[sflag:s23] =	ssyncadd.s32 $0xFFFFC180  }
0xee: {  	[tilespmem:s28], [sflag:$0x2] =	stream.indirect.gather [spmem:s4], $0x10, s19, s25, $0xb8;
	[tilespmem:$0x16DB0] =	vst v63  }
0xef: {  	_ =	swait.ge [sflag:s20], $0x3E80  }
0xf0: {  	[sflag:s20] =	ssyncset.done $0x0  }
0xf1: {  	s30 =	simm.s32 $0x36B0;
	[sflag:s20] =	ssyncadd.s32 $0xFFFFC180  }
0xf2: {  	[spmem:s3] =	stream.indirect.scatter.add.f32 [tilespmem:s26], [sflag:$0x3], $0x10, s30, s25, $0xb8;
	[tilespmem:$0x16DB0] =	vst v63  }
0xf3: {  	_ =	swait.ge [sflag:s21], $0x3E80  }
0xf4: {  	[sflag:s21] =	ssyncset.done $0x0  }
0xf5: {  	s31 =	simm.s32 $0x3A98;
	[sflag:s21] =	ssyncadd.s32 $0xFFFFC180  }
0xf6: {  	[spmem:s3] =	stream.indirect.scatter.add.f32 [tilespmem:s28], [sflag:$0x4], $0x10, s31, s25, $0xb8;
	[tilespmem:$0x16DB0] =	vst v63  }
0xf7: {  	_ =	swait.ge [sflag:s22], $0x3E80  }
0xf8: {  	[sflag:s22] =	ssyncset.done $0x0  }
0xf9: {  	s18 =	simm.s32 $0x1770;
	[sflag:s22] =	ssyncadd.s32 $0xFFFFC180  }
0xfa: {  	[tilespmem:s26], [sflag:$0x1] =	stream.indirect.gather [spmem:s4], $0x10, s18, s25, $0xb8;
	[tilespmem:$0x16DB0] =	vst v63  }
0xfb: {  	_ =	swait.ge [sflag:s23], $0x3E80  }
0xfc: {  	[sflag:s23] =	ssyncset.done $0x0  }
0xfd: {  	s19 =	simm.s32 $0x1B58;
	[sflag:s23] =	ssyncadd.s32 $0xFFFFC180  }
0xfe: {  	[tilespmem:s28], [sflag:$0x2] =	stream.indirect.gather [spmem:s4], $0x10, s19, s25, $0xb8;
	[tilespmem:$0x16DB0] =	vst v63  }
0xff: {  	_ =	swait.ge [sflag:s20], $0x3E80  }
0x100: {  	[sflag:s20] =	ssyncset.done $0x0  }
0x101: {  	s30 =	simm.s32 $0x3E80;
	[sflag:s20] =	ssyncadd.s32 $0xFFFFC180  }
0x102: {  	[spmem:s3] =	stream.indirect.scatter.add.f32 [tilespmem:s26], [sflag:$0x3], $0x10, s30, s25, $0xb8;
	[tilespmem:$0x16DB0] =	vst v63  }
0x103: {  	_ =	swait.ge [sflag:s21], $0x3E80  }
0x104: {  	[sflag:s21] =	ssyncset.done $0x0  }
0x105: {  	s31 =	simm.s32 $0x4268;
	[sflag:s21] =	ssyncadd.s32 $0xFFFFC180  }
0x106: {  	[spmem:s3] =	stream.indirect.scatter.add.f32 [tilespmem:s28], [sflag:$0x4], $0x10, s31, s25, $0xb8;
	[tilespmem:$0x16DB0] =	vst v63  }
0x107: {  	_ =	swait.ge [sflag:s22], $0x3E80  }
0x108: {  	[sflag:s22] =	ssyncset.done $0x0  }
0x109: {  	s18 =	simm.s32 $0x1F40;
	[sflag:s22] =	ssyncadd.s32 $0xFFFFC180  }
0x10a: {  	[tilespmem:s26], [sflag:$0x1] =	stream.indirect.gather [spmem:s4], $0x10, s18, s25, $0xb8;
	[tilespmem:$0x16DB0] =	vst v63  }
0x10b: {  	_ =	swait.ge [sflag:s23], $0x3E80  }
0x10c: {  	[sflag:s23] =	ssyncset.done $0x0  }
0x10d: {  	s19 =	simm.s32 $0x2328;
	[sflag:s23] =	ssyncadd.s32 $0xFFFFC180  }
0x10e: {  	[tilespmem:s28], [sflag:$0x2] =	stream.indirect.gather [spmem:s4], $0x10, s19, s25, $0xb8;
	[tilespmem:$0x16DB0] =	vst v63  }
0x10f: {  	_ =	swait.ge [sflag:s20], $0x3E80  }
0x110: {  	[sflag:s20] =	ssyncset.done $0x0  }
0x111: {  	s30 =	simm.s32 $0x4650;
	[sflag:s20] =	ssyncadd.s32 $0xFFFFC180  }
0x112: {  	[spmem:s3] =	stream.indirect.scatter.add.f32 [tilespmem:s26], [sflag:$0x3], $0x10, s30, s25, $0xb8;
	[tilespmem:$0x16DB0] =	vst v63  }
0x113: {  	_ =	swait.ge [sflag:s21], $0x3E80  }
0x114: {  	[sflag:s21] =	ssyncset.done $0x0  }
0x115: {  	s31 =	simm.s32 $0x4A38;
	[sflag:s21] =	ssyncadd.s32 $0xFFFFC180  }
0x116: {  	[spmem:s3] =	stream.indirect.scatter.add.f32 [tilespmem:s28], [sflag:$0x4], $0x10, s31, s25, $0xb8;
	[tilespmem:$0x16DB0] =	vst v63  }
0x117: {  	_ =	swait.ge [sflag:s22], $0x3E80  }
0x118: {  	[sflag:s22] =	ssyncset.done $0x0  }
0x119: {  	[sflag:s22] =	ssyncadd.s32 $0xFFFFC180  }
0x11a: {  	_ =	swait.ge [sflag:s23], $0x3E80  }
0x11b: {  	[sflag:s23] =	ssyncset.done $0x0  }
0x11c: {  	[sflag:s23] =	ssyncadd.s32 $0xFFFFC180  }
0x11d: {  	[bflag:$0x0] =	sbarrier.arrive $0xFFFF  }
0x11e: {  	[tilespmem:s17], [sflag:$0x5] =	stream.linear.gather [spmem:s12], $0x2800, $0x38;
	[tilespmem:$0x16DB0] =	vst v63  }
0x11f: {  	_ =	swait.ge [sflag:s24], $0x2800  }
0x120: {  	[sflag:s24] =	ssyncset.done $0x0  }
0x121: {  	s1 =	simm.s32 $0xCBA0;
	[sflag:s24] =	ssyncadd.s32 $0xFFFFD800  }
0x122: {  	s29 =	simm.s32 $0x0;
	s18 =	simm.s32 $0xCBA0;
	s19 =	simm.s32 $0x40;
	v16 =	vld [tilespmem:s1+$0xFFFFFFB0]  }
.LBB2_4:
0x123: {  	p1 =	sne.s32 s19, $0x9C0;
	v17 =	vld [tilespmem:s29+$0x11B20]  }
0x124: {  	v18 =	vld [tilespmem:s1+$0xFFFFFF90]  }
0x125: {  	v19 =	vld [tilespmem:s1+$0xFFFFFF80]  }
0x126: {  	v20 =	vld [tilespmem:s1+$0xFFFFFFA0]  }
0x127: {  	v21 =	vld [tilespmem:s1+$0xFFFFFFF0]  }
0x128: {  	v22 =	vperm.xlane v17, v0;
	v23 =	vperm.xlane v17, v1;
	v24 =	vld [tilespmem:s1+$0xFFFFFFD0]  }
0x129: {  	v25 =	vperm.xlane v17, v2;
	v26 =	vperm.xlane v17, v3;
	v27 =	vld [tilespmem:s1+$0xFFFFFFC0]  }
0x12a: {  	v19 =	vmul.f32 v22, v19;
	v18 =	vmul.f32 v23, v18;
	v22 =	vld [tilespmem:s1+$0xFFFFFFE0]  }
0x12b: {  	v16 =	vmul.f32 v26, v16;
	v20 =	vmul.f32 v25, v20;
	v23 =	vld [tilespmem:s1+$0x30]  }
0x12c: {  	v25 =	vperm.xlane v17, v5;
	[tilespmem:s1+$0xFFFFFF80] =	vst v19;
	v19 =	vperm.xlane v17, v4;
	v26 =	vld [tilespmem:s1+$0x10]  }
0x12d: {  	v28 =	vperm.xlane v17, v7;
	[tilespmem:s1+$0xFFFFFF90] =	vst v18;
	v18 =	vperm.xlane v17, v6;
	v29 =	vld [tilespmem:s1+$0x0]  }
0x12e: {  	[tilespmem:s1+$0xFFFFFFA0] =	vst v20;
	v19 =	vmul.f32 v19, v27;
	v20 =	vmul.f32 v25, v24;
	v24 =	vld [tilespmem:s1+$0x20]  }
0x12f: {  	[tilespmem:s1+$0xFFFFFFB0] =	vst v16;
	v16 =	vmul.f32 v18, v22;
	v18 =	vmul.f32 v28, v21;
	v21 =	vld [tilespmem:s1+$0x70]  }
0x130: {  	v22 =	vperm.xlane v17, v9;
	[tilespmem:s1+$0xFFFFFFC0] =	vst v19;
	v19 =	vperm.xlane v17, v8;
	v25 =	vld [tilespmem:s1+$0x50]  }
0x131: {  	v27 =	vperm.xlane v17, v11;
	[tilespmem:s1+$0xFFFFFFD0] =	vst v20;
	v20 =	vperm.xlane v17, v10;
	v28 =	vld [tilespmem:s1+$0x40]  }
0x132: {  	[tilespmem:s1+$0xFFFFFFE0] =	vst v16;
	v16 =	vmul.f32 v19, v29;
	v19 =	vmul.f32 v22, v26;
	v22 =	vld [tilespmem:s1+$0x60]  }
0x133: {  	[tilespmem:s1+$0xFFFFFFF0] =	vst v18;
	v18 =	vmul.f32 v20, v24;
	v20 =	vmul.f32 v27, v23  }
0x134: {  	v23 =	vperm.xlane v17, v13;
	[tilespmem:s1+$0x0] =	vst v16;
	v16 =	vperm.xlane v17, v12  }
0x135: {  	[tilespmem:s1+$0x10] =	vst v19;
	v19 =	vperm.xlane v17, v14;
	v17 =	vperm.xlane v17, v15  }
0x136: {  	[tilespmem:s1+$0x20] =	vst v18;
	v16 =	vmul.f32 v16, v28;
	v18 =	vmul.f32 v23, v25  }
.Ltmp1:
0x137: {  	[tilespmem:s1+$0x30] =	vst v20;
	v19 =	vmul.f32 v19, v22;
	v17 =	vmul.f32 v17, v21;
	(pc) =	sbr.rel @p1 .LBB2_4-.Ltmp1, $4  }
0x138: {  	[tilespmem:s1+$0x40] =	vst v16  }
0x139: {  	[tilespmem:s1+$0x50] =	vst v18  }
0x13a: {  	s1 =	sadd.s32 $0x100, s1;
	[tilespmem:s18+$0x60] =	vst v19  }
0x13b: {  	s29 =	sshra.s32 s19, $0x2;
	s19 =	sadd.s32 $0x40, s19;
	v16 =	vld [tilespmem:s1+$0xFFFFFFB0];
	[tilespmem:s18+$0x70] =	vst v17;
	s18 =	smov.u32 s1  }
0x13c: {  	v17 =	vld [tilespmem:s29+$0x11B20];
	_ =	sdelay $0x1  }
0x13d: {  	v18 =	vld [tilespmem:s1+$0xFFFFFF80]  }
0x13e: {  	v19 =	vld [tilespmem:s1+$0xFFFFFF90]  }
0x13f: {  	v20 =	vld [tilespmem:s1+$0xFFFFFFA0]  }
0x140: {  	v21 =	vperm.xlane v17, v0  }
0x141: {  	v24 =	vld [tilespmem:s1+$0xFFFFFFD0];
	v22 =	vperm.xlane v17, v1;
	v25 =	vperm.xlane v17, v2  }
0x142: {  	v45 =	vld [tilespmem:s1+$0xFFFFFFE0];
	v44 =	vperm.xlane v17, v3;
	v18 =	vmul.f32 v21, v18  }
0x143: {  	v49 =	vld [tilespmem:s1+$0x10];
	v46 =	vperm.xlane v17, v4;
	v19 =	vmul.f32 v22, v19  }
0x144: {  	v23 =	vld [tilespmem:s1+$0xFFFFFFC0];
	v47 =	vperm.xlane v17, v5;
	v20 =	vmul.f32 v25, v20;
	[tilespmem:s1+$0xFFFFFF80] =	vst v18  }
0x145: {  	v26 =	vld [tilespmem:s1+$0xFFFFFFF0];
	v27 =	vperm.xlane v17, v6;
	v16 =	vmul.f32 v44, v16;
	[tilespmem:s1+$0xFFFFFF90] =	vst v19  }
0x146: {  	v51 =	vld [tilespmem:s1+$0x20];
	v53 =	vperm.xlane v17, v9;
	v21 =	vmul.f32 v47, v24;
	[tilespmem:s1+$0xFFFFFFA0] =	vst v20  }
0x147: {  	v48 =	vld [tilespmem:s1+$0x0];
	v50 =	vperm.xlane v17, v7;
	v22 =	vmul.f32 v27, v45;
	[tilespmem:s1+$0xFFFFFFB0] =	vst v16  }
0x148: {  	v55 =	vld [tilespmem:s1+$0x50];
	v52 =	vperm.xlane v17, v8;
	v58 =	vmul.f32 v53, v49;
	[tilespmem:s1+$0xFFFFFFD0] =	vst v21  }
0x149: {  	v54 =	vld [tilespmem:s1+$0x40];
	v56 =	vperm.xlane v17, v10;
	v18 =	vmul.f32 v46, v23;
	[tilespmem:s1+$0xFFFFFFE0] =	vst v22  }
0x14a: {  	v57 =	vperm.xlane v17, v11;
	v16 =	vld [tilespmem:s1+$0x30];
	v20 =	vmul.f32 v50, v26;
	[tilespmem:s1+$0x10] =	vst v58  }
0x14b: {  	v60 =	vld [tilespmem:s1+$0x70];
	v62 =	vperm.xlane v17, v13;
	v23 =	vmul.f32 v56, v51;
	[tilespmem:s1+$0xFFFFFFC0] =	vst v18  }
0x14c: {  	v59 =	vld [tilespmem:s1+$0x60];
	v61 =	vperm.xlane v17, v12;
	v18 =	vmul.f32 v52, v48;
	[tilespmem:s1+$0xFFFFFFF0] =	vst v20  }
0x14d: {  	v63 =	vperm.xlane v17, v14;
	v19 =	vmul.f32 v62, v55;
	[tilespmem:s1+$0x20] =	vst v23  }
0x14e: {  	v17 =	vperm.xlane v17, v15;
	[tilespmem:s1+$0x0] =	vst v18;
	v18 =	vmul.f32 v61, v54  }
0x14f: {  	[tilespmem:s1+$0x50] =	vst v19;
	v16 =	vmul.f32 v57, v16  }
0x150: {  	v17 =	vmul.f32 v17, v60;
	[tilespmem:s1+$0x40] =	vst v18  }
0x151: {  	s2 =	sadd.s32 $0x1, s2;
	[tilespmem:s1+$0x30] =	vst v16;
	v16 =	vmul.f32 v63, v59  }
0x152: {  	p1 =	sne.s32 s2, s15;
	[tilespmem:s18+$0x70] =	vst v17  }
.Ltmp2:
0x153: {  	[tilespmem:s18+$0x60] =	vst v16;
	(pc) =	sbr.rel @p1 .LBB2_1-.Ltmp2, $4  }
0x154: {  	[hbm4b:s14+s5] =	stream.linear.scatter [tilespmem:s17], [sflag:$0x5], $0x2800, $0x38;
	[tilespmem:$0x16DB0] =	vst v63  }
0x155: {  	_ =	swait.ge [sflag:s24], $0x2800  }
0x156: {  	[sflag:s24] =	ssyncset.done $0x0  }
0x157: {  	[sflag:s24] =	ssyncadd.s32 $0xFFFFD800  }
0x158: {  	_ =	sfence.sel $0x180000  }
0x159: {  	[bflag:$0x0] =	sbarrier.arrive $0xFFFF  }
0x15a: {  	_ =	strace $0x9000004D  }
0x15b: {  	[bflag:$0x2] =	sbarrier.arrive $0xFFFF  }
0x15c: {  	p0 =	sne.s32 s0, $0x0;
	s0 =	rddreg [dreg:$0x4]  }
0x15d: {  	s0 =	sadd.s32 @!p0 $0x100000, s0  }
0x15e: {  	[sflag:s0] =	ssyncadd.tile.s32 @!p0 $0x1;
	_ =	shalt  }
.Lfunc_end2:
_tile_overlayer_lowered:
.L_overlay_start_2:
0x15f: {  	(tag) =	ssettag $0x2  }
0x160: {  	s0 =	rddreg [dreg:$0x0];
	s2 =	stileid.u32  }
0x161: {  	s1 =	rddreg [dreg:$0x1];
	p0 =	sne.s32 s2, $0x0  }
0x162: {  	s3 =	rddreg [dreg:$0x2];
	[bflag:$0x3] =	sbarrier.arrive $0xFFFF;
	s2 =	simm.s32 @!p0 $0x1C05  }
0x163: {  	[timem:s3], [sflag:s2] =	dma.local @!p0 [hbm:s0], s1  }
0x164: {  	s0 =	simm.s32 @!p0 $0x5  }
0x165: {  	_ =	swait.ge @!p0 [sflag:s0], s1  }
0x166: {  	s1 =	ssub.s32 @!p0 $0x0, s1;
	[sflag:s0] =	ssyncset.done @!p0 $0x0  }
0x167: {  	[sflag:s0] =	ssyncadd.s32 @!p0 s1  }
0x168: {  	[bflag:$0x3] =	sbarrier.arrive $0xFFFF  }
0x169: {  	_ =	shalt  }

// kernel: kernel.7.cloned.1.call-start
scs
__scs_entry_jumppad:
0x0: {  	(pc) =	sbr.rel $0x88, $3  }
0x1: {  	(tag) =	ssettag $0x0;
	lr =	simm.s32 $0x1  }
0x2: {  	[smem:$0x3F9B] =	sst lr;
	_ =	strace $0xD0000000  }
0x3: {  	_ = 	snop  }
0x4: {  	_ = 	snop  }
0x5: {  	_ = 	snop  }
0x6: {  	_ = 	snop  }
0x7: {  	_ = 	snop  }
__scs_overlays_trampoline_lowered:
0x8: {  	[smem:$0x3FAA] =	sst s0  }
0x9: {  	[smem:$0x3FAB] =	sst s1  }
0xa: {  	[smem:$0x3FAC] =	sst s2  }
0xb: {  	[smem:$0x3FAD] =	sst s3  }
0xc: {  	[smem:$0x3FAE] =	sst s4  }
0xd: {  	[smem:$0x3FAF] =	sst s5  }
0xe: {  	[smem:$0x3FB0] =	sst s6  }
0xf: {  	[smem:$0x3FB1] =	sst s7  }
0x10: {  	[smem:$0x3FB2] =	sst s8  }
0x11: {  	[smem:$0x3FB3] =	sst s9;
	s0 =	simm.s32 @!p0 $0x0  }
0x12: {  	s1 =	sld [smem:$0x3F99];
	s0 =	simm.s32 @p0 $0x1  }
0x13: {  	[smem:$0x3FB4] =	sst s0;
	s0 =	simm.s32 @!p1 $0x0  }
0x14: {  	s2 =	sld [smem:$0x3F98];
	s0 =	simm.s32 @p1 $0x1  }
0x15: {  	[smem:$0x3FB5] =	sst s0;
	s0 =	simm.s32 @!p2 $0x0  }
0x16: {  	s3 =	sld [smem:$0x3FDB];
	s0 =	simm.s32 @p2 $0x1  }
0x17: {  	s4 =	simm.s32 $0x1BF5;
	[smem:$0x3FB7] =	sst s0  }
0x18: {  	s0 =	sld [smem:$0x3F9A];
	_ =	swait.ge [sflag:s4], $0x0  }
0x19: {  	s7 =	sld [smem:$0x3F9B]  }
0x1a: {  	s8 =	sadd.s32 $0xFFFFE003, lr  }
0x1b: {  	s9 =	sadd.s32 $0xFFFFFEF7, lr;
	s5 =	simm.s32 $0xFFFFFFFF;
	p2 =	slt.u32 s8, $0xFFFFF086  }
0x1c: {  	p1 =	slt.u32 s9, $0xF7A;
	s5 =	simm.s32 @!p2 $0x0  }
0x1d: {  	s5 =	simm.s32 @p1 $0x1;
	p0 =	seq.s32 s7, s2  }
0x1e: {  	s7 =	smul.u32 @!p0 $0xF7A, s2;
	p2 =	seq.s32 @!p0 s5, $0x0  }
0x1f: {  	s9 =	smul.u32 $0xF7A, s1;
	s8 =	simm.s32 @!p0 $0x1BF5;
	p2 =	por !p2, p0  }
0x20: {  	[sflag:s8] =	ssyncset.s32 @!p0 $0xFFFFF086;
	s6 =	sadd.s32 @!p0 s3, s7;
	s7 =	simm.s32 @!p0 $0x108  }
0x21: {  	s3 =	sadd.s32 s3, s9;
	s6 =	sadd.s32 @!p0 $0x88, s6;
	s7 =	simm.s32 @p2 $0x1082  }
0x22: {  	[simem:s7], [sflag:s8] =	dma.local @!p0 [hbm:s6], $0xF7A  }
0x23: {  	s9 =	sor.u32 $0xD0000000, s2;
	s6 =	simm.s32 $0x108;
	_ =	swait.ge @!p0 [sflag:s8], $0x0  }
0x24: {  	s3 =	sadd.s32 $0x88, s3;
	s6 =	simm.s32 @!p1 $0x1082;
	[sflag:s4] =	ssyncset.s32 $0xFFFFF086  }
0x25: {  	[simem:s6], [sflag:s4] =	dma.local [hbm:s3], $0xF7A  }
0x26: {  	[smem:$0x3F9B] =	sst s1;
	(tag) =	ssettag s2;
	_ =	strace s9  }
0x27: {  	s1 =	sld [smem:$0x3FAB]  }
0x28: {  	s2 =	sld [smem:$0x3FAC]  }
0x29: {  	s4 =	sld [smem:$0x3FAE]  }
0x2a: {  	p0 =	seq.s32 s5, $0x0;
	s5 =	sld [smem:$0x3FAF]  }
0x2b: {  	s6 =	sld [smem:$0x3FB0]  }
0x2c: {  	s7 =	sld [smem:$0x3FB1]  }
0x2d: {  	s3 =	simm.s32 $0x108;
	s8 =	sld [smem:$0x3FB2]  }
0x2e: {  	s3 =	simm.s32 @!p0 $0x1082;
	s9 =	sld [smem:$0x3FB3]  }
0x2f: {  	lr =	sadd.s32 s0, s3;
	s0 =	sld [smem:$0x3FAA]  }
0x30: {  	s3 =	sld [smem:$0x3FAD]  }
0x31: {  	[smem:$0x3FB6] =	sst s10  }
0x32: {  	s10 =	sld [smem:$0x3FB4];
	_ =	sdelay $0x3  }
0x33: {  	p0 =	seq.s32 s10, $0x1;
	s10 =	sld [smem:$0x3FB6];
	_ =	sdelay $0x3  }
0x34: {  	[smem:$0x3FB6] =	sst s10  }
0x35: {  	s10 =	sld [smem:$0x3FB5];
	_ =	sdelay $0x3  }
0x36: {  	p1 =	seq.s32 s10, $0x1;
	s10 =	sld [smem:$0x3FB6];
	_ =	sdelay $0x3  }
0x37: {  	[smem:$0x3FB6] =	sst s10  }
0x38: {  	s10 =	sld [smem:$0x3FB7]  }
0x39: {  	_ = 	snop;
	(pc) =	sbr.ind lr, $3  }
0x3a: {  	_ = 	snop  }
0x3b: {  	_ = 	snop  }
0x3c: {  	p2 =	seq.s32 s10, $0x1;
	s10 =	sld [smem:$0x3FB6]  }
0x3d: {  	_ =	shalt  }
0x3e: {  	_ =	shalt  }
0x3f: {  	_ =	shalt  }
0x40: {  	_ =	shalt  }
0x41: {  	_ =	shalt  }
0x42: {  	_ =	shalt  }
0x43: {  	_ =	shalt  }
0x44: {  	_ =	shalt  }
0x45: {  	_ =	shalt  }
0x46: {  	_ =	shalt  }
0x47: {  	_ =	shalt  }
0x48: {  	_ =	shalt  }
0x49: {  	_ =	shalt  }
0x4a: {  	_ =	shalt  }
0x4b: {  	_ =	shalt  }
0x4c: {  	_ =	shalt  }
0x4d: {  	_ =	shalt  }
0x4e: {  	_ =	shalt  }
0x4f: {  	_ =	shalt  }
0x50: {  	_ =	shalt  }
0x51: {  	_ =	shalt  }
0x52: {  	_ =	shalt  }
0x53: {  	_ =	shalt  }
0x54: {  	_ =	shalt  }
0x55: {  	_ =	shalt  }
0x56: {  	_ =	shalt  }
0x57: {  	_ =	shalt  }
0x58: {  	_ =	shalt  }
0x59: {  	_ =	shalt  }
0x5a: {  	_ =	shalt  }
0x5b: {  	_ =	shalt  }
0x5c: {  	_ =	shalt  }
0x5d: {  	_ =	shalt  }
0x5e: {  	_ =	shalt  }
0x5f: {  	_ =	shalt  }
0x60: {  	_ =	shalt  }
0x61: {  	_ =	shalt  }
0x62: {  	_ =	shalt  }
0x63: {  	_ =	shalt  }
0x64: {  	_ =	shalt  }
0x65: {  	_ =	shalt  }
0x66: {  	_ =	shalt  }
0x67: {  	_ =	shalt  }
0x68: {  	_ =	shalt  }
0x69: {  	_ =	shalt  }
0x6a: {  	_ =	shalt  }
0x6b: {  	_ =	shalt  }
0x6c: {  	_ =	shalt  }
0x6d: {  	_ =	shalt  }
0x6e: {  	_ =	shalt  }
0x6f: {  	_ =	shalt  }
0x70: {  	_ =	shalt  }
0x71: {  	_ =	shalt  }
0x72: {  	_ =	shalt  }
0x73: {  	_ =	shalt  }
0x74: {  	_ =	shalt  }
0x75: {  	_ =	shalt  }
0x76: {  	_ =	shalt  }
0x77: {  	_ =	shalt  }
0x78: {  	_ =	shalt  }
0x79: {  	_ =	shalt  }
0x7a: {  	_ =	shalt  }
0x7b: {  	_ =	shalt  }
0x7c: {  	_ =	shalt  }
0x7d: {  	_ =	shalt  }
0x7e: {  	_ =	shalt  }
0x7f: {  	_ =	shalt  }
0x80: {  	_ =	shalt  }
0x81: {  	_ =	shalt  }
0x82: {  	_ =	shalt  }
0x83: {  	_ =	shalt  }
0x84: {  	_ =	shalt  }
0x85: {  	_ =	shalt  }
0x86: {  	_ =	shalt  }
0x87: {  	_ =	shalt  }
.Lfunc_end0:
.L_simem_size_0:
called_computation_lowered:
.L_overlay_start_0:
0x88: {  	s2 =	sld [smem:$0x3FD9]  }
0x89: {  	s3 =	sld [smem:$0x3FFE];
	_ =	sdelay $0x1  }
0x8a: {  	s1 =	srdreg.scid  }
0x8b: {  	s0 =	sand.u32 $0x1, s1  }
0x8c: {  	s17 =	sshll.u32 s0, $0xA;
	s2 =	sadd.s32 s3, s2  }
0x8d: {  	s2 =	sadd.s32 s2, s17  }
0x8e: {  	[smem:$0x3FC2] =	sst s2  }
0x8f: {  	_ = 	snop  }
0x90: {  	s2 =	sld [smem:$0x3FD0];
	(tm) =	ssettm $0x1  }
0x91: {  	s18 =	sld [smem:$0x3FFB];
	_ =	sdelay $0x3  }
0x92: {  	_ =	strace s18  }
0x93: {  	s3 =	sld [smem:$0x3FFC];
	_ =	sdelay $0x3  }
0x94: {  	_ =	strace s3  }
0x95: {  	s3 =	sld [smem:$0x3FFD];
	_ =	sdelay $0x3  }
0x96: {  	_ =	strace s3  }
0x97: {  	_ =	strace $0x8FFFFFFF  }
0x98: {  	s19 =	sld [smem:$0x3FDB];
	_ =	sdelay $0x1  }
0x99: {  	s4 =	simm.s32 $_scs_section_size  }
0x9a: {  	s5 =	simm.s32 $_size__tile_overlayer_lowered;
	s6 =	simm.s32 $_tile_overlayer_lowered  }
0x9b: {  	s22 =	simm.s32 $0x1BFF;
	s21 =	sshll.u32 s6, $0x1;
	s3 =	sadd.s32 s4, s19  }
0x9c: {  	s7 =	simm.s32 $0x0;
	s20 =	sshll.u32 s5, $0x1;
	s5 =	sadd.s32 s21, s3  }
0x9d: {  	[timem:s7], [sflag:s22] =	dma.local [hbm:s5], s20  }
0x9e: {  	_ =	swait.ge [sflag:s22], s20  }
0x9f: {  	s4 =	ssub.s32 $0x0, s20;
	[sflag:s22] =	ssyncset.done $0x0  }
0xa0: {  	[sflag:s22] =	ssyncadd.s32 s4;
	_ =	sdelay $0x1  }
0xa1: {  	s23 =	simm.s32 $0x1B8B  }
0xa2: {  	_ =	swait.ge [sflag:s23], $0x1  }
0xa3: {  	[sflag:s23] =	ssyncset.done $0x0  }
0xa4: {  	s25 =	simm.s32 $0x1B8E;
	s24 =	sld [smem:$0x3FFE];
	[sflag:s23] =	ssyncadd.s32 $0xFFFFFFFF  }
0xa5: {  	s26 =	simm.s32 $execute0_lowered;
	[smem:$0x3FD2] =	sst s25  }
0xa6: {  	s5 =	sshll.u32 s26, $0x1;
	_ =	strace $0x80000046;
	[dreg:$0x1] =	wrdreg $0xFFFFFFFF  }
0xa7: {  	s28 =	simm.s32 $_size_execute0_lowered;
	s3 =	sadd.s32 s3, s5;
	[dreg:$0x0] =	wrdreg $0x0  }
0xa8: {  	s5 =	sshll.u32 s28, $0x1;
	[dreg:$0x2] =	wrdreg s3  }
0xa9: {  	[dreg:$0x3] =	wrdreg s5  }
0xaa: {  	[dreg:$0x4] =	wrdreg $0xC0  }
0xab: {  	_ =	task [dreg:s7], $0x5FFFF  }
0xac: {  	[dreg:$0x1] =	wrdreg $0xFFFFFFFF  }
0xad: {  	[dreg:$0x0] =	wrdreg $0x60  }
0xae: {  	[dreg:$0x2] =	wrdreg s24  }
0xaf: {  	[dreg:$0x3] =	wrdreg s2  }
0xb0: {  	[dreg:$0x4] =	wrdreg $0x2AF80  }
0xb1: {  	[dreg:$0x5] =	wrdreg $0x9  }
0xb2: {  	_ =	task.clear_ibuf [dreg:s7], $0x6FFFF;
	_ =	strace $0x90000046  }
0xb3: {  	s29 =	simm.s32 $0x9;
	_ =	strace $0x80000048  }
0xb4: {  	_ =	swait.ge [sflag:s29], $0x1  }
0xb5: {  	[sflag:s29] =	ssyncadd.s32 $0xFFFFFFFF  }
0xb6: {  	_ =	strace $0x90000048  }
0xb7: {  	_ =	sfence  }
0xb8: {  	s30 =	sld [smem:$0x0];
	_ =	sdelay $0x2  }
0xb9: {  	s31 =	sshll.u32 s1, $0xD;
	s1 =	sshrl.u32 s1, $0x2  }
0xba: {  	s3 =	sand.u32 $0x4000, s31;
	s1 =	sadd.s32 s1, s30  }
0xbb: {  	s0 =	sor.u32 s3, s0;
	s1 =	sshll.u32 s1, $0x11  }
0xbc: {  	s0 =	sor.u32 s1, s0  }
0xbd: {  	s0 =	sadd.s32 $0x8F2B, s0  }
0xbe: {  	[sflag:s0] =	ssyncadd.remote.s32 $0x1  }
0xbf: {  	_ =	sfence.sel $0xFFFF  }
0xc0: {  	[dreg:$0x0] =	wrdreg $0xFFFFFFFF;
	(pc) =	sbr.abs _section_cstart, $3  }
0xc1: {  	[dreg:$0x1] =	wrdreg $0xFFFFFFFF  }
0xc2: {  	_ =	task.clear_ibuf [dreg:s7], $0x2FFFF;
	_ =	strace $0x9FFFFFFF  }
0xc3: {  	(tm) =	ssettm $0x7FFFFFFF  }
tec
execute0_lowered:
.L_overlay_start_1:
0x0: {  	(tag) =	ssettag $0x1  }
0x1: {  	s0 =	srdreg.scid  }
0x2: {  	s22 =	sand.u32 $0x1, s0  }
0x3: {  	s0 =	stileid.u32;
	s1 =	sshll.u32 s22, $0x4  }
0x4: {  	s8 =	rddreg [dreg:$0x0];
	s4 =	sor.u32 s0, s1  }
0x5: {  	s21 =	rddreg [dreg:$0x1];
	s4 =	smul.u32 $0x4E2, s4  }
0x6: {  	s2 =	rddreg [dreg:$0x2];
	s3 =	simm.s32 $0x0  }
0x7: {  	s5 =	simm.s32 $0x2;
	[smem:$0x7FF] =	sst s3;
	s4 =	sadd.s32 s4, s8  }
0x8: {  	s1 =	rddreg [dreg:$0x3];
	_ =	strace $0x80000047;
	s4 =	sadd.s32 $0xAE00, s4  }
0x9: {  	[tilespmem:s3], [sflag:$0x2] =	stream.linear.gather [hbm4b:s4+s3], $0x2710, $0x38;
	[tilespmem:$0x2D78] =	vst v63  }
0xa: {  	s10 =	simm.s32 $0x14C00;
	s7 =	smul.u32 $0xA00, s0;
	_ =	swait.ge [sflag:s5], $0x2710  }
0xb: {  	s6 =	sadd.s32 $0x14E00, s8;
	p0 =	seq.s32 s22, $0x1;
	[sflag:s5] =	ssyncset.done $0x0  }
0xc: {  	s9 =	sshrl.u32 s7, $0x2;
	s7 =	simm.s32 $0x2710;
	[sflag:s5] =	ssyncadd.s32 $0xFFFFD8F0  }
0xd: {  	[tilespmem:s7], [sflag:$0x2] =	stream.linear.gather [hbm4b:s6+s3], $0x3E8, $0x38;
	[tilespmem:$0x2D78] =	vst v63  }
0xe: {  	s29 =	sshll.u32 s0, $0x6;
	s10 =	simm.s32 @!p0 $0x15000;
	_ =	swait.ge [sflag:s5], $0x3E8  }
0xf: {  	s11 =	sadd.s32 s9, s2;
	s9 =	sor.u32 $0x1C02, s29;
	[sflag:s5] =	ssyncset.done $0x0  }
0x10: {  	s8 =	sadd.s32 s10, s8;
	s10 =	sshrl.u32 s11, $0x3;
	[sflag:s5] =	ssyncadd.s32 $0xFFFFFC18  }
0x11: {  	[spmem:s10], [sflag:s9] =	dma.local [hbm:s8], $0x50  }
0x12: {  	_ =	swait.ge [sflag:s5], $0x50  }
0x13: {  	[sflag:s5] =	ssyncset.done $0x0  }
0x14: {  	[sflag:s5] =	ssyncadd.s32 $0xFFFFFFB0  }
0x15: {  	s11 =	simm.s32 $0x3E8;
	[bflag:$0x0] =	sbarrier.arrive $0xFFFF  }
0x16: {  	[spmem:s2] =	stream.indirect.scatter.add.f32 [tilespmem:s7], [sflag:$0x1], $0x1, s3, s11, $0xb8;
	[tilespmem:$0x2D78] =	vst v63  }
0x17: {  	_ = 	snop  }
0x18: {  	[spmem:s2] =	stream.indirect.scatter.add.f32 [tilespmem:s7], [sflag:$0x1], $0x1, s11, s11, $0xb8;
	[tilespmem:$0x2D78] =	vst v63  }
0x19: {  	s12 =	simm.s32 $0x7D0  }
0x1a: {  	[spmem:s2] =	stream.indirect.scatter.add.f32 [tilespmem:s7], [sflag:$0x1], $0x1, s12, s11, $0xb8;
	[tilespmem:$0x2D78] =	vst v63  }
0x1b: {  	s13 =	simm.s32 $0xBB8  }
0x1c: {  	[spmem:s2] =	stream.indirect.scatter.add.f32 [tilespmem:s7], [sflag:$0x1], $0x1, s13, s11, $0xb8;
	[tilespmem:$0x2D78] =	vst v63  }
0x1d: {  	s14 =	simm.s32 $0xFA0  }
0x1e: {  	[spmem:s2] =	stream.indirect.scatter.add.f32 [tilespmem:s7], [sflag:$0x1], $0x1, s14, s11, $0xb8;
	[tilespmem:$0x2D78] =	vst v63  }
0x1f: {  	s15 =	simm.s32 $0x1388  }
0x20: {  	[spmem:s2] =	stream.indirect.scatter.add.f32 [tilespmem:s7], [sflag:$0x1], $0x1, s15, s11, $0xb8;
	[tilespmem:$0x2D78] =	vst v63  }
0x21: {  	s16 =	simm.s32 $0x1770  }
0x22: {  	[spmem:s2] =	stream.indirect.scatter.add.f32 [tilespmem:s7], [sflag:$0x1], $0x1, s16, s11, $0xb8;
	[tilespmem:$0x2D78] =	vst v63  }
0x23: {  	s17 =	simm.s32 $0x1B58  }
0x24: {  	[spmem:s2] =	stream.indirect.scatter.add.f32 [tilespmem:s7], [sflag:$0x1], $0x1, s17, s11, $0xb8;
	[tilespmem:$0x2D78] =	vst v63  }
0x25: {  	s18 =	simm.s32 $0x1F40  }
0x26: {  	[spmem:s2] =	stream.indirect.scatter.add.f32 [tilespmem:s7], [sflag:$0x1], $0x1, s18, s11, $0xb8;
	[tilespmem:$0x2D78] =	vst v63  }
0x27: {  	s19 =	simm.s32 $0x2328;
	s20 =	simm.s32 $0x1  }
0x28: {  	[spmem:s2] =	stream.indirect.scatter.add.f32 [tilespmem:s7], [sflag:$0x1], $0x1, s19, s11, $0xb8;
	[tilespmem:$0x2D78] =	vst v63  }
0x29: {  	_ =	swait.ge [sflag:s20], $0x3E8  }
0x2a: {  	[sflag:s20] =	ssyncset.done $0x0  }
0x2b: {  	[sflag:s20] =	ssyncadd.s32 $0xFFFFFC18  }
0x2c: {  	_ =	swait.ge [sflag:s20], $0x3E8  }
0x2d: {  	[sflag:s20] =	ssyncset.done $0x0  }
0x2e: {  	[sflag:s20] =	ssyncadd.s32 $0xFFFFFC18  }
0x2f: {  	_ =	swait.ge [sflag:s20], $0x3E8  }
0x30: {  	[sflag:s20] =	ssyncset.done $0x0  }
0x31: {  	[sflag:s20] =	ssyncadd.s32 $0xFFFFFC18  }
0x32: {  	_ =	swait.ge [sflag:s20], $0x3E8  }
0x33: {  	[sflag:s20] =	ssyncset.done $0x0  }
0x34: {  	[sflag:s20] =	ssyncadd.s32 $0xFFFFFC18  }
0x35: {  	_ =	swait.ge [sflag:s20], $0x3E8  }
0x36: {  	[sflag:s20] =	ssyncset.done $0x0  }
0x37: {  	[sflag:s20] =	ssyncadd.s32 $0xFFFFFC18  }
0x38: {  	_ =	swait.ge [sflag:s20], $0x3E8  }
0x39: {  	[sflag:s20] =	ssyncset.done $0x0  }
0x3a: {  	[sflag:s20] =	ssyncadd.s32 $0xFFFFFC18  }
0x3b: {  	_ =	swait.ge [sflag:s20], $0x3E8  }
0x3c: {  	[sflag:s20] =	ssyncset.done $0x0  }
0x3d: {  	[sflag:s20] =	ssyncadd.s32 $0xFFFFFC18  }
0x3e: {  	_ =	swait.ge [sflag:s20], $0x3E8  }
0x3f: {  	[sflag:s20] =	ssyncset.done $0x0  }
0x40: {  	[sflag:s20] =	ssyncadd.s32 $0xFFFFFC18  }
0x41: {  	s23 =	smul.u32 $0x2800, s22;
	s22 =	ssub.s32 $0x2, s22;
	_ =	swait.ge [sflag:s20], $0x3E8  }
0x42: {  	s24 =	smul.u32 $0x280, s0;
	s25 =	sshrl.u32 s22, $0x1;
	[sflag:s20] =	ssyncset.done $0x0  }
0x43: {  	s22 =	ssub.s32 s22, s25;
	[sflag:s20] =	ssyncadd.s32 $0xFFFFFC18  }
0x44: {  	s23 =	sadd.s32 s24, s23;
	s31 =	smax.u32 s22, $0x1;
	_ =	swait.ge [sflag:s20], $0x3E8  }
0x45: {  	s30 =	sadd.s32 s24, s2;
	p0 =	sne.s32 s31, $0x1;
	[sflag:s20] =	ssyncset.done $0x0  }
.Ltmp0:
0x46: {  	s23 =	sshrl.u32 s23, $0x3;
	[sflag:s20] =	ssyncadd.s32 $0xFFFFFC18;
	(pc) =	sbr.rel @!p0 .LBB2_2-.Ltmp0, $4  }
0x47: {  	s22 =	sshrl.u32 s30, $0x3;
	s21 =	sadd.s32 s21, s23;
	[bflag:$0x0] =	sbarrier.arrive $0xFFFF  }
0x48: {  	[hbm:s21], [sflag:s9] =	dma.local [spmem:s22], $0x50  }
0x49: {  	_ =	swait.ge [sflag:s5], $0x50  }
0x4a: {  	s23 =	sadd.s32 $0xFFFFFFFF, s31;
	[sflag:s5] =	ssyncset.done $0x0  }
.LBB2_1:
0x4b: {  	p0 =	sne.s32 s23, $0x1;
	s23 =	sadd.s32 $0xFFFFFFFF, s23;
	[sflag:s5] =	ssyncadd.s32 $0xFFFFFFB0  }
0x4c: {  	[tilespmem:s3], [sflag:$0x2] =	stream.linear.gather [hbm4b:s4+s3], $0x2710, $0x38;
	[tilespmem:$0x2D78] =	vst v63  }
0x4d: {  	_ =	swait.ge [sflag:s5], $0x2710  }
0x4e: {  	[sflag:s5] =	ssyncset.done $0x0  }
0x4f: {  	[sflag:s5] =	ssyncadd.s32 $0xFFFFD8F0  }
0x50: {  	[tilespmem:s7], [sflag:$0x2] =	stream.linear.gather [hbm4b:s6+s3], $0x3E8, $0x38;
	[tilespmem:$0x2D78] =	vst v63  }
0x51: {  	_ =	swait.ge [sflag:s5], $0x3E8  }
0x52: {  	[sflag:s5] =	ssyncset.done $0x0  }
0x53: {  	[sflag:s5] =	ssyncadd.s32 $0xFFFFFC18  }
0x54: {  	[spmem:s10], [sflag:s9] =	dma.local [hbm:s8], $0x50  }
0x55: {  	_ =	swait.ge [sflag:s5], $0x50  }
0x56: {  	[sflag:s5] =	ssyncset.done $0x0  }
0x57: {  	[sflag:s5] =	ssyncadd.s32 $0xFFFFFFB0  }
0x58: {  	[bflag:$0x0] =	sbarrier.arrive $0xFFFF  }
0x59: {  	[spmem:s2] =	stream.indirect.scatter.add.f32 [tilespmem:s7], [sflag:$0x1], $0x1, s3, s11, $0xb8;
	[tilespmem:$0x2D78] =	vst v63  }
0x5a: {  	_ = 	snop  }
0x5b: {  	[spmem:s2] =	stream.indirect.scatter.add.f32 [tilespmem:s7], [sflag:$0x1], $0x1, s11, s11, $0xb8;
	[tilespmem:$0x2D78] =	vst v63  }
0x5c: {  	_ = 	snop  }
0x5d: {  	[spmem:s2] =	stream.indirect.scatter.add.f32 [tilespmem:s7], [sflag:$0x1], $0x1, s12, s11, $0xb8;
	[tilespmem:$0x2D78] =	vst v63  }
0x5e: {  	_ = 	snop  }
0x5f: {  	[spmem:s2] =	stream.indirect.scatter.add.f32 [tilespmem:s7], [sflag:$0x1], $0x1, s13, s11, $0xb8;
	[tilespmem:$0x2D78] =	vst v63  }
0x60: {  	_ = 	snop  }
0x61: {  	[spmem:s2] =	stream.indirect.scatter.add.f32 [tilespmem:s7], [sflag:$0x1], $0x1, s14, s11, $0xb8;
	[tilespmem:$0x2D78] =	vst v63  }
0x62: {  	_ = 	snop  }
0x63: {  	[spmem:s2] =	stream.indirect.scatter.add.f32 [tilespmem:s7], [sflag:$0x1], $0x1, s15, s11, $0xb8;
	[tilespmem:$0x2D78] =	vst v63  }
0x64: {  	_ = 	snop  }
0x65: {  	[spmem:s2] =	stream.indirect.scatter.add.f32 [tilespmem:s7], [sflag:$0x1], $0x1, s16, s11, $0xb8;
	[tilespmem:$0x2D78] =	vst v63  }
0x66: {  	_ = 	snop  }
0x67: {  	[spmem:s2] =	stream.indirect.scatter.add.f32 [tilespmem:s7], [sflag:$0x1], $0x1, s17, s11, $0xb8;
	[tilespmem:$0x2D78] =	vst v63  }
0x68: {  	_ = 	snop  }
0x69: {  	[spmem:s2] =	stream.indirect.scatter.add.f32 [tilespmem:s7], [sflag:$0x1], $0x1, s18, s11, $0xb8;
	[tilespmem:$0x2D78] =	vst v63  }
0x6a: {  	_ = 	snop  }
0x6b: {  	[spmem:s2] =	stream.indirect.scatter.add.f32 [tilespmem:s7], [sflag:$0x1], $0x1, s19, s11, $0xb8;
	[tilespmem:$0x2D78] =	vst v63  }
0x6c: {  	_ =	swait.ge [sflag:s20], $0x3E8  }
0x6d: {  	[sflag:s20] =	ssyncset.done $0x0  }
0x6e: {  	[sflag:s20] =	ssyncadd.s32 $0xFFFFFC18  }
0x6f: {  	_ =	swait.ge [sflag:s20], $0x3E8  }
0x70: {  	[sflag:s20] =	ssyncset.done $0x0  }
0x71: {  	[sflag:s20] =	ssyncadd.s32 $0xFFFFFC18  }
0x72: {  	_ =	swait.ge [sflag:s20], $0x3E8  }
0x73: {  	[sflag:s20] =	ssyncset.done $0x0  }
0x74: {  	[sflag:s20] =	ssyncadd.s32 $0xFFFFFC18  }
0x75: {  	_ =	swait.ge [sflag:s20], $0x3E8  }
0x76: {  	[sflag:s20] =	ssyncset.done $0x0  }
0x77: {  	[sflag:s20] =	ssyncadd.s32 $0xFFFFFC18  }
0x78: {  	_ =	swait.ge [sflag:s20], $0x3E8  }
0x79: {  	[sflag:s20] =	ssyncset.done $0x0  }
0x7a: {  	[sflag:s20] =	ssyncadd.s32 $0xFFFFFC18  }
0x7b: {  	_ =	swait.ge [sflag:s20], $0x3E8  }
0x7c: {  	[sflag:s20] =	ssyncset.done $0x0  }
0x7d: {  	[sflag:s20] =	ssyncadd.s32 $0xFFFFFC18  }
0x7e: {  	_ =	swait.ge [sflag:s20], $0x3E8  }
0x7f: {  	[sflag:s20] =	ssyncset.done $0x0  }
0x80: {  	[sflag:s20] =	ssyncadd.s32 $0xFFFFFC18  }
0x81: {  	_ =	swait.ge [sflag:s20], $0x3E8  }
0x82: {  	[sflag:s20] =	ssyncset.done $0x0  }
0x83: {  	[sflag:s20] =	ssyncadd.s32 $0xFFFFFC18  }
0x84: {  	_ =	swait.ge [sflag:s20], $0x3E8  }
0x85: {  	[sflag:s20] =	ssyncset.done $0x0  }
0x86: {  	[sflag:s20] =	ssyncadd.s32 $0xFFFFFC18  }
0x87: {  	_ =	swait.ge [sflag:s20], $0x3E8  }
0x88: {  	[sflag:s20] =	ssyncset.done $0x0  }
.Ltmp1:
0x89: {  	[sflag:s20] =	ssyncadd.s32 $0xFFFFFC18;
	(pc) =	sbr.rel @p0 .LBB2_1-.Ltmp1, $4  }
0x8a: {  	[bflag:$0x0] =	sbarrier.arrive $0xFFFF  }
0x8b: {  	[hbm:s21], [sflag:s9] =	dma.local [spmem:s22], $0x50  }
0x8c: {  	_ =	swait.ge [sflag:s5], $0x50  }
0x8d: {  	[sflag:s5] =	ssyncset.done $0x0  }
.LBB2_2:
0x8e: {  	[sflag:s5] =	ssyncadd.s32 $0xFFFFFFB0  }
0x8f: {  	_ =	sfence.sel $0x180000  }
0x90: {  	[bflag:$0x0] =	sbarrier.arrive $0xFFFF  }
0x91: {  	p0 =	sne.s32 s0, $0x0;
	_ =	strace $0x90000047  }
0x92: {  	s0 =	sadd.s32 @!p0 $0x100000, s1;
	[bflag:$0x2] =	sbarrier.arrive $0xFFFF  }
0x93: {  	[sflag:s0] =	ssyncadd.tile.s32 @!p0 $0x1;
	_ =	shalt  }
.Lfunc_end2:
_tile_overlayer_lowered:
.L_overlay_start_2:
0x94: {  	(tag) =	ssettag $0x2  }
0x95: {  	s0 =	rddreg [dreg:$0x0];
	s2 =	stileid.u32  }
0x96: {  	s1 =	rddreg [dreg:$0x1];
	p0 =	sne.s32 s2, $0x0  }
0x97: {  	s3 =	rddreg [dreg:$0x2];
	[bflag:$0x3] =	sbarrier.arrive $0xFFFF;
	s2 =	simm.s32 @!p0 $0x1C02  }
0x98: {  	[timem:s3], [sflag:s2] =	dma.local @!p0 [hbm:s0], s1  }
0x99: {  	s0 =	simm.s32 @!p0 $0x2  }
0x9a: {  	_ =	swait.ge @!p0 [sflag:s0], s1  }
0x9b: {  	s1 =	ssub.s32 @!p0 $0x0, s1;
	[sflag:s0] =	ssyncset.done @!p0 $0x0  }
0x9c: {  	[sflag:s0] =	ssyncadd.s32 @!p0 s1  }
0x9d: {  	[bflag:$0x3] =	sbarrier.arrive $0xFFFF  }
0x9e: {  	_ =	shalt  }

</sc_bundles>
